<compile_context>
chip_gen: v7x
topology: tpu7x:2x2x1
jax: 0.10.2.dev20260603
libtpu: 0.0.44.dev20260713+nightly
codegen_flags: <defaults>
</compile_context>

<pallas_src>
import jax
import jax.numpy as jnp
from jax import lax
from jax.experimental import pallas as pl
from jax.experimental.pallas import tpu as pltpu
from jax.experimental.pallas import tpu_sc as plsc

B = 16384
D = 32
M = 4
NC = 2
NS = 16
NW = NC * NS
PW = B // NW
NIT = 100000
C = 64
NCH = PW // C
GROUPS = C // 16

_mesh = plsc.VectorSubcoreMesh(core_axis_name="c", subcore_axis_name="s")

TCB = 3584
KSLABS = 4
ITR = 25088
TGRID = ITR // TCB
_LASTB = (NIT + TCB - 1) // TCB - 1


def _tc_body(x0, x1, x2, x3, o_ref):
    xs = jnp.concatenate([x0[...], x1[...], x2[...], x3[...]], axis=0)
    eye = jnp.asarray(
        lax.broadcasted_iota(jnp.int32, (128, 128), 0)
        == lax.broadcasted_iota(jnp.int32, (128, 128), 1), jnp.float32)
    o_ref[...] = lax.dot_general(
        xs, eye, (((0,), (0,)), ((), ())),
        preferred_element_type=jnp.float32)


def _in_spec(k):
    return pl.BlockSpec(
        (D, TCB), lambda b, k=k: (0, jnp.minimum(TGRID * k + b, _LASTB)))


_tc_call = pl.pallas_call(
    _tc_body,
    out_shape=jax.ShapeDtypeStruct((ITR, KSLABS * D), jnp.float32),
    grid=(TGRID,),
    in_specs=[_in_spec(k) for k in range(KSLABS)],
    out_specs=pl.BlockSpec((TCB, KSLABS * D), lambda b: (b, 0)),
)


def _body(uid_hbm, iid_hbm, taste_hbm, attn_hbm, item_hbm, ub_hbm, ib_hbm,
          out_hbm, uid_v, iid_v, iid_r, ub_v, ib_v, out_v,
          taste0, taste1, attn0, attn1, item0, item1,
          bsem, sem0, sem1):
    wid = lax.axis_index("s") * NC + lax.axis_index("c")
    base = wid * PW
    pltpu.sync_copy(uid_hbm.at[pl.ds(base, PW)], uid_v)
    pltpu.sync_copy(iid_hbm.at[pl.ds(base, PW)], iid_v)

    def mod_ids(s, carry):
        iid_r[pl.ds(s * 16, 16)] = jnp.remainder(
            iid_v[pl.ds(s * 16, 16)], jnp.full((16,), ITR, jnp.int32))
        return carry
    lax.fori_loop(0, PW // 16, mod_ids, None)

    taste_s = (taste0, taste1)
    attn_s = (attn0, attn1)
    item_s = (item0, item1)
    sems = (sem0, sem1)

    def fire(c, slot):
        cbase = c * C
        uidx = uid_v.at[pl.ds(cbase, C)]
        iidx = iid_r.at[pl.ds(cbase, C)]
        pltpu.async_copy(taste_hbm.at[uidx], taste_s[slot], sems[slot])
        pltpu.async_copy(attn_hbm.at[uidx], attn_s[slot], sems[slot])
        pltpu.async_copy(item_hbm.at[iidx], item_s[slot], sems[slot])

    def drain(slot):
        pltpu.make_async_copy(taste_hbm.at[pl.ds(0, C)], taste_s[slot],
                              sems[slot]).wait()
        pltpu.make_async_copy(attn_hbm.at[pl.ds(0, C)], attn_s[slot],
                              sems[slot]).wait()
        pltpu.make_async_copy(item_hbm.at[pl.ds(0, C)], item_s[slot],
                              sems[slot]).wait()

    cp_ub = pltpu.async_copy(ub_hbm.at[uid_v], ub_v, bsem)
    cp_ib = pltpu.async_copy(ib_hbm.at[iid_v], ib_v, bsem)
    fire(0, 0)
    fire(1, 1)
    cp_ub.wait()
    cp_ib.wait()

    def chunk_pair(it, carry):
        for slot in range(2):
            cbase = (it * 2 + slot) * C
            drain(slot)

            def group(g, carry2, cbase=cbase, slot=slot):
                taste_v, attn_v, item_b = (
                    taste_s[slot], attn_s[slot], item_s[slot])
                lane = lax.iota(jnp.int32, 16)
                rows = jnp.full((16,), g * 16, jnp.int32) + lane
                cb = (iid_v[pl.ds(cbase + g * 16, 16)]
                      // jnp.full((16,), ITR, jnp.int32)) * D
                zero = jnp.zeros((16,), jnp.float32)
                logits = [zero, zero, zero, zero]
                tdots = [zero, zero, zero, zero]
                for j in range(D):
                    sk = (jnp.full((16,), j, jnp.int32) + lane) & (D - 1)
                    iv = plsc.load_gather(item_b, [rows, cb + sk])
                    for m in range(M):
                        fc = sk + (m * D)
                        av = plsc.load_gather(attn_v, [rows, fc])
                        tv = plsc.load_gather(taste_v, [rows, fc])
                        logits[m] = logits[m] + av * iv
                        tdots[m] = tdots[m] + tv * iv
                mx = jnp.maximum(jnp.maximum(logits[0], logits[1]),
                                 jnp.maximum(logits[2], logits[3]))
                e = [jnp.exp(l - mx) for l in logits]
                num = (e[0] * tdots[0] + e[1] * tdots[1] + e[2] * tdots[2]
                       + e[3] * tdots[3])
                den = e[0] + e[1] + e[2] + e[3]
                obase = cbase + g * 16
                res = (num / den + ub_v[pl.ds(obase, 16)]
                       + ib_v[pl.ds(obase, 16)])
                out_v[pl.ds(obase, 16)] = res
                return carry2

            lax.fori_loop(0, GROUPS, group, None)

            @pl.when(it < NCH // 2 - 1)
            def _(slot=slot):
                fire(it * 2 + slot + 2, slot)
        return carry

    lax.fori_loop(0, NCH // 2, chunk_pair, None)

    pltpu.sync_copy(out_v, out_hbm.at[pl.ds(base, PW)])


_sc_call = pl.kernel(
    _body,
    out_type=jax.ShapeDtypeStruct((B,), jnp.float32),
    mesh=_mesh,
    scratch_types=[
        pltpu.VMEM((PW,), jnp.int32),
        pltpu.VMEM((PW,), jnp.int32),
        pltpu.VMEM((PW,), jnp.int32),
        pltpu.VMEM((PW,), jnp.float32),
        pltpu.VMEM((PW,), jnp.float32),
        pltpu.VMEM((PW,), jnp.float32),
        pltpu.VMEM((C, M * D), jnp.float32),
        pltpu.VMEM((C, M * D), jnp.float32),
        pltpu.VMEM((C, M * D), jnp.float32),
        pltpu.VMEM((C, M * D), jnp.float32),
        pltpu.VMEM((C, M * D), jnp.float32),
        pltpu.VMEM((C, M * D), jnp.float32),
        pltpu.SemaphoreType.DMA,
        pltpu.SemaphoreType.DMA,
        pltpu.SemaphoreType.DMA,
    ],
    compiler_params=pltpu.CompilerParams(needs_layout_passes=False,
                                         use_tc_tiling_on_sc=False),
)


def kernel(user_ids, item_ids, taste_table, attention_table, item_table,
           user_biases, item_biases):
    uid = user_ids.astype(jnp.int32)
    iid = item_ids.astype(jnp.int32)
    ub = user_biases.reshape(-1)
    ib = item_biases.reshape(-1)
    it = item_table.T
    item_rows = _tc_call(it, it, it, it)
    return _sc_call(uid, iid, taste_table, attention_table, item_rows, ub, ib)

# --- scband reference (transcript-rebuilt; emitter-appended) ---
"""Pipeline reference for scband-mixture-net-70549132804738 (READ-ONLY COPY).

The authoritative reference and input builder live on the scoring server;
editing this copy changes nothing except your own understanding.
"""

import jax, jax.numpy as jnp
import numpy as np

NUM_USERS = 100000
NUM_ITEMS = 100000
EMBED_DIM = 32
NUM_MIXTURES = 4
BATCH = 16384


def setup_inputs(seed: int = 0) -> dict:
    key = jax.random.key(seed)
    ks = jax.random.split(key, 7)
    user_ids = jax.random.randint(ks[0], (BATCH,), 0, NUM_USERS, dtype=jnp.int64 if jax.config.jax_enable_x64 else jnp.int32)
    item_ids = jax.random.randint(ks[1], (BATCH,), 0, NUM_ITEMS, dtype=jnp.int64 if jax.config.jax_enable_x64 else jnp.int32)
    # ScaledEmbedding: normal init scaled by 1/embedding_dim (per-layer embedding dim)
    taste_table = (jax.random.normal(ks[2], (NUM_USERS, EMBED_DIM * NUM_MIXTURES), dtype=jnp.float32) / (EMBED_DIM * NUM_MIXTURES))
    attention_table = (jax.random.normal(ks[3], (NUM_USERS, EMBED_DIM * NUM_MIXTURES), dtype=jnp.float32) / (EMBED_DIM * NUM_MIXTURES))
    item_table = (jax.random.normal(ks[4], (NUM_ITEMS, EMBED_DIM), dtype=jnp.float32) / EMBED_DIM)
    # ZeroEmbedding: zero init
    user_biases = jnp.zeros((NUM_USERS, 1), dtype=jnp.float32)
    item_biases = jnp.zeros((NUM_ITEMS, 1), dtype=jnp.float32)
    return {
        "user_ids": user_ids,
        "item_ids": item_ids,
        "taste_table": taste_table,
        "attention_table": attention_table,
        "item_table": item_table,
        "user_biases": user_biases,
        "item_biases": item_biases,
    }


def reference(user_ids, item_ids, taste_table, attention_table, item_table, user_biases, item_biases):
    item_embedding = jnp.take(item_table, item_ids, axis=0)            # [B, d]
    batch_size, embedding_size = item_embedding.shape
    user_tastes = jnp.take(taste_table, user_ids, axis=0).reshape(batch_size, NUM_MIXTURES, embedding_size)
    user_attention = jnp.take(attention_table, user_ids, axis=0).reshape(batch_size, NUM_MIXTURES, embedding_size)
    # attention logits: dot of each attention vector with the item embedding
    logits = jnp.sum(user_attention * item_embedding[:, None, :], axis=2)  # [B, M]
    # F.softmax with implicit dim on a 2D tensor -> softmax over dim 1 (mixtures)
    attention = jax.nn.softmax(logits, axis=1)                             # [B, M]
    weighted_preference = jnp.sum(user_tastes * attention[:, :, None], axis=1)  # [B, d]
    dot = jnp.sum(weighted_preference * item_embedding, axis=1)           # [B]
    user_bias = jnp.take(user_biases, user_ids, axis=0).squeeze(-1)
    item_bias = jnp.take(item_biases, item_ids, axis=0).squeeze(-1)
    return dot + user_bias + item_bias

if __name__ == "__main__":
    import jax
    _d = setup_inputs()
    print(jax.jit(kernel)(*tuple(_d.values())))

</pallas_src>

<mosaic_0001>
#map = affine_map<(d0, d1) -> (0)>
#map1 = affine_map<(d0, d1) -> (0, 0)>
module attributes {stable_mosaic.version = 14 : i64} {
  func.func @_body(%arg0: i32, %arg1: i32, %arg2: memref<16384xi32, #tpu.memory_space<hbm>>, %arg3: memref<16384xi32, #tpu.memory_space<hbm>>, %arg4: memref<100000x128xf32, #tpu.memory_space<hbm>>, %arg5: memref<100000x128xf32, #tpu.memory_space<hbm>>, %arg6: memref<25088x128xf32, #tpu.memory_space<hbm>>, %arg7: memref<100000xf32, #tpu.memory_space<hbm>>, %arg8: memref<100000xf32, #tpu.memory_space<hbm>>, %arg9: memref<16384xf32, #tpu.memory_space<hbm>>, %arg10: memref<512xi32, #tpu.memory_space<vmem>>, %arg11: memref<512xi32, #tpu.memory_space<vmem>>, %arg12: memref<512xi32, #tpu.memory_space<vmem>>, %arg13: memref<512xf32, #tpu.memory_space<vmem>>, %arg14: memref<512xf32, #tpu.memory_space<vmem>>, %arg15: memref<512xf32, #tpu.memory_space<vmem>>, %arg16: memref<64x128xf32, #tpu.memory_space<vmem>>, %arg17: memref<64x128xf32, #tpu.memory_space<vmem>>, %arg18: memref<64x128xf32, #tpu.memory_space<vmem>>, %arg19: memref<64x128xf32, #tpu.memory_space<vmem>>, %arg20: memref<64x128xf32, #tpu.memory_space<vmem>>, %arg21: memref<64x128xf32, #tpu.memory_space<vmem>>, %arg22: memref<!tpu.dma_semaphore, #tpu.memory_space<semaphore_mem>>, %arg23: memref<!tpu.dma_semaphore, #tpu.memory_space<semaphore_mem>>, %arg24: memref<!tpu.dma_semaphore, #tpu.memory_space<semaphore_mem>>) attributes {dimension_semantics = [#tpu.dimension_semantics<core_parallel>, #tpu.dimension_semantics<subcore_parallel>], iteration_bounds = array<i64: 2, 16>, scalar_prefetch = 0 : i64, scratch_operands = 15 : i64, tpu.core_type = #tpu.core_type<sc_vector_subcore>, window_params = [{transform_indices = #map}, {transform_indices = #map}, {transform_indices = #map1}, {transform_indices = #map1}, {transform_indices = #map1}, {transform_indices = #map}, {transform_indices = #map}, {transform_indices = #map}]} {
    %mul3A = arith.constant 2 : i32
    %mul3A_0 = arith.muli %arg1, %mul3A : i32
    %add3A = arith.addi %mul3A_0, %arg0 : i32
    %mul3A_1 = arith.constant 512 : i32
    %mul3A_2 = arith.muli %add3A, %mul3A_1 : i32
    "tpu.region"() ({
      %run_scoped3A = tpu.sem_alloc : memref<!tpu.dma_semaphore, #tpu.memory_space<semaphore_mem>>
      %dma_start3A_48 = tpu.memref_slice %arg2[%mul3A_2] : memref<16384xi32, #tpu.memory_space<hbm>> -> memref<512xi32, #tpu.memory_space<hbm>>
      %dma_start3A_49 = tpu.memref_slice %arg2[%mul3A_2] : memref<16384xi32, #tpu.memory_space<hbm>> -> memref<512xi32, #tpu.memory_space<hbm>>
      tpu.enqueue_dma source(%dma_start3A_49 : memref<512xi32, #tpu.memory_space<hbm>>) target(%arg10 : memref<512xi32, #tpu.memory_space<vmem>>) target_semaphore(%run_scoped3A : memref<!tpu.dma_semaphore, #tpu.memory_space<semaphore_mem>>)
      %dma_wait3A_50 = tpu.memref_slice %arg2[%mul3A_2] : memref<16384xi32, #tpu.memory_space<hbm>> -> memref<512xi32, #tpu.memory_space<hbm>>
      %dma_wait3A_51 = tpu.memref_slice %arg2[%mul3A_2] : memref<16384xi32, #tpu.memory_space<hbm>> -> memref<512xi32, #tpu.memory_space<hbm>>
      tpu.wait_dma2 semaphore(%run_scoped3A : memref<!tpu.dma_semaphore, #tpu.memory_space<semaphore_mem>>) src(%dma_wait3A_51 : memref<512xi32, #tpu.memory_space<hbm>>) dst(%arg10 : memref<512xi32, #tpu.memory_space<vmem>>)
      tpu.yield
    }) : () -> ()
    "tpu.region"() ({
      %run_scoped3A = tpu.sem_alloc : memref<!tpu.dma_semaphore, #tpu.memory_space<semaphore_mem>>
      %dma_start3A_48 = tpu.memref_slice %arg3[%mul3A_2] : memref<16384xi32, #tpu.memory_space<hbm>> -> memref<512xi32, #tpu.memory_space<hbm>>
      %dma_start3A_49 = tpu.memref_slice %arg3[%mul3A_2] : memref<16384xi32, #tpu.memory_space<hbm>> -> memref<512xi32, #tpu.memory_space<hbm>>
      tpu.enqueue_dma source(%dma_start3A_49 : memref<512xi32, #tpu.memory_space<hbm>>) target(%arg11 : memref<512xi32, #tpu.memory_space<vmem>>) target_semaphore(%run_scoped3A : memref<!tpu.dma_semaphore, #tpu.memory_space<semaphore_mem>>)
      %dma_wait3A_50 = tpu.memref_slice %arg3[%mul3A_2] : memref<16384xi32, #tpu.memory_space<hbm>> -> memref<512xi32, #tpu.memory_space<hbm>>
      %dma_wait3A_51 = tpu.memref_slice %arg3[%mul3A_2] : memref<16384xi32, #tpu.memory_space<hbm>> -> memref<512xi32, #tpu.memory_space<hbm>>
      tpu.wait_dma2 semaphore(%run_scoped3A : memref<!tpu.dma_semaphore, #tpu.memory_space<semaphore_mem>>) src(%dma_wait3A_51 : memref<512xi32, #tpu.memory_space<hbm>>) dst(%arg11 : memref<512xi32, #tpu.memory_space<vmem>>)
      tpu.yield
    }) : () -> ()
    %scan3A = arith.constant 0 : i32
    %scan3A_3 = arith.constant 32 : i32
    %scan3A_4 = arith.addi %scan3A, %scan3A_3 : i32
    %scan3A_5 = arith.constant 1 : i32
    scf.for %scan3A_48 = %scan3A to %scan3A_4 step %scan3A_5  : i32 {
      %mul3A_49 = arith.constant 16 : i32
      %mul3A_50 = arith.muli %scan3A_48, %mul3A_49 : i32
      %get3A = arith.index_cast %mul3A_50 : i32 to index
      %get3A_51 = tpu.vector_load %arg11[%get3A] {strides = array<i32>} : memref<512xi32, #tpu.memory_space<vmem>>, vector<16xi32>,
      %broadcast_in_dim3A = arith.constant 25088 : i32
      %broadcast_in_dim3A_52 = vector.broadcast %broadcast_in_dim3A : i32 to vector<16xi32>
      %eq3A = arith.constant 0 : i32
      %eq3A_53 = vector.broadcast %eq3A : i32 to vector<16xi32>
      %eq3A_54 = arith.cmpi eq, %broadcast_in_dim3A_52, %eq3A_53 : vector<16xi32>
      %broadcast_in_dim3A_55 = arith.constant 1 : i32
      %broadcast_in_dim3A_56 = vector.broadcast %broadcast_in_dim3A_55 : i32 to vector<16xi32>
      %select_n3A = arith.select %eq3A_54, %broadcast_in_dim3A_56, %broadcast_in_dim3A_52 : vector<16xi1>, vector<16xi32>
      %rem3A = arith.remsi %get3A_51, %select_n3A : vector<16xi32>
      %ne3A = arith.constant 0 : i32
      %ne3A_57 = vector.broadcast %ne3A : i32 to vector<16xi32>
      %ne3A_58 = arith.cmpi ne, %rem3A, %ne3A_57 : vector<16xi32>
      %lt3A = arith.constant 0 : i32
      %lt3A_59 = vector.broadcast %lt3A : i32 to vector<16xi32>
      %lt3A_60 = arith.cmpi slt, %rem3A, %lt3A_59 : vector<16xi32>
      %lt3A_61 = arith.constant 0 : i32
      %lt3A_62 = vector.broadcast %lt3A_61 : i32 to vector<16xi32>
      %lt3A_63 = arith.cmpi slt, %select_n3A, %lt3A_62 : vector<16xi32>
      %ne3A_64 = arith.xori %lt3A_60, %lt3A_63 : vector<16xi1>
      %and3A = arith.andi %ne3A_64, %ne3A_58 : vector<16xi1>
      %add3A_65 = arith.addi %rem3A, %select_n3A : vector<16xi32>
      %select_n3A_66 = arith.select %and3A, %add3A_65, %rem3A : vector<16xi1>, vector<16xi32>
      %mul3A_67 = arith.constant 16 : i32
      %mul3A_68 = arith.muli %scan3A_48, %mul3A_67 : i32
      %swap3A = arith.index_cast %mul3A_68 : i32 to index
      %swap3A_69 = tpu.vector_load %arg12[%swap3A] {strides = array<i32>} : memref<512xi32, #tpu.memory_space<vmem>>, vector<16xi32>,
      tpu.vector_store %arg12[%swap3A], %select_n3A_66 {strides = array<i32>} : memref<512xi32, #tpu.memory_space<vmem>>, vector<16xi32>,
    }
    %scan3A_6 = arith.constant 32 : i32
    %dma_start3A = arith.constant 0 : i32
    %dma_start3A_7 = tpu.memref_slice %arg7[%dma_start3A] : memref<100000xf32, #tpu.memory_space<hbm>> -> memref<100000xf32, #tpu.memory_space<hbm>>
    tpu.enqueue_indirect_dma source(%dma_start3A_7 : memref<100000xf32, #tpu.memory_space<hbm>>) target(%arg13 : memref<512xf32, #tpu.memory_space<vmem>>) offsets(%arg10 : memref<512xi32, #tpu.memory_space<vmem>>) semaphore(%arg22 : memref<!tpu.dma_semaphore, #tpu.memory_space<semaphore_mem>>)
    %dma_start3A_8 = arith.constant 0 : i32
    %dma_start3A_9 = tpu.memref_slice %arg8[%dma_start3A_8] : memref<100000xf32, #tpu.memory_space<hbm>> -> memref<100000xf32, #tpu.memory_space<hbm>>
    tpu.enqueue_indirect_dma source(%dma_start3A_9 : memref<100000xf32, #tpu.memory_space<hbm>>) target(%arg14 : memref<512xf32, #tpu.memory_space<vmem>>) offsets(%arg11 : memref<512xi32, #tpu.memory_space<vmem>>) semaphore(%arg22 : memref<!tpu.dma_semaphore, #tpu.memory_space<semaphore_mem>>)
    %dma_start3A_10 = arith.constant 0 : i32
    %dma_start3A_11 = tpu.memref_slice %arg10[%dma_start3A_10] : memref<512xi32, #tpu.memory_space<vmem>> -> memref<64xi32, #tpu.memory_space<vmem>>
    %dma_start3A_12 = arith.constant 0 : i32
    %dma_start3A_13 = arith.constant 0 : i32
    %dma_start3A_14 = tpu.memref_slice %arg4[%dma_start3A_12, %dma_start3A_13] : memref<100000x128xf32, #tpu.memory_space<hbm>> -> memref<100000x128xf32, #tpu.memory_space<hbm>>
    tpu.enqueue_indirect_dma source(%dma_start3A_14 : memref<100000x128xf32, #tpu.memory_space<hbm>>) target(%arg16 : memref<64x128xf32, #tpu.memory_space<vmem>>) offsets(%dma_start3A_11 : memref<64xi32, #tpu.memory_space<vmem>>) semaphore(%arg23 : memref<!tpu.dma_semaphore, #tpu.memory_space<semaphore_mem>>)
    %dma_start3A_15 = arith.constant 0 : i32
    %dma_start3A_16 = tpu.memref_slice %arg10[%dma_start3A_15] : memref<512xi32, #tpu.memory_space<vmem>> -> memref<64xi32, #tpu.memory_space<vmem>>
    %dma_start3A_17 = arith.constant 0 : i32
    %dma_start3A_18 = arith.constant 0 : i32
    %dma_start3A_19 = tpu.memref_slice %arg5[%dma_start3A_17, %dma_start3A_18] : memref<100000x128xf32, #tpu.memory_space<hbm>> -> memref<100000x128xf32, #tpu.memory_space<hbm>>
    tpu.enqueue_indirect_dma source(%dma_start3A_19 : memref<100000x128xf32, #tpu.memory_space<hbm>>) target(%arg18 : memref<64x128xf32, #tpu.memory_space<vmem>>) offsets(%dma_start3A_16 : memref<64xi32, #tpu.memory_space<vmem>>) semaphore(%arg23 : memref<!tpu.dma_semaphore, #tpu.memory_space<semaphore_mem>>)
    %dma_start3A_20 = arith.constant 0 : i32
    %dma_start3A_21 = tpu.memref_slice %arg12[%dma_start3A_20] : memref<512xi32, #tpu.memory_space<vmem>> -> memref<64xi32, #tpu.memory_space<vmem>>
    %dma_start3A_22 = arith.constant 0 : i32
    %dma_start3A_23 = arith.constant 0 : i32
    %dma_start3A_24 = tpu.memref_slice %arg6[%dma_start3A_22, %dma_start3A_23] : memref<25088x128xf32, #tpu.memory_space<hbm>> -> memref<25088x128xf32, #tpu.memory_space<hbm>>
    tpu.enqueue_indirect_dma source(%dma_start3A_24 : memref<25088x128xf32, #tpu.memory_space<hbm>>) target(%arg20 : memref<64x128xf32, #tpu.memory_space<vmem>>) offsets(%dma_start3A_21 : memref<64xi32, #tpu.memory_space<vmem>>) semaphore(%arg23 : memref<!tpu.dma_semaphore, #tpu.memory_space<semaphore_mem>>)
    %dma_start3A_25 = arith.constant 64 : i32
    %dma_start3A_26 = tpu.memref_slice %arg10[%dma_start3A_25] : memref<512xi32, #tpu.memory_space<vmem>> -> memref<64xi32, #tpu.memory_space<vmem>>
    %dma_start3A_27 = arith.constant 0 : i32
    %dma_start3A_28 = arith.constant 0 : i32
    %dma_start3A_29 = tpu.memref_slice %arg4[%dma_start3A_27, %dma_start3A_28] : memref<100000x128xf32, #tpu.memory_space<hbm>> -> memref<100000x128xf32, #tpu.memory_space<hbm>>
    tpu.enqueue_indirect_dma source(%dma_start3A_29 : memref<100000x128xf32, #tpu.memory_space<hbm>>) target(%arg17 : memref<64x128xf32, #tpu.memory_space<vmem>>) offsets(%dma_start3A_26 : memref<64xi32, #tpu.memory_space<vmem>>) semaphore(%arg24 : memref<!tpu.dma_semaphore, #tpu.memory_space<semaphore_mem>>)
    %dma_start3A_30 = arith.constant 64 : i32
    %dma_start3A_31 = tpu.memref_slice %arg10[%dma_start3A_30] : memref<512xi32, #tpu.memory_space<vmem>> -> memref<64xi32, #tpu.memory_space<vmem>>
    %dma_start3A_32 = arith.constant 0 : i32
    %dma_start3A_33 = arith.constant 0 : i32
    %dma_start3A_34 = tpu.memref_slice %arg5[%dma_start3A_32, %dma_start3A_33] : memref<100000x128xf32, #tpu.memory_space<hbm>> -> memref<100000x128xf32, #tpu.memory_space<hbm>>
    tpu.enqueue_indirect_dma source(%dma_start3A_34 : memref<100000x128xf32, #tpu.memory_space<hbm>>) target(%arg19 : memref<64x128xf32, #tpu.memory_space<vmem>>) offsets(%dma_start3A_31 : memref<64xi32, #tpu.memory_space<vmem>>) semaphore(%arg24 : memref<!tpu.dma_semaphore, #tpu.memory_space<semaphore_mem>>)
    %dma_start3A_35 = arith.constant 64 : i32
    %dma_start3A_36 = tpu.memref_slice %arg12[%dma_start3A_35] : memref<512xi32, #tpu.memory_space<vmem>> -> memref<64xi32, #tpu.memory_space<vmem>>
    %dma_start3A_37 = arith.constant 0 : i32
    %dma_start3A_38 = arith.constant 0 : i32
    %dma_start3A_39 = tpu.memref_slice %arg6[%dma_start3A_37, %dma_start3A_38] : memref<25088x128xf32, #tpu.memory_space<hbm>> -> memref<25088x128xf32, #tpu.memory_space<hbm>>
    tpu.enqueue_indirect_dma source(%dma_start3A_39 : memref<25088x128xf32, #tpu.memory_space<hbm>>) target(%arg21 : memref<64x128xf32, #tpu.memory_space<vmem>>) offsets(%dma_start3A_36 : memref<64xi32, #tpu.memory_space<vmem>>) semaphore(%arg24 : memref<!tpu.dma_semaphore, #tpu.memory_space<semaphore_mem>>)
    %dma_wait3A = arith.constant 0 : i32
    %dma_wait3A_40 = tpu.memref_slice %arg7[%dma_wait3A] : memref<100000xf32, #tpu.memory_space<hbm>> -> memref<100000xf32, #tpu.memory_space<hbm>>
    tpu.wait_indirect_dma semaphore(%arg22 : memref<!tpu.dma_semaphore, #tpu.memory_space<semaphore_mem>>) src(%dma_wait3A_40 : memref<100000xf32, #tpu.memory_space<hbm>>) dst(%arg13 : memref<512xf32, #tpu.memory_space<vmem>>)
    %dma_wait3A_41 = arith.constant 0 : i32
    %dma_wait3A_42 = tpu.memref_slice %arg8[%dma_wait3A_41] : memref<100000xf32, #tpu.memory_space<hbm>> -> memref<100000xf32, #tpu.memory_space<hbm>>
    tpu.wait_indirect_dma semaphore(%arg22 : memref<!tpu.dma_semaphore, #tpu.memory_space<semaphore_mem>>) src(%dma_wait3A_42 : memref<100000xf32, #tpu.memory_space<hbm>>) dst(%arg14 : memref<512xf32, #tpu.memory_space<vmem>>)
    %scan3A_43 = arith.constant 0 : i32
    %scan3A_44 = arith.constant 4 : i32
    %scan3A_45 = arith.addi %scan3A_43, %scan3A_44 : i32
    %scan3A_46 = arith.constant 1 : i32
    scf.for %scan3A_48 = %scan3A_43 to %scan3A_45 step %scan3A_46  : i32 {
      %mul3A_49 = arith.constant 2 : i32
      %mul3A_50 = arith.muli %scan3A_48, %mul3A_49 : i32
      %add3A_51 = arith.constant 0 : i32
      %add3A_52 = arith.addi %mul3A_50, %add3A_51 : i32
      %mul3A_53 = arith.constant 64 : i32
      %mul3A_54 = arith.muli %add3A_52, %mul3A_53 : i32
      %dma_wait3A_55 = arith.constant 0 : i32
      %dma_wait3A_56 = arith.constant 0 : i32
      %dma_wait3A_57 = tpu.memref_slice %arg4[%dma_wait3A_55, %dma_wait3A_56] : memref<100000x128xf32, #tpu.memory_space<hbm>> -> memref<64x128xf32, #tpu.memory_space<hbm>>
      %dma_wait3A_58 = arith.constant 0 : i32
      %dma_wait3A_59 = arith.constant 0 : i32
      %dma_wait3A_60 = tpu.memref_slice %arg4[%dma_wait3A_58, %dma_wait3A_59] : memref<100000x128xf32, #tpu.memory_space<hbm>> -> memref<64x128xf32, #tpu.memory_space<hbm>>
      tpu.wait_dma2 semaphore(%arg23 : memref<!tpu.dma_semaphore, #tpu.memory_space<semaphore_mem>>) src(%dma_wait3A_60 : memref<64x128xf32, #tpu.memory_space<hbm>>) dst(%arg16 : memref<64x128xf32, #tpu.memory_space<vmem>>)
      %dma_wait3A_61 = arith.constant 0 : i32
      %dma_wait3A_62 = arith.constant 0 : i32
      %dma_wait3A_63 = tpu.memref_slice %arg5[%dma_wait3A_61, %dma_wait3A_62] : memref<100000x128xf32, #tpu.memory_space<hbm>> -> memref<64x128xf32, #tpu.memory_space<hbm>>
      %dma_wait3A_64 = arith.constant 0 : i32
      %dma_wait3A_65 = arith.constant 0 : i32
      %dma_wait3A_66 = tpu.memref_slice %arg5[%dma_wait3A_64, %dma_wait3A_65] : memref<100000x128xf32, #tpu.memory_space<hbm>> -> memref<64x128xf32, #tpu.memory_space<hbm>>
      tpu.wait_dma2 semaphore(%arg23 : memref<!tpu.dma_semaphore, #tpu.memory_space<semaphore_mem>>) src(%dma_wait3A_66 : memref<64x128xf32, #tpu.memory_space<hbm>>) dst(%arg18 : memref<64x128xf32, #tpu.memory_space<vmem>>)
      %dma_wait3A_67 = arith.constant 0 : i32
      %dma_wait3A_68 = arith.constant 0 : i32
      %dma_wait3A_69 = tpu.memref_slice %arg6[%dma_wait3A_67, %dma_wait3A_68] : memref<25088x128xf32, #tpu.memory_space<hbm>> -> memref<64x128xf32, #tpu.memory_space<hbm>>
      %dma_wait3A_70 = arith.constant 0 : i32
      %dma_wait3A_71 = arith.constant 0 : i32
      %dma_wait3A_72 = tpu.memref_slice %arg6[%dma_wait3A_70, %dma_wait3A_71] : memref<25088x128xf32, #tpu.memory_space<hbm>> -> memref<64x128xf32, #tpu.memory_space<hbm>>
      tpu.wait_dma2 semaphore(%arg23 : memref<!tpu.dma_semaphore, #tpu.memory_space<semaphore_mem>>) src(%dma_wait3A_72 : memref<64x128xf32, #tpu.memory_space<hbm>>) dst(%arg20 : memref<64x128xf32, #tpu.memory_space<vmem>>)
      %scan3A_73 = arith.constant 0 : i32
      %scan3A_74 = arith.constant 4 : i32
      %scan3A_75 = arith.addi %scan3A_73, %scan3A_74 : i32
      %scan3A_76 = arith.constant 1 : i32
      scf.for %scan3A_114 = %scan3A_73 to %scan3A_75 step %scan3A_76  : i32 {
        %iota3A = tpu.iota {dimensions = array<i32: 0>} : vector<16xi32>
        %mul3A_115 = arith.constant 16 : i32
        %mul3A_116 = arith.muli %scan3A_114, %mul3A_115 : i32
        %broadcast_in_dim3A = vector.broadcast %mul3A_116 : i32 to vector<16xi32>
        %add3A_117 = arith.addi %broadcast_in_dim3A, %iota3A : vector<16xi32>
        %mul3A_118 = arith.constant 16 : i32
        %mul3A_119 = arith.muli %scan3A_114, %mul3A_118 : i32
        %add3A_120 = arith.addi %mul3A_54, %mul3A_119 : i32
        %get3A = arith.index_cast %add3A_120 : i32 to index
        %get3A_121 = tpu.vector_load %arg11[%get3A] {strides = array<i32>} : memref<512xi32, #tpu.memory_space<vmem>>, vector<16xi32>,
        %broadcast_in_dim3A_122 = arith.constant 25088 : i32
        %broadcast_in_dim3A_123 = vector.broadcast %broadcast_in_dim3A_122 : i32 to vector<16xi32>
        %div3A = arith.divsi %get3A_121, %broadcast_in_dim3A_123 : vector<16xi32>
        %sign3A = arith.constant 0 : i32
        %sign3A_124 = vector.broadcast %sign3A : i32 to vector<16xi32>
        %sign3A_125 = arith.cmpi sgt, %get3A_121, %sign3A_124 : vector<16xi32>
        %sign3A_126 = arith.extui %sign3A_125 : vector<16xi1> to vector<16xi32>
        %sign3A_127 = arith.constant 0 : i32
        %sign3A_128 = vector.broadcast %sign3A_127 : i32 to vector<16xi32>
        %sign3A_129 = arith.cmpi slt, %get3A_121, %sign3A_128 : vector<16xi32>
        %sign3A_130 = arith.extui %sign3A_129 : vector<16xi1> to vector<16xi32>
        %sign3A_131 = arith.subi %sign3A_126, %sign3A_130 : vector<16xi32>
        %sign3A_132 = arith.constant 0 : i32
        %sign3A_133 = vector.broadcast %sign3A_132 : i32 to vector<16xi32>
        %sign3A_134 = arith.cmpi sgt, %broadcast_in_dim3A_123, %sign3A_133 : vector<16xi32>
        %sign3A_135 = arith.extui %sign3A_134 : vector<16xi1> to vector<16xi32>
        %sign3A_136 = arith.constant 0 : i32
        %sign3A_137 = vector.broadcast %sign3A_136 : i32 to vector<16xi32>
        %sign3A_138 = arith.cmpi slt, %broadcast_in_dim3A_123, %sign3A_137 : vector<16xi32>
        %sign3A_139 = arith.extui %sign3A_138 : vector<16xi1> to vector<16xi32>
        %sign3A_140 = arith.subi %sign3A_135, %sign3A_139 : vector<16xi32>
        %ne3A = arith.cmpi ne, %sign3A_131, %sign3A_140 : vector<16xi32>
        %rem3A = arith.remsi %get3A_121, %broadcast_in_dim3A_123 : vector<16xi32>
        %ne3A_141 = arith.constant 0 : i32
        %ne3A_142 = vector.broadcast %ne3A_141 : i32 to vector<16xi32>
        %ne3A_143 = arith.cmpi ne, %rem3A, %ne3A_142 : vector<16xi32>
        %and3A = arith.andi %ne3A, %ne3A_143 : vector<16xi1>
        %sub3A = arith.constant 1 : i32
        %sub3A_144 = vector.broadcast %sub3A : i32 to vector<16xi32>
        %sub3A_145 = arith.subi %div3A, %sub3A_144 : vector<16xi32>
        %select_n3A = arith.select %and3A, %sub3A_145, %div3A : vector<16xi1>, vector<16xi32>
        %mul3A_146 = arith.constant 32 : i32
        %mul3A_147 = vector.broadcast %mul3A_146 : i32 to vector<16xi32>
        %mul3A_148 = arith.muli %select_n3A, %mul3A_147 : vector<16xi32>
        %broadcast_in_dim3A_149 = arith.constant 0.000000e+00 : f32
        %broadcast_in_dim3A_150 = vector.broadcast %broadcast_in_dim3A_149 : f32 to vector<16xf32>
        %broadcast_in_dim3A_151 = arith.constant 0 : i32
        %broadcast_in_dim3A_152 = vector.broadcast %broadcast_in_dim3A_151 : i32 to vector<16xi32>
        %add3A_153 = arith.addi %broadcast_in_dim3A_152, %iota3A : vector<16xi32>
        %and3A_154 = arith.constant 31 : i32
        %and3A_155 = vector.broadcast %and3A_154 : i32 to vector<16xi32>
        %and3A_156 = arith.andi %add3A_153, %and3A_155 : vector<16xi32>
        %add3A_157 = arith.addi %mul3A_148, %and3A_156 : vector<16xi32>
        %gather3A = tpu.vector_load_idx %arg20[%add3A_117, %add3A_157] : memref<64x128xf32, #tpu.memory_space<vmem>>[vector<16xi32>, vector<16xi32>], vector<16xf32>,
        %add3A_158 = arith.constant 0 : i32
        %add3A_159 = vector.broadcast %add3A_158 : i32 to vector<16xi32>
        %add3A_160 = arith.addi %and3A_156, %add3A_159 : vector<16xi32>
        %gather3A_161 = tpu.vector_load_idx %arg18[%add3A_117, %add3A_160] : memref<64x128xf32, #tpu.memory_space<vmem>>[vector<16xi32>, vector<16xi32>], vector<16xf32>,
        %gather3A_162 = tpu.vector_load_idx %arg16[%add3A_117, %add3A_160] : memref<64x128xf32, #tpu.memory_space<vmem>>[vector<16xi32>, vector<16xi32>], vector<16xf32>,
        %mul3A_163 = arith.mulf %gather3A_161, %gather3A : vector<16xf32>
        %add3A_164 = arith.addf %broadcast_in_dim3A_150, %mul3A_163 : vector<16xf32>
        %mul3A_165 = arith.mulf %gather3A_162, %gather3A : vector<16xf32>
        %add3A_166 = arith.addf %broadcast_in_dim3A_150, %mul3A_165 : vector<16xf32>
        %add3A_167 = arith.constant 32 : i32
        %add3A_168 = vector.broadcast %add3A_167 : i32 to vector<16xi32>
        %add3A_169 = arith.addi %and3A_156, %add3A_168 : vector<16xi32>
        %gather3A_170 = tpu.vector_load_idx %arg18[%add3A_117, %add3A_169] : memref<64x128xf32, #tpu.memory_space<vmem>>[vector<16xi32>, vector<16xi32>], vector<16xf32>,
        %gather3A_171 = tpu.vector_load_idx %arg16[%add3A_117, %add3A_169] : memref<64x128xf32, #tpu.memory_space<vmem>>[vector<16xi32>, vector<16xi32>], vector<16xf32>,
        %mul3A_172 = arith.mulf %gather3A_170, %gather3A : vector<16xf32>
        %add3A_173 = arith.addf %broadcast_in_dim3A_150, %mul3A_172 : vector<16xf32>
        %mul3A_174 = arith.mulf %gather3A_171, %gather3A : vector<16xf32>
        %add3A_175 = arith.addf %broadcast_in_dim3A_150, %mul3A_174 : vector<16xf32>
        %add3A_176 = arith.constant 64 : i32
        %add3A_177 = vector.broadcast %add3A_176 : i32 to vector<16xi32>
        %add3A_178 = arith.addi %and3A_156, %add3A_177 : vector<16xi32>
        %gather3A_179 = tpu.vector_load_idx %arg18[%add3A_117, %add3A_178] : memref<64x128xf32, #tpu.memory_space<vmem>>[vector<16xi32>, vector<16xi32>], vector<16xf32>,
        %gather3A_180 = tpu.vector_load_idx %arg16[%add3A_117, %add3A_178] : memref<64x128xf32, #tpu.memory_space<vmem>>[vector<16xi32>, vector<16xi32>], vector<16xf32>,
        %mul3A_181 = arith.mulf %gather3A_179, %gather3A : vector<16xf32>
        %add3A_182 = arith.addf %broadcast_in_dim3A_150, %mul3A_181 : vector<16xf32>
        %mul3A_183 = arith.mulf %gather3A_180, %gather3A : vector<16xf32>
        %add3A_184 = arith.addf %broadcast_in_dim3A_150, %mul3A_183 : vector<16xf32>
        %add3A_185 = arith.constant 96 : i32
        %add3A_186 = vector.broadcast %add3A_185 : i32 to vector<16xi32>
        %add3A_187 = arith.addi %and3A_156, %add3A_186 : vector<16xi32>
        %gather3A_188 = tpu.vector_load_idx %arg18[%add3A_117, %add3A_187] : memref<64x128xf32, #tpu.memory_space<vmem>>[vector<16xi32>, vector<16xi32>], vector<16xf32>,
        %gather3A_189 = tpu.vector_load_idx %arg16[%add3A_117, %add3A_187] : memref<64x128xf32, #tpu.memory_space<vmem>>[vector<16xi32>, vector<16xi32>], vector<16xf32>,
        %mul3A_190 = arith.mulf %gather3A_188, %gather3A : vector<16xf32>
        %add3A_191 = arith.addf %broadcast_in_dim3A_150, %mul3A_190 : vector<16xf32>
        %mul3A_192 = arith.mulf %gather3A_189, %gather3A : vector<16xf32>
        %add3A_193 = arith.addf %broadcast_in_dim3A_150, %mul3A_192 : vector<16xf32>
        %broadcast_in_dim3A_194 = arith.constant 1 : i32
        %broadcast_in_dim3A_195 = vector.broadcast %broadcast_in_dim3A_194 : i32 to vector<16xi32>
        %add3A_196 = arith.addi %broadcast_in_dim3A_195, %iota3A : vector<16xi32>
        %and3A_197 = arith.constant 31 : i32
        %and3A_198 = vector.broadcast %and3A_197 : i32 to vector<16xi32>
        %and3A_199 = arith.andi %add3A_196, %and3A_198 : vector<16xi32>
        %add3A_200 = arith.addi %mul3A_148, %and3A_199 : vector<16xi32>
        %gather3A_201 = tpu.vector_load_idx %arg20[%add3A_117, %add3A_200] : memref<64x128xf32, #tpu.memory_space<vmem>>[vector<16xi32>, vector<16xi32>], vector<16xf32>,
        %add3A_202 = arith.constant 0 : i32
        %add3A_203 = vector.broadcast %add3A_202 : i32 to vector<16xi32>
        %add3A_204 = arith.addi %and3A_199, %add3A_203 : vector<16xi32>
        %gather3A_205 = tpu.vector_load_idx %arg18[%add3A_117, %add3A_204] : memref<64x128xf32, #tpu.memory_space<vmem>>[vector<16xi32>, vector<16xi32>], vector<16xf32>,
        %gather3A_206 = tpu.vector_load_idx %arg16[%add3A_117, %add3A_204] : memref<64x128xf32, #tpu.memory_space<vmem>>[vector<16xi32>, vector<16xi32>], vector<16xf32>,
        %mul3A_207 = arith.mulf %gather3A_205, %gather3A_201 : vector<16xf32>
        %add3A_208 = arith.addf %add3A_164, %mul3A_207 : vector<16xf32>
        %mul3A_209 = arith.mulf %gather3A_206, %gather3A_201 : vector<16xf32>
        %add3A_210 = arith.addf %add3A_166, %mul3A_209 : vector<16xf32>
        %add3A_211 = arith.constant 32 : i32
        %add3A_212 = vector.broadcast %add3A_211 : i32 to vector<16xi32>
        %add3A_213 = arith.addi %and3A_199, %add3A_212 : vector<16xi32>
        %gather3A_214 = tpu.vector_load_idx %arg18[%add3A_117, %add3A_213] : memref<64x128xf32, #tpu.memory_space<vmem>>[vector<16xi32>, vector<16xi32>], vector<16xf32>,
        %gather3A_215 = tpu.vector_load_idx %arg16[%add3A_117, %add3A_213] : memref<64x128xf32, #tpu.memory_space<vmem>>[vector<16xi32>, vector<16xi32>], vector<16xf32>,
        %mul3A_216 = arith.mulf %gather3A_214, %gather3A_201 : vector<16xf32>
        %add3A_217 = arith.addf %add3A_173, %mul3A_216 : vector<16xf32>
        %mul3A_218 = arith.mulf %gather3A_215, %gather3A_201 : vector<16xf32>
        %add3A_219 = arith.addf %add3A_175, %mul3A_218 : vector<16xf32>
        %add3A_220 = arith.constant 64 : i32
        %add3A_221 = vector.broadcast %add3A_220 : i32 to vector<16xi32>
        %add3A_222 = arith.addi %and3A_199, %add3A_221 : vector<16xi32>
        %gather3A_223 = tpu.vector_load_idx %arg18[%add3A_117, %add3A_222] : memref<64x128xf32, #tpu.memory_space<vmem>>[vector<16xi32>, vector<16xi32>], vector<16xf32>,
        %gather3A_224 = tpu.vector_load_idx %arg16[%add3A_117, %add3A_222] : memref<64x128xf32, #tpu.memory_space<vmem>>[vector<16xi32>, vector<16xi32>], vector<16xf32>,
        %mul3A_225 = arith.mulf %gather3A_223, %gather3A_201 : vector<16xf32>
        %add3A_226 = arith.addf %add3A_182, %mul3A_225 : vector<16xf32>
        %mul3A_227 = arith.mulf %gather3A_224, %gather3A_201 : vector<16xf32>
        %add3A_228 = arith.addf %add3A_184, %mul3A_227 : vector<16xf32>
        %add3A_229 = arith.constant 96 : i32
        %add3A_230 = vector.broadcast %add3A_229 : i32 to vector<16xi32>
        %add3A_231 = arith.addi %and3A_199, %add3A_230 : vector<16xi32>
        %gather3A_232 = tpu.vector_load_idx %arg18[%add3A_117, %add3A_231] : memref<64x128xf32, #tpu.memory_space<vmem>>[vector<16xi32>, vector<16xi32>], vector<16xf32>,
        %gather3A_233 = tpu.vector_load_idx %arg16[%add3A_117, %add3A_231] : memref<64x128xf32, #tpu.memory_space<vmem>>[vector<16xi32>, vector<16xi32>], vector<16xf32>,
        %mul3A_234 = arith.mulf %gather3A_232, %gather3A_201 : vector<16xf32>
        %add3A_235 = arith.addf %add3A_191, %mul3A_234 : vector<16xf32>
        %mul3A_236 = arith.mulf %gather3A_233, %gather3A_201 : vector<16xf32>
        %add3A_237 = arith.addf %add3A_193, %mul3A_236 : vector<16xf32>
        %broadcast_in_dim3A_238 = arith.constant 2 : i32
        %broadcast_in_dim3A_239 = vector.broadcast %broadcast_in_dim3A_238 : i32 to vector<16xi32>
        %add3A_240 = arith.addi %broadcast_in_dim3A_239, %iota3A : vector<16xi32>
        %and3A_241 = arith.constant 31 : i32
        %and3A_242 = vector.broadcast %and3A_241 : i32 to vector<16xi32>
        %and3A_243 = arith.andi %add3A_240, %and3A_242 : vector<16xi32>
        %add3A_244 = arith.addi %mul3A_148, %and3A_243 : vector<16xi32>
        %gather3A_245 = tpu.vector_load_idx %arg20[%add3A_117, %add3A_244] : memref<64x128xf32, #tpu.memory_space<vmem>>[vector<16xi32>, vector<16xi32>], vector<16xf32>,
        %add3A_246 = arith.constant 0 : i32
        %add3A_247 = vector.broadcast %add3A_246 : i32 to vector<16xi32>
        %add3A_248 = arith.addi %and3A_243, %add3A_247 : vector<16xi32>
        %gather3A_249 = tpu.vector_load_idx %arg18[%add3A_117, %add3A_248] : memref<64x128xf32, #tpu.memory_space<vmem>>[vector<16xi32>, vector<16xi32>], vector<16xf32>,
        %gather3A_250 = tpu.vector_load_idx %arg16[%add3A_117, %add3A_248] : memref<64x128xf32, #tpu.memory_space<vmem>>[vector<16xi32>, vector<16xi32>], vector<16xf32>,
        %mul3A_251 = arith.mulf %gather3A_249, %gather3A_245 : vector<16xf32>
        %add3A_252 = arith.addf %add3A_208, %mul3A_251 : vector<16xf32>
        %mul3A_253 = arith.mulf %gather3A_250, %gather3A_245 : vector<16xf32>
        %add3A_254 = arith.addf %add3A_210, %mul3A_253 : vector<16xf32>
        %add3A_255 = arith.constant 32 : i32
        %add3A_256 = vector.broadcast %add3A_255 : i32 to vector<16xi32>
        %add3A_257 = arith.addi %and3A_243, %add3A_256 : vector<16xi32>
        %gather3A_258 = tpu.vector_load_idx %arg18[%add3A_117, %add3A_257] : memref<64x128xf32, #tpu.memory_space<vmem>>[vector<16xi32>, vector<16xi32>], vector<16xf32>,
        %gather3A_259 = tpu.vector_load_idx %arg16[%add3A_117, %add3A_257] : memref<64x128xf32, #tpu.memory_space<vmem>>[vector<16xi32>, vector<16xi32>], vector<16xf32>,
        %mul3A_260 = arith.mulf %gather3A_258, %gather3A_245 : vector<16xf32>
        %add3A_261 = arith.addf %add3A_217, %mul3A_260 : vector<16xf32>
        %mul3A_262 = arith.mulf %gather3A_259, %gather3A_245 : vector<16xf32>
        %add3A_263 = arith.addf %add3A_219, %mul3A_262 : vector<16xf32>
        %add3A_264 = arith.constant 64 : i32
        %add3A_265 = vector.broadcast %add3A_264 : i32 to vector<16xi32>
        %add3A_266 = arith.addi %and3A_243, %add3A_265 : vector<16xi32>
        %gather3A_267 = tpu.vector_load_idx %arg18[%add3A_117, %add3A_266] : memref<64x128xf32, #tpu.memory_space<vmem>>[vector<16xi32>, vector<16xi32>], vector<16xf32>,
        %gather3A_268 = tpu.vector_load_idx %arg16[%add3A_117, %add3A_266] : memref<64x128xf32, #tpu.memory_space<vmem>>[vector<16xi32>, vector<16xi32>], vector<16xf32>,
        %mul3A_269 = arith.mulf %gather3A_267, %gather3A_245 : vector<16xf32>
        %add3A_270 = arith.addf %add3A_226, %mul3A_269 : vector<16xf32>
        %mul3A_271 = arith.mulf %gather3A_268, %gather3A_245 : vector<16xf32>
        %add3A_272 = arith.addf %add3A_228, %mul3A_271 : vector<16xf32>
        %add3A_273 = arith.constant 96 : i32
        %add3A_274 = vector.broadcast %add3A_273 : i32 to vector<16xi32>
        %add3A_275 = arith.addi %and3A_243, %add3A_274 : vector<16xi32>
        %gather3A_276 = tpu.vector_load_idx %arg18[%add3A_117, %add3A_275] : memref<64x128xf32, #tpu.memory_space<vmem>>[vector<16xi32>, vector<16xi32>], vector<16xf32>,
        %gather3A_277 = tpu.vector_load_idx %arg16[%add3A_117, %add3A_275] : memref<64x128xf32, #tpu.memory_space<vmem>>[vector<16xi32>, vector<16xi32>], vector<16xf32>,
        %mul3A_278 = arith.mulf %gather3A_276, %gather3A_245 : vector<16xf32>
        %add3A_279 = arith.addf %add3A_235, %mul3A_278 : vector<16xf32>
        %mul3A_280 = arith.mulf %gather3A_277, %gather3A_245 : vector<16xf32>
        %add3A_281 = arith.addf %add3A_237, %mul3A_280 : vector<16xf32>
        %broadcast_in_dim3A_282 = arith.constant 3 : i32
        %broadcast_in_dim3A_283 = vector.broadcast %broadcast_in_dim3A_282 : i32 to vector<16xi32>
        %add3A_284 = arith.addi %broadcast_in_dim3A_283, %iota3A : vector<16xi32>
        %and3A_285 = arith.constant 31 : i32
        %and3A_286 = vector.broadcast %and3A_285 : i32 to vector<16xi32>
        %and3A_287 = arith.andi %add3A_284, %and3A_286 : vector<16xi32>
        %add3A_288 = arith.addi %mul3A_148, %and3A_287 : vector<16xi32>
        %gather3A_289 = tpu.vector_load_idx %arg20[%add3A_117, %add3A_288] : memref<64x128xf32, #tpu.memory_space<vmem>>[vector<16xi32>, vector<16xi32>], vector<16xf32>,
        %add3A_290 = arith.constant 0 : i32
        %add3A_291 = vector.broadcast %add3A_290 : i32 to vector<16xi32>
        %add3A_292 = arith.addi %and3A_287, %add3A_291 : vector<16xi32>
        %gather3A_293 = tpu.vector_load_idx %arg18[%add3A_117, %add3A_292] : memref<64x128xf32, #tpu.memory_space<vmem>>[vector<16xi32>, vector<16xi32>], vector<16xf32>,
        %gather3A_294 = tpu.vector_load_idx %arg16[%add3A_117, %add3A_292] : memref<64x128xf32, #tpu.memory_space<vmem>>[vector<16xi32>, vector<16xi32>], vector<16xf32>,
        %mul3A_295 = arith.mulf %gather3A_293, %gather3A_289 : vector<16xf32>
        %add3A_296 = arith.addf %add3A_252, %mul3A_295 : vector<16xf32>
        %mul3A_297 = arith.mulf %gather3A_294, %gather3A_289 : vector<16xf32>
        %add3A_298 = arith.addf %add3A_254, %mul3A_297 : vector<16xf32>
        %add3A_299 = arith.constant 32 : i32
        %add3A_300 = vector.broadcast %add3A_299 : i32 to vector<16xi32>
        %add3A_301 = arith.addi %and3A_287, %add3A_300 : vector<16xi32>
        %gather3A_302 = tpu.vector_load_idx %arg18[%add3A_117, %add3A_301] : memref<64x128xf32, #tpu.memory_space<vmem>>[vector<16xi32>, vector<16xi32>], vector<16xf32>,
        %gather3A_303 = tpu.vector_load_idx %arg16[%add3A_117, %add3A_301] : memref<64x128xf32, #tpu.memory_space<vmem>>[vector<16xi32>, vector<16xi32>], vector<16xf32>,
        %mul3A_304 = arith.mulf %gather3A_302, %gather3A_289 : vector<16xf32>
        %add3A_305 = arith.addf %add3A_261, %mul3A_304 : vector<16xf32>
        %mul3A_306 = arith.mulf %gather3A_303, %gather3A_289 : vector<16xf32>
        %add3A_307 = arith.addf %add3A_263, %mul3A_306 : vector<16xf32>
        %add3A_308 = arith.constant 64 : i32
        %add3A_309 = vector.broadcast %add3A_308 : i32 to vector<16xi32>
        %add3A_310 = arith.addi %and3A_287, %add3A_309 : vector<16xi32>
        %gather3A_311 = tpu.vector_load_idx %arg18[%add3A_117, %add3A_310] : memref<64x128xf32, #tpu.memory_space<vmem>>[vector<16xi32>, vector<16xi32>], vector<16xf32>,
        %gather3A_312 = tpu.vector_load_idx %arg16[%add3A_117, %add3A_310] : memref<64x128xf32, #tpu.memory_space<vmem>>[vector<16xi32>, vector<16xi32>], vector<16xf32>,
        %mul3A_313 = arith.mulf %gather3A_311, %gather3A_289 : vector<16xf32>
        %add3A_314 = arith.addf %add3A_270, %mul3A_313 : vector<16xf32>
        %mul3A_315 = arith.mulf %gather3A_312, %gather3A_289 : vector<16xf32>
        %add3A_316 = arith.addf %add3A_272, %mul3A_315 : vector<16xf32>
        %add3A_317 = arith.constant 96 : i32
        %add3A_318 = vector.broadcast %add3A_317 : i32 to vector<16xi32>
        %add3A_319 = arith.addi %and3A_287, %add3A_318 : vector<16xi32>
        %gather3A_320 = tpu.vector_load_idx %arg18[%add3A_117, %add3A_319] : memref<64x128xf32, #tpu.memory_space<vmem>>[vector<16xi32>, vector<16xi32>], vector<16xf32>,
        %gather3A_321 = tpu.vector_load_idx %arg16[%add3A_117, %add3A_319] : memref<64x128xf32, #tpu.memory_space<vmem>>[vector<16xi32>, vector<16xi32>], vector<16xf32>,
        %mul3A_322 = arith.mulf %gather3A_320, %gather3A_289 : vector<16xf32>
        %add3A_323 = arith.addf %add3A_279, %mul3A_322 : vector<16xf32>
        %mul3A_324 = arith.mulf %gather3A_321, %gather3A_289 : vector<16xf32>
        %add3A_325 = arith.addf %add3A_281, %mul3A_324 : vector<16xf32>
        %broadcast_in_dim3A_326 = arith.constant 4 : i32
        %broadcast_in_dim3A_327 = vector.broadcast %broadcast_in_dim3A_326 : i32 to vector<16xi32>
        %add3A_328 = arith.addi %broadcast_in_dim3A_327, %iota3A : vector<16xi32>
        %and3A_329 = arith.constant 31 : i32
        %and3A_330 = vector.broadcast %and3A_329 : i32 to vector<16xi32>
        %and3A_331 = arith.andi %add3A_328, %and3A_330 : vector<16xi32>
        %add3A_332 = arith.addi %mul3A_148, %and3A_331 : vector<16xi32>
        %gather3A_333 = tpu.vector_load_idx %arg20[%add3A_117, %add3A_332] : memref<64x128xf32, #tpu.memory_space<vmem>>[vector<16xi32>, vector<16xi32>], vector<16xf32>,
        %add3A_334 = arith.constant 0 : i32
        %add3A_335 = vector.broadcast %add3A_334 : i32 to vector<16xi32>
        %add3A_336 = arith.addi %and3A_331, %add3A_335 : vector<16xi32>
        %gather3A_337 = tpu.vector_load_idx %arg18[%add3A_117, %add3A_336] : memref<64x128xf32, #tpu.memory_space<vmem>>[vector<16xi32>, vector<16xi32>], vector<16xf32>,
        %gather3A_338 = tpu.vector_load_idx %arg16[%add3A_117, %add3A_336] : memref<64x128xf32, #tpu.memory_space<vmem>>[vector<16xi32>, vector<16xi32>], vector<16xf32>,
        %mul3A_339 = arith.mulf %gather3A_337, %gather3A_333 : vector<16xf32>
        %add3A_340 = arith.addf %add3A_296, %mul3A_339 : vector<16xf32>
        %mul3A_341 = arith.mulf %gather3A_338, %gather3A_333 : vector<16xf32>
        %add3A_342 = arith.addf %add3A_298, %mul3A_341 : vector<16xf32>
        %add3A_343 = arith.constant 32 : i32
        %add3A_344 = vector.broadcast %add3A_343 : i32 to vector<16xi32>
        %add3A_345 = arith.addi %and3A_331, %add3A_344 : vector<16xi32>
        %gather3A_346 = tpu.vector_load_idx %arg18[%add3A_117, %add3A_345] : memref<64x128xf32, #tpu.memory_space<vmem>>[vector<16xi32>, vector<16xi32>], vector<16xf32>,
        %gather3A_347 = tpu.vector_load_idx %arg16[%add3A_117, %add3A_345] : memref<64x128xf32, #tpu.memory_space<vmem>>[vector<16xi32>, vector<16xi32>], vector<16xf32>,
        %mul3A_348 = arith.mulf %gather3A_346, %gather3A_333 : vector<16xf32>
        %add3A_349 = arith.addf %add3A_305, %mul3A_348 : vector<16xf32>
        %mul3A_350 = arith.mulf %gather3A_347, %gather3A_333 : vector<16xf32>
        %add3A_351 = arith.addf %add3A_307, %mul3A_350 : vector<16xf32>
        %add3A_352 = arith.constant 64 : i32
        %add3A_353 = vector.broadcast %add3A_352 : i32 to vector<16xi32>
        %add3A_354 = arith.addi %and3A_331, %add3A_353 : vector<16xi32>
        %gather3A_355 = tpu.vector_load_idx %arg18[%add3A_117, %add3A_354] : memref<64x128xf32, #tpu.memory_space<vmem>>[vector<16xi32>, vector<16xi32>], vector<16xf32>,
        %gather3A_356 = tpu.vector_load_idx %arg16[%add3A_117, %add3A_354] : memref<64x128xf32, #tpu.memory_space<vmem>>[vector<16xi32>, vector<16xi32>], vector<16xf32>,
        %mul3A_357 = arith.mulf %gather3A_355, %gather3A_333 : vector<16xf32>
        %add3A_358 = arith.addf %add3A_314, %mul3A_357 : vector<16xf32>
        %mul3A_359 = arith.mulf %gather3A_356, %gather3A_333 : vector<16xf32>
        %add3A_360 = arith.addf %add3A_316, %mul3A_359 : vector<16xf32>
        %add3A_361 = arith.constant 96 : i32
        %add3A_362 = vector.broadcast %add3A_361 : i32 to vector<16xi32>
        %add3A_363 = arith.addi %and3A_331, %add3A_362 : vector<16xi32>
        %gather3A_364 = tpu.vector_load_idx %arg18[%add3A_117, %add3A_363] : memref<64x128xf32, #tpu.memory_space<vmem>>[vector<16xi32>, vector<16xi32>], vector<16xf32>,
        %gather3A_365 = tpu.vector_load_idx %arg16[%add3A_117, %add3A_363] : memref<64x128xf32, #tpu.memory_space<vmem>>[vector<16xi32>, vector<16xi32>], vector<16xf32>,
        %mul3A_366 = arith.mulf %gather3A_364, %gather3A_333 : vector<16xf32>
        %add3A_367 = arith.addf %add3A_323, %mul3A_366 : vector<16xf32>
        %mul3A_368 = arith.mulf %gather3A_365, %gather3A_333 : vector<16xf32>
        %add3A_369 = arith.addf %add3A_325, %mul3A_368 : vector<16xf32>
        %broadcast_in_dim3A_370 = arith.constant 5 : i32
        %broadcast_in_dim3A_371 = vector.broadcast %broadcast_in_dim3A_370 : i32 to vector<16xi32>
        %add3A_372 = arith.addi %broadcast_in_dim3A_371, %iota3A : vector<16xi32>
        %and3A_373 = arith.constant 31 : i32
        %and3A_374 = vector.broadcast %and3A_373 : i32 to vector<16xi32>
        %and3A_375 = arith.andi %add3A_372, %and3A_374 : vector<16xi32>
        %add3A_376 = arith.addi %mul3A_148, %and3A_375 : vector<16xi32>
        %gather3A_377 = tpu.vector_load_idx %arg20[%add3A_117, %add3A_376] : memref<64x128xf32, #tpu.memory_space<vmem>>[vector<16xi32>, vector<16xi32>], vector<16xf32>,
        %add3A_378 = arith.constant 0 : i32
        %add3A_379 = vector.broadcast %add3A_378 : i32 to vector<16xi32>
        %add3A_380 = arith.addi %and3A_375, %add3A_379 : vector<16xi32>
        %gather3A_381 = tpu.vector_load_idx %arg18[%add3A_117, %add3A_380] : memref<64x128xf32, #tpu.memory_space<vmem>>[vector<16xi32>, vector<16xi32>], vector<16xf32>,
        %gather3A_382 = tpu.vector_load_idx %arg16[%add3A_117, %add3A_380] : memref<64x128xf32, #tpu.memory_space<vmem>>[vector<16xi32>, vector<16xi32>], vector<16xf32>,
        %mul3A_383 = arith.mulf %gather3A_381, %gather3A_377 : vector<16xf32>
        %add3A_384 = arith.addf %add3A_340, %mul3A_383 : vector<16xf32>
        %mul3A_385 = arith.mulf %gather3A_382, %gather3A_377 : vector<16xf32>
        %add3A_386 = arith.addf %add3A_342, %mul3A_385 : vector<16xf32>
        %add3A_387 = arith.constant 32 : i32
        %add3A_388 = vector.broadcast %add3A_387 : i32 to vector<16xi32>
        %add3A_389 = arith.addi %and3A_375, %add3A_388 : vector<16xi32>
        %gather3A_390 = tpu.vector_load_idx %arg18[%add3A_117, %add3A_389] : memref<64x128xf32, #tpu.memory_space<vmem>>[vector<16xi32>, vector<16xi32>], vector<16xf32>,
        %gather3A_391 = tpu.vector_load_idx %arg16[%add3A_117, %add3A_389] : memref<64x128xf32, #tpu.memory_space<vmem>>[vector<16xi32>, vector<16xi32>], vector<16xf32>,
        %mul3A_392 = arith.mulf %gather3A_390, %gather3A_377 : vector<16xf32>
        %add3A_393 = arith.addf %add3A_349, %mul3A_392 : vector<16xf32>
        %mul3A_394 = arith.mulf %gather3A_391, %gather3A_377 : vector<16xf32>
        %add3A_395 = arith.addf %add3A_351, %mul3A_394 : vector<16xf32>
        %add3A_396 = arith.constant 64 : i32
        %add3A_397 = vector.broadcast %add3A_396 : i32 to vector<16xi32>
        %add3A_398 = arith.addi %and3A_375, %add3A_397 : vector<16xi32>
        %gather3A_399 = tpu.vector_load_idx %arg18[%add3A_117, %add3A_398] : memref<64x128xf32, #tpu.memory_space<vmem>>[vector<16xi32>, vector<16xi32>], vector<16xf32>,
        %gather3A_400 = tpu.vector_load_idx %arg16[%add3A_117, %add3A_398] : memref<64x128xf32, #tpu.memory_space<vmem>>[vector<16xi32>, vector<16xi32>], vector<16xf32>,
        %mul3A_401 = arith.mulf %gather3A_399, %gather3A_377 : vector<16xf32>
        %add3A_402 = arith.addf %add3A_358, %mul3A_401 : vector<16xf32>
        %mul3A_403 = arith.mulf %gather3A_400, %gather3A_377 : vector<16xf32>
        %add3A_404 = arith.addf %add3A_360, %mul3A_403 : vector<16xf32>
        %add3A_405 = arith.constant 96 : i32
        %add3A_406 = vector.broadcast %add3A_405 : i32 to vector<16xi32>
        %add3A_407 = arith.addi %and3A_375, %add3A_406 : vector<16xi32>
        %gather3A_408 = tpu.vector_load_idx %arg18[%add3A_117, %add3A_407] : memref<64x128xf32, #tpu.memory_space<vmem>>[vector<16xi32>, vector<16xi32>], vector<16xf32>,
        %gather3A_409 = tpu.vector_load_idx %arg16[%add3A_117, %add3A_407] : memref<64x128xf32, #tpu.memory_space<vmem>>[vector<16xi32>, vector<16xi32>], vector<16xf32>,
        %mul3A_410 = arith.mulf %gather3A_408, %gather3A_377 : vector<16xf32>
        %add3A_411 = arith.addf %add3A_367, %mul3A_410 : vector<16xf32>
        %mul3A_412 = arith.mulf %gather3A_409, %gather3A_377 : vector<16xf32>
        %add3A_413 = arith.addf %add3A_369, %mul3A_412 : vector<16xf32>
        %broadcast_in_dim3A_414 = arith.constant 6 : i32
        %broadcast_in_dim3A_415 = vector.broadcast %broadcast_in_dim3A_414 : i32 to vector<16xi32>
        %add3A_416 = arith.addi %broadcast_in_dim3A_415, %iota3A : vector<16xi32>
        %and3A_417 = arith.constant 31 : i32
        %and3A_418 = vector.broadcast %and3A_417 : i32 to vector<16xi32>
        %and3A_419 = arith.andi %add3A_416, %and3A_418 : vector<16xi32>
        %add3A_420 = arith.addi %mul3A_148, %and3A_419 : vector<16xi32>
        %gather3A_421 = tpu.vector_load_idx %arg20[%add3A_117, %add3A_420] : memref<64x128xf32, #tpu.memory_space<vmem>>[vector<16xi32>, vector<16xi32>], vector<16xf32>,
        %add3A_422 = arith.constant 0 : i32
        %add3A_423 = vector.broadcast %add3A_422 : i32 to vector<16xi32>
        %add3A_424 = arith.addi %and3A_419, %add3A_423 : vector<16xi32>
        %gather3A_425 = tpu.vector_load_idx %arg18[%add3A_117, %add3A_424] : memref<64x128xf32, #tpu.memory_space<vmem>>[vector<16xi32>, vector<16xi32>], vector<16xf32>,
        %gather3A_426 = tpu.vector_load_idx %arg16[%add3A_117, %add3A_424] : memref<64x128xf32, #tpu.memory_space<vmem>>[vector<16xi32>, vector<16xi32>], vector<16xf32>,
        %mul3A_427 = arith.mulf %gather3A_425, %gather3A_421 : vector<16xf32>
        %add3A_428 = arith.addf %add3A_384, %mul3A_427 : vector<16xf32>
        %mul3A_429 = arith.mulf %gather3A_426, %gather3A_421 : vector<16xf32>
        %add3A_430 = arith.addf %add3A_386, %mul3A_429 : vector<16xf32>
        %add3A_431 = arith.constant 32 : i32
        %add3A_432 = vector.broadcast %add3A_431 : i32 to vector<16xi32>
        %add3A_433 = arith.addi %and3A_419, %add3A_432 : vector<16xi32>
        %gather3A_434 = tpu.vector_load_idx %arg18[%add3A_117, %add3A_433] : memref<64x128xf32, #tpu.memory_space<vmem>>[vector<16xi32>, vector<16xi32>], vector<16xf32>,
        %gather3A_435 = tpu.vector_load_idx %arg16[%add3A_117, %add3A_433] : memref<64x128xf32, #tpu.memory_space<vmem>>[vector<16xi32>, vector<16xi32>], vector<16xf32>,
        %mul3A_436 = arith.mulf %gather3A_434, %gather3A_421 : vector<16xf32>
        %add3A_437 = arith.addf %add3A_393, %mul3A_436 : vector<16xf32>
        %mul3A_438 = arith.mulf %gather3A_435, %gather3A_421 : vector<16xf32>
        %add3A_439 = arith.addf %add3A_395, %mul3A_438 : vector<16xf32>
        %add3A_440 = arith.constant 64 : i32
        %add3A_441 = vector.broadcast %add3A_440 : i32 to vector<16xi32>
        %add3A_442 = arith.addi %and3A_419, %add3A_441 : vector<16xi32>
        %gather3A_443 = tpu.vector_load_idx %arg18[%add3A_117, %add3A_442] : memref<64x128xf32, #tpu.memory_space<vmem>>[vector<16xi32>, vector<16xi32>], vector<16xf32>,
        %gather3A_444 = tpu.vector_load_idx %arg16[%add3A_117, %add3A_442] : memref<64x128xf32, #tpu.memory_space<vmem>>[vector<16xi32>, vector<16xi32>], vector<16xf32>,
        %mul3A_445 = arith.mulf %gather3A_443, %gather3A_421 : vector<16xf32>
        %add3A_446 = arith.addf %add3A_402, %mul3A_445 : vector<16xf32>
        %mul3A_447 = arith.mulf %gather3A_444, %gather3A_421 : vector<16xf32>
        %add3A_448 = arith.addf %add3A_404, %mul3A_447 : vector<16xf32>
        %add3A_449 = arith.constant 96 : i32
        %add3A_450 = vector.broadcast %add3A_449 : i32 to vector<16xi32>
        %add3A_451 = arith.addi %and3A_419, %add3A_450 : vector<16xi32>
        %gather3A_452 = tpu.vector_load_idx %arg18[%add3A_117, %add3A_451] : memref<64x128xf32, #tpu.memory_space<vmem>>[vector<16xi32>, vector<16xi32>], vector<16xf32>,
        %gather3A_453 = tpu.vector_load_idx %arg16[%add3A_117, %add3A_451] : memref<64x128xf32, #tpu.memory_space<vmem>>[vector<16xi32>, vector<16xi32>], vector<16xf32>,
        %mul3A_454 = arith.mulf %gather3A_452, %gather3A_421 : vector<16xf32>
        %add3A_455 = arith.addf %add3A_411, %mul3A_454 : vector<16xf32>
        %mul3A_456 = arith.mulf %gather3A_453, %gather3A_421 : vector<16xf32>
        %add3A_457 = arith.addf %add3A_413, %mul3A_456 : vector<16xf32>
        %broadcast_in_dim3A_458 = arith.constant 7 : i32
        %broadcast_in_dim3A_459 = vector.broadcast %broadcast_in_dim3A_458 : i32 to vector<16xi32>
        %add3A_460 = arith.addi %broadcast_in_dim3A_459, %iota3A : vector<16xi32>
        %and3A_461 = arith.constant 31 : i32
        %and3A_462 = vector.broadcast %and3A_461 : i32 to vector<16xi32>
        %and3A_463 = arith.andi %add3A_460, %and3A_462 : vector<16xi32>
        %add3A_464 = arith.addi %mul3A_148, %and3A_463 : vector<16xi32>
        %gather3A_465 = tpu.vector_load_idx %arg20[%add3A_117, %add3A_464] : memref<64x128xf32, #tpu.memory_space<vmem>>[vector<16xi32>, vector<16xi32>], vector<16xf32>,
        %add3A_466 = arith.constant 0 : i32
        %add3A_467 = vector.broadcast %add3A_466 : i32 to vector<16xi32>
        %add3A_468 = arith.addi %and3A_463, %add3A_467 : vector<16xi32>
        %gather3A_469 = tpu.vector_load_idx %arg18[%add3A_117, %add3A_468] : memref<64x128xf32, #tpu.memory_space<vmem>>[vector<16xi32>, vector<16xi32>], vector<16xf32>,
        %gather3A_470 = tpu.vector_load_idx %arg16[%add3A_117, %add3A_468] : memref<64x128xf32, #tpu.memory_space<vmem>>[vector<16xi32>, vector<16xi32>], vector<16xf32>,
        %mul3A_471 = arith.mulf %gather3A_469, %gather3A_465 : vector<16xf32>
        %add3A_472 = arith.addf %add3A_428, %mul3A_471 : vector<16xf32>
        %mul3A_473 = arith.mulf %gather3A_470, %gather3A_465 : vector<16xf32>
        %add3A_474 = arith.addf %add3A_430, %mul3A_473 : vector<16xf32>
        %add3A_475 = arith.constant 32 : i32
        %add3A_476 = vector.broadcast %add3A_475 : i32 to vector<16xi32>
        %add3A_477 = arith.addi %and3A_463, %add3A_476 : vector<16xi32>
        %gather3A_478 = tpu.vector_load_idx %arg18[%add3A_117, %add3A_477] : memref<64x128xf32, #tpu.memory_space<vmem>>[vector<16xi32>, vector<16xi32>], vector<16xf32>,
        %gather3A_479 = tpu.vector_load_idx %arg16[%add3A_117, %add3A_477] : memref<64x128xf32, #tpu.memory_space<vmem>>[vector<16xi32>, vector<16xi32>], vector<16xf32>,
        %mul3A_480 = arith.mulf %gather3A_478, %gather3A_465 : vector<16xf32>
        %add3A_481 = arith.addf %add3A_437, %mul3A_480 : vector<16xf32>
        %mul3A_482 = arith.mulf %gather3A_479, %gather3A_465 : vector<16xf32>
        %add3A_483 = arith.addf %add3A_439, %mul3A_482 : vector<16xf32>
        %add3A_484 = arith.constant 64 : i32
        %add3A_485 = vector.broadcast %add3A_484 : i32 to vector<16xi32>
        %add3A_486 = arith.addi %and3A_463, %add3A_485 : vector<16xi32>
        %gather3A_487 = tpu.vector_load_idx %arg18[%add3A_117, %add3A_486] : memref<64x128xf32, #tpu.memory_space<vmem>>[vector<16xi32>, vector<16xi32>], vector<16xf32>,
        %gather3A_488 = tpu.vector_load_idx %arg16[%add3A_117, %add3A_486] : memref<64x128xf32, #tpu.memory_space<vmem>>[vector<16xi32>, vector<16xi32>], vector<16xf32>,
        %mul3A_489 = arith.mulf %gather3A_487, %gather3A_465 : vector<16xf32>
        %add3A_490 = arith.addf %add3A_446, %mul3A_489 : vector<16xf32>
        %mul3A_491 = arith.mulf %gather3A_488, %gather3A_465 : vector<16xf32>
        %add3A_492 = arith.addf %add3A_448, %mul3A_491 : vector<16xf32>
        %add3A_493 = arith.constant 96 : i32
        %add3A_494 = vector.broadcast %add3A_493 : i32 to vector<16xi32>
        %add3A_495 = arith.addi %and3A_463, %add3A_494 : vector<16xi32>
        %gather3A_496 = tpu.vector_load_idx %arg18[%add3A_117, %add3A_495] : memref<64x128xf32, #tpu.memory_space<vmem>>[vector<16xi32>, vector<16xi32>], vector<16xf32>,
        %gather3A_497 = tpu.vector_load_idx %arg16[%add3A_117, %add3A_495] : memref<64x128xf32, #tpu.memory_space<vmem>>[vector<16xi32>, vector<16xi32>], vector<16xf32>,
        %mul3A_498 = arith.mulf %gather3A_496, %gather3A_465 : vector<16xf32>
        %add3A_499 = arith.addf %add3A_455, %mul3A_498 : vector<16xf32>
        %mul3A_500 = arith.mulf %gather3A_497, %gather3A_465 : vector<16xf32>
        %add3A_501 = arith.addf %add3A_457, %mul3A_500 : vector<16xf32>
        %broadcast_in_dim3A_502 = arith.constant 8 : i32
        %broadcast_in_dim3A_503 = vector.broadcast %broadcast_in_dim3A_502 : i32 to vector<16xi32>
        %add3A_504 = arith.addi %broadcast_in_dim3A_503, %iota3A : vector<16xi32>
        %and3A_505 = arith.constant 31 : i32
        %and3A_506 = vector.broadcast %and3A_505 : i32 to vector<16xi32>
        %and3A_507 = arith.andi %add3A_504, %and3A_506 : vector<16xi32>
        %add3A_508 = arith.addi %mul3A_148, %and3A_507 : vector<16xi32>
        %gather3A_509 = tpu.vector_load_idx %arg20[%add3A_117, %add3A_508] : memref<64x128xf32, #tpu.memory_space<vmem>>[vector<16xi32>, vector<16xi32>], vector<16xf32>,
        %add3A_510 = arith.constant 0 : i32
        %add3A_511 = vector.broadcast %add3A_510 : i32 to vector<16xi32>
        %add3A_512 = arith.addi %and3A_507, %add3A_511 : vector<16xi32>
        %gather3A_513 = tpu.vector_load_idx %arg18[%add3A_117, %add3A_512] : memref<64x128xf32, #tpu.memory_space<vmem>>[vector<16xi32>, vector<16xi32>], vector<16xf32>,
        %gather3A_514 = tpu.vector_load_idx %arg16[%add3A_117, %add3A_512] : memref<64x128xf32, #tpu.memory_space<vmem>>[vector<16xi32>, vector<16xi32>], vector<16xf32>,
        %mul3A_515 = arith.mulf %gather3A_513, %gather3A_509 : vector<16xf32>
        %add3A_516 = arith.addf %add3A_472, %mul3A_515 : vector<16xf32>
        %mul3A_517 = arith.mulf %gather3A_514, %gather3A_509 : vector<16xf32>
        %add3A_518 = arith.addf %add3A_474, %mul3A_517 : vector<16xf32>
        %add3A_519 = arith.constant 32 : i32
        %add3A_520 = vector.broadcast %add3A_519 : i32 to vector<16xi32>
        %add3A_521 = arith.addi %and3A_507, %add3A_520 : vector<16xi32>
        %gather3A_522 = tpu.vector_load_idx %arg18[%add3A_117, %add3A_521] : memref<64x128xf32, #tpu.memory_space<vmem>>[vector<16xi32>, vector<16xi32>], vector<16xf32>,
        %gather3A_523 = tpu.vector_load_idx %arg16[%add3A_117, %add3A_521] : memref<64x128xf32, #tpu.memory_space<vmem>>[vector<16xi32>, vector<16xi32>], vector<16xf32>,
        %mul3A_524 = arith.mulf %gather3A_522, %gather3A_509 : vector<16xf32>
        %add3A_525 = arith.addf %add3A_481, %mul3A_524 : vector<16xf32>
        %mul3A_526 = arith.mulf %gather3A_523, %gather3A_509 : vector<16xf32>
        %add3A_527 = arith.addf %add3A_483, %mul3A_526 : vector<16xf32>
        %add3A_528 = arith.constant 64 : i32
        %add3A_529 = vector.broadcast %add3A_528 : i32 to vector<16xi32>
        %add3A_530 = arith.addi %and3A_507, %add3A_529 : vector<16xi32>
        %gather3A_531 = tpu.vector_load_idx %arg18[%add3A_117, %add3A_530] : memref<64x128xf32, #tpu.memory_space<vmem>>[vector<16xi32>, vector<16xi32>], vector<16xf32>,
        %gather3A_532 = tpu.vector_load_idx %arg16[%add3A_117, %add3A_530] : memref<64x128xf32, #tpu.memory_space<vmem>>[vector<16xi32>, vector<16xi32>], vector<16xf32>,
        %mul3A_533 = arith.mulf %gather3A_531, %gather3A_509 : vector<16xf32>
        %add3A_534 = arith.addf %add3A_490, %mul3A_533 : vector<16xf32>
        %mul3A_535 = arith.mulf %gather3A_532, %gather3A_509 : vector<16xf32>
        %add3A_536 = arith.addf %add3A_492, %mul3A_535 : vector<16xf32>
        %add3A_537 = arith.constant 96 : i32
        %add3A_538 = vector.broadcast %add3A_537 : i32 to vector<16xi32>
        %add3A_539 = arith.addi %and3A_507, %add3A_538 : vector<16xi32>
        %gather3A_540 = tpu.vector_load_idx %arg18[%add3A_117, %add3A_539] : memref<64x128xf32, #tpu.memory_space<vmem>>[vector<16xi32>, vector<16xi32>], vector<16xf32>,
        %gather3A_541 = tpu.vector_load_idx %arg16[%add3A_117, %add3A_539] : memref<64x128xf32, #tpu.memory_space<vmem>>[vector<16xi32>, vector<16xi32>], vector<16xf32>,
        %mul3A_542 = arith.mulf %gather3A_540, %gather3A_509 : vector<16xf32>
        %add3A_543 = arith.addf %add3A_499, %mul3A_542 : vector<16xf32>
        %mul3A_544 = arith.mulf %gather3A_541, %gather3A_509 : vector<16xf32>
        %add3A_545 = arith.addf %add3A_501, %mul3A_544 : vector<16xf32>
        %broadcast_in_dim3A_546 = arith.constant 9 : i32
        %broadcast_in_dim3A_547 = vector.broadcast %broadcast_in_dim3A_546 : i32 to vector<16xi32>
        %add3A_548 = arith.addi %broadcast_in_dim3A_547, %iota3A : vector<16xi32>
        %and3A_549 = arith.constant 31 : i32
        %and3A_550 = vector.broadcast %and3A_549 : i32 to vector<16xi32>
        %and3A_551 = arith.andi %add3A_548, %and3A_550 : vector<16xi32>
        %add3A_552 = arith.addi %mul3A_148, %and3A_551 : vector<16xi32>
        %gather3A_553 = tpu.vector_load_idx %arg20[%add3A_117, %add3A_552] : memref<64x128xf32, #tpu.memory_space<vmem>>[vector<16xi32>, vector<16xi32>], vector<16xf32>,
        %add3A_554 = arith.constant 0 : i32
        %add3A_555 = vector.broadcast %add3A_554 : i32 to vector<16xi32>
        %add3A_556 = arith.addi %and3A_551, %add3A_555 : vector<16xi32>
        %gather3A_557 = tpu.vector_load_idx %arg18[%add3A_117, %add3A_556] : memref<64x128xf32, #tpu.memory_space<vmem>>[vector<16xi32>, vector<16xi32>], vector<16xf32>,
        %gather3A_558 = tpu.vector_load_idx %arg16[%add3A_117, %add3A_556] : memref<64x128xf32, #tpu.memory_space<vmem>>[vector<16xi32>, vector<16xi32>], vector<16xf32>,
        %mul3A_559 = arith.mulf %gather3A_557, %gather3A_553 : vector<16xf32>
        %add3A_560 = arith.addf %add3A_516, %mul3A_559 : vector<16xf32>
        %mul3A_561 = arith.mulf %gather3A_558, %gather3A_553 : vector<16xf32>
        %add3A_562 = arith.addf %add3A_518, %mul3A_561 : vector<16xf32>
        %add3A_563 = arith.constant 32 : i32
        %add3A_564 = vector.broadcast %add3A_563 : i32 to vector<16xi32>
        %add3A_565 = arith.addi %and3A_551, %add3A_564 : vector<16xi32>
        %gather3A_566 = tpu.vector_load_idx %arg18[%add3A_117, %add3A_565] : memref<64x128xf32, #tpu.memory_space<vmem>>[vector<16xi32>, vector<16xi32>], vector<16xf32>,
        %gather3A_567 = tpu.vector_load_idx %arg16[%add3A_117, %add3A_565] : memref<64x128xf32, #tpu.memory_space<vmem>>[vector<16xi32>, vector<16xi32>], vector<16xf32>,
        %mul3A_568 = arith.mulf %gather3A_566, %gather3A_553 : vector<16xf32>
        %add3A_569 = arith.addf %add3A_525, %mul3A_568 : vector<16xf32>
        %mul3A_570 = arith.mulf %gather3A_567, %gather3A_553 : vector<16xf32>
        %add3A_571 = arith.addf %add3A_527, %mul3A_570 : vector<16xf32>
        %add3A_572 = arith.constant 64 : i32
        %add3A_573 = vector.broadcast %add3A_572 : i32 to vector<16xi32>
        %add3A_574 = arith.addi %and3A_551, %add3A_573 : vector<16xi32>
        %gather3A_575 = tpu.vector_load_idx %arg18[%add3A_117, %add3A_574] : memref<64x128xf32, #tpu.memory_space<vmem>>[vector<16xi32>, vector<16xi32>], vector<16xf32>,
        %gather3A_576 = tpu.vector_load_idx %arg16[%add3A_117, %add3A_574] : memref<64x128xf32, #tpu.memory_space<vmem>>[vector<16xi32>, vector<16xi32>], vector<16xf32>,
        %mul3A_577 = arith.mulf %gather3A_575, %gather3A_553 : vector<16xf32>
        %add3A_578 = arith.addf %add3A_534, %mul3A_577 : vector<16xf32>
        %mul3A_579 = arith.mulf %gather3A_576, %gather3A_553 : vector<16xf32>
        %add3A_580 = arith.addf %add3A_536, %mul3A_579 : vector<16xf32>
        %add3A_581 = arith.constant 96 : i32
        %add3A_582 = vector.broadcast %add3A_581 : i32 to vector<16xi32>
        %add3A_583 = arith.addi %and3A_551, %add3A_582 : vector<16xi32>
        %gather3A_584 = tpu.vector_load_idx %arg18[%add3A_117, %add3A_583] : memref<64x128xf32, #tpu.memory_space<vmem>>[vector<16xi32>, vector<16xi32>], vector<16xf32>,
        %gather3A_585 = tpu.vector_load_idx %arg16[%add3A_117, %add3A_583] : memref<64x128xf32, #tpu.memory_space<vmem>>[vector<16xi32>, vector<16xi32>], vector<16xf32>,
        %mul3A_586 = arith.mulf %gather3A_584, %gather3A_553 : vector<16xf32>
        %add3A_587 = arith.addf %add3A_543, %mul3A_586 : vector<16xf32>
        %mul3A_588 = arith.mulf %gather3A_585, %gather3A_553 : vector<16xf32>
        %add3A_589 = arith.addf %add3A_545, %mul3A_588 : vector<16xf32>
        %broadcast_in_dim3A_590 = arith.constant 10 : i32
        %broadcast_in_dim3A_591 = vector.broadcast %broadcast_in_dim3A_590 : i32 to vector<16xi32>
        %add3A_592 = arith.addi %broadcast_in_dim3A_591, %iota3A : vector<16xi32>
        %and3A_593 = arith.constant 31 : i32
        %and3A_594 = vector.broadcast %and3A_593 : i32 to vector<16xi32>
        %and3A_595 = arith.andi %add3A_592, %and3A_594 : vector<16xi32>
        %add3A_596 = arith.addi %mul3A_148, %and3A_595 : vector<16xi32>
        %gather3A_597 = tpu.vector_load_idx %arg20[%add3A_117, %add3A_596] : memref<64x128xf32, #tpu.memory_space<vmem>>[vector<16xi32>, vector<16xi32>], vector<16xf32>,
        %add3A_598 = arith.constant 0 : i32
        %add3A_599 = vector.broadcast %add3A_598 : i32 to vector<16xi32>
        %add3A_600 = arith.addi %and3A_595, %add3A_599 : vector<16xi32>
        %gather3A_601 = tpu.vector_load_idx %arg18[%add3A_117, %add3A_600] : memref<64x128xf32, #tpu.memory_space<vmem>>[vector<16xi32>, vector<16xi32>], vector<16xf32>,
        %gather3A_602 = tpu.vector_load_idx %arg16[%add3A_117, %add3A_600] : memref<64x128xf32, #tpu.memory_space<vmem>>[vector<16xi32>, vector<16xi32>], vector<16xf32>,
        %mul3A_603 = arith.mulf %gather3A_601, %gather3A_597 : vector<16xf32>
        %add3A_604 = arith.addf %add3A_560, %mul3A_603 : vector<16xf32>
        %mul3A_605 = arith.mulf %gather3A_602, %gather3A_597 : vector<16xf32>
        %add3A_606 = arith.addf %add3A_562, %mul3A_605 : vector<16xf32>
        %add3A_607 = arith.constant 32 : i32
        %add3A_608 = vector.broadcast %add3A_607 : i32 to vector<16xi32>
        %add3A_609 = arith.addi %and3A_595, %add3A_608 : vector<16xi32>
        %gather3A_610 = tpu.vector_load_idx %arg18[%add3A_117, %add3A_609] : memref<64x128xf32, #tpu.memory_space<vmem>>[vector<16xi32>, vector<16xi32>], vector<16xf32>,
        %gather3A_611 = tpu.vector_load_idx %arg16[%add3A_117, %add3A_609] : memref<64x128xf32, #tpu.memory_space<vmem>>[vector<16xi32>, vector<16xi32>], vector<16xf32>,
        %mul3A_612 = arith.mulf %gather3A_610, %gather3A_597 : vector<16xf32>
        %add3A_613 = arith.addf %add3A_569, %mul3A_612 : vector<16xf32>
        %mul3A_614 = arith.mulf %gather3A_611, %gather3A_597 : vector<16xf32>
        %add3A_615 = arith.addf %add3A_571, %mul3A_614 : vector<16xf32>
        %add3A_616 = arith.constant 64 : i32
        %add3A_617 = vector.broadcast %add3A_616 : i32 to vector<16xi32>
        %add3A_618 = arith.addi %and3A_595, %add3A_617 : vector<16xi32>
        %gather3A_619 = tpu.vector_load_idx %arg18[%add3A_117, %add3A_618] : memref<64x128xf32, #tpu.memory_space<vmem>>[vector<16xi32>, vector<16xi32>], vector<16xf32>,
        %gather3A_620 = tpu.vector_load_idx %arg16[%add3A_117, %add3A_618] : memref<64x128xf32, #tpu.memory_space<vmem>>[vector<16xi32>, vector<16xi32>], vector<16xf32>,
        %mul3A_621 = arith.mulf %gather3A_619, %gather3A_597 : vector<16xf32>
        %add3A_622 = arith.addf %add3A_578, %mul3A_621 : vector<16xf32>
        %mul3A_623 = arith.mulf %gather3A_620, %gather3A_597 : vector<16xf32>
        %add3A_624 = arith.addf %add3A_580, %mul3A_623 : vector<16xf32>
        %add3A_625 = arith.constant 96 : i32
        %add3A_626 = vector.broadcast %add3A_625 : i32 to vector<16xi32>
        %add3A_627 = arith.addi %and3A_595, %add3A_626 : vector<16xi32>
        %gather3A_628 = tpu.vector_load_idx %arg18[%add3A_117, %add3A_627] : memref<64x128xf32, #tpu.memory_space<vmem>>[vector<16xi32>, vector<16xi32>], vector<16xf32>,
        %gather3A_629 = tpu.vector_load_idx %arg16[%add3A_117, %add3A_627] : memref<64x128xf32, #tpu.memory_space<vmem>>[vector<16xi32>, vector<16xi32>], vector<16xf32>,
        %mul3A_630 = arith.mulf %gather3A_628, %gather3A_597 : vector<16xf32>
        %add3A_631 = arith.addf %add3A_587, %mul3A_630 : vector<16xf32>
        %mul3A_632 = arith.mulf %gather3A_629, %gather3A_597 : vector<16xf32>
        %add3A_633 = arith.addf %add3A_589, %mul3A_632 : vector<16xf32>
        %broadcast_in_dim3A_634 = arith.constant 11 : i32
        %broadcast_in_dim3A_635 = vector.broadcast %broadcast_in_dim3A_634 : i32 to vector<16xi32>
        %add3A_636 = arith.addi %broadcast_in_dim3A_635, %iota3A : vector<16xi32>
        %and3A_637 = arith.constant 31 : i32
        %and3A_638 = vector.broadcast %and3A_637 : i32 to vector<16xi32>
        %and3A_639 = arith.andi %add3A_636, %and3A_638 : vector<16xi32>
        %add3A_640 = arith.addi %mul3A_148, %and3A_639 : vector<16xi32>
        %gather3A_641 = tpu.vector_load_idx %arg20[%add3A_117, %add3A_640] : memref<64x128xf32, #tpu.memory_space<vmem>>[vector<16xi32>, vector<16xi32>], vector<16xf32>,
        %add3A_642 = arith.constant 0 : i32
        %add3A_643 = vector.broadcast %add3A_642 : i32 to vector<16xi32>
        %add3A_644 = arith.addi %and3A_639, %add3A_643 : vector<16xi32>
        %gather3A_645 = tpu.vector_load_idx %arg18[%add3A_117, %add3A_644] : memref<64x128xf32, #tpu.memory_space<vmem>>[vector<16xi32>, vector<16xi32>], vector<16xf32>,
        %gather3A_646 = tpu.vector_load_idx %arg16[%add3A_117, %add3A_644] : memref<64x128xf32, #tpu.memory_space<vmem>>[vector<16xi32>, vector<16xi32>], vector<16xf32>,
        %mul3A_647 = arith.mulf %gather3A_645, %gather3A_641 : vector<16xf32>
        %add3A_648 = arith.addf %add3A_604, %mul3A_647 : vector<16xf32>
        %mul3A_649 = arith.mulf %gather3A_646, %gather3A_641 : vector<16xf32>
        %add3A_650 = arith.addf %add3A_606, %mul3A_649 : vector<16xf32>
        %add3A_651 = arith.constant 32 : i32
        %add3A_652 = vector.broadcast %add3A_651 : i32 to vector<16xi32>
        %add3A_653 = arith.addi %and3A_639, %add3A_652 : vector<16xi32>
        %gather3A_654 = tpu.vector_load_idx %arg18[%add3A_117, %add3A_653] : memref<64x128xf32, #tpu.memory_space<vmem>>[vector<16xi32>, vector<16xi32>], vector<16xf32>,
        %gather3A_655 = tpu.vector_load_idx %arg16[%add3A_117, %add3A_653] : memref<64x128xf32, #tpu.memory_space<vmem>>[vector<16xi32>, vector<16xi32>], vector<16xf32>,
        %mul3A_656 = arith.mulf %gather3A_654, %gather3A_641 : vector<16xf32>
        %add3A_657 = arith.addf %add3A_613, %mul3A_656 : vector<16xf32>
        %mul3A_658 = arith.mulf %gather3A_655, %gather3A_641 : vector<16xf32>
        %add3A_659 = arith.addf %add3A_615, %mul3A_658 : vector<16xf32>
        %add3A_660 = arith.constant 64 : i32
        %add3A_661 = vector.broadcast %add3A_660 : i32 to vector<16xi32>
        %add3A_662 = arith.addi %and3A_639, %add3A_661 : vector<16xi32>
        %gather3A_663 = tpu.vector_load_idx %arg18[%add3A_117, %add3A_662] : memref<64x128xf32, #tpu.memory_space<vmem>>[vector<16xi32>, vector<16xi32>], vector<16xf32>,
        %gather3A_664 = tpu.vector_load_idx %arg16[%add3A_117, %add3A_662] : memref<64x128xf32, #tpu.memory_space<vmem>>[vector<16xi32>, vector<16xi32>], vector<16xf32>,
        %mul3A_665 = arith.mulf %gather3A_663, %gather3A_641 : vector<16xf32>
        %add3A_666 = arith.addf %add3A_622, %mul3A_665 : vector<16xf32>
        %mul3A_667 = arith.mulf %gather3A_664, %gather3A_641 : vector<16xf32>
        %add3A_668 = arith.addf %add3A_624, %mul3A_667 : vector<16xf32>
        %add3A_669 = arith.constant 96 : i32
        %add3A_670 = vector.broadcast %add3A_669 : i32 to vector<16xi32>
        %add3A_671 = arith.addi %and3A_639, %add3A_670 : vector<16xi32>
        %gather3A_672 = tpu.vector_load_idx %arg18[%add3A_117, %add3A_671] : memref<64x128xf32, #tpu.memory_space<vmem>>[vector<16xi32>, vector<16xi32>], vector<16xf32>,
        %gather3A_673 = tpu.vector_load_idx %arg16[%add3A_117, %add3A_671] : memref<64x128xf32, #tpu.memory_space<vmem>>[vector<16xi32>, vector<16xi32>], vector<16xf32>,
        %mul3A_674 = arith.mulf %gather3A_672, %gather3A_641 : vector<16xf32>
        %add3A_675 = arith.addf %add3A_631, %mul3A_674 : vector<16xf32>
        %mul3A_676 = arith.mulf %gather3A_673, %gather3A_641 : vector<16xf32>
        %add3A_677 = arith.addf %add3A_633, %mul3A_676 : vector<16xf32>
        %broadcast_in_dim3A_678 = arith.constant 12 : i32
        %broadcast_in_dim3A_679 = vector.broadcast %broadcast_in_dim3A_678 : i32 to vector<16xi32>
        %add3A_680 = arith.addi %broadcast_in_dim3A_679, %iota3A : vector<16xi32>
        %and3A_681 = arith.constant 31 : i32
        %and3A_682 = vector.broadcast %and3A_681 : i32 to vector<16xi32>
        %and3A_683 = arith.andi %add3A_680, %and3A_682 : vector<16xi32>
        %add3A_684 = arith.addi %mul3A_148, %and3A_683 : vector<16xi32>
        %gather3A_685 = tpu.vector_load_idx %arg20[%add3A_117, %add3A_684] : memref<64x128xf32, #tpu.memory_space<vmem>>[vector<16xi32>, vector<16xi32>], vector<16xf32>,
        %add3A_686 = arith.constant 0 : i32
        %add3A_687 = vector.broadcast %add3A_686 : i32 to vector<16xi32>
        %add3A_688 = arith.addi %and3A_683, %add3A_687 : vector<16xi32>
        %gather3A_689 = tpu.vector_load_idx %arg18[%add3A_117, %add3A_688] : memref<64x128xf32, #tpu.memory_space<vmem>>[vector<16xi32>, vector<16xi32>], vector<16xf32>,
        %gather3A_690 = tpu.vector_load_idx %arg16[%add3A_117, %add3A_688] : memref<64x128xf32, #tpu.memory_space<vmem>>[vector<16xi32>, vector<16xi32>], vector<16xf32>,
        %mul3A_691 = arith.mulf %gather3A_689, %gather3A_685 : vector<16xf32>
        %add3A_692 = arith.addf %add3A_648, %mul3A_691 : vector<16xf32>
        %mul3A_693 = arith.mulf %gather3A_690, %gather3A_685 : vector<16xf32>
        %add3A_694 = arith.addf %add3A_650, %mul3A_693 : vector<16xf32>
        %add3A_695 = arith.constant 32 : i32
        %add3A_696 = vector.broadcast %add3A_695 : i32 to vector<16xi32>
        %add3A_697 = arith.addi %and3A_683, %add3A_696 : vector<16xi32>
        %gather3A_698 = tpu.vector_load_idx %arg18[%add3A_117, %add3A_697] : memref<64x128xf32, #tpu.memory_space<vmem>>[vector<16xi32>, vector<16xi32>], vector<16xf32>,
        %gather3A_699 = tpu.vector_load_idx %arg16[%add3A_117, %add3A_697] : memref<64x128xf32, #tpu.memory_space<vmem>>[vector<16xi32>, vector<16xi32>], vector<16xf32>,
        %mul3A_700 = arith.mulf %gather3A_698, %gather3A_685 : vector<16xf32>
        %add3A_701 = arith.addf %add3A_657, %mul3A_700 : vector<16xf32>
        %mul3A_702 = arith.mulf %gather3A_699, %gather3A_685 : vector<16xf32>
        %add3A_703 = arith.addf %add3A_659, %mul3A_702 : vector<16xf32>
        %add3A_704 = arith.constant 64 : i32
        %add3A_705 = vector.broadcast %add3A_704 : i32 to vector<16xi32>
        %add3A_706 = arith.addi %and3A_683, %add3A_705 : vector<16xi32>
        %gather3A_707 = tpu.vector_load_idx %arg18[%add3A_117, %add3A_706] : memref<64x128xf32, #tpu.memory_space<vmem>>[vector<16xi32>, vector<16xi32>], vector<16xf32>,
        %gather3A_708 = tpu.vector_load_idx %arg16[%add3A_117, %add3A_706] : memref<64x128xf32, #tpu.memory_space<vmem>>[vector<16xi32>, vector<16xi32>], vector<16xf32>,
        %mul3A_709 = arith.mulf %gather3A_707, %gather3A_685 : vector<16xf32>
        %add3A_710 = arith.addf %add3A_666, %mul3A_709 : vector<16xf32>
        %mul3A_711 = arith.mulf %gather3A_708, %gather3A_685 : vector<16xf32>
        %add3A_712 = arith.addf %add3A_668, %mul3A_711 : vector<16xf32>
        %add3A_713 = arith.constant 96 : i32
        %add3A_714 = vector.broadcast %add3A_713 : i32 to vector<16xi32>
        %add3A_715 = arith.addi %and3A_683, %add3A_714 : vector<16xi32>
        %gather3A_716 = tpu.vector_load_idx %arg18[%add3A_117, %add3A_715] : memref<64x128xf32, #tpu.memory_space<vmem>>[vector<16xi32>, vector<16xi32>], vector<16xf32>,
        %gather3A_717 = tpu.vector_load_idx %arg16[%add3A_117, %add3A_715] : memref<64x128xf32, #tpu.memory_space<vmem>>[vector<16xi32>, vector<16xi32>], vector<16xf32>,
        %mul3A_718 = arith.mulf %gather3A_716, %gather3A_685 : vector<16xf32>
        %add3A_719 = arith.addf %add3A_675, %mul3A_718 : vector<16xf32>
        %mul3A_720 = arith.mulf %gather3A_717, %gather3A_685 : vector<16xf32>
        %add3A_721 = arith.addf %add3A_677, %mul3A_720 : vector<16xf32>
        %broadcast_in_dim3A_722 = arith.constant 13 : i32
        %broadcast_in_dim3A_723 = vector.broadcast %broadcast_in_dim3A_722 : i32 to vector<16xi32>
        %add3A_724 = arith.addi %broadcast_in_dim3A_723, %iota3A : vector<16xi32>
        %and3A_725 = arith.constant 31 : i32
        %and3A_726 = vector.broadcast %and3A_725 : i32 to vector<16xi32>
        %and3A_727 = arith.andi %add3A_724, %and3A_726 : vector<16xi32>
        %add3A_728 = arith.addi %mul3A_148, %and3A_727 : vector<16xi32>
        %gather3A_729 = tpu.vector_load_idx %arg20[%add3A_117, %add3A_728] : memref<64x128xf32, #tpu.memory_space<vmem>>[vector<16xi32>, vector<16xi32>], vector<16xf32>,
        %add3A_730 = arith.constant 0 : i32
        %add3A_731 = vector.broadcast %add3A_730 : i32 to vector<16xi32>
        %add3A_732 = arith.addi %and3A_727, %add3A_731 : vector<16xi32>
        %gather3A_733 = tpu.vector_load_idx %arg18[%add3A_117, %add3A_732] : memref<64x128xf32, #tpu.memory_space<vmem>>[vector<16xi32>, vector<16xi32>], vector<16xf32>,
        %gather3A_734 = tpu.vector_load_idx %arg16[%add3A_117, %add3A_732] : memref<64x128xf32, #tpu.memory_space<vmem>>[vector<16xi32>, vector<16xi32>], vector<16xf32>,
        %mul3A_735 = arith.mulf %gather3A_733, %gather3A_729 : vector<16xf32>
        %add3A_736 = arith.addf %add3A_692, %mul3A_735 : vector<16xf32>
        %mul3A_737 = arith.mulf %gather3A_734, %gather3A_729 : vector<16xf32>
        %add3A_738 = arith.addf %add3A_694, %mul3A_737 : vector<16xf32>
        %add3A_739 = arith.constant 32 : i32
        %add3A_740 = vector.broadcast %add3A_739 : i32 to vector<16xi32>
        %add3A_741 = arith.addi %and3A_727, %add3A_740 : vector<16xi32>
        %gather3A_742 = tpu.vector_load_idx %arg18[%add3A_117, %add3A_741] : memref<64x128xf32, #tpu.memory_space<vmem>>[vector<16xi32>, vector<16xi32>], vector<16xf32>,
        %gather3A_743 = tpu.vector_load_idx %arg16[%add3A_117, %add3A_741] : memref<64x128xf32, #tpu.memory_space<vmem>>[vector<16xi32>, vector<16xi32>], vector<16xf32>,
        %mul3A_744 = arith.mulf %gather3A_742, %gather3A_729 : vector<16xf32>
        %add3A_745 = arith.addf %add3A_701, %mul3A_744 : vector<16xf32>
        %mul3A_746 = arith.mulf %gather3A_743, %gather3A_729 : vector<16xf32>
        %add3A_747 = arith.addf %add3A_703, %mul3A_746 : vector<16xf32>
        %add3A_748 = arith.constant 64 : i32
        %add3A_749 = vector.broadcast %add3A_748 : i32 to vector<16xi32>
        %add3A_750 = arith.addi %and3A_727, %add3A_749 : vector<16xi32>
        %gather3A_751 = tpu.vector_load_idx %arg18[%add3A_117, %add3A_750] : memref<64x128xf32, #tpu.memory_space<vmem>>[vector<16xi32>, vector<16xi32>], vector<16xf32>,
        %gather3A_752 = tpu.vector_load_idx %arg16[%add3A_117, %add3A_750] : memref<64x128xf32, #tpu.memory_space<vmem>>[vector<16xi32>, vector<16xi32>], vector<16xf32>,
        %mul3A_753 = arith.mulf %gather3A_751, %gather3A_729 : vector<16xf32>
        %add3A_754 = arith.addf %add3A_710, %mul3A_753 : vector<16xf32>
        %mul3A_755 = arith.mulf %gather3A_752, %gather3A_729 : vector<16xf32>
        %add3A_756 = arith.addf %add3A_712, %mul3A_755 : vector<16xf32>
        %add3A_757 = arith.constant 96 : i32
        %add3A_758 = vector.broadcast %add3A_757 : i32 to vector<16xi32>
        %add3A_759 = arith.addi %and3A_727, %add3A_758 : vector<16xi32>
        %gather3A_760 = tpu.vector_load_idx %arg18[%add3A_117, %add3A_759] : memref<64x128xf32, #tpu.memory_space<vmem>>[vector<16xi32>, vector<16xi32>], vector<16xf32>,
        %gather3A_761 = tpu.vector_load_idx %arg16[%add3A_117, %add3A_759] : memref<64x128xf32, #tpu.memory_space<vmem>>[vector<16xi32>, vector<16xi32>], vector<16xf32>,
        %mul3A_762 = arith.mulf %gather3A_760, %gather3A_729 : vector<16xf32>
        %add3A_763 = arith.addf %add3A_719, %mul3A_762 : vector<16xf32>
        %mul3A_764 = arith.mulf %gather3A_761, %gather3A_729 : vector<16xf32>
        %add3A_765 = arith.addf %add3A_721, %mul3A_764 : vector<16xf32>
        %broadcast_in_dim3A_766 = arith.constant 14 : i32
        %broadcast_in_dim3A_767 = vector.broadcast %broadcast_in_dim3A_766 : i32 to vector<16xi32>
        %add3A_768 = arith.addi %broadcast_in_dim3A_767, %iota3A : vector<16xi32>
        %and3A_769 = arith.constant 31 : i32
        %and3A_770 = vector.broadcast %and3A_769 : i32 to vector<16xi32>
        %and3A_771 = arith.andi %add3A_768, %and3A_770 : vector<16xi32>
        %add3A_772 = arith.addi %mul3A_148, %and3A_771 : vector<16xi32>
        %gather3A_773 = tpu.vector_load_idx %arg20[%add3A_117, %add3A_772] : memref<64x128xf32, #tpu.memory_space<vmem>>[vector<16xi32>, vector<16xi32>], vector<16xf32>,
        %add3A_774 = arith.constant 0 : i32
        %add3A_775 = vector.broadcast %add3A_774 : i32 to vector<16xi32>
        %add3A_776 = arith.addi %and3A_771, %add3A_775 : vector<16xi32>
        %gather3A_777 = tpu.vector_load_idx %arg18[%add3A_117, %add3A_776] : memref<64x128xf32, #tpu.memory_space<vmem>>[vector<16xi32>, vector<16xi32>], vector<16xf32>,
        %gather3A_778 = tpu.vector_load_idx %arg16[%add3A_117, %add3A_776] : memref<64x128xf32, #tpu.memory_space<vmem>>[vector<16xi32>, vector<16xi32>], vector<16xf32>,
        %mul3A_779 = arith.mulf %gather3A_777, %gather3A_773 : vector<16xf32>
        %add3A_780 = arith.addf %add3A_736, %mul3A_779 : vector<16xf32>
        %mul3A_781 = arith.mulf %gather3A_778, %gather3A_773 : vector<16xf32>
        %add3A_782 = arith.addf %add3A_738, %mul3A_781 : vector<16xf32>
        %add3A_783 = arith.constant 32 : i32
        %add3A_784 = vector.broadcast %add3A_783 : i32 to vector<16xi32>
        %add3A_785 = arith.addi %and3A_771, %add3A_784 : vector<16xi32>
        %gather3A_786 = tpu.vector_load_idx %arg18[%add3A_117, %add3A_785] : memref<64x128xf32, #tpu.memory_space<vmem>>[vector<16xi32>, vector<16xi32>], vector<16xf32>,
        %gather3A_787 = tpu.vector_load_idx %arg16[%add3A_117, %add3A_785] : memref<64x128xf32, #tpu.memory_space<vmem>>[vector<16xi32>, vector<16xi32>], vector<16xf32>,
        %mul3A_788 = arith.mulf %gather3A_786, %gather3A_773 : vector<16xf32>
        %add3A_789 = arith.addf %add3A_745, %mul3A_788 : vector<16xf32>
        %mul3A_790 = arith.mulf %gather3A_787, %gather3A_773 : vector<16xf32>
        %add3A_791 = arith.addf %add3A_747, %mul3A_790 : vector<16xf32>
        %add3A_792 = arith.constant 64 : i32
        %add3A_793 = vector.broadcast %add3A_792 : i32 to vector<16xi32>
        %add3A_794 = arith.addi %and3A_771, %add3A_793 : vector<16xi32>
        %gather3A_795 = tpu.vector_load_idx %arg18[%add3A_117, %add3A_794] : memref<64x128xf32, #tpu.memory_space<vmem>>[vector<16xi32>, vector<16xi32>], vector<16xf32>,
        %gather3A_796 = tpu.vector_load_idx %arg16[%add3A_117, %add3A_794] : memref<64x128xf32, #tpu.memory_space<vmem>>[vector<16xi32>, vector<16xi32>], vector<16xf32>,
        %mul3A_797 = arith.mulf %gather3A_795, %gather3A_773 : vector<16xf32>
        %add3A_798 = arith.addf %add3A_754, %mul3A_797 : vector<16xf32>
        %mul3A_799 = arith.mulf %gather3A_796, %gather3A_773 : vector<16xf32>
        %add3A_800 = arith.addf %add3A_756, %mul3A_799 : vector<16xf32>
        %add3A_801 = arith.constant 96 : i32
        %add3A_802 = vector.broadcast %add3A_801 : i32 to vector<16xi32>
        %add3A_803 = arith.addi %and3A_771, %add3A_802 : vector<16xi32>
        %gather3A_804 = tpu.vector_load_idx %arg18[%add3A_117, %add3A_803] : memref<64x128xf32, #tpu.memory_space<vmem>>[vector<16xi32>, vector<16xi32>], vector<16xf32>,
        %gather3A_805 = tpu.vector_load_idx %arg16[%add3A_117, %add3A_803] : memref<64x128xf32, #tpu.memory_space<vmem>>[vector<16xi32>, vector<16xi32>], vector<16xf32>,
        %mul3A_806 = arith.mulf %gather3A_804, %gather3A_773 : vector<16xf32>
        %add3A_807 = arith.addf %add3A_763, %mul3A_806 : vector<16xf32>
        %mul3A_808 = arith.mulf %gather3A_805, %gather3A_773 : vector<16xf32>
        %add3A_809 = arith.addf %add3A_765, %mul3A_808 : vector<16xf32>
        %broadcast_in_dim3A_810 = arith.constant 15 : i32
        %broadcast_in_dim3A_811 = vector.broadcast %broadcast_in_dim3A_810 : i32 to vector<16xi32>
        %add3A_812 = arith.addi %broadcast_in_dim3A_811, %iota3A : vector<16xi32>
        %and3A_813 = arith.constant 31 : i32
        %and3A_814 = vector.broadcast %and3A_813 : i32 to vector<16xi32>
        %and3A_815 = arith.andi %add3A_812, %and3A_814 : vector<16xi32>
        %add3A_816 = arith.addi %mul3A_148, %and3A_815 : vector<16xi32>
        %gather3A_817 = tpu.vector_load_idx %arg20[%add3A_117, %add3A_816] : memref<64x128xf32, #tpu.memory_space<vmem>>[vector<16xi32>, vector<16xi32>], vector<16xf32>,
        %add3A_818 = arith.constant 0 : i32
        %add3A_819 = vector.broadcast %add3A_818 : i32 to vector<16xi32>
        %add3A_820 = arith.addi %and3A_815, %add3A_819 : vector<16xi32>
        %gather3A_821 = tpu.vector_load_idx %arg18[%add3A_117, %add3A_820] : memref<64x128xf32, #tpu.memory_space<vmem>>[vector<16xi32>, vector<16xi32>], vector<16xf32>,
        %gather3A_822 = tpu.vector_load_idx %arg16[%add3A_117, %add3A_820] : memref<64x128xf32, #tpu.memory_space<vmem>>[vector<16xi32>, vector<16xi32>], vector<16xf32>,
        %mul3A_823 = arith.mulf %gather3A_821, %gather3A_817 : vector<16xf32>
        %add3A_824 = arith.addf %add3A_780, %mul3A_823 : vector<16xf32>
        %mul3A_825 = arith.mulf %gather3A_822, %gather3A_817 : vector<16xf32>
        %add3A_826 = arith.addf %add3A_782, %mul3A_825 : vector<16xf32>
        %add3A_827 = arith.constant 32 : i32
        %add3A_828 = vector.broadcast %add3A_827 : i32 to vector<16xi32>
        %add3A_829 = arith.addi %and3A_815, %add3A_828 : vector<16xi32>
        %gather3A_830 = tpu.vector_load_idx %arg18[%add3A_117, %add3A_829] : memref<64x128xf32, #tpu.memory_space<vmem>>[vector<16xi32>, vector<16xi32>], vector<16xf32>,
        %gather3A_831 = tpu.vector_load_idx %arg16[%add3A_117, %add3A_829] : memref<64x128xf32, #tpu.memory_space<vmem>>[vector<16xi32>, vector<16xi32>], vector<16xf32>,
        %mul3A_832 = arith.mulf %gather3A_830, %gather3A_817 : vector<16xf32>
        %add3A_833 = arith.addf %add3A_789, %mul3A_832 : vector<16xf32>
        %mul3A_834 = arith.mulf %gather3A_831, %gather3A_817 : vector<16xf32>
        %add3A_835 = arith.addf %add3A_791, %mul3A_834 : vector<16xf32>
        %add3A_836 = arith.constant 64 : i32
        %add3A_837 = vector.broadcast %add3A_836 : i32 to vector<16xi32>
        %add3A_838 = arith.addi %and3A_815, %add3A_837 : vector<16xi32>
        %gather3A_839 = tpu.vector_load_idx %arg18[%add3A_117, %add3A_838] : memref<64x128xf32, #tpu.memory_space<vmem>>[vector<16xi32>, vector<16xi32>], vector<16xf32>,
        %gather3A_840 = tpu.vector_load_idx %arg16[%add3A_117, %add3A_838] : memref<64x128xf32, #tpu.memory_space<vmem>>[vector<16xi32>, vector<16xi32>], vector<16xf32>,
        %mul3A_841 = arith.mulf %gather3A_839, %gather3A_817 : vector<16xf32>
        %add3A_842 = arith.addf %add3A_798, %mul3A_841 : vector<16xf32>
        %mul3A_843 = arith.mulf %gather3A_840, %gather3A_817 : vector<16xf32>
        %add3A_844 = arith.addf %add3A_800, %mul3A_843 : vector<16xf32>
        %add3A_845 = arith.constant 96 : i32
        %add3A_846 = vector.broadcast %add3A_845 : i32 to vector<16xi32>
        %add3A_847 = arith.addi %and3A_815, %add3A_846 : vector<16xi32>
        %gather3A_848 = tpu.vector_load_idx %arg18[%add3A_117, %add3A_847] : memref<64x128xf32, #tpu.memory_space<vmem>>[vector<16xi32>, vector<16xi32>], vector<16xf32>,
        %gather3A_849 = tpu.vector_load_idx %arg16[%add3A_117, %add3A_847] : memref<64x128xf32, #tpu.memory_space<vmem>>[vector<16xi32>, vector<16xi32>], vector<16xf32>,
        %mul3A_850 = arith.mulf %gather3A_848, %gather3A_817 : vector<16xf32>
        %add3A_851 = arith.addf %add3A_807, %mul3A_850 : vector<16xf32>
        %mul3A_852 = arith.mulf %gather3A_849, %gather3A_817 : vector<16xf32>
        %add3A_853 = arith.addf %add3A_809, %mul3A_852 : vector<16xf32>
        %broadcast_in_dim3A_854 = arith.constant 16 : i32
        %broadcast_in_dim3A_855 = vector.broadcast %broadcast_in_dim3A_854 : i32 to vector<16xi32>
        %add3A_856 = arith.addi %broadcast_in_dim3A_855, %iota3A : vector<16xi32>
        %and3A_857 = arith.constant 31 : i32
        %and3A_858 = vector.broadcast %and3A_857 : i32 to vector<16xi32>
        %and3A_859 = arith.andi %add3A_856, %and3A_858 : vector<16xi32>
        %add3A_860 = arith.addi %mul3A_148, %and3A_859 : vector<16xi32>
        %gather3A_861 = tpu.vector_load_idx %arg20[%add3A_117, %add3A_860] : memref<64x128xf32, #tpu.memory_space<vmem>>[vector<16xi32>, vector<16xi32>], vector<16xf32>,
        %add3A_862 = arith.constant 0 : i32
        %add3A_863 = vector.broadcast %add3A_862 : i32 to vector<16xi32>
        %add3A_864 = arith.addi %and3A_859, %add3A_863 : vector<16xi32>
        %gather3A_865 = tpu.vector_load_idx %arg18[%add3A_117, %add3A_864] : memref<64x128xf32, #tpu.memory_space<vmem>>[vector<16xi32>, vector<16xi32>], vector<16xf32>,
        %gather3A_866 = tpu.vector_load_idx %arg16[%add3A_117, %add3A_864] : memref<64x128xf32, #tpu.memory_space<vmem>>[vector<16xi32>, vector<16xi32>], vector<16xf32>,
        %mul3A_867 = arith.mulf %gather3A_865, %gather3A_861 : vector<16xf32>
        %add3A_868 = arith.addf %add3A_824, %mul3A_867 : vector<16xf32>
        %mul3A_869 = arith.mulf %gather3A_866, %gather3A_861 : vector<16xf32>
        %add3A_870 = arith.addf %add3A_826, %mul3A_869 : vector<16xf32>
        %add3A_871 = arith.constant 32 : i32
        %add3A_872 = vector.broadcast %add3A_871 : i32 to vector<16xi32>
        %add3A_873 = arith.addi %and3A_859, %add3A_872 : vector<16xi32>
        %gather3A_874 = tpu.vector_load_idx %arg18[%add3A_117, %add3A_873] : memref<64x128xf32, #tpu.memory_space<vmem>>[vector<16xi32>, vector<16xi32>], vector<16xf32>,
        %gather3A_875 = tpu.vector_load_idx %arg16[%add3A_117, %add3A_873] : memref<64x128xf32, #tpu.memory_space<vmem>>[vector<16xi32>, vector<16xi32>], vector<16xf32>,
        %mul3A_876 = arith.mulf %gather3A_874, %gather3A_861 : vector<16xf32>
        %add3A_877 = arith.addf %add3A_833, %mul3A_876 : vector<16xf32>
        %mul3A_878 = arith.mulf %gather3A_875, %gather3A_861 : vector<16xf32>
        %add3A_879 = arith.addf %add3A_835, %mul3A_878 : vector<16xf32>
        %add3A_880 = arith.constant 64 : i32
        %add3A_881 = vector.broadcast %add3A_880 : i32 to vector<16xi32>
        %add3A_882 = arith.addi %and3A_859, %add3A_881 : vector<16xi32>
        %gather3A_883 = tpu.vector_load_idx %arg18[%add3A_117, %add3A_882] : memref<64x128xf32, #tpu.memory_space<vmem>>[vector<16xi32>, vector<16xi32>], vector<16xf32>,
        %gather3A_884 = tpu.vector_load_idx %arg16[%add3A_117, %add3A_882] : memref<64x128xf32, #tpu.memory_space<vmem>>[vector<16xi32>, vector<16xi32>], vector<16xf32>,
        %mul3A_885 = arith.mulf %gather3A_883, %gather3A_861 : vector<16xf32>
        %add3A_886 = arith.addf %add3A_842, %mul3A_885 : vector<16xf32>
        %mul3A_887 = arith.mulf %gather3A_884, %gather3A_861 : vector<16xf32>
        %add3A_888 = arith.addf %add3A_844, %mul3A_887 : vector<16xf32>
        %add3A_889 = arith.constant 96 : i32
        %add3A_890 = vector.broadcast %add3A_889 : i32 to vector<16xi32>
        %add3A_891 = arith.addi %and3A_859, %add3A_890 : vector<16xi32>
        %gather3A_892 = tpu.vector_load_idx %arg18[%add3A_117, %add3A_891] : memref<64x128xf32, #tpu.memory_space<vmem>>[vector<16xi32>, vector<16xi32>], vector<16xf32>,
        %gather3A_893 = tpu.vector_load_idx %arg16[%add3A_117, %add3A_891] : memref<64x128xf32, #tpu.memory_space<vmem>>[vector<16xi32>, vector<16xi32>], vector<16xf32>,
        %mul3A_894 = arith.mulf %gather3A_892, %gather3A_861 : vector<16xf32>
        %add3A_895 = arith.addf %add3A_851, %mul3A_894 : vector<16xf32>
        %mul3A_896 = arith.mulf %gather3A_893, %gather3A_861 : vector<16xf32>
        %add3A_897 = arith.addf %add3A_853, %mul3A_896 : vector<16xf32>
        %broadcast_in_dim3A_898 = arith.constant 17 : i32
        %broadcast_in_dim3A_899 = vector.broadcast %broadcast_in_dim3A_898 : i32 to vector<16xi32>
        %add3A_900 = arith.addi %broadcast_in_dim3A_899, %iota3A : vector<16xi32>
        %and3A_901 = arith.constant 31 : i32
        %and3A_902 = vector.broadcast %and3A_901 : i32 to vector<16xi32>
        %and3A_903 = arith.andi %add3A_900, %and3A_902 : vector<16xi32>
        %add3A_904 = arith.addi %mul3A_148, %and3A_903 : vector<16xi32>
        %gather3A_905 = tpu.vector_load_idx %arg20[%add3A_117, %add3A_904] : memref<64x128xf32, #tpu.memory_space<vmem>>[vector<16xi32>, vector<16xi32>], vector<16xf32>,
        %add3A_906 = arith.constant 0 : i32
        %add3A_907 = vector.broadcast %add3A_906 : i32 to vector<16xi32>
        %add3A_908 = arith.addi %and3A_903, %add3A_907 : vector<16xi32>
        %gather3A_909 = tpu.vector_load_idx %arg18[%add3A_117, %add3A_908] : memref<64x128xf32, #tpu.memory_space<vmem>>[vector<16xi32>, vector<16xi32>], vector<16xf32>,
        %gather3A_910 = tpu.vector_load_idx %arg16[%add3A_117, %add3A_908] : memref<64x128xf32, #tpu.memory_space<vmem>>[vector<16xi32>, vector<16xi32>], vector<16xf32>,
        %mul3A_911 = arith.mulf %gather3A_909, %gather3A_905 : vector<16xf32>
        %add3A_912 = arith.addf %add3A_868, %mul3A_911 : vector<16xf32>
        %mul3A_913 = arith.mulf %gather3A_910, %gather3A_905 : vector<16xf32>
        %add3A_914 = arith.addf %add3A_870, %mul3A_913 : vector<16xf32>
        %add3A_915 = arith.constant 32 : i32
        %add3A_916 = vector.broadcast %add3A_915 : i32 to vector<16xi32>
        %add3A_917 = arith.addi %and3A_903, %add3A_916 : vector<16xi32>
        %gather3A_918 = tpu.vector_load_idx %arg18[%add3A_117, %add3A_917] : memref<64x128xf32, #tpu.memory_space<vmem>>[vector<16xi32>, vector<16xi32>], vector<16xf32>,
        %gather3A_919 = tpu.vector_load_idx %arg16[%add3A_117, %add3A_917] : memref<64x128xf32, #tpu.memory_space<vmem>>[vector<16xi32>, vector<16xi32>], vector<16xf32>,
        %mul3A_920 = arith.mulf %gather3A_918, %gather3A_905 : vector<16xf32>
        %add3A_921 = arith.addf %add3A_877, %mul3A_920 : vector<16xf32>
        %mul3A_922 = arith.mulf %gather3A_919, %gather3A_905 : vector<16xf32>
        %add3A_923 = arith.addf %add3A_879, %mul3A_922 : vector<16xf32>
        %add3A_924 = arith.constant 64 : i32
        %add3A_925 = vector.broadcast %add3A_924 : i32 to vector<16xi32>
        %add3A_926 = arith.addi %and3A_903, %add3A_925 : vector<16xi32>
        %gather3A_927 = tpu.vector_load_idx %arg18[%add3A_117, %add3A_926] : memref<64x128xf32, #tpu.memory_space<vmem>>[vector<16xi32>, vector<16xi32>], vector<16xf32>,
        %gather3A_928 = tpu.vector_load_idx %arg16[%add3A_117, %add3A_926] : memref<64x128xf32, #tpu.memory_space<vmem>>[vector<16xi32>, vector<16xi32>], vector<16xf32>,
        %mul3A_929 = arith.mulf %gather3A_927, %gather3A_905 : vector<16xf32>
        %add3A_930 = arith.addf %add3A_886, %mul3A_929 : vector<16xf32>
        %mul3A_931 = arith.mulf %gather3A_928, %gather3A_905 : vector<16xf32>
        %add3A_932 = arith.addf %add3A_888, %mul3A_931 : vector<16xf32>
        %add3A_933 = arith.constant 96 : i32
        %add3A_934 = vector.broadcast %add3A_933 : i32 to vector<16xi32>
        %add3A_935 = arith.addi %and3A_903, %add3A_934 : vector<16xi32>
        %gather3A_936 = tpu.vector_load_idx %arg18[%add3A_117, %add3A_935] : memref<64x128xf32, #tpu.memory_space<vmem>>[vector<16xi32>, vector<16xi32>], vector<16xf32>,
        %gather3A_937 = tpu.vector_load_idx %arg16[%add3A_117, %add3A_935] : memref<64x128xf32, #tpu.memory_space<vmem>>[vector<16xi32>, vector<16xi32>], vector<16xf32>,
        %mul3A_938 = arith.mulf %gather3A_936, %gather3A_905 : vector<16xf32>
        %add3A_939 = arith.addf %add3A_895, %mul3A_938 : vector<16xf32>
        %mul3A_940 = arith.mulf %gather3A_937, %gather3A_905 : vector<16xf32>
        %add3A_941 = arith.addf %add3A_897, %mul3A_940 : vector<16xf32>
        %broadcast_in_dim3A_942 = arith.constant 18 : i32
        %broadcast_in_dim3A_943 = vector.broadcast %broadcast_in_dim3A_942 : i32 to vector<16xi32>
        %add3A_944 = arith.addi %broadcast_in_dim3A_943, %iota3A : vector<16xi32>
        %and3A_945 = arith.constant 31 : i32
        %and3A_946 = vector.broadcast %and3A_945 : i32 to vector<16xi32>
        %and3A_947 = arith.andi %add3A_944, %and3A_946 : vector<16xi32>
        %add3A_948 = arith.addi %mul3A_148, %and3A_947 : vector<16xi32>
        %gather3A_949 = tpu.vector_load_idx %arg20[%add3A_117, %add3A_948] : memref<64x128xf32, #tpu.memory_space<vmem>>[vector<16xi32>, vector<16xi32>], vector<16xf32>,
        %add3A_950 = arith.constant 0 : i32
        %add3A_951 = vector.broadcast %add3A_950 : i32 to vector<16xi32>
        %add3A_952 = arith.addi %and3A_947, %add3A_951 : vector<16xi32>
        %gather3A_953 = tpu.vector_load_idx %arg18[%add3A_117, %add3A_952] : memref<64x128xf32, #tpu.memory_space<vmem>>[vector<16xi32>, vector<16xi32>], vector<16xf32>,
        %gather3A_954 = tpu.vector_load_idx %arg16[%add3A_117, %add3A_952] : memref<64x128xf32, #tpu.memory_space<vmem>>[vector<16xi32>, vector<16xi32>], vector<16xf32>,
        %mul3A_955 = arith.mulf %gather3A_953, %gather3A_949 : vector<16xf32>
        %add3A_956 = arith.addf %add3A_912, %mul3A_955 : vector<16xf32>
        %mul3A_957 = arith.mulf %gather3A_954, %gather3A_949 : vector<16xf32>
        %add3A_958 = arith.addf %add3A_914, %mul3A_957 : vector<16xf32>
        %add3A_959 = arith.constant 32 : i32
        %add3A_960 = vector.broadcast %add3A_959 : i32 to vector<16xi32>
        %add3A_961 = arith.addi %and3A_947, %add3A_960 : vector<16xi32>
        %gather3A_962 = tpu.vector_load_idx %arg18[%add3A_117, %add3A_961] : memref<64x128xf32, #tpu.memory_space<vmem>>[vector<16xi32>, vector<16xi32>], vector<16xf32>,
        %gather3A_963 = tpu.vector_load_idx %arg16[%add3A_117, %add3A_961] : memref<64x128xf32, #tpu.memory_space<vmem>>[vector<16xi32>, vector<16xi32>], vector<16xf32>,
        %mul3A_964 = arith.mulf %gather3A_962, %gather3A_949 : vector<16xf32>
        %add3A_965 = arith.addf %add3A_921, %mul3A_964 : vector<16xf32>
        %mul3A_966 = arith.mulf %gather3A_963, %gather3A_949 : vector<16xf32>
        %add3A_967 = arith.addf %add3A_923, %mul3A_966 : vector<16xf32>
        %add3A_968 = arith.constant 64 : i32
        %add3A_969 = vector.broadcast %add3A_968 : i32 to vector<16xi32>
        %add3A_970 = arith.addi %and3A_947, %add3A_969 : vector<16xi32>
        %gather3A_971 = tpu.vector_load_idx %arg18[%add3A_117, %add3A_970] : memref<64x128xf32, #tpu.memory_space<vmem>>[vector<16xi32>, vector<16xi32>], vector<16xf32>,
        %gather3A_972 = tpu.vector_load_idx %arg16[%add3A_117, %add3A_970] : memref<64x128xf32, #tpu.memory_space<vmem>>[vector<16xi32>, vector<16xi32>], vector<16xf32>,
        %mul3A_973 = arith.mulf %gather3A_971, %gather3A_949 : vector<16xf32>
        %add3A_974 = arith.addf %add3A_930, %mul3A_973 : vector<16xf32>
        %mul3A_975 = arith.mulf %gather3A_972, %gather3A_949 : vector<16xf32>
        %add3A_976 = arith.addf %add3A_932, %mul3A_975 : vector<16xf32>
        %add3A_977 = arith.constant 96 : i32
        %add3A_978 = vector.broadcast %add3A_977 : i32 to vector<16xi32>
        %add3A_979 = arith.addi %and3A_947, %add3A_978 : vector<16xi32>
        %gather3A_980 = tpu.vector_load_idx %arg18[%add3A_117, %add3A_979] : memref<64x128xf32, #tpu.memory_space<vmem>>[vector<16xi32>, vector<16xi32>], vector<16xf32>,
        %gather3A_981 = tpu.vector_load_idx %arg16[%add3A_117, %add3A_979] : memref<64x128xf32, #tpu.memory_space<vmem>>[vector<16xi32>, vector<16xi32>], vector<16xf32>,
        %mul3A_982 = arith.mulf %gather3A_980, %gather3A_949 : vector<16xf32>
        %add3A_983 = arith.addf %add3A_939, %mul3A_982 : vector<16xf32>
        %mul3A_984 = arith.mulf %gather3A_981, %gather3A_949 : vector<16xf32>
        %add3A_985 = arith.addf %add3A_941, %mul3A_984 : vector<16xf32>
        %broadcast_in_dim3A_986 = arith.constant 19 : i32
        %broadcast_in_dim3A_987 = vector.broadcast %broadcast_in_dim3A_986 : i32 to vector<16xi32>
        %add3A_988 = arith.addi %broadcast_in_dim3A_987, %iota3A : vector<16xi32>
        %and3A_989 = arith.constant 31 : i32
        %and3A_990 = vector.broadcast %and3A_989 : i32 to vector<16xi32>
        %and3A_991 = arith.andi %add3A_988, %and3A_990 : vector<16xi32>
        %add3A_992 = arith.addi %mul3A_148, %and3A_991 : vector<16xi32>
        %gather3A_993 = tpu.vector_load_idx %arg20[%add3A_117, %add3A_992] : memref<64x128xf32, #tpu.memory_space<vmem>>[vector<16xi32>, vector<16xi32>], vector<16xf32>,
        %add3A_994 = arith.constant 0 : i32
        %add3A_995 = vector.broadcast %add3A_994 : i32 to vector<16xi32>
        %add3A_996 = arith.addi %and3A_991, %add3A_995 : vector<16xi32>
        %gather3A_997 = tpu.vector_load_idx %arg18[%add3A_117, %add3A_996] : memref<64x128xf32, #tpu.memory_space<vmem>>[vector<16xi32>, vector<16xi32>], vector<16xf32>,
        %gather3A_998 = tpu.vector_load_idx %arg16[%add3A_117, %add3A_996] : memref<64x128xf32, #tpu.memory_space<vmem>>[vector<16xi32>, vector<16xi32>], vector<16xf32>,
        %mul3A_999 = arith.mulf %gather3A_997, %gather3A_993 : vector<16xf32>
        %add3A_1000 = arith.addf %add3A_956, %mul3A_999 : vector<16xf32>
        %mul3A_1001 = arith.mulf %gather3A_998, %gather3A_993 : vector<16xf32>
        %add3A_1002 = arith.addf %add3A_958, %mul3A_1001 : vector<16xf32>
        %add3A_1003 = arith.constant 32 : i32
        %add3A_1004 = vector.broadcast %add3A_1003 : i32 to vector<16xi32>
        %add3A_1005 = arith.addi %and3A_991, %add3A_1004 : vector<16xi32>
        %gather3A_1006 = tpu.vector_load_idx %arg18[%add3A_117, %add3A_1005] : memref<64x128xf32, #tpu.memory_space<vmem>>[vector<16xi32>, vector<16xi32>], vector<16xf32>,
        %gather3A_1007 = tpu.vector_load_idx %arg16[%add3A_117, %add3A_1005] : memref<64x128xf32, #tpu.memory_space<vmem>>[vector<16xi32>, vector<16xi32>], vector<16xf32>,
        %mul3A_1008 = arith.mulf %gather3A_1006, %gather3A_993 : vector<16xf32>
        %add3A_1009 = arith.addf %add3A_965, %mul3A_1008 : vector<16xf32>
        %mul3A_1010 = arith.mulf %gather3A_1007, %gather3A_993 : vector<16xf32>
        %add3A_1011 = arith.addf %add3A_967, %mul3A_1010 : vector<16xf32>
        %add3A_1012 = arith.constant 64 : i32
        %add3A_1013 = vector.broadcast %add3A_1012 : i32 to vector<16xi32>
        %add3A_1014 = arith.addi %and3A_991, %add3A_1013 : vector<16xi32>
        %gather3A_1015 = tpu.vector_load_idx %arg18[%add3A_117, %add3A_1014] : memref<64x128xf32, #tpu.memory_space<vmem>>[vector<16xi32>, vector<16xi32>], vector<16xf32>,
        %gather3A_1016 = tpu.vector_load_idx %arg16[%add3A_117, %add3A_1014] : memref<64x128xf32, #tpu.memory_space<vmem>>[vector<16xi32>, vector<16xi32>], vector<16xf32>,
        %mul3A_1017 = arith.mulf %gather3A_1015, %gather3A_993 : vector<16xf32>
        %add3A_1018 = arith.addf %add3A_974, %mul3A_1017 : vector<16xf32>
        %mul3A_1019 = arith.mulf %gather3A_1016, %gather3A_993 : vector<16xf32>
        %add3A_1020 = arith.addf %add3A_976, %mul3A_1019 : vector<16xf32>
        %add3A_1021 = arith.constant 96 : i32
        %add3A_1022 = vector.broadcast %add3A_1021 : i32 to vector<16xi32>
        %add3A_1023 = arith.addi %and3A_991, %add3A_1022 : vector<16xi32>
        %gather3A_1024 = tpu.vector_load_idx %arg18[%add3A_117, %add3A_1023] : memref<64x128xf32, #tpu.memory_space<vmem>>[vector<16xi32>, vector<16xi32>], vector<16xf32>,
        %gather3A_1025 = tpu.vector_load_idx %arg16[%add3A_117, %add3A_1023] : memref<64x128xf32, #tpu.memory_space<vmem>>[vector<16xi32>, vector<16xi32>], vector<16xf32>,
        %mul3A_1026 = arith.mulf %gather3A_1024, %gather3A_993 : vector<16xf32>
        %add3A_1027 = arith.addf %add3A_983, %mul3A_1026 : vector<16xf32>
        %mul3A_1028 = arith.mulf %gather3A_1025, %gather3A_993 : vector<16xf32>
        %add3A_1029 = arith.addf %add3A_985, %mul3A_1028 : vector<16xf32>
        %broadcast_in_dim3A_1030 = arith.constant 20 : i32
        %broadcast_in_dim3A_1031 = vector.broadcast %broadcast_in_dim3A_1030 : i32 to vector<16xi32>
        %add3A_1032 = arith.addi %broadcast_in_dim3A_1031, %iota3A : vector<16xi32>
        %and3A_1033 = arith.constant 31 : i32
        %and3A_1034 = vector.broadcast %and3A_1033 : i32 to vector<16xi32>
        %and3A_1035 = arith.andi %add3A_1032, %and3A_1034 : vector<16xi32>
        %add3A_1036 = arith.addi %mul3A_148, %and3A_1035 : vector<16xi32>
        %gather3A_1037 = tpu.vector_load_idx %arg20[%add3A_117, %add3A_1036] : memref<64x128xf32, #tpu.memory_space<vmem>>[vector<16xi32>, vector<16xi32>], vector<16xf32>,
        %add3A_1038 = arith.constant 0 : i32
        %add3A_1039 = vector.broadcast %add3A_1038 : i32 to vector<16xi32>
        %add3A_1040 = arith.addi %and3A_1035, %add3A_1039 : vector<16xi32>
        %gather3A_1041 = tpu.vector_load_idx %arg18[%add3A_117, %add3A_1040] : memref<64x128xf32, #tpu.memory_space<vmem>>[vector<16xi32>, vector<16xi32>], vector<16xf32>,
        %gather3A_1042 = tpu.vector_load_idx %arg16[%add3A_117, %add3A_1040] : memref<64x128xf32, #tpu.memory_space<vmem>>[vector<16xi32>, vector<16xi32>], vector<16xf32>,
        %mul3A_1043 = arith.mulf %gather3A_1041, %gather3A_1037 : vector<16xf32>
        %add3A_1044 = arith.addf %add3A_1000, %mul3A_1043 : vector<16xf32>
        %mul3A_1045 = arith.mulf %gather3A_1042, %gather3A_1037 : vector<16xf32>
        %add3A_1046 = arith.addf %add3A_1002, %mul3A_1045 : vector<16xf32>
        %add3A_1047 = arith.constant 32 : i32
        %add3A_1048 = vector.broadcast %add3A_1047 : i32 to vector<16xi32>
        %add3A_1049 = arith.addi %and3A_1035, %add3A_1048 : vector<16xi32>
        %gather3A_1050 = tpu.vector_load_idx %arg18[%add3A_117, %add3A_1049] : memref<64x128xf32, #tpu.memory_space<vmem>>[vector<16xi32>, vector<16xi32>], vector<16xf32>,
        %gather3A_1051 = tpu.vector_load_idx %arg16[%add3A_117, %add3A_1049] : memref<64x128xf32, #tpu.memory_space<vmem>>[vector<16xi32>, vector<16xi32>], vector<16xf32>,
        %mul3A_1052 = arith.mulf %gather3A_1050, %gather3A_1037 : vector<16xf32>
        %add3A_1053 = arith.addf %add3A_1009, %mul3A_1052 : vector<16xf32>
        %mul3A_1054 = arith.mulf %gather3A_1051, %gather3A_1037 : vector<16xf32>
        %add3A_1055 = arith.addf %add3A_1011, %mul3A_1054 : vector<16xf32>
        %add3A_1056 = arith.constant 64 : i32
        %add3A_1057 = vector.broadcast %add3A_1056 : i32 to vector<16xi32>
        %add3A_1058 = arith.addi %and3A_1035, %add3A_1057 : vector<16xi32>
        %gather3A_1059 = tpu.vector_load_idx %arg18[%add3A_117, %add3A_1058] : memref<64x128xf32, #tpu.memory_space<vmem>>[vector<16xi32>, vector<16xi32>], vector<16xf32>,
        %gather3A_1060 = tpu.vector_load_idx %arg16[%add3A_117, %add3A_1058] : memref<64x128xf32, #tpu.memory_space<vmem>>[vector<16xi32>, vector<16xi32>], vector<16xf32>,
        %mul3A_1061 = arith.mulf %gather3A_1059, %gather3A_1037 : vector<16xf32>
        %add3A_1062 = arith.addf %add3A_1018, %mul3A_1061 : vector<16xf32>
        %mul3A_1063 = arith.mulf %gather3A_1060, %gather3A_1037 : vector<16xf32>
        %add3A_1064 = arith.addf %add3A_1020, %mul3A_1063 : vector<16xf32>
        %add3A_1065 = arith.constant 96 : i32
        %add3A_1066 = vector.broadcast %add3A_1065 : i32 to vector<16xi32>
        %add3A_1067 = arith.addi %and3A_1035, %add3A_1066 : vector<16xi32>
        %gather3A_1068 = tpu.vector_load_idx %arg18[%add3A_117, %add3A_1067] : memref<64x128xf32, #tpu.memory_space<vmem>>[vector<16xi32>, vector<16xi32>], vector<16xf32>,
        %gather3A_1069 = tpu.vector_load_idx %arg16[%add3A_117, %add3A_1067] : memref<64x128xf32, #tpu.memory_space<vmem>>[vector<16xi32>, vector<16xi32>], vector<16xf32>,
        %mul3A_1070 = arith.mulf %gather3A_1068, %gather3A_1037 : vector<16xf32>
        %add3A_1071 = arith.addf %add3A_1027, %mul3A_1070 : vector<16xf32>
        %mul3A_1072 = arith.mulf %gather3A_1069, %gather3A_1037 : vector<16xf32>
        %add3A_1073 = arith.addf %add3A_1029, %mul3A_1072 : vector<16xf32>
        %broadcast_in_dim3A_1074 = arith.constant 21 : i32
        %broadcast_in_dim3A_1075 = vector.broadcast %broadcast_in_dim3A_1074 : i32 to vector<16xi32>
        %add3A_1076 = arith.addi %broadcast_in_dim3A_1075, %iota3A : vector<16xi32>
        %and3A_1077 = arith.constant 31 : i32
        %and3A_1078 = vector.broadcast %and3A_1077 : i32 to vector<16xi32>
        %and3A_1079 = arith.andi %add3A_1076, %and3A_1078 : vector<16xi32>
        %add3A_1080 = arith.addi %mul3A_148, %and3A_1079 : vector<16xi32>
        %gather3A_1081 = tpu.vector_load_idx %arg20[%add3A_117, %add3A_1080] : memref<64x128xf32, #tpu.memory_space<vmem>>[vector<16xi32>, vector<16xi32>], vector<16xf32>,
        %add3A_1082 = arith.constant 0 : i32
        %add3A_1083 = vector.broadcast %add3A_1082 : i32 to vector<16xi32>
        %add3A_1084 = arith.addi %and3A_1079, %add3A_1083 : vector<16xi32>
        %gather3A_1085 = tpu.vector_load_idx %arg18[%add3A_117, %add3A_1084] : memref<64x128xf32, #tpu.memory_space<vmem>>[vector<16xi32>, vector<16xi32>], vector<16xf32>,
        %gather3A_1086 = tpu.vector_load_idx %arg16[%add3A_117, %add3A_1084] : memref<64x128xf32, #tpu.memory_space<vmem>>[vector<16xi32>, vector<16xi32>], vector<16xf32>,
        %mul3A_1087 = arith.mulf %gather3A_1085, %gather3A_1081 : vector<16xf32>
        %add3A_1088 = arith.addf %add3A_1044, %mul3A_1087 : vector<16xf32>
        %mul3A_1089 = arith.mulf %gather3A_1086, %gather3A_1081 : vector<16xf32>
        %add3A_1090 = arith.addf %add3A_1046, %mul3A_1089 : vector<16xf32>
        %add3A_1091 = arith.constant 32 : i32
        %add3A_1092 = vector.broadcast %add3A_1091 : i32 to vector<16xi32>
        %add3A_1093 = arith.addi %and3A_1079, %add3A_1092 : vector<16xi32>
        %gather3A_1094 = tpu.vector_load_idx %arg18[%add3A_117, %add3A_1093] : memref<64x128xf32, #tpu.memory_space<vmem>>[vector<16xi32>, vector<16xi32>], vector<16xf32>,
        %gather3A_1095 = tpu.vector_load_idx %arg16[%add3A_117, %add3A_1093] : memref<64x128xf32, #tpu.memory_space<vmem>>[vector<16xi32>, vector<16xi32>], vector<16xf32>,
        %mul3A_1096 = arith.mulf %gather3A_1094, %gather3A_1081 : vector<16xf32>
        %add3A_1097 = arith.addf %add3A_1053, %mul3A_1096 : vector<16xf32>
        %mul3A_1098 = arith.mulf %gather3A_1095, %gather3A_1081 : vector<16xf32>
        %add3A_1099 = arith.addf %add3A_1055, %mul3A_1098 : vector<16xf32>
        %add3A_1100 = arith.constant 64 : i32
        %add3A_1101 = vector.broadcast %add3A_1100 : i32 to vector<16xi32>
        %add3A_1102 = arith.addi %and3A_1079, %add3A_1101 : vector<16xi32>
        %gather3A_1103 = tpu.vector_load_idx %arg18[%add3A_117, %add3A_1102] : memref<64x128xf32, #tpu.memory_space<vmem>>[vector<16xi32>, vector<16xi32>], vector<16xf32>,
        %gather3A_1104 = tpu.vector_load_idx %arg16[%add3A_117, %add3A_1102] : memref<64x128xf32, #tpu.memory_space<vmem>>[vector<16xi32>, vector<16xi32>], vector<16xf32>,
        %mul3A_1105 = arith.mulf %gather3A_1103, %gather3A_1081 : vector<16xf32>
        %add3A_1106 = arith.addf %add3A_1062, %mul3A_1105 : vector<16xf32>
        %mul3A_1107 = arith.mulf %gather3A_1104, %gather3A_1081 : vector<16xf32>
        %add3A_1108 = arith.addf %add3A_1064, %mul3A_1107 : vector<16xf32>
        %add3A_1109 = arith.constant 96 : i32
        %add3A_1110 = vector.broadcast %add3A_1109 : i32 to vector<16xi32>
        %add3A_1111 = arith.addi %and3A_1079, %add3A_1110 : vector<16xi32>
        %gather3A_1112 = tpu.vector_load_idx %arg18[%add3A_117, %add3A_1111] : memref<64x128xf32, #tpu.memory_space<vmem>>[vector<16xi32>, vector<16xi32>], vector<16xf32>,
        %gather3A_1113 = tpu.vector_load_idx %arg16[%add3A_117, %add3A_1111] : memref<64x128xf32, #tpu.memory_space<vmem>>[vector<16xi32>, vector<16xi32>], vector<16xf32>,
        %mul3A_1114 = arith.mulf %gather3A_1112, %gather3A_1081 : vector<16xf32>
        %add3A_1115 = arith.addf %add3A_1071, %mul3A_1114 : vector<16xf32>
        %mul3A_1116 = arith.mulf %gather3A_1113, %gather3A_1081 : vector<16xf32>
        %add3A_1117 = arith.addf %add3A_1073, %mul3A_1116 : vector<16xf32>
        %broadcast_in_dim3A_1118 = arith.constant 22 : i32
        %broadcast_in_dim3A_1119 = vector.broadcast %broadcast_in_dim3A_1118 : i32 to vector<16xi32>
        %add3A_1120 = arith.addi %broadcast_in_dim3A_1119, %iota3A : vector<16xi32>
        %and3A_1121 = arith.constant 31 : i32
        %and3A_1122 = vector.broadcast %and3A_1121 : i32 to vector<16xi32>
        %and3A_1123 = arith.andi %add3A_1120, %and3A_1122 : vector<16xi32>
        %add3A_1124 = arith.addi %mul3A_148, %and3A_1123 : vector<16xi32>
        %gather3A_1125 = tpu.vector_load_idx %arg20[%add3A_117, %add3A_1124] : memref<64x128xf32, #tpu.memory_space<vmem>>[vector<16xi32>, vector<16xi32>], vector<16xf32>,
        %add3A_1126 = arith.constant 0 : i32
        %add3A_1127 = vector.broadcast %add3A_1126 : i32 to vector<16xi32>
        %add3A_1128 = arith.addi %and3A_1123, %add3A_1127 : vector<16xi32>
        %gather3A_1129 = tpu.vector_load_idx %arg18[%add3A_117, %add3A_1128] : memref<64x128xf32, #tpu.memory_space<vmem>>[vector<16xi32>, vector<16xi32>], vector<16xf32>,
        %gather3A_1130 = tpu.vector_load_idx %arg16[%add3A_117, %add3A_1128] : memref<64x128xf32, #tpu.memory_space<vmem>>[vector<16xi32>, vector<16xi32>], vector<16xf32>,
        %mul3A_1131 = arith.mulf %gather3A_1129, %gather3A_1125 : vector<16xf32>
        %add3A_1132 = arith.addf %add3A_1088, %mul3A_1131 : vector<16xf32>
        %mul3A_1133 = arith.mulf %gather3A_1130, %gather3A_1125 : vector<16xf32>
        %add3A_1134 = arith.addf %add3A_1090, %mul3A_1133 : vector<16xf32>
        %add3A_1135 = arith.constant 32 : i32
        %add3A_1136 = vector.broadcast %add3A_1135 : i32 to vector<16xi32>
        %add3A_1137 = arith.addi %and3A_1123, %add3A_1136 : vector<16xi32>
        %gather3A_1138 = tpu.vector_load_idx %arg18[%add3A_117, %add3A_1137] : memref<64x128xf32, #tpu.memory_space<vmem>>[vector<16xi32>, vector<16xi32>], vector<16xf32>,
        %gather3A_1139 = tpu.vector_load_idx %arg16[%add3A_117, %add3A_1137] : memref<64x128xf32, #tpu.memory_space<vmem>>[vector<16xi32>, vector<16xi32>], vector<16xf32>,
        %mul3A_1140 = arith.mulf %gather3A_1138, %gather3A_1125 : vector<16xf32>
        %add3A_1141 = arith.addf %add3A_1097, %mul3A_1140 : vector<16xf32>
        %mul3A_1142 = arith.mulf %gather3A_1139, %gather3A_1125 : vector<16xf32>
        %add3A_1143 = arith.addf %add3A_1099, %mul3A_1142 : vector<16xf32>
        %add3A_1144 = arith.constant 64 : i32
        %add3A_1145 = vector.broadcast %add3A_1144 : i32 to vector<16xi32>
        %add3A_1146 = arith.addi %and3A_1123, %add3A_1145 : vector<16xi32>
        %gather3A_1147 = tpu.vector_load_idx %arg18[%add3A_117, %add3A_1146] : memref<64x128xf32, #tpu.memory_space<vmem>>[vector<16xi32>, vector<16xi32>], vector<16xf32>,
        %gather3A_1148 = tpu.vector_load_idx %arg16[%add3A_117, %add3A_1146] : memref<64x128xf32, #tpu.memory_space<vmem>>[vector<16xi32>, vector<16xi32>], vector<16xf32>,
        %mul3A_1149 = arith.mulf %gather3A_1147, %gather3A_1125 : vector<16xf32>
        %add3A_1150 = arith.addf %add3A_1106, %mul3A_1149 : vector<16xf32>
        %mul3A_1151 = arith.mulf %gather3A_1148, %gather3A_1125 : vector<16xf32>
        %add3A_1152 = arith.addf %add3A_1108, %mul3A_1151 : vector<16xf32>
        %add3A_1153 = arith.constant 96 : i32
        %add3A_1154 = vector.broadcast %add3A_1153 : i32 to vector<16xi32>
        %add3A_1155 = arith.addi %and3A_1123, %add3A_1154 : vector<16xi32>
        %gather3A_1156 = tpu.vector_load_idx %arg18[%add3A_117, %add3A_1155] : memref<64x128xf32, #tpu.memory_space<vmem>>[vector<16xi32>, vector<16xi32>], vector<16xf32>,
        %gather3A_1157 = tpu.vector_load_idx %arg16[%add3A_117, %add3A_1155] : memref<64x128xf32, #tpu.memory_space<vmem>>[vector<16xi32>, vector<16xi32>], vector<16xf32>,
        %mul3A_1158 = arith.mulf %gather3A_1156, %gather3A_1125 : vector<16xf32>
        %add3A_1159 = arith.addf %add3A_1115, %mul3A_1158 : vector<16xf32>
        %mul3A_1160 = arith.mulf %gather3A_1157, %gather3A_1125 : vector<16xf32>
        %add3A_1161 = arith.addf %add3A_1117, %mul3A_1160 : vector<16xf32>
        %broadcast_in_dim3A_1162 = arith.constant 23 : i32
        %broadcast_in_dim3A_1163 = vector.broadcast %broadcast_in_dim3A_1162 : i32 to vector<16xi32>
        %add3A_1164 = arith.addi %broadcast_in_dim3A_1163, %iota3A : vector<16xi32>
        %and3A_1165 = arith.constant 31 : i32
        %and3A_1166 = vector.broadcast %and3A_1165 : i32 to vector<16xi32>
        %and3A_1167 = arith.andi %add3A_1164, %and3A_1166 : vector<16xi32>
        %add3A_1168 = arith.addi %mul3A_148, %and3A_1167 : vector<16xi32>
        %gather3A_1169 = tpu.vector_load_idx %arg20[%add3A_117, %add3A_1168] : memref<64x128xf32, #tpu.memory_space<vmem>>[vector<16xi32>, vector<16xi32>], vector<16xf32>,
        %add3A_1170 = arith.constant 0 : i32
        %add3A_1171 = vector.broadcast %add3A_1170 : i32 to vector<16xi32>
        %add3A_1172 = arith.addi %and3A_1167, %add3A_1171 : vector<16xi32>
        %gather3A_1173 = tpu.vector_load_idx %arg18[%add3A_117, %add3A_1172] : memref<64x128xf32, #tpu.memory_space<vmem>>[vector<16xi32>, vector<16xi32>], vector<16xf32>,
        %gather3A_1174 = tpu.vector_load_idx %arg16[%add3A_117, %add3A_1172] : memref<64x128xf32, #tpu.memory_space<vmem>>[vector<16xi32>, vector<16xi32>], vector<16xf32>,
        %mul3A_1175 = arith.mulf %gather3A_1173, %gather3A_1169 : vector<16xf32>
        %add3A_1176 = arith.addf %add3A_1132, %mul3A_1175 : vector<16xf32>
        %mul3A_1177 = arith.mulf %gather3A_1174, %gather3A_1169 : vector<16xf32>
        %add3A_1178 = arith.addf %add3A_1134, %mul3A_1177 : vector<16xf32>
        %add3A_1179 = arith.constant 32 : i32
        %add3A_1180 = vector.broadcast %add3A_1179 : i32 to vector<16xi32>
        %add3A_1181 = arith.addi %and3A_1167, %add3A_1180 : vector<16xi32>
        %gather3A_1182 = tpu.vector_load_idx %arg18[%add3A_117, %add3A_1181] : memref<64x128xf32, #tpu.memory_space<vmem>>[vector<16xi32>, vector<16xi32>], vector<16xf32>,
        %gather3A_1183 = tpu.vector_load_idx %arg16[%add3A_117, %add3A_1181] : memref<64x128xf32, #tpu.memory_space<vmem>>[vector<16xi32>, vector<16xi32>], vector<16xf32>,
        %mul3A_1184 = arith.mulf %gather3A_1182, %gather3A_1169 : vector<16xf32>
        %add3A_1185 = arith.addf %add3A_1141, %mul3A_1184 : vector<16xf32>
        %mul3A_1186 = arith.mulf %gather3A_1183, %gather3A_1169 : vector<16xf32>
        %add3A_1187 = arith.addf %add3A_1143, %mul3A_1186 : vector<16xf32>
        %add3A_1188 = arith.constant 64 : i32
        %add3A_1189 = vector.broadcast %add3A_1188 : i32 to vector<16xi32>
        %add3A_1190 = arith.addi %and3A_1167, %add3A_1189 : vector<16xi32>
        %gather3A_1191 = tpu.vector_load_idx %arg18[%add3A_117, %add3A_1190] : memref<64x128xf32, #tpu.memory_space<vmem>>[vector<16xi32>, vector<16xi32>], vector<16xf32>,
        %gather3A_1192 = tpu.vector_load_idx %arg16[%add3A_117, %add3A_1190] : memref<64x128xf32, #tpu.memory_space<vmem>>[vector<16xi32>, vector<16xi32>], vector<16xf32>,
        %mul3A_1193 = arith.mulf %gather3A_1191, %gather3A_1169 : vector<16xf32>
        %add3A_1194 = arith.addf %add3A_1150, %mul3A_1193 : vector<16xf32>
        %mul3A_1195 = arith.mulf %gather3A_1192, %gather3A_1169 : vector<16xf32>
        %add3A_1196 = arith.addf %add3A_1152, %mul3A_1195 : vector<16xf32>
        %add3A_1197 = arith.constant 96 : i32
        %add3A_1198 = vector.broadcast %add3A_1197 : i32 to vector<16xi32>
        %add3A_1199 = arith.addi %and3A_1167, %add3A_1198 : vector<16xi32>
        %gather3A_1200 = tpu.vector_load_idx %arg18[%add3A_117, %add3A_1199] : memref<64x128xf32, #tpu.memory_space<vmem>>[vector<16xi32>, vector<16xi32>], vector<16xf32>,
        %gather3A_1201 = tpu.vector_load_idx %arg16[%add3A_117, %add3A_1199] : memref<64x128xf32, #tpu.memory_space<vmem>>[vector<16xi32>, vector<16xi32>], vector<16xf32>,
        %mul3A_1202 = arith.mulf %gather3A_1200, %gather3A_1169 : vector<16xf32>
        %add3A_1203 = arith.addf %add3A_1159, %mul3A_1202 : vector<16xf32>
        %mul3A_1204 = arith.mulf %gather3A_1201, %gather3A_1169 : vector<16xf32>
        %add3A_1205 = arith.addf %add3A_1161, %mul3A_1204 : vector<16xf32>
        %broadcast_in_dim3A_1206 = arith.constant 24 : i32
        %broadcast_in_dim3A_1207 = vector.broadcast %broadcast_in_dim3A_1206 : i32 to vector<16xi32>
        %add3A_1208 = arith.addi %broadcast_in_dim3A_1207, %iota3A : vector<16xi32>
        %and3A_1209 = arith.constant 31 : i32
        %and3A_1210 = vector.broadcast %and3A_1209 : i32 to vector<16xi32>
        %and3A_1211 = arith.andi %add3A_1208, %and3A_1210 : vector<16xi32>
        %add3A_1212 = arith.addi %mul3A_148, %and3A_1211 : vector<16xi32>
        %gather3A_1213 = tpu.vector_load_idx %arg20[%add3A_117, %add3A_1212] : memref<64x128xf32, #tpu.memory_space<vmem>>[vector<16xi32>, vector<16xi32>], vector<16xf32>,
        %add3A_1214 = arith.constant 0 : i32
        %add3A_1215 = vector.broadcast %add3A_1214 : i32 to vector<16xi32>
        %add3A_1216 = arith.addi %and3A_1211, %add3A_1215 : vector<16xi32>
        %gather3A_1217 = tpu.vector_load_idx %arg18[%add3A_117, %add3A_1216] : memref<64x128xf32, #tpu.memory_space<vmem>>[vector<16xi32>, vector<16xi32>], vector<16xf32>,
        %gather3A_1218 = tpu.vector_load_idx %arg16[%add3A_117, %add3A_1216] : memref<64x128xf32, #tpu.memory_space<vmem>>[vector<16xi32>, vector<16xi32>], vector<16xf32>,
        %mul3A_1219 = arith.mulf %gather3A_1217, %gather3A_1213 : vector<16xf32>
        %add3A_1220 = arith.addf %add3A_1176, %mul3A_1219 : vector<16xf32>
        %mul3A_1221 = arith.mulf %gather3A_1218, %gather3A_1213 : vector<16xf32>
        %add3A_1222 = arith.addf %add3A_1178, %mul3A_1221 : vector<16xf32>
        %add3A_1223 = arith.constant 32 : i32
        %add3A_1224 = vector.broadcast %add3A_1223 : i32 to vector<16xi32>
        %add3A_1225 = arith.addi %and3A_1211, %add3A_1224 : vector<16xi32>
        %gather3A_1226 = tpu.vector_load_idx %arg18[%add3A_117, %add3A_1225] : memref<64x128xf32, #tpu.memory_space<vmem>>[vector<16xi32>, vector<16xi32>], vector<16xf32>,
        %gather3A_1227 = tpu.vector_load_idx %arg16[%add3A_117, %add3A_1225] : memref<64x128xf32, #tpu.memory_space<vmem>>[vector<16xi32>, vector<16xi32>], vector<16xf32>,
        %mul3A_1228 = arith.mulf %gather3A_1226, %gather3A_1213 : vector<16xf32>
        %add3A_1229 = arith.addf %add3A_1185, %mul3A_1228 : vector<16xf32>
        %mul3A_1230 = arith.mulf %gather3A_1227, %gather3A_1213 : vector<16xf32>
        %add3A_1231 = arith.addf %add3A_1187, %mul3A_1230 : vector<16xf32>
        %add3A_1232 = arith.constant 64 : i32
        %add3A_1233 = vector.broadcast %add3A_1232 : i32 to vector<16xi32>
        %add3A_1234 = arith.addi %and3A_1211, %add3A_1233 : vector<16xi32>
        %gather3A_1235 = tpu.vector_load_idx %arg18[%add3A_117, %add3A_1234] : memref<64x128xf32, #tpu.memory_space<vmem>>[vector<16xi32>, vector<16xi32>], vector<16xf32>,
        %gather3A_1236 = tpu.vector_load_idx %arg16[%add3A_117, %add3A_1234] : memref<64x128xf32, #tpu.memory_space<vmem>>[vector<16xi32>, vector<16xi32>], vector<16xf32>,
        %mul3A_1237 = arith.mulf %gather3A_1235, %gather3A_1213 : vector<16xf32>
        %add3A_1238 = arith.addf %add3A_1194, %mul3A_1237 : vector<16xf32>
        %mul3A_1239 = arith.mulf %gather3A_1236, %gather3A_1213 : vector<16xf32>
        %add3A_1240 = arith.addf %add3A_1196, %mul3A_1239 : vector<16xf32>
        %add3A_1241 = arith.constant 96 : i32
        %add3A_1242 = vector.broadcast %add3A_1241 : i32 to vector<16xi32>
        %add3A_1243 = arith.addi %and3A_1211, %add3A_1242 : vector<16xi32>
        %gather3A_1244 = tpu.vector_load_idx %arg18[%add3A_117, %add3A_1243] : memref<64x128xf32, #tpu.memory_space<vmem>>[vector<16xi32>, vector<16xi32>], vector<16xf32>,
        %gather3A_1245 = tpu.vector_load_idx %arg16[%add3A_117, %add3A_1243] : memref<64x128xf32, #tpu.memory_space<vmem>>[vector<16xi32>, vector<16xi32>], vector<16xf32>,
        %mul3A_1246 = arith.mulf %gather3A_1244, %gather3A_1213 : vector<16xf32>
        %add3A_1247 = arith.addf %add3A_1203, %mul3A_1246 : vector<16xf32>
        %mul3A_1248 = arith.mulf %gather3A_1245, %gather3A_1213 : vector<16xf32>
        %add3A_1249 = arith.addf %add3A_1205, %mul3A_1248 : vector<16xf32>
        %broadcast_in_dim3A_1250 = arith.constant 25 : i32
        %broadcast_in_dim3A_1251 = vector.broadcast %broadcast_in_dim3A_1250 : i32 to vector<16xi32>
        %add3A_1252 = arith.addi %broadcast_in_dim3A_1251, %iota3A : vector<16xi32>
        %and3A_1253 = arith.constant 31 : i32
        %and3A_1254 = vector.broadcast %and3A_1253 : i32 to vector<16xi32>
        %and3A_1255 = arith.andi %add3A_1252, %and3A_1254 : vector<16xi32>
        %add3A_1256 = arith.addi %mul3A_148, %and3A_1255 : vector<16xi32>
        %gather3A_1257 = tpu.vector_load_idx %arg20[%add3A_117, %add3A_1256] : memref<64x128xf32, #tpu.memory_space<vmem>>[vector<16xi32>, vector<16xi32>], vector<16xf32>,
        %add3A_1258 = arith.constant 0 : i32
        %add3A_1259 = vector.broadcast %add3A_1258 : i32 to vector<16xi32>
        %add3A_1260 = arith.addi %and3A_1255, %add3A_1259 : vector<16xi32>
        %gather3A_1261 = tpu.vector_load_idx %arg18[%add3A_117, %add3A_1260] : memref<64x128xf32, #tpu.memory_space<vmem>>[vector<16xi32>, vector<16xi32>], vector<16xf32>,
        %gather3A_1262 = tpu.vector_load_idx %arg16[%add3A_117, %add3A_1260] : memref<64x128xf32, #tpu.memory_space<vmem>>[vector<16xi32>, vector<16xi32>], vector<16xf32>,
        %mul3A_1263 = arith.mulf %gather3A_1261, %gather3A_1257 : vector<16xf32>
        %add3A_1264 = arith.addf %add3A_1220, %mul3A_1263 : vector<16xf32>
        %mul3A_1265 = arith.mulf %gather3A_1262, %gather3A_1257 : vector<16xf32>
        %add3A_1266 = arith.addf %add3A_1222, %mul3A_1265 : vector<16xf32>
        %add3A_1267 = arith.constant 32 : i32
        %add3A_1268 = vector.broadcast %add3A_1267 : i32 to vector<16xi32>
        %add3A_1269 = arith.addi %and3A_1255, %add3A_1268 : vector<16xi32>
        %gather3A_1270 = tpu.vector_load_idx %arg18[%add3A_117, %add3A_1269] : memref<64x128xf32, #tpu.memory_space<vmem>>[vector<16xi32>, vector<16xi32>], vector<16xf32>,
        %gather3A_1271 = tpu.vector_load_idx %arg16[%add3A_117, %add3A_1269] : memref<64x128xf32, #tpu.memory_space<vmem>>[vector<16xi32>, vector<16xi32>], vector<16xf32>,
        %mul3A_1272 = arith.mulf %gather3A_1270, %gather3A_1257 : vector<16xf32>
        %add3A_1273 = arith.addf %add3A_1229, %mul3A_1272 : vector<16xf32>
        %mul3A_1274 = arith.mulf %gather3A_1271, %gather3A_1257 : vector<16xf32>
        %add3A_1275 = arith.addf %add3A_1231, %mul3A_1274 : vector<16xf32>
        %add3A_1276 = arith.constant 64 : i32
        %add3A_1277 = vector.broadcast %add3A_1276 : i32 to vector<16xi32>
        %add3A_1278 = arith.addi %and3A_1255, %add3A_1277 : vector<16xi32>
        %gather3A_1279 = tpu.vector_load_idx %arg18[%add3A_117, %add3A_1278] : memref<64x128xf32, #tpu.memory_space<vmem>>[vector<16xi32>, vector<16xi32>], vector<16xf32>,
        %gather3A_1280 = tpu.vector_load_idx %arg16[%add3A_117, %add3A_1278] : memref<64x128xf32, #tpu.memory_space<vmem>>[vector<16xi32>, vector<16xi32>], vector<16xf32>,
        %mul3A_1281 = arith.mulf %gather3A_1279, %gather3A_1257 : vector<16xf32>
        %add3A_1282 = arith.addf %add3A_1238, %mul3A_1281 : vector<16xf32>
        %mul3A_1283 = arith.mulf %gather3A_1280, %gather3A_1257 : vector<16xf32>
        %add3A_1284 = arith.addf %add3A_1240, %mul3A_1283 : vector<16xf32>
        %add3A_1285 = arith.constant 96 : i32
        %add3A_1286 = vector.broadcast %add3A_1285 : i32 to vector<16xi32>
        %add3A_1287 = arith.addi %and3A_1255, %add3A_1286 : vector<16xi32>
        %gather3A_1288 = tpu.vector_load_idx %arg18[%add3A_117, %add3A_1287] : memref<64x128xf32, #tpu.memory_space<vmem>>[vector<16xi32>, vector<16xi32>], vector<16xf32>,
        %gather3A_1289 = tpu.vector_load_idx %arg16[%add3A_117, %add3A_1287] : memref<64x128xf32, #tpu.memory_space<vmem>>[vector<16xi32>, vector<16xi32>], vector<16xf32>,
        %mul3A_1290 = arith.mulf %gather3A_1288, %gather3A_1257 : vector<16xf32>
        %add3A_1291 = arith.addf %add3A_1247, %mul3A_1290 : vector<16xf32>
        %mul3A_1292 = arith.mulf %gather3A_1289, %gather3A_1257 : vector<16xf32>
        %add3A_1293 = arith.addf %add3A_1249, %mul3A_1292 : vector<16xf32>
        %broadcast_in_dim3A_1294 = arith.constant 26 : i32
        %broadcast_in_dim3A_1295 = vector.broadcast %broadcast_in_dim3A_1294 : i32 to vector<16xi32>
        %add3A_1296 = arith.addi %broadcast_in_dim3A_1295, %iota3A : vector<16xi32>
        %and3A_1297 = arith.constant 31 : i32
        %and3A_1298 = vector.broadcast %and3A_1297 : i32 to vector<16xi32>
        %and3A_1299 = arith.andi %add3A_1296, %and3A_1298 : vector<16xi32>
        %add3A_1300 = arith.addi %mul3A_148, %and3A_1299 : vector<16xi32>
        %gather3A_1301 = tpu.vector_load_idx %arg20[%add3A_117, %add3A_1300] : memref<64x128xf32, #tpu.memory_space<vmem>>[vector<16xi32>, vector<16xi32>], vector<16xf32>,
        %add3A_1302 = arith.constant 0 : i32
        %add3A_1303 = vector.broadcast %add3A_1302 : i32 to vector<16xi32>
        %add3A_1304 = arith.addi %and3A_1299, %add3A_1303 : vector<16xi32>
        %gather3A_1305 = tpu.vector_load_idx %arg18[%add3A_117, %add3A_1304] : memref<64x128xf32, #tpu.memory_space<vmem>>[vector<16xi32>, vector<16xi32>], vector<16xf32>,
        %gather3A_1306 = tpu.vector_load_idx %arg16[%add3A_117, %add3A_1304] : memref<64x128xf32, #tpu.memory_space<vmem>>[vector<16xi32>, vector<16xi32>], vector<16xf32>,
        %mul3A_1307 = arith.mulf %gather3A_1305, %gather3A_1301 : vector<16xf32>
        %add3A_1308 = arith.addf %add3A_1264, %mul3A_1307 : vector<16xf32>
        %mul3A_1309 = arith.mulf %gather3A_1306, %gather3A_1301 : vector<16xf32>
        %add3A_1310 = arith.addf %add3A_1266, %mul3A_1309 : vector<16xf32>
        %add3A_1311 = arith.constant 32 : i32
        %add3A_1312 = vector.broadcast %add3A_1311 : i32 to vector<16xi32>
        %add3A_1313 = arith.addi %and3A_1299, %add3A_1312 : vector<16xi32>
        %gather3A_1314 = tpu.vector_load_idx %arg18[%add3A_117, %add3A_1313] : memref<64x128xf32, #tpu.memory_space<vmem>>[vector<16xi32>, vector<16xi32>], vector<16xf32>,
        %gather3A_1315 = tpu.vector_load_idx %arg16[%add3A_117, %add3A_1313] : memref<64x128xf32, #tpu.memory_space<vmem>>[vector<16xi32>, vector<16xi32>], vector<16xf32>,
        %mul3A_1316 = arith.mulf %gather3A_1314, %gather3A_1301 : vector<16xf32>
        %add3A_1317 = arith.addf %add3A_1273, %mul3A_1316 : vector<16xf32>
        %mul3A_1318 = arith.mulf %gather3A_1315, %gather3A_1301 : vector<16xf32>
        %add3A_1319 = arith.addf %add3A_1275, %mul3A_1318 : vector<16xf32>
        %add3A_1320 = arith.constant 64 : i32
        %add3A_1321 = vector.broadcast %add3A_1320 : i32 to vector<16xi32>
        %add3A_1322 = arith.addi %and3A_1299, %add3A_1321 : vector<16xi32>
        %gather3A_1323 = tpu.vector_load_idx %arg18[%add3A_117, %add3A_1322] : memref<64x128xf32, #tpu.memory_space<vmem>>[vector<16xi32>, vector<16xi32>], vector<16xf32>,
        %gather3A_1324 = tpu.vector_load_idx %arg16[%add3A_117, %add3A_1322] : memref<64x128xf32, #tpu.memory_space<vmem>>[vector<16xi32>, vector<16xi32>], vector<16xf32>,
        %mul3A_1325 = arith.mulf %gather3A_1323, %gather3A_1301 : vector<16xf32>
        %add3A_1326 = arith.addf %add3A_1282, %mul3A_1325 : vector<16xf32>
        %mul3A_1327 = arith.mulf %gather3A_1324, %gather3A_1301 : vector<16xf32>
        %add3A_1328 = arith.addf %add3A_1284, %mul3A_1327 : vector<16xf32>
        %add3A_1329 = arith.constant 96 : i32
        %add3A_1330 = vector.broadcast %add3A_1329 : i32 to vector<16xi32>
        %add3A_1331 = arith.addi %and3A_1299, %add3A_1330 : vector<16xi32>
        %gather3A_1332 = tpu.vector_load_idx %arg18[%add3A_117, %add3A_1331] : memref<64x128xf32, #tpu.memory_space<vmem>>[vector<16xi32>, vector<16xi32>], vector<16xf32>,
        %gather3A_1333 = tpu.vector_load_idx %arg16[%add3A_117, %add3A_1331] : memref<64x128xf32, #tpu.memory_space<vmem>>[vector<16xi32>, vector<16xi32>], vector<16xf32>,
        %mul3A_1334 = arith.mulf %gather3A_1332, %gather3A_1301 : vector<16xf32>
        %add3A_1335 = arith.addf %add3A_1291, %mul3A_1334 : vector<16xf32>
        %mul3A_1336 = arith.mulf %gather3A_1333, %gather3A_1301 : vector<16xf32>
        %add3A_1337 = arith.addf %add3A_1293, %mul3A_1336 : vector<16xf32>
        %broadcast_in_dim3A_1338 = arith.constant 27 : i32
        %broadcast_in_dim3A_1339 = vector.broadcast %broadcast_in_dim3A_1338 : i32 to vector<16xi32>
        %add3A_1340 = arith.addi %broadcast_in_dim3A_1339, %iota3A : vector<16xi32>
        %and3A_1341 = arith.constant 31 : i32
        %and3A_1342 = vector.broadcast %and3A_1341 : i32 to vector<16xi32>
        %and3A_1343 = arith.andi %add3A_1340, %and3A_1342 : vector<16xi32>
        %add3A_1344 = arith.addi %mul3A_148, %and3A_1343 : vector<16xi32>
        %gather3A_1345 = tpu.vector_load_idx %arg20[%add3A_117, %add3A_1344] : memref<64x128xf32, #tpu.memory_space<vmem>>[vector<16xi32>, vector<16xi32>], vector<16xf32>,
        %add3A_1346 = arith.constant 0 : i32
        %add3A_1347 = vector.broadcast %add3A_1346 : i32 to vector<16xi32>
        %add3A_1348 = arith.addi %and3A_1343, %add3A_1347 : vector<16xi32>
        %gather3A_1349 = tpu.vector_load_idx %arg18[%add3A_117, %add3A_1348] : memref<64x128xf32, #tpu.memory_space<vmem>>[vector<16xi32>, vector<16xi32>], vector<16xf32>,
        %gather3A_1350 = tpu.vector_load_idx %arg16[%add3A_117, %add3A_1348] : memref<64x128xf32, #tpu.memory_space<vmem>>[vector<16xi32>, vector<16xi32>], vector<16xf32>,
        %mul3A_1351 = arith.mulf %gather3A_1349, %gather3A_1345 : vector<16xf32>
        %add3A_1352 = arith.addf %add3A_1308, %mul3A_1351 : vector<16xf32>
        %mul3A_1353 = arith.mulf %gather3A_1350, %gather3A_1345 : vector<16xf32>
        %add3A_1354 = arith.addf %add3A_1310, %mul3A_1353 : vector<16xf32>
        %add3A_1355 = arith.constant 32 : i32
        %add3A_1356 = vector.broadcast %add3A_1355 : i32 to vector<16xi32>
        %add3A_1357 = arith.addi %and3A_1343, %add3A_1356 : vector<16xi32>
        %gather3A_1358 = tpu.vector_load_idx %arg18[%add3A_117, %add3A_1357] : memref<64x128xf32, #tpu.memory_space<vmem>>[vector<16xi32>, vector<16xi32>], vector<16xf32>,
        %gather3A_1359 = tpu.vector_load_idx %arg16[%add3A_117, %add3A_1357] : memref<64x128xf32, #tpu.memory_space<vmem>>[vector<16xi32>, vector<16xi32>], vector<16xf32>,
        %mul3A_1360 = arith.mulf %gather3A_1358, %gather3A_1345 : vector<16xf32>
        %add3A_1361 = arith.addf %add3A_1317, %mul3A_1360 : vector<16xf32>
        %mul3A_1362 = arith.mulf %gather3A_1359, %gather3A_1345 : vector<16xf32>
        %add3A_1363 = arith.addf %add3A_1319, %mul3A_1362 : vector<16xf32>
        %add3A_1364 = arith.constant 64 : i32
        %add3A_1365 = vector.broadcast %add3A_1364 : i32 to vector<16xi32>
        %add3A_1366 = arith.addi %and3A_1343, %add3A_1365 : vector<16xi32>
        %gather3A_1367 = tpu.vector_load_idx %arg18[%add3A_117, %add3A_1366] : memref<64x128xf32, #tpu.memory_space<vmem>>[vector<16xi32>, vector<16xi32>], vector<16xf32>,
        %gather3A_1368 = tpu.vector_load_idx %arg16[%add3A_117, %add3A_1366] : memref<64x128xf32, #tpu.memory_space<vmem>>[vector<16xi32>, vector<16xi32>], vector<16xf32>,
        %mul3A_1369 = arith.mulf %gather3A_1367, %gather3A_1345 : vector<16xf32>
        %add3A_1370 = arith.addf %add3A_1326, %mul3A_1369 : vector<16xf32>
        %mul3A_1371 = arith.mulf %gather3A_1368, %gather3A_1345 : vector<16xf32>
        %add3A_1372 = arith.addf %add3A_1328, %mul3A_1371 : vector<16xf32>
        %add3A_1373 = arith.constant 96 : i32
        %add3A_1374 = vector.broadcast %add3A_1373 : i32 to vector<16xi32>
        %add3A_1375 = arith.addi %and3A_1343, %add3A_1374 : vector<16xi32>
        %gather3A_1376 = tpu.vector_load_idx %arg18[%add3A_117, %add3A_1375] : memref<64x128xf32, #tpu.memory_space<vmem>>[vector<16xi32>, vector<16xi32>], vector<16xf32>,
        %gather3A_1377 = tpu.vector_load_idx %arg16[%add3A_117, %add3A_1375] : memref<64x128xf32, #tpu.memory_space<vmem>>[vector<16xi32>, vector<16xi32>], vector<16xf32>,
        %mul3A_1378 = arith.mulf %gather3A_1376, %gather3A_1345 : vector<16xf32>
        %add3A_1379 = arith.addf %add3A_1335, %mul3A_1378 : vector<16xf32>
        %mul3A_1380 = arith.mulf %gather3A_1377, %gather3A_1345 : vector<16xf32>
        %add3A_1381 = arith.addf %add3A_1337, %mul3A_1380 : vector<16xf32>
        %broadcast_in_dim3A_1382 = arith.constant 28 : i32
        %broadcast_in_dim3A_1383 = vector.broadcast %broadcast_in_dim3A_1382 : i32 to vector<16xi32>
        %add3A_1384 = arith.addi %broadcast_in_dim3A_1383, %iota3A : vector<16xi32>
        %and3A_1385 = arith.constant 31 : i32
        %and3A_1386 = vector.broadcast %and3A_1385 : i32 to vector<16xi32>
        %and3A_1387 = arith.andi %add3A_1384, %and3A_1386 : vector<16xi32>
        %add3A_1388 = arith.addi %mul3A_148, %and3A_1387 : vector<16xi32>
        %gather3A_1389 = tpu.vector_load_idx %arg20[%add3A_117, %add3A_1388] : memref<64x128xf32, #tpu.memory_space<vmem>>[vector<16xi32>, vector<16xi32>], vector<16xf32>,
        %add3A_1390 = arith.constant 0 : i32
        %add3A_1391 = vector.broadcast %add3A_1390 : i32 to vector<16xi32>
        %add3A_1392 = arith.addi %and3A_1387, %add3A_1391 : vector<16xi32>
        %gather3A_1393 = tpu.vector_load_idx %arg18[%add3A_117, %add3A_1392] : memref<64x128xf32, #tpu.memory_space<vmem>>[vector<16xi32>, vector<16xi32>], vector<16xf32>,
        %gather3A_1394 = tpu.vector_load_idx %arg16[%add3A_117, %add3A_1392] : memref<64x128xf32, #tpu.memory_space<vmem>>[vector<16xi32>, vector<16xi32>], vector<16xf32>,
        %mul3A_1395 = arith.mulf %gather3A_1393, %gather3A_1389 : vector<16xf32>
        %add3A_1396 = arith.addf %add3A_1352, %mul3A_1395 : vector<16xf32>
        %mul3A_1397 = arith.mulf %gather3A_1394, %gather3A_1389 : vector<16xf32>
        %add3A_1398 = arith.addf %add3A_1354, %mul3A_1397 : vector<16xf32>
        %add3A_1399 = arith.constant 32 : i32
        %add3A_1400 = vector.broadcast %add3A_1399 : i32 to vector<16xi32>
        %add3A_1401 = arith.addi %and3A_1387, %add3A_1400 : vector<16xi32>
        %gather3A_1402 = tpu.vector_load_idx %arg18[%add3A_117, %add3A_1401] : memref<64x128xf32, #tpu.memory_space<vmem>>[vector<16xi32>, vector<16xi32>], vector<16xf32>,
        %gather3A_1403 = tpu.vector_load_idx %arg16[%add3A_117, %add3A_1401] : memref<64x128xf32, #tpu.memory_space<vmem>>[vector<16xi32>, vector<16xi32>], vector<16xf32>,
        %mul3A_1404 = arith.mulf %gather3A_1402, %gather3A_1389 : vector<16xf32>
        %add3A_1405 = arith.addf %add3A_1361, %mul3A_1404 : vector<16xf32>
        %mul3A_1406 = arith.mulf %gather3A_1403, %gather3A_1389 : vector<16xf32>
        %add3A_1407 = arith.addf %add3A_1363, %mul3A_1406 : vector<16xf32>
        %add3A_1408 = arith.constant 64 : i32
        %add3A_1409 = vector.broadcast %add3A_1408 : i32 to vector<16xi32>
        %add3A_1410 = arith.addi %and3A_1387, %add3A_1409 : vector<16xi32>
        %gather3A_1411 = tpu.vector_load_idx %arg18[%add3A_117, %add3A_1410] : memref<64x128xf32, #tpu.memory_space<vmem>>[vector<16xi32>, vector<16xi32>], vector<16xf32>,
        %gather3A_1412 = tpu.vector_load_idx %arg16[%add3A_117, %add3A_1410] : memref<64x128xf32, #tpu.memory_space<vmem>>[vector<16xi32>, vector<16xi32>], vector<16xf32>,
        %mul3A_1413 = arith.mulf %gather3A_1411, %gather3A_1389 : vector<16xf32>
        %add3A_1414 = arith.addf %add3A_1370, %mul3A_1413 : vector<16xf32>
        %mul3A_1415 = arith.mulf %gather3A_1412, %gather3A_1389 : vector<16xf32>
        %add3A_1416 = arith.addf %add3A_1372, %mul3A_1415 : vector<16xf32>
        %add3A_1417 = arith.constant 96 : i32
        %add3A_1418 = vector.broadcast %add3A_1417 : i32 to vector<16xi32>
        %add3A_1419 = arith.addi %and3A_1387, %add3A_1418 : vector<16xi32>
        %gather3A_1420 = tpu.vector_load_idx %arg18[%add3A_117, %add3A_1419] : memref<64x128xf32, #tpu.memory_space<vmem>>[vector<16xi32>, vector<16xi32>], vector<16xf32>,
        %gather3A_1421 = tpu.vector_load_idx %arg16[%add3A_117, %add3A_1419] : memref<64x128xf32, #tpu.memory_space<vmem>>[vector<16xi32>, vector<16xi32>], vector<16xf32>,
        %mul3A_1422 = arith.mulf %gather3A_1420, %gather3A_1389 : vector<16xf32>
        %add3A_1423 = arith.addf %add3A_1379, %mul3A_1422 : vector<16xf32>
        %mul3A_1424 = arith.mulf %gather3A_1421, %gather3A_1389 : vector<16xf32>
        %add3A_1425 = arith.addf %add3A_1381, %mul3A_1424 : vector<16xf32>
        %broadcast_in_dim3A_1426 = arith.constant 29 : i32
        %broadcast_in_dim3A_1427 = vector.broadcast %broadcast_in_dim3A_1426 : i32 to vector<16xi32>
        %add3A_1428 = arith.addi %broadcast_in_dim3A_1427, %iota3A : vector<16xi32>
        %and3A_1429 = arith.constant 31 : i32
        %and3A_1430 = vector.broadcast %and3A_1429 : i32 to vector<16xi32>
        %and3A_1431 = arith.andi %add3A_1428, %and3A_1430 : vector<16xi32>
        %add3A_1432 = arith.addi %mul3A_148, %and3A_1431 : vector<16xi32>
        %gather3A_1433 = tpu.vector_load_idx %arg20[%add3A_117, %add3A_1432] : memref<64x128xf32, #tpu.memory_space<vmem>>[vector<16xi32>, vector<16xi32>], vector<16xf32>,
        %add3A_1434 = arith.constant 0 : i32
        %add3A_1435 = vector.broadcast %add3A_1434 : i32 to vector<16xi32>
        %add3A_1436 = arith.addi %and3A_1431, %add3A_1435 : vector<16xi32>
        %gather3A_1437 = tpu.vector_load_idx %arg18[%add3A_117, %add3A_1436] : memref<64x128xf32, #tpu.memory_space<vmem>>[vector<16xi32>, vector<16xi32>], vector<16xf32>,
        %gather3A_1438 = tpu.vector_load_idx %arg16[%add3A_117, %add3A_1436] : memref<64x128xf32, #tpu.memory_space<vmem>>[vector<16xi32>, vector<16xi32>], vector<16xf32>,
        %mul3A_1439 = arith.mulf %gather3A_1437, %gather3A_1433 : vector<16xf32>
        %add3A_1440 = arith.addf %add3A_1396, %mul3A_1439 : vector<16xf32>
        %mul3A_1441 = arith.mulf %gather3A_1438, %gather3A_1433 : vector<16xf32>
        %add3A_1442 = arith.addf %add3A_1398, %mul3A_1441 : vector<16xf32>
        %add3A_1443 = arith.constant 32 : i32
        %add3A_1444 = vector.broadcast %add3A_1443 : i32 to vector<16xi32>
        %add3A_1445 = arith.addi %and3A_1431, %add3A_1444 : vector<16xi32>
        %gather3A_1446 = tpu.vector_load_idx %arg18[%add3A_117, %add3A_1445] : memref<64x128xf32, #tpu.memory_space<vmem>>[vector<16xi32>, vector<16xi32>], vector<16xf32>,
        %gather3A_1447 = tpu.vector_load_idx %arg16[%add3A_117, %add3A_1445] : memref<64x128xf32, #tpu.memory_space<vmem>>[vector<16xi32>, vector<16xi32>], vector<16xf32>,
        %mul3A_1448 = arith.mulf %gather3A_1446, %gather3A_1433 : vector<16xf32>
        %add3A_1449 = arith.addf %add3A_1405, %mul3A_1448 : vector<16xf32>
        %mul3A_1450 = arith.mulf %gather3A_1447, %gather3A_1433 : vector<16xf32>
        %add3A_1451 = arith.addf %add3A_1407, %mul3A_1450 : vector<16xf32>
        %add3A_1452 = arith.constant 64 : i32
        %add3A_1453 = vector.broadcast %add3A_1452 : i32 to vector<16xi32>
        %add3A_1454 = arith.addi %and3A_1431, %add3A_1453 : vector<16xi32>
        %gather3A_1455 = tpu.vector_load_idx %arg18[%add3A_117, %add3A_1454] : memref<64x128xf32, #tpu.memory_space<vmem>>[vector<16xi32>, vector<16xi32>], vector<16xf32>,
        %gather3A_1456 = tpu.vector_load_idx %arg16[%add3A_117, %add3A_1454] : memref<64x128xf32, #tpu.memory_space<vmem>>[vector<16xi32>, vector<16xi32>], vector<16xf32>,
        %mul3A_1457 = arith.mulf %gather3A_1455, %gather3A_1433 : vector<16xf32>
        %add3A_1458 = arith.addf %add3A_1414, %mul3A_1457 : vector<16xf32>
        %mul3A_1459 = arith.mulf %gather3A_1456, %gather3A_1433 : vector<16xf32>
        %add3A_1460 = arith.addf %add3A_1416, %mul3A_1459 : vector<16xf32>
        %add3A_1461 = arith.constant 96 : i32
        %add3A_1462 = vector.broadcast %add3A_1461 : i32 to vector<16xi32>
        %add3A_1463 = arith.addi %and3A_1431, %add3A_1462 : vector<16xi32>
        %gather3A_1464 = tpu.vector_load_idx %arg18[%add3A_117, %add3A_1463] : memref<64x128xf32, #tpu.memory_space<vmem>>[vector<16xi32>, vector<16xi32>], vector<16xf32>,
        %gather3A_1465 = tpu.vector_load_idx %arg16[%add3A_117, %add3A_1463] : memref<64x128xf32, #tpu.memory_space<vmem>>[vector<16xi32>, vector<16xi32>], vector<16xf32>,
        %mul3A_1466 = arith.mulf %gather3A_1464, %gather3A_1433 : vector<16xf32>
        %add3A_1467 = arith.addf %add3A_1423, %mul3A_1466 : vector<16xf32>
        %mul3A_1468 = arith.mulf %gather3A_1465, %gather3A_1433 : vector<16xf32>
        %add3A_1469 = arith.addf %add3A_1425, %mul3A_1468 : vector<16xf32>
        %broadcast_in_dim3A_1470 = arith.constant 30 : i32
        %broadcast_in_dim3A_1471 = vector.broadcast %broadcast_in_dim3A_1470 : i32 to vector<16xi32>
        %add3A_1472 = arith.addi %broadcast_in_dim3A_1471, %iota3A : vector<16xi32>
        %and3A_1473 = arith.constant 31 : i32
        %and3A_1474 = vector.broadcast %and3A_1473 : i32 to vector<16xi32>
        %and3A_1475 = arith.andi %add3A_1472, %and3A_1474 : vector<16xi32>
        %add3A_1476 = arith.addi %mul3A_148, %and3A_1475 : vector<16xi32>
        %gather3A_1477 = tpu.vector_load_idx %arg20[%add3A_117, %add3A_1476] : memref<64x128xf32, #tpu.memory_space<vmem>>[vector<16xi32>, vector<16xi32>], vector<16xf32>,
        %add3A_1478 = arith.constant 0 : i32
        %add3A_1479 = vector.broadcast %add3A_1478 : i32 to vector<16xi32>
        %add3A_1480 = arith.addi %and3A_1475, %add3A_1479 : vector<16xi32>
        %gather3A_1481 = tpu.vector_load_idx %arg18[%add3A_117, %add3A_1480] : memref<64x128xf32, #tpu.memory_space<vmem>>[vector<16xi32>, vector<16xi32>], vector<16xf32>,
        %gather3A_1482 = tpu.vector_load_idx %arg16[%add3A_117, %add3A_1480] : memref<64x128xf32, #tpu.memory_space<vmem>>[vector<16xi32>, vector<16xi32>], vector<16xf32>,
        %mul3A_1483 = arith.mulf %gather3A_1481, %gather3A_1477 : vector<16xf32>
        %add3A_1484 = arith.addf %add3A_1440, %mul3A_1483 : vector<16xf32>
        %mul3A_1485 = arith.mulf %gather3A_1482, %gather3A_1477 : vector<16xf32>
        %add3A_1486 = arith.addf %add3A_1442, %mul3A_1485 : vector<16xf32>
        %add3A_1487 = arith.constant 32 : i32
        %add3A_1488 = vector.broadcast %add3A_1487 : i32 to vector<16xi32>
        %add3A_1489 = arith.addi %and3A_1475, %add3A_1488 : vector<16xi32>
        %gather3A_1490 = tpu.vector_load_idx %arg18[%add3A_117, %add3A_1489] : memref<64x128xf32, #tpu.memory_space<vmem>>[vector<16xi32>, vector<16xi32>], vector<16xf32>,
        %gather3A_1491 = tpu.vector_load_idx %arg16[%add3A_117, %add3A_1489] : memref<64x128xf32, #tpu.memory_space<vmem>>[vector<16xi32>, vector<16xi32>], vector<16xf32>,
        %mul3A_1492 = arith.mulf %gather3A_1490, %gather3A_1477 : vector<16xf32>
        %add3A_1493 = arith.addf %add3A_1449, %mul3A_1492 : vector<16xf32>
        %mul3A_1494 = arith.mulf %gather3A_1491, %gather3A_1477 : vector<16xf32>
        %add3A_1495 = arith.addf %add3A_1451, %mul3A_1494 : vector<16xf32>
        %add3A_1496 = arith.constant 64 : i32
        %add3A_1497 = vector.broadcast %add3A_1496 : i32 to vector<16xi32>
        %add3A_1498 = arith.addi %and3A_1475, %add3A_1497 : vector<16xi32>
        %gather3A_1499 = tpu.vector_load_idx %arg18[%add3A_117, %add3A_1498] : memref<64x128xf32, #tpu.memory_space<vmem>>[vector<16xi32>, vector<16xi32>], vector<16xf32>,
        %gather3A_1500 = tpu.vector_load_idx %arg16[%add3A_117, %add3A_1498] : memref<64x128xf32, #tpu.memory_space<vmem>>[vector<16xi32>, vector<16xi32>], vector<16xf32>,
        %mul3A_1501 = arith.mulf %gather3A_1499, %gather3A_1477 : vector<16xf32>
        %add3A_1502 = arith.addf %add3A_1458, %mul3A_1501 : vector<16xf32>
        %mul3A_1503 = arith.mulf %gather3A_1500, %gather3A_1477 : vector<16xf32>
        %add3A_1504 = arith.addf %add3A_1460, %mul3A_1503 : vector<16xf32>
        %add3A_1505 = arith.constant 96 : i32
        %add3A_1506 = vector.broadcast %add3A_1505 : i32 to vector<16xi32>
        %add3A_1507 = arith.addi %and3A_1475, %add3A_1506 : vector<16xi32>
        %gather3A_1508 = tpu.vector_load_idx %arg18[%add3A_117, %add3A_1507] : memref<64x128xf32, #tpu.memory_space<vmem>>[vector<16xi32>, vector<16xi32>], vector<16xf32>,
        %gather3A_1509 = tpu.vector_load_idx %arg16[%add3A_117, %add3A_1507] : memref<64x128xf32, #tpu.memory_space<vmem>>[vector<16xi32>, vector<16xi32>], vector<16xf32>,
        %mul3A_1510 = arith.mulf %gather3A_1508, %gather3A_1477 : vector<16xf32>
        %add3A_1511 = arith.addf %add3A_1467, %mul3A_1510 : vector<16xf32>
        %mul3A_1512 = arith.mulf %gather3A_1509, %gather3A_1477 : vector<16xf32>
        %add3A_1513 = arith.addf %add3A_1469, %mul3A_1512 : vector<16xf32>
        %broadcast_in_dim3A_1514 = arith.constant 31 : i32
        %broadcast_in_dim3A_1515 = vector.broadcast %broadcast_in_dim3A_1514 : i32 to vector<16xi32>
        %add3A_1516 = arith.addi %broadcast_in_dim3A_1515, %iota3A : vector<16xi32>
        %and3A_1517 = arith.constant 31 : i32
        %and3A_1518 = vector.broadcast %and3A_1517 : i32 to vector<16xi32>
        %and3A_1519 = arith.andi %add3A_1516, %and3A_1518 : vector<16xi32>
        %add3A_1520 = arith.addi %mul3A_148, %and3A_1519 : vector<16xi32>
        %gather3A_1521 = tpu.vector_load_idx %arg20[%add3A_117, %add3A_1520] : memref<64x128xf32, #tpu.memory_space<vmem>>[vector<16xi32>, vector<16xi32>], vector<16xf32>,
        %add3A_1522 = arith.constant 0 : i32
        %add3A_1523 = vector.broadcast %add3A_1522 : i32 to vector<16xi32>
        %add3A_1524 = arith.addi %and3A_1519, %add3A_1523 : vector<16xi32>
        %gather3A_1525 = tpu.vector_load_idx %arg18[%add3A_117, %add3A_1524] : memref<64x128xf32, #tpu.memory_space<vmem>>[vector<16xi32>, vector<16xi32>], vector<16xf32>,
        %gather3A_1526 = tpu.vector_load_idx %arg16[%add3A_117, %add3A_1524] : memref<64x128xf32, #tpu.memory_space<vmem>>[vector<16xi32>, vector<16xi32>], vector<16xf32>,
        %mul3A_1527 = arith.mulf %gather3A_1525, %gather3A_1521 : vector<16xf32>
        %add3A_1528 = arith.addf %add3A_1484, %mul3A_1527 : vector<16xf32>
        %mul3A_1529 = arith.mulf %gather3A_1526, %gather3A_1521 : vector<16xf32>
        %add3A_1530 = arith.addf %add3A_1486, %mul3A_1529 : vector<16xf32>
        %add3A_1531 = arith.constant 32 : i32
        %add3A_1532 = vector.broadcast %add3A_1531 : i32 to vector<16xi32>
        %add3A_1533 = arith.addi %and3A_1519, %add3A_1532 : vector<16xi32>
        %gather3A_1534 = tpu.vector_load_idx %arg18[%add3A_117, %add3A_1533] : memref<64x128xf32, #tpu.memory_space<vmem>>[vector<16xi32>, vector<16xi32>], vector<16xf32>,
        %gather3A_1535 = tpu.vector_load_idx %arg16[%add3A_117, %add3A_1533] : memref<64x128xf32, #tpu.memory_space<vmem>>[vector<16xi32>, vector<16xi32>], vector<16xf32>,
        %mul3A_1536 = arith.mulf %gather3A_1534, %gather3A_1521 : vector<16xf32>
        %add3A_1537 = arith.addf %add3A_1493, %mul3A_1536 : vector<16xf32>
        %mul3A_1538 = arith.mulf %gather3A_1535, %gather3A_1521 : vector<16xf32>
        %add3A_1539 = arith.addf %add3A_1495, %mul3A_1538 : vector<16xf32>
        %add3A_1540 = arith.constant 64 : i32
        %add3A_1541 = vector.broadcast %add3A_1540 : i32 to vector<16xi32>
        %add3A_1542 = arith.addi %and3A_1519, %add3A_1541 : vector<16xi32>
        %gather3A_1543 = tpu.vector_load_idx %arg18[%add3A_117, %add3A_1542] : memref<64x128xf32, #tpu.memory_space<vmem>>[vector<16xi32>, vector<16xi32>], vector<16xf32>,
        %gather3A_1544 = tpu.vector_load_idx %arg16[%add3A_117, %add3A_1542] : memref<64x128xf32, #tpu.memory_space<vmem>>[vector<16xi32>, vector<16xi32>], vector<16xf32>,
        %mul3A_1545 = arith.mulf %gather3A_1543, %gather3A_1521 : vector<16xf32>
        %add3A_1546 = arith.addf %add3A_1502, %mul3A_1545 : vector<16xf32>
        %mul3A_1547 = arith.mulf %gather3A_1544, %gather3A_1521 : vector<16xf32>
        %add3A_1548 = arith.addf %add3A_1504, %mul3A_1547 : vector<16xf32>
        %add3A_1549 = arith.constant 96 : i32
        %add3A_1550 = vector.broadcast %add3A_1549 : i32 to vector<16xi32>
        %add3A_1551 = arith.addi %and3A_1519, %add3A_1550 : vector<16xi32>
        %gather3A_1552 = tpu.vector_load_idx %arg18[%add3A_117, %add3A_1551] : memref<64x128xf32, #tpu.memory_space<vmem>>[vector<16xi32>, vector<16xi32>], vector<16xf32>,
        %gather3A_1553 = tpu.vector_load_idx %arg16[%add3A_117, %add3A_1551] : memref<64x128xf32, #tpu.memory_space<vmem>>[vector<16xi32>, vector<16xi32>], vector<16xf32>,
        %mul3A_1554 = arith.mulf %gather3A_1552, %gather3A_1521 : vector<16xf32>
        %add3A_1555 = arith.addf %add3A_1511, %mul3A_1554 : vector<16xf32>
        %mul3A_1556 = arith.mulf %gather3A_1553, %gather3A_1521 : vector<16xf32>
        %add3A_1557 = arith.addf %add3A_1513, %mul3A_1556 : vector<16xf32>
        %max3A = arith.maximumf %add3A_1528, %add3A_1537 : vector<16xf32>
        %max3A_1558 = arith.maximumf %add3A_1546, %add3A_1555 : vector<16xf32>
        %max3A_1559 = arith.maximumf %max3A, %max3A_1558 : vector<16xf32>
        %sub3A_1560 = arith.subf %add3A_1528, %max3A_1559 : vector<16xf32>
        %exp3A = math.exp %sub3A_1560 : vector<16xf32>
        %sub3A_1561 = arith.subf %add3A_1537, %max3A_1559 : vector<16xf32>
        %exp3A_1562 = math.exp %sub3A_1561 : vector<16xf32>
        %sub3A_1563 = arith.subf %add3A_1546, %max3A_1559 : vector<16xf32>
        %exp3A_1564 = math.exp %sub3A_1563 : vector<16xf32>
        %sub3A_1565 = arith.subf %add3A_1555, %max3A_1559 : vector<16xf32>
        %exp3A_1566 = math.exp %sub3A_1565 : vector<16xf32>
        %mul3A_1567 = arith.mulf %exp3A, %add3A_1530 : vector<16xf32>
        %mul3A_1568 = arith.mulf %exp3A_1562, %add3A_1539 : vector<16xf32>
        %add3A_1569 = arith.addf %mul3A_1567, %mul3A_1568 : vector<16xf32>
        %mul3A_1570 = arith.mulf %exp3A_1564, %add3A_1548 : vector<16xf32>
        %add3A_1571 = arith.addf %add3A_1569, %mul3A_1570 : vector<16xf32>
        %mul3A_1572 = arith.mulf %exp3A_1566, %add3A_1557 : vector<16xf32>
        %add3A_1573 = arith.addf %add3A_1571, %mul3A_1572 : vector<16xf32>
        %add3A_1574 = arith.addf %exp3A, %exp3A_1562 : vector<16xf32>
        %add3A_1575 = arith.addf %add3A_1574, %exp3A_1564 : vector<16xf32>
        %add3A_1576 = arith.addf %add3A_1575, %exp3A_1566 : vector<16xf32>
        %mul3A_1577 = arith.constant 16 : i32
        %mul3A_1578 = arith.muli %scan3A_114, %mul3A_1577 : i32
        %add3A_1579 = arith.addi %mul3A_54, %mul3A_1578 : i32
        %div3A_1580 = arith.divf %add3A_1573, %add3A_1576 : vector<16xf32>
        %get3A_1581 = arith.index_cast %add3A_1579 : i32 to index
        %get3A_1582 = tpu.vector_load %arg13[%get3A_1581] {strides = array<i32>} : memref<512xf32, #tpu.memory_space<vmem>>, vector<16xf32>,
        %add3A_1583 = arith.addf %div3A_1580, %get3A_1582 : vector<16xf32>
        %get3A_1584 = arith.index_cast %add3A_1579 : i32 to index
        %get3A_1585 = tpu.vector_load %arg14[%get3A_1584] {strides = array<i32>} : memref<512xf32, #tpu.memory_space<vmem>>, vector<16xf32>,
        %add3A_1586 = arith.addf %add3A_1583, %get3A_1585 : vector<16xf32>
        %swap3A = arith.index_cast %add3A_1579 : i32 to index
        %swap3A_1587 = tpu.vector_load %arg15[%swap3A] {strides = array<i32>} : memref<512xf32, #tpu.memory_space<vmem>>, vector<16xf32>,
        tpu.vector_store %arg15[%swap3A], %add3A_1586 {strides = array<i32>} : memref<512xf32, #tpu.memory_space<vmem>>, vector<16xf32>,
      }
      %scan3A_77 = arith.constant 4 : i32
      %lt3A = arith.constant 3 : i32
      %lt3A_78 = arith.cmpi slt, %scan3A_48, %lt3A : i32
      %convert_element_type3A = arith.extui %lt3A_78 : i1 to i32
      %cond3A = arith.constant 0 : i32
      %cond3A_79 = arith.cmpi ne, %convert_element_type3A, %cond3A : i32
      scf.if %cond3A_79 {
        %mul3A_114 = arith.constant 2 : i32
        %mul3A_115 = arith.muli %scan3A_48, %mul3A_114 : i32
        %add3A_116 = arith.constant 0 : i32
        %add3A_117 = arith.addi %mul3A_115, %add3A_116 : i32
        %add3A_118 = arith.constant 2 : i32
        %add3A_119 = arith.addi %add3A_117, %add3A_118 : i32
        %mul3A_120 = arith.constant 64 : i32
        %mul3A_121 = arith.muli %add3A_119, %mul3A_120 : i32
        %dma_start3A_122 = tpu.memref_slice %arg10[%mul3A_121] : memref<512xi32, #tpu.memory_space<vmem>> -> memref<64xi32, #tpu.memory_space<vmem>>
        %dma_start3A_123 = arith.constant 0 : i32
        %dma_start3A_124 = arith.constant 0 : i32
        %dma_start3A_125 = tpu.memref_slice %arg4[%dma_start3A_123, %dma_start3A_124] : memref<100000x128xf32, #tpu.memory_space<hbm>> -> memref<100000x128xf32, #tpu.memory_space<hbm>>
        tpu.enqueue_indirect_dma source(%dma_start3A_125 : memref<100000x128xf32, #tpu.memory_space<hbm>>) target(%arg16 : memref<64x128xf32, #tpu.memory_space<vmem>>) offsets(%dma_start3A_122 : memref<64xi32, #tpu.memory_space<vmem>>) semaphore(%arg23 : memref<!tpu.dma_semaphore, #tpu.memory_space<semaphore_mem>>)
        %dma_start3A_126 = tpu.memref_slice %arg10[%mul3A_121] : memref<512xi32, #tpu.memory_space<vmem>> -> memref<64xi32, #tpu.memory_space<vmem>>
        %dma_start3A_127 = arith.constant 0 : i32
        %dma_start3A_128 = arith.constant 0 : i32
        %dma_start3A_129 = tpu.memref_slice %arg5[%dma_start3A_127, %dma_start3A_128] : memref<100000x128xf32, #tpu.memory_space<hbm>> -> memref<100000x128xf32, #tpu.memory_space<hbm>>
        tpu.enqueue_indirect_dma source(%dma_start3A_129 : memref<100000x128xf32, #tpu.memory_space<hbm>>) target(%arg18 : memref<64x128xf32, #tpu.memory_space<vmem>>) offsets(%dma_start3A_126 : memref<64xi32, #tpu.memory_space<vmem>>) semaphore(%arg23 : memref<!tpu.dma_semaphore, #tpu.memory_space<semaphore_mem>>)
        %dma_start3A_130 = tpu.memref_slice %arg12[%mul3A_121] : memref<512xi32, #tpu.memory_space<vmem>> -> memref<64xi32, #tpu.memory_space<vmem>>
        %dma_start3A_131 = arith.constant 0 : i32
        %dma_start3A_132 = arith.constant 0 : i32
        %dma_start3A_133 = tpu.memref_slice %arg6[%dma_start3A_131, %dma_start3A_132] : memref<25088x128xf32, #tpu.memory_space<hbm>> -> memref<25088x128xf32, #tpu.memory_space<hbm>>
        tpu.enqueue_indirect_dma source(%dma_start3A_133 : memref<25088x128xf32, #tpu.memory_space<hbm>>) target(%arg20 : memref<64x128xf32, #tpu.memory_space<vmem>>) offsets(%dma_start3A_130 : memref<64xi32, #tpu.memory_space<vmem>>) semaphore(%arg23 : memref<!tpu.dma_semaphore, #tpu.memory_space<semaphore_mem>>)
      } else {
      }
      %mul3A_80 = arith.constant 2 : i32
      %mul3A_81 = arith.muli %scan3A_48, %mul3A_80 : i32
      %add3A_82 = arith.constant 1 : i32
      %add3A_83 = arith.addi %mul3A_81, %add3A_82 : i32
      %mul3A_84 = arith.constant 64 : i32
      %mul3A_85 = arith.muli %add3A_83, %mul3A_84 : i32
      %dma_wait3A_86 = arith.constant 0 : i32
      %dma_wait3A_87 = arith.constant 0 : i32
      %dma_wait3A_88 = tpu.memref_slice %arg4[%dma_wait3A_86, %dma_wait3A_87] : memref<100000x128xf32, #tpu.memory_space<hbm>> -> memref<64x128xf32, #tpu.memory_space<hbm>>
      %dma_wait3A_89 = arith.constant 0 : i32
      %dma_wait3A_90 = arith.constant 0 : i32
      %dma_wait3A_91 = tpu.memref_slice %arg4[%dma_wait3A_89, %dma_wait3A_90] : memref<100000x128xf32, #tpu.memory_space<hbm>> -> memref<64x128xf32, #tpu.memory_space<hbm>>
      tpu.wait_dma2 semaphore(%arg24 : memref<!tpu.dma_semaphore, #tpu.memory_space<semaphore_mem>>) src(%dma_wait3A_91 : memref<64x128xf32, #tpu.memory_space<hbm>>) dst(%arg17 : memref<64x128xf32, #tpu.memory_space<vmem>>)
      %dma_wait3A_92 = arith.constant 0 : i32
      %dma_wait3A_93 = arith.constant 0 : i32
      %dma_wait3A_94 = tpu.memref_slice %arg5[%dma_wait3A_92, %dma_wait3A_93] : memref<100000x128xf32, #tpu.memory_space<hbm>> -> memref<64x128xf32, #tpu.memory_space<hbm>>
      %dma_wait3A_95 = arith.constant 0 : i32
      %dma_wait3A_96 = arith.constant 0 : i32
      %dma_wait3A_97 = tpu.memref_slice %arg5[%dma_wait3A_95, %dma_wait3A_96] : memref<100000x128xf32, #tpu.memory_space<hbm>> -> memref<64x128xf32, #tpu.memory_space<hbm>>
      tpu.wait_dma2 semaphore(%arg24 : memref<!tpu.dma_semaphore, #tpu.memory_space<semaphore_mem>>) src(%dma_wait3A_97 : memref<64x128xf32, #tpu.memory_space<hbm>>) dst(%arg19 : memref<64x128xf32, #tpu.memory_space<vmem>>)
      %dma_wait3A_98 = arith.constant 0 : i32
      %dma_wait3A_99 = arith.constant 0 : i32
      %dma_wait3A_100 = tpu.memref_slice %arg6[%dma_wait3A_98, %dma_wait3A_99] : memref<25088x128xf32, #tpu.memory_space<hbm>> -> memref<64x128xf32, #tpu.memory_space<hbm>>
      %dma_wait3A_101 = arith.constant 0 : i32
      %dma_wait3A_102 = arith.constant 0 : i32
      %dma_wait3A_103 = tpu.memref_slice %arg6[%dma_wait3A_101, %dma_wait3A_102] : memref<25088x128xf32, #tpu.memory_space<hbm>> -> memref<64x128xf32, #tpu.memory_space<hbm>>
      tpu.wait_dma2 semaphore(%arg24 : memref<!tpu.dma_semaphore, #tpu.memory_space<semaphore_mem>>) src(%dma_wait3A_103 : memref<64x128xf32, #tpu.memory_space<hbm>>) dst(%arg21 : memref<64x128xf32, #tpu.memory_space<vmem>>)
      %scan3A_104 = arith.constant 0 : i32
      %scan3A_105 = arith.constant 4 : i32
      %scan3A_106 = arith.addi %scan3A_104, %scan3A_105 : i32
      %scan3A_107 = arith.constant 1 : i32
      scf.for %scan3A_114 = %scan3A_104 to %scan3A_106 step %scan3A_107  : i32 {
        %iota3A = tpu.iota {dimensions = array<i32: 0>} : vector<16xi32>
        %mul3A_115 = arith.constant 16 : i32
        %mul3A_116 = arith.muli %scan3A_114, %mul3A_115 : i32
        %broadcast_in_dim3A = vector.broadcast %mul3A_116 : i32 to vector<16xi32>
        %add3A_117 = arith.addi %broadcast_in_dim3A, %iota3A : vector<16xi32>
        %mul3A_118 = arith.constant 16 : i32
        %mul3A_119 = arith.muli %scan3A_114, %mul3A_118 : i32
        %add3A_120 = arith.addi %mul3A_85, %mul3A_119 : i32
        %get3A = arith.index_cast %add3A_120 : i32 to index
        %get3A_121 = tpu.vector_load %arg11[%get3A] {strides = array<i32>} : memref<512xi32, #tpu.memory_space<vmem>>, vector<16xi32>,
        %broadcast_in_dim3A_122 = arith.constant 25088 : i32
        %broadcast_in_dim3A_123 = vector.broadcast %broadcast_in_dim3A_122 : i32 to vector<16xi32>
        %div3A = arith.divsi %get3A_121, %broadcast_in_dim3A_123 : vector<16xi32>
        %sign3A = arith.constant 0 : i32
        %sign3A_124 = vector.broadcast %sign3A : i32 to vector<16xi32>
        %sign3A_125 = arith.cmpi sgt, %get3A_121, %sign3A_124 : vector<16xi32>
        %sign3A_126 = arith.extui %sign3A_125 : vector<16xi1> to vector<16xi32>
        %sign3A_127 = arith.constant 0 : i32
        %sign3A_128 = vector.broadcast %sign3A_127 : i32 to vector<16xi32>
        %sign3A_129 = arith.cmpi slt, %get3A_121, %sign3A_128 : vector<16xi32>
        %sign3A_130 = arith.extui %sign3A_129 : vector<16xi1> to vector<16xi32>
        %sign3A_131 = arith.subi %sign3A_126, %sign3A_130 : vector<16xi32>
        %sign3A_132 = arith.constant 0 : i32
        %sign3A_133 = vector.broadcast %sign3A_132 : i32 to vector<16xi32>
        %sign3A_134 = arith.cmpi sgt, %broadcast_in_dim3A_123, %sign3A_133 : vector<16xi32>
        %sign3A_135 = arith.extui %sign3A_134 : vector<16xi1> to vector<16xi32>
        %sign3A_136 = arith.constant 0 : i32
        %sign3A_137 = vector.broadcast %sign3A_136 : i32 to vector<16xi32>
        %sign3A_138 = arith.cmpi slt, %broadcast_in_dim3A_123, %sign3A_137 : vector<16xi32>
        %sign3A_139 = arith.extui %sign3A_138 : vector<16xi1> to vector<16xi32>
        %sign3A_140 = arith.subi %sign3A_135, %sign3A_139 : vector<16xi32>
        %ne3A = arith.cmpi ne, %sign3A_131, %sign3A_140 : vector<16xi32>
        %rem3A = arith.remsi %get3A_121, %broadcast_in_dim3A_123 : vector<16xi32>
        %ne3A_141 = arith.constant 0 : i32
        %ne3A_142 = vector.broadcast %ne3A_141 : i32 to vector<16xi32>
        %ne3A_143 = arith.cmpi ne, %rem3A, %ne3A_142 : vector<16xi32>
        %and3A = arith.andi %ne3A, %ne3A_143 : vector<16xi1>
        %sub3A = arith.constant 1 : i32
        %sub3A_144 = vector.broadcast %sub3A : i32 to vector<16xi32>
        %sub3A_145 = arith.subi %div3A, %sub3A_144 : vector<16xi32>
        %select_n3A = arith.select %and3A, %sub3A_145, %div3A : vector<16xi1>, vector<16xi32>
        %mul3A_146 = arith.constant 32 : i32
        %mul3A_147 = vector.broadcast %mul3A_146 : i32 to vector<16xi32>
        %mul3A_148 = arith.muli %select_n3A, %mul3A_147 : vector<16xi32>
        %broadcast_in_dim3A_149 = arith.constant 0.000000e+00 : f32
        %broadcast_in_dim3A_150 = vector.broadcast %broadcast_in_dim3A_149 : f32 to vector<16xf32>
        %broadcast_in_dim3A_151 = arith.constant 0 : i32
        %broadcast_in_dim3A_152 = vector.broadcast %broadcast_in_dim3A_151 : i32 to vector<16xi32>
        %add3A_153 = arith.addi %broadcast_in_dim3A_152, %iota3A : vector<16xi32>
        %and3A_154 = arith.constant 31 : i32
        %and3A_155 = vector.broadcast %and3A_154 : i32 to vector<16xi32>
        %and3A_156 = arith.andi %add3A_153, %and3A_155 : vector<16xi32>
        %add3A_157 = arith.addi %mul3A_148, %and3A_156 : vector<16xi32>
        %gather3A = tpu.vector_load_idx %arg21[%add3A_117, %add3A_157] : memref<64x128xf32, #tpu.memory_space<vmem>>[vector<16xi32>, vector<16xi32>], vector<16xf32>,
        %add3A_158 = arith.constant 0 : i32
        %add3A_159 = vector.broadcast %add3A_158 : i32 to vector<16xi32>
        %add3A_160 = arith.addi %and3A_156, %add3A_159 : vector<16xi32>
        %gather3A_161 = tpu.vector_load_idx %arg19[%add3A_117, %add3A_160] : memref<64x128xf32, #tpu.memory_space<vmem>>[vector<16xi32>, vector<16xi32>], vector<16xf32>,
        %gather3A_162 = tpu.vector_load_idx %arg17[%add3A_117, %add3A_160] : memref<64x128xf32, #tpu.memory_space<vmem>>[vector<16xi32>, vector<16xi32>], vector<16xf32>,
        %mul3A_163 = arith.mulf %gather3A_161, %gather3A : vector<16xf32>
        %add3A_164 = arith.addf %broadcast_in_dim3A_150, %mul3A_163 : vector<16xf32>
        %mul3A_165 = arith.mulf %gather3A_162, %gather3A : vector<16xf32>
        %add3A_166 = arith.addf %broadcast_in_dim3A_150, %mul3A_165 : vector<16xf32>
        %add3A_167 = arith.constant 32 : i32
        %add3A_168 = vector.broadcast %add3A_167 : i32 to vector<16xi32>
        %add3A_169 = arith.addi %and3A_156, %add3A_168 : vector<16xi32>
        %gather3A_170 = tpu.vector_load_idx %arg19[%add3A_117, %add3A_169] : memref<64x128xf32, #tpu.memory_space<vmem>>[vector<16xi32>, vector<16xi32>], vector<16xf32>,
        %gather3A_171 = tpu.vector_load_idx %arg17[%add3A_117, %add3A_169] : memref<64x128xf32, #tpu.memory_space<vmem>>[vector<16xi32>, vector<16xi32>], vector<16xf32>,
        %mul3A_172 = arith.mulf %gather3A_170, %gather3A : vector<16xf32>
        %add3A_173 = arith.addf %broadcast_in_dim3A_150, %mul3A_172 : vector<16xf32>
        %mul3A_174 = arith.mulf %gather3A_171, %gather3A : vector<16xf32>
        %add3A_175 = arith.addf %broadcast_in_dim3A_150, %mul3A_174 : vector<16xf32>
        %add3A_176 = arith.constant 64 : i32
        %add3A_177 = vector.broadcast %add3A_176 : i32 to vector<16xi32>
        %add3A_178 = arith.addi %and3A_156, %add3A_177 : vector<16xi32>
        %gather3A_179 = tpu.vector_load_idx %arg19[%add3A_117, %add3A_178] : memref<64x128xf32, #tpu.memory_space<vmem>>[vector<16xi32>, vector<16xi32>], vector<16xf32>,
        %gather3A_180 = tpu.vector_load_idx %arg17[%add3A_117, %add3A_178] : memref<64x128xf32, #tpu.memory_space<vmem>>[vector<16xi32>, vector<16xi32>], vector<16xf32>,
        %mul3A_181 = arith.mulf %gather3A_179, %gather3A : vector<16xf32>
        %add3A_182 = arith.addf %broadcast_in_dim3A_150, %mul3A_181 : vector<16xf32>
        %mul3A_183 = arith.mulf %gather3A_180, %gather3A : vector<16xf32>
        %add3A_184 = arith.addf %broadcast_in_dim3A_150, %mul3A_183 : vector<16xf32>
        %add3A_185 = arith.constant 96 : i32
        %add3A_186 = vector.broadcast %add3A_185 : i32 to vector<16xi32>
        %add3A_187 = arith.addi %and3A_156, %add3A_186 : vector<16xi32>
        %gather3A_188 = tpu.vector_load_idx %arg19[%add3A_117, %add3A_187] : memref<64x128xf32, #tpu.memory_space<vmem>>[vector<16xi32>, vector<16xi32>], vector<16xf32>,
        %gather3A_189 = tpu.vector_load_idx %arg17[%add3A_117, %add3A_187] : memref<64x128xf32, #tpu.memory_space<vmem>>[vector<16xi32>, vector<16xi32>], vector<16xf32>,
        %mul3A_190 = arith.mulf %gather3A_188, %gather3A : vector<16xf32>
        %add3A_191 = arith.addf %broadcast_in_dim3A_150, %mul3A_190 : vector<16xf32>
        %mul3A_192 = arith.mulf %gather3A_189, %gather3A : vector<16xf32>
        %add3A_193 = arith.addf %broadcast_in_dim3A_150, %mul3A_192 : vector<16xf32>
        %broadcast_in_dim3A_194 = arith.constant 1 : i32
        %broadcast_in_dim3A_195 = vector.broadcast %broadcast_in_dim3A_194 : i32 to vector<16xi32>
        %add3A_196 = arith.addi %broadcast_in_dim3A_195, %iota3A : vector<16xi32>
        %and3A_197 = arith.constant 31 : i32
        %and3A_198 = vector.broadcast %and3A_197 : i32 to vector<16xi32>
        %and3A_199 = arith.andi %add3A_196, %and3A_198 : vector<16xi32>
        %add3A_200 = arith.addi %mul3A_148, %and3A_199 : vector<16xi32>
        %gather3A_201 = tpu.vector_load_idx %arg21[%add3A_117, %add3A_200] : memref<64x128xf32, #tpu.memory_space<vmem>>[vector<16xi32>, vector<16xi32>], vector<16xf32>,
        %add3A_202 = arith.constant 0 : i32
        %add3A_203 = vector.broadcast %add3A_202 : i32 to vector<16xi32>
        %add3A_204 = arith.addi %and3A_199, %add3A_203 : vector<16xi32>
        %gather3A_205 = tpu.vector_load_idx %arg19[%add3A_117, %add3A_204] : memref<64x128xf32, #tpu.memory_space<vmem>>[vector<16xi32>, vector<16xi32>], vector<16xf32>,
        %gather3A_206 = tpu.vector_load_idx %arg17[%add3A_117, %add3A_204] : memref<64x128xf32, #tpu.memory_space<vmem>>[vector<16xi32>, vector<16xi32>], vector<16xf32>,
        %mul3A_207 = arith.mulf %gather3A_205, %gather3A_201 : vector<16xf32>
        %add3A_208 = arith.addf %add3A_164, %mul3A_207 : vector<16xf32>
        %mul3A_209 = arith.mulf %gather3A_206, %gather3A_201 : vector<16xf32>
        %add3A_210 = arith.addf %add3A_166, %mul3A_209 : vector<16xf32>
        %add3A_211 = arith.constant 32 : i32
        %add3A_212 = vector.broadcast %add3A_211 : i32 to vector<16xi32>
        %add3A_213 = arith.addi %and3A_199, %add3A_212 : vector<16xi32>
        %gather3A_214 = tpu.vector_load_idx %arg19[%add3A_117, %add3A_213] : memref<64x128xf32, #tpu.memory_space<vmem>>[vector<16xi32>, vector<16xi32>], vector<16xf32>,
        %gather3A_215 = tpu.vector_load_idx %arg17[%add3A_117, %add3A_213] : memref<64x128xf32, #tpu.memory_space<vmem>>[vector<16xi32>, vector<16xi32>], vector<16xf32>,
        %mul3A_216 = arith.mulf %gather3A_214, %gather3A_201 : vector<16xf32>
        %add3A_217 = arith.addf %add3A_173, %mul3A_216 : vector<16xf32>
        %mul3A_218 = arith.mulf %gather3A_215, %gather3A_201 : vector<16xf32>
        %add3A_219 = arith.addf %add3A_175, %mul3A_218 : vector<16xf32>
        %add3A_220 = arith.constant 64 : i32
        %add3A_221 = vector.broadcast %add3A_220 : i32 to vector<16xi32>
        %add3A_222 = arith.addi %and3A_199, %add3A_221 : vector<16xi32>
        %gather3A_223 = tpu.vector_load_idx %arg19[%add3A_117, %add3A_222] : memref<64x128xf32, #tpu.memory_space<vmem>>[vector<16xi32>, vector<16xi32>], vector<16xf32>,
        %gather3A_224 = tpu.vector_load_idx %arg17[%add3A_117, %add3A_222] : memref<64x128xf32, #tpu.memory_space<vmem>>[vector<16xi32>, vector<16xi32>], vector<16xf32>,
        %mul3A_225 = arith.mulf %gather3A_223, %gather3A_201 : vector<16xf32>
        %add3A_226 = arith.addf %add3A_182, %mul3A_225 : vector<16xf32>
        %mul3A_227 = arith.mulf %gather3A_224, %gather3A_201 : vector<16xf32>
        %add3A_228 = arith.addf %add3A_184, %mul3A_227 : vector<16xf32>
        %add3A_229 = arith.constant 96 : i32
        %add3A_230 = vector.broadcast %add3A_229 : i32 to vector<16xi32>
        %add3A_231 = arith.addi %and3A_199, %add3A_230 : vector<16xi32>
        %gather3A_232 = tpu.vector_load_idx %arg19[%add3A_117, %add3A_231] : memref<64x128xf32, #tpu.memory_space<vmem>>[vector<16xi32>, vector<16xi32>], vector<16xf32>,
        %gather3A_233 = tpu.vector_load_idx %arg17[%add3A_117, %add3A_231] : memref<64x128xf32, #tpu.memory_space<vmem>>[vector<16xi32>, vector<16xi32>], vector<16xf32>,
        %mul3A_234 = arith.mulf %gather3A_232, %gather3A_201 : vector<16xf32>
        %add3A_235 = arith.addf %add3A_191, %mul3A_234 : vector<16xf32>
        %mul3A_236 = arith.mulf %gather3A_233, %gather3A_201 : vector<16xf32>
        %add3A_237 = arith.addf %add3A_193, %mul3A_236 : vector<16xf32>
        %broadcast_in_dim3A_238 = arith.constant 2 : i32
        %broadcast_in_dim3A_239 = vector.broadcast %broadcast_in_dim3A_238 : i32 to vector<16xi32>
        %add3A_240 = arith.addi %broadcast_in_dim3A_239, %iota3A : vector<16xi32>
        %and3A_241 = arith.constant 31 : i32
        %and3A_242 = vector.broadcast %and3A_241 : i32 to vector<16xi32>
        %and3A_243 = arith.andi %add3A_240, %and3A_242 : vector<16xi32>
        %add3A_244 = arith.addi %mul3A_148, %and3A_243 : vector<16xi32>
        %gather3A_245 = tpu.vector_load_idx %arg21[%add3A_117, %add3A_244] : memref<64x128xf32, #tpu.memory_space<vmem>>[vector<16xi32>, vector<16xi32>], vector<16xf32>,
        %add3A_246 = arith.constant 0 : i32
        %add3A_247 = vector.broadcast %add3A_246 : i32 to vector<16xi32>
        %add3A_248 = arith.addi %and3A_243, %add3A_247 : vector<16xi32>
        %gather3A_249 = tpu.vector_load_idx %arg19[%add3A_117, %add3A_248] : memref<64x128xf32, #tpu.memory_space<vmem>>[vector<16xi32>, vector<16xi32>], vector<16xf32>,
        %gather3A_250 = tpu.vector_load_idx %arg17[%add3A_117, %add3A_248] : memref<64x128xf32, #tpu.memory_space<vmem>>[vector<16xi32>, vector<16xi32>], vector<16xf32>,
        %mul3A_251 = arith.mulf %gather3A_249, %gather3A_245 : vector<16xf32>
        %add3A_252 = arith.addf %add3A_208, %mul3A_251 : vector<16xf32>
        %mul3A_253 = arith.mulf %gather3A_250, %gather3A_245 : vector<16xf32>
        %add3A_254 = arith.addf %add3A_210, %mul3A_253 : vector<16xf32>
        %add3A_255 = arith.constant 32 : i32
        %add3A_256 = vector.broadcast %add3A_255 : i32 to vector<16xi32>
        %add3A_257 = arith.addi %and3A_243, %add3A_256 : vector<16xi32>
        %gather3A_258 = tpu.vector_load_idx %arg19[%add3A_117, %add3A_257] : memref<64x128xf32, #tpu.memory_space<vmem>>[vector<16xi32>, vector<16xi32>], vector<16xf32>,
        %gather3A_259 = tpu.vector_load_idx %arg17[%add3A_117, %add3A_257] : memref<64x128xf32, #tpu.memory_space<vmem>>[vector<16xi32>, vector<16xi32>], vector<16xf32>,
        %mul3A_260 = arith.mulf %gather3A_258, %gather3A_245 : vector<16xf32>
        %add3A_261 = arith.addf %add3A_217, %mul3A_260 : vector<16xf32>
        %mul3A_262 = arith.mulf %gather3A_259, %gather3A_245 : vector<16xf32>
        %add3A_263 = arith.addf %add3A_219, %mul3A_262 : vector<16xf32>
        %add3A_264 = arith.constant 64 : i32
        %add3A_265 = vector.broadcast %add3A_264 : i32 to vector<16xi32>
        %add3A_266 = arith.addi %and3A_243, %add3A_265 : vector<16xi32>
        %gather3A_267 = tpu.vector_load_idx %arg19[%add3A_117, %add3A_266] : memref<64x128xf32, #tpu.memory_space<vmem>>[vector<16xi32>, vector<16xi32>], vector<16xf32>,
        %gather3A_268 = tpu.vector_load_idx %arg17[%add3A_117, %add3A_266] : memref<64x128xf32, #tpu.memory_space<vmem>>[vector<16xi32>, vector<16xi32>], vector<16xf32>,
        %mul3A_269 = arith.mulf %gather3A_267, %gather3A_245 : vector<16xf32>
        %add3A_270 = arith.addf %add3A_226, %mul3A_269 : vector<16xf32>
        %mul3A_271 = arith.mulf %gather3A_268, %gather3A_245 : vector<16xf32>
        %add3A_272 = arith.addf %add3A_228, %mul3A_271 : vector<16xf32>
        %add3A_273 = arith.constant 96 : i32
        %add3A_274 = vector.broadcast %add3A_273 : i32 to vector<16xi32>
        %add3A_275 = arith.addi %and3A_243, %add3A_274 : vector<16xi32>
        %gather3A_276 = tpu.vector_load_idx %arg19[%add3A_117, %add3A_275] : memref<64x128xf32, #tpu.memory_space<vmem>>[vector<16xi32>, vector<16xi32>], vector<16xf32>,
        %gather3A_277 = tpu.vector_load_idx %arg17[%add3A_117, %add3A_275] : memref<64x128xf32, #tpu.memory_space<vmem>>[vector<16xi32>, vector<16xi32>], vector<16xf32>,
        %mul3A_278 = arith.mulf %gather3A_276, %gather3A_245 : vector<16xf32>
        %add3A_279 = arith.addf %add3A_235, %mul3A_278 : vector<16xf32>
        %mul3A_280 = arith.mulf %gather3A_277, %gather3A_245 : vector<16xf32>
        %add3A_281 = arith.addf %add3A_237, %mul3A_280 : vector<16xf32>
        %broadcast_in_dim3A_282 = arith.constant 3 : i32
        %broadcast_in_dim3A_283 = vector.broadcast %broadcast_in_dim3A_282 : i32 to vector<16xi32>
        %add3A_284 = arith.addi %broadcast_in_dim3A_283, %iota3A : vector<16xi32>
        %and3A_285 = arith.constant 31 : i32
        %and3A_286 = vector.broadcast %and3A_285 : i32 to vector<16xi32>
        %and3A_287 = arith.andi %add3A_284, %and3A_286 : vector<16xi32>
        %add3A_288 = arith.addi %mul3A_148, %and3A_287 : vector<16xi32>
        %gather3A_289 = tpu.vector_load_idx %arg21[%add3A_117, %add3A_288] : memref<64x128xf32, #tpu.memory_space<vmem>>[vector<16xi32>, vector<16xi32>], vector<16xf32>,
        %add3A_290 = arith.constant 0 : i32
        %add3A_291 = vector.broadcast %add3A_290 : i32 to vector<16xi32>
        %add3A_292 = arith.addi %and3A_287, %add3A_291 : vector<16xi32>
        %gather3A_293 = tpu.vector_load_idx %arg19[%add3A_117, %add3A_292] : memref<64x128xf32, #tpu.memory_space<vmem>>[vector<16xi32>, vector<16xi32>], vector<16xf32>,
        %gather3A_294 = tpu.vector_load_idx %arg17[%add3A_117, %add3A_292] : memref<64x128xf32, #tpu.memory_space<vmem>>[vector<16xi32>, vector<16xi32>], vector<16xf32>,
        %mul3A_295 = arith.mulf %gather3A_293, %gather3A_289 : vector<16xf32>
        %add3A_296 = arith.addf %add3A_252, %mul3A_295 : vector<16xf32>
        %mul3A_297 = arith.mulf %gather3A_294, %gather3A_289 : vector<16xf32>
        %add3A_298 = arith.addf %add3A_254, %mul3A_297 : vector<16xf32>
        %add3A_299 = arith.constant 32 : i32
        %add3A_300 = vector.broadcast %add3A_299 : i32 to vector<16xi32>
        %add3A_301 = arith.addi %and3A_287, %add3A_300 : vector<16xi32>
        %gather3A_302 = tpu.vector_load_idx %arg19[%add3A_117, %add3A_301] : memref<64x128xf32, #tpu.memory_space<vmem>>[vector<16xi32>, vector<16xi32>], vector<16xf32>,
        %gather3A_303 = tpu.vector_load_idx %arg17[%add3A_117, %add3A_301] : memref<64x128xf32, #tpu.memory_space<vmem>>[vector<16xi32>, vector<16xi32>], vector<16xf32>,
        %mul3A_304 = arith.mulf %gather3A_302, %gather3A_289 : vector<16xf32>
        %add3A_305 = arith.addf %add3A_261, %mul3A_304 : vector<16xf32>
        %mul3A_306 = arith.mulf %gather3A_303, %gather3A_289 : vector<16xf32>
        %add3A_307 = arith.addf %add3A_263, %mul3A_306 : vector<16xf32>
        %add3A_308 = arith.constant 64 : i32
        %add3A_309 = vector.broadcast %add3A_308 : i32 to vector<16xi32>
        %add3A_310 = arith.addi %and3A_287, %add3A_309 : vector<16xi32>
        %gather3A_311 = tpu.vector_load_idx %arg19[%add3A_117, %add3A_310] : memref<64x128xf32, #tpu.memory_space<vmem>>[vector<16xi32>, vector<16xi32>], vector<16xf32>,
        %gather3A_312 = tpu.vector_load_idx %arg17[%add3A_117, %add3A_310] : memref<64x128xf32, #tpu.memory_space<vmem>>[vector<16xi32>, vector<16xi32>], vector<16xf32>,
        %mul3A_313 = arith.mulf %gather3A_311, %gather3A_289 : vector<16xf32>
        %add3A_314 = arith.addf %add3A_270, %mul3A_313 : vector<16xf32>
        %mul3A_315 = arith.mulf %gather3A_312, %gather3A_289 : vector<16xf32>
        %add3A_316 = arith.addf %add3A_272, %mul3A_315 : vector<16xf32>
        %add3A_317 = arith.constant 96 : i32
        %add3A_318 = vector.broadcast %add3A_317 : i32 to vector<16xi32>
        %add3A_319 = arith.addi %and3A_287, %add3A_318 : vector<16xi32>
        %gather3A_320 = tpu.vector_load_idx %arg19[%add3A_117, %add3A_319] : memref<64x128xf32, #tpu.memory_space<vmem>>[vector<16xi32>, vector<16xi32>], vector<16xf32>,
        %gather3A_321 = tpu.vector_load_idx %arg17[%add3A_117, %add3A_319] : memref<64x128xf32, #tpu.memory_space<vmem>>[vector<16xi32>, vector<16xi32>], vector<16xf32>,
        %mul3A_322 = arith.mulf %gather3A_320, %gather3A_289 : vector<16xf32>
        %add3A_323 = arith.addf %add3A_279, %mul3A_322 : vector<16xf32>
        %mul3A_324 = arith.mulf %gather3A_321, %gather3A_289 : vector<16xf32>
        %add3A_325 = arith.addf %add3A_281, %mul3A_324 : vector<16xf32>
        %broadcast_in_dim3A_326 = arith.constant 4 : i32
        %broadcast_in_dim3A_327 = vector.broadcast %broadcast_in_dim3A_326 : i32 to vector<16xi32>
        %add3A_328 = arith.addi %broadcast_in_dim3A_327, %iota3A : vector<16xi32>
        %and3A_329 = arith.constant 31 : i32
        %and3A_330 = vector.broadcast %and3A_329 : i32 to vector<16xi32>
        %and3A_331 = arith.andi %add3A_328, %and3A_330 : vector<16xi32>
        %add3A_332 = arith.addi %mul3A_148, %and3A_331 : vector<16xi32>
        %gather3A_333 = tpu.vector_load_idx %arg21[%add3A_117, %add3A_332] : memref<64x128xf32, #tpu.memory_space<vmem>>[vector<16xi32>, vector<16xi32>], vector<16xf32>,
        %add3A_334 = arith.constant 0 : i32
        %add3A_335 = vector.broadcast %add3A_334 : i32 to vector<16xi32>
        %add3A_336 = arith.addi %and3A_331, %add3A_335 : vector<16xi32>
        %gather3A_337 = tpu.vector_load_idx %arg19[%add3A_117, %add3A_336] : memref<64x128xf32, #tpu.memory_space<vmem>>[vector<16xi32>, vector<16xi32>], vector<16xf32>,
        %gather3A_338 = tpu.vector_load_idx %arg17[%add3A_117, %add3A_336] : memref<64x128xf32, #tpu.memory_space<vmem>>[vector<16xi32>, vector<16xi32>], vector<16xf32>,
        %mul3A_339 = arith.mulf %gather3A_337, %gather3A_333 : vector<16xf32>
        %add3A_340 = arith.addf %add3A_296, %mul3A_339 : vector<16xf32>
        %mul3A_341 = arith.mulf %gather3A_338, %gather3A_333 : vector<16xf32>
        %add3A_342 = arith.addf %add3A_298, %mul3A_341 : vector<16xf32>
        %add3A_343 = arith.constant 32 : i32
        %add3A_344 = vector.broadcast %add3A_343 : i32 to vector<16xi32>
        %add3A_345 = arith.addi %and3A_331, %add3A_344 : vector<16xi32>
        %gather3A_346 = tpu.vector_load_idx %arg19[%add3A_117, %add3A_345] : memref<64x128xf32, #tpu.memory_space<vmem>>[vector<16xi32>, vector<16xi32>], vector<16xf32>,
        %gather3A_347 = tpu.vector_load_idx %arg17[%add3A_117, %add3A_345] : memref<64x128xf32, #tpu.memory_space<vmem>>[vector<16xi32>, vector<16xi32>], vector<16xf32>,
        %mul3A_348 = arith.mulf %gather3A_346, %gather3A_333 : vector<16xf32>
        %add3A_349 = arith.addf %add3A_305, %mul3A_348 : vector<16xf32>
        %mul3A_350 = arith.mulf %gather3A_347, %gather3A_333 : vector<16xf32>
        %add3A_351 = arith.addf %add3A_307, %mul3A_350 : vector<16xf32>
        %add3A_352 = arith.constant 64 : i32
        %add3A_353 = vector.broadcast %add3A_352 : i32 to vector<16xi32>
        %add3A_354 = arith.addi %and3A_331, %add3A_353 : vector<16xi32>
        %gather3A_355 = tpu.vector_load_idx %arg19[%add3A_117, %add3A_354] : memref<64x128xf32, #tpu.memory_space<vmem>>[vector<16xi32>, vector<16xi32>], vector<16xf32>,
        %gather3A_356 = tpu.vector_load_idx %arg17[%add3A_117, %add3A_354] : memref<64x128xf32, #tpu.memory_space<vmem>>[vector<16xi32>, vector<16xi32>], vector<16xf32>,
        %mul3A_357 = arith.mulf %gather3A_355, %gather3A_333 : vector<16xf32>
        %add3A_358 = arith.addf %add3A_314, %mul3A_357 : vector<16xf32>
        %mul3A_359 = arith.mulf %gather3A_356, %gather3A_333 : vector<16xf32>
        %add3A_360 = arith.addf %add3A_316, %mul3A_359 : vector<16xf32>
        %add3A_361 = arith.constant 96 : i32
        %add3A_362 = vector.broadcast %add3A_361 : i32 to vector<16xi32>
        %add3A_363 = arith.addi %and3A_331, %add3A_362 : vector<16xi32>
        %gather3A_364 = tpu.vector_load_idx %arg19[%add3A_117, %add3A_363] : memref<64x128xf32, #tpu.memory_space<vmem>>[vector<16xi32>, vector<16xi32>], vector<16xf32>,
        %gather3A_365 = tpu.vector_load_idx %arg17[%add3A_117, %add3A_363] : memref<64x128xf32, #tpu.memory_space<vmem>>[vector<16xi32>, vector<16xi32>], vector<16xf32>,
        %mul3A_366 = arith.mulf %gather3A_364, %gather3A_333 : vector<16xf32>
        %add3A_367 = arith.addf %add3A_323, %mul3A_366 : vector<16xf32>
        %mul3A_368 = arith.mulf %gather3A_365, %gather3A_333 : vector<16xf32>
        %add3A_369 = arith.addf %add3A_325, %mul3A_368 : vector<16xf32>
        %broadcast_in_dim3A_370 = arith.constant 5 : i32
        %broadcast_in_dim3A_371 = vector.broadcast %broadcast_in_dim3A_370 : i32 to vector<16xi32>
        %add3A_372 = arith.addi %broadcast_in_dim3A_371, %iota3A : vector<16xi32>
        %and3A_373 = arith.constant 31 : i32
        %and3A_374 = vector.broadcast %and3A_373 : i32 to vector<16xi32>
        %and3A_375 = arith.andi %add3A_372, %and3A_374 : vector<16xi32>
        %add3A_376 = arith.addi %mul3A_148, %and3A_375 : vector<16xi32>
        %gather3A_377 = tpu.vector_load_idx %arg21[%add3A_117, %add3A_376] : memref<64x128xf32, #tpu.memory_space<vmem>>[vector<16xi32>, vector<16xi32>], vector<16xf32>,
        %add3A_378 = arith.constant 0 : i32
        %add3A_379 = vector.broadcast %add3A_378 : i32 to vector<16xi32>
        %add3A_380 = arith.addi %and3A_375, %add3A_379 : vector<16xi32>
        %gather3A_381 = tpu.vector_load_idx %arg19[%add3A_117, %add3A_380] : memref<64x128xf32, #tpu.memory_space<vmem>>[vector<16xi32>, vector<16xi32>], vector<16xf32>,
        %gather3A_382 = tpu.vector_load_idx %arg17[%add3A_117, %add3A_380] : memref<64x128xf32, #tpu.memory_space<vmem>>[vector<16xi32>, vector<16xi32>], vector<16xf32>,
        %mul3A_383 = arith.mulf %gather3A_381, %gather3A_377 : vector<16xf32>
        %add3A_384 = arith.addf %add3A_340, %mul3A_383 : vector<16xf32>
        %mul3A_385 = arith.mulf %gather3A_382, %gather3A_377 : vector<16xf32>
        %add3A_386 = arith.addf %add3A_342, %mul3A_385 : vector<16xf32>
        %add3A_387 = arith.constant 32 : i32
        %add3A_388 = vector.broadcast %add3A_387 : i32 to vector<16xi32>
        %add3A_389 = arith.addi %and3A_375, %add3A_388 : vector<16xi32>
        %gather3A_390 = tpu.vector_load_idx %arg19[%add3A_117, %add3A_389] : memref<64x128xf32, #tpu.memory_space<vmem>>[vector<16xi32>, vector<16xi32>], vector<16xf32>,
        %gather3A_391 = tpu.vector_load_idx %arg17[%add3A_117, %add3A_389] : memref<64x128xf32, #tpu.memory_space<vmem>>[vector<16xi32>, vector<16xi32>], vector<16xf32>,
        %mul3A_392 = arith.mulf %gather3A_390, %gather3A_377 : vector<16xf32>
        %add3A_393 = arith.addf %add3A_349, %mul3A_392 : vector<16xf32>
        %mul3A_394 = arith.mulf %gather3A_391, %gather3A_377 : vector<16xf32>
        %add3A_395 = arith.addf %add3A_351, %mul3A_394 : vector<16xf32>
        %add3A_396 = arith.constant 64 : i32
        %add3A_397 = vector.broadcast %add3A_396 : i32 to vector<16xi32>
        %add3A_398 = arith.addi %and3A_375, %add3A_397 : vector<16xi32>
        %gather3A_399 = tpu.vector_load_idx %arg19[%add3A_117, %add3A_398] : memref<64x128xf32, #tpu.memory_space<vmem>>[vector<16xi32>, vector<16xi32>], vector<16xf32>,
        %gather3A_400 = tpu.vector_load_idx %arg17[%add3A_117, %add3A_398] : memref<64x128xf32, #tpu.memory_space<vmem>>[vector<16xi32>, vector<16xi32>], vector<16xf32>,
        %mul3A_401 = arith.mulf %gather3A_399, %gather3A_377 : vector<16xf32>
        %add3A_402 = arith.addf %add3A_358, %mul3A_401 : vector<16xf32>
        %mul3A_403 = arith.mulf %gather3A_400, %gather3A_377 : vector<16xf32>
        %add3A_404 = arith.addf %add3A_360, %mul3A_403 : vector<16xf32>
        %add3A_405 = arith.constant 96 : i32
        %add3A_406 = vector.broadcast %add3A_405 : i32 to vector<16xi32>
        %add3A_407 = arith.addi %and3A_375, %add3A_406 : vector<16xi32>
        %gather3A_408 = tpu.vector_load_idx %arg19[%add3A_117, %add3A_407] : memref<64x128xf32, #tpu.memory_space<vmem>>[vector<16xi32>, vector<16xi32>], vector<16xf32>,
        %gather3A_409 = tpu.vector_load_idx %arg17[%add3A_117, %add3A_407] : memref<64x128xf32, #tpu.memory_space<vmem>>[vector<16xi32>, vector<16xi32>], vector<16xf32>,
        %mul3A_410 = arith.mulf %gather3A_408, %gather3A_377 : vector<16xf32>
        %add3A_411 = arith.addf %add3A_367, %mul3A_410 : vector<16xf32>
        %mul3A_412 = arith.mulf %gather3A_409, %gather3A_377 : vector<16xf32>
        %add3A_413 = arith.addf %add3A_369, %mul3A_412 : vector<16xf32>
        %broadcast_in_dim3A_414 = arith.constant 6 : i32
        %broadcast_in_dim3A_415 = vector.broadcast %broadcast_in_dim3A_414 : i32 to vector<16xi32>
        %add3A_416 = arith.addi %broadcast_in_dim3A_415, %iota3A : vector<16xi32>
        %and3A_417 = arith.constant 31 : i32
        %and3A_418 = vector.broadcast %and3A_417 : i32 to vector<16xi32>
        %and3A_419 = arith.andi %add3A_416, %and3A_418 : vector<16xi32>
        %add3A_420 = arith.addi %mul3A_148, %and3A_419 : vector<16xi32>
        %gather3A_421 = tpu.vector_load_idx %arg21[%add3A_117, %add3A_420] : memref<64x128xf32, #tpu.memory_space<vmem>>[vector<16xi32>, vector<16xi32>], vector<16xf32>,
        %add3A_422 = arith.constant 0 : i32
        %add3A_423 = vector.broadcast %add3A_422 : i32 to vector<16xi32>
        %add3A_424 = arith.addi %and3A_419, %add3A_423 : vector<16xi32>
        %gather3A_425 = tpu.vector_load_idx %arg19[%add3A_117, %add3A_424] : memref<64x128xf32, #tpu.memory_space<vmem>>[vector<16xi32>, vector<16xi32>], vector<16xf32>,
        %gather3A_426 = tpu.vector_load_idx %arg17[%add3A_117, %add3A_424] : memref<64x128xf32, #tpu.memory_space<vmem>>[vector<16xi32>, vector<16xi32>], vector<16xf32>,
        %mul3A_427 = arith.mulf %gather3A_425, %gather3A_421 : vector<16xf32>
        %add3A_428 = arith.addf %add3A_384, %mul3A_427 : vector<16xf32>
        %mul3A_429 = arith.mulf %gather3A_426, %gather3A_421 : vector<16xf32>
        %add3A_430 = arith.addf %add3A_386, %mul3A_429 : vector<16xf32>
        %add3A_431 = arith.constant 32 : i32
        %add3A_432 = vector.broadcast %add3A_431 : i32 to vector<16xi32>
        %add3A_433 = arith.addi %and3A_419, %add3A_432 : vector<16xi32>
        %gather3A_434 = tpu.vector_load_idx %arg19[%add3A_117, %add3A_433] : memref<64x128xf32, #tpu.memory_space<vmem>>[vector<16xi32>, vector<16xi32>], vector<16xf32>,
        %gather3A_435 = tpu.vector_load_idx %arg17[%add3A_117, %add3A_433] : memref<64x128xf32, #tpu.memory_space<vmem>>[vector<16xi32>, vector<16xi32>], vector<16xf32>,
        %mul3A_436 = arith.mulf %gather3A_434, %gather3A_421 : vector<16xf32>
        %add3A_437 = arith.addf %add3A_393, %mul3A_436 : vector<16xf32>
        %mul3A_438 = arith.mulf %gather3A_435, %gather3A_421 : vector<16xf32>
        %add3A_439 = arith.addf %add3A_395, %mul3A_438 : vector<16xf32>
        %add3A_440 = arith.constant 64 : i32
        %add3A_441 = vector.broadcast %add3A_440 : i32 to vector<16xi32>
        %add3A_442 = arith.addi %and3A_419, %add3A_441 : vector<16xi32>
        %gather3A_443 = tpu.vector_load_idx %arg19[%add3A_117, %add3A_442] : memref<64x128xf32, #tpu.memory_space<vmem>>[vector<16xi32>, vector<16xi32>], vector<16xf32>,
        %gather3A_444 = tpu.vector_load_idx %arg17[%add3A_117, %add3A_442] : memref<64x128xf32, #tpu.memory_space<vmem>>[vector<16xi32>, vector<16xi32>], vector<16xf32>,
        %mul3A_445 = arith.mulf %gather3A_443, %gather3A_421 : vector<16xf32>
        %add3A_446 = arith.addf %add3A_402, %mul3A_445 : vector<16xf32>
        %mul3A_447 = arith.mulf %gather3A_444, %gather3A_421 : vector<16xf32>
        %add3A_448 = arith.addf %add3A_404, %mul3A_447 : vector<16xf32>
        %add3A_449 = arith.constant 96 : i32
        %add3A_450 = vector.broadcast %add3A_449 : i32 to vector<16xi32>
        %add3A_451 = arith.addi %and3A_419, %add3A_450 : vector<16xi32>
        %gather3A_452 = tpu.vector_load_idx %arg19[%add3A_117, %add3A_451] : memref<64x128xf32, #tpu.memory_space<vmem>>[vector<16xi32>, vector<16xi32>], vector<16xf32>,
        %gather3A_453 = tpu.vector_load_idx %arg17[%add3A_117, %add3A_451] : memref<64x128xf32, #tpu.memory_space<vmem>>[vector<16xi32>, vector<16xi32>], vector<16xf32>,
        %mul3A_454 = arith.mulf %gather3A_452, %gather3A_421 : vector<16xf32>
        %add3A_455 = arith.addf %add3A_411, %mul3A_454 : vector<16xf32>
        %mul3A_456 = arith.mulf %gather3A_453, %gather3A_421 : vector<16xf32>
        %add3A_457 = arith.addf %add3A_413, %mul3A_456 : vector<16xf32>
        %broadcast_in_dim3A_458 = arith.constant 7 : i32
        %broadcast_in_dim3A_459 = vector.broadcast %broadcast_in_dim3A_458 : i32 to vector<16xi32>
        %add3A_460 = arith.addi %broadcast_in_dim3A_459, %iota3A : vector<16xi32>
        %and3A_461 = arith.constant 31 : i32
        %and3A_462 = vector.broadcast %and3A_461 : i32 to vector<16xi32>
        %and3A_463 = arith.andi %add3A_460, %and3A_462 : vector<16xi32>
        %add3A_464 = arith.addi %mul3A_148, %and3A_463 : vector<16xi32>
        %gather3A_465 = tpu.vector_load_idx %arg21[%add3A_117, %add3A_464] : memref<64x128xf32, #tpu.memory_space<vmem>>[vector<16xi32>, vector<16xi32>], vector<16xf32>,
        %add3A_466 = arith.constant 0 : i32
        %add3A_467 = vector.broadcast %add3A_466 : i32 to vector<16xi32>
        %add3A_468 = arith.addi %and3A_463, %add3A_467 : vector<16xi32>
        %gather3A_469 = tpu.vector_load_idx %arg19[%add3A_117, %add3A_468] : memref<64x128xf32, #tpu.memory_space<vmem>>[vector<16xi32>, vector<16xi32>], vector<16xf32>,
        %gather3A_470 = tpu.vector_load_idx %arg17[%add3A_117, %add3A_468] : memref<64x128xf32, #tpu.memory_space<vmem>>[vector<16xi32>, vector<16xi32>], vector<16xf32>,
        %mul3A_471 = arith.mulf %gather3A_469, %gather3A_465 : vector<16xf32>
        %add3A_472 = arith.addf %add3A_428, %mul3A_471 : vector<16xf32>
        %mul3A_473 = arith.mulf %gather3A_470, %gather3A_465 : vector<16xf32>
        %add3A_474 = arith.addf %add3A_430, %mul3A_473 : vector<16xf32>
        %add3A_475 = arith.constant 32 : i32
        %add3A_476 = vector.broadcast %add3A_475 : i32 to vector<16xi32>
        %add3A_477 = arith.addi %and3A_463, %add3A_476 : vector<16xi32>
        %gather3A_478 = tpu.vector_load_idx %arg19[%add3A_117, %add3A_477] : memref<64x128xf32, #tpu.memory_space<vmem>>[vector<16xi32>, vector<16xi32>], vector<16xf32>,
        %gather3A_479 = tpu.vector_load_idx %arg17[%add3A_117, %add3A_477] : memref<64x128xf32, #tpu.memory_space<vmem>>[vector<16xi32>, vector<16xi32>], vector<16xf32>,
        %mul3A_480 = arith.mulf %gather3A_478, %gather3A_465 : vector<16xf32>
        %add3A_481 = arith.addf %add3A_437, %mul3A_480 : vector<16xf32>
        %mul3A_482 = arith.mulf %gather3A_479, %gather3A_465 : vector<16xf32>
        %add3A_483 = arith.addf %add3A_439, %mul3A_482 : vector<16xf32>
        %add3A_484 = arith.constant 64 : i32
        %add3A_485 = vector.broadcast %add3A_484 : i32 to vector<16xi32>
        %add3A_486 = arith.addi %and3A_463, %add3A_485 : vector<16xi32>
        %gather3A_487 = tpu.vector_load_idx %arg19[%add3A_117, %add3A_486] : memref<64x128xf32, #tpu.memory_space<vmem>>[vector<16xi32>, vector<16xi32>], vector<16xf32>,
        %gather3A_488 = tpu.vector_load_idx %arg17[%add3A_117, %add3A_486] : memref<64x128xf32, #tpu.memory_space<vmem>>[vector<16xi32>, vector<16xi32>], vector<16xf32>,
        %mul3A_489 = arith.mulf %gather3A_487, %gather3A_465 : vector<16xf32>
        %add3A_490 = arith.addf %add3A_446, %mul3A_489 : vector<16xf32>
        %mul3A_491 = arith.mulf %gather3A_488, %gather3A_465 : vector<16xf32>
        %add3A_492 = arith.addf %add3A_448, %mul3A_491 : vector<16xf32>
        %add3A_493 = arith.constant 96 : i32
        %add3A_494 = vector.broadcast %add3A_493 : i32 to vector<16xi32>
        %add3A_495 = arith.addi %and3A_463, %add3A_494 : vector<16xi32>
        %gather3A_496 = tpu.vector_load_idx %arg19[%add3A_117, %add3A_495] : memref<64x128xf32, #tpu.memory_space<vmem>>[vector<16xi32>, vector<16xi32>], vector<16xf32>,
        %gather3A_497 = tpu.vector_load_idx %arg17[%add3A_117, %add3A_495] : memref<64x128xf32, #tpu.memory_space<vmem>>[vector<16xi32>, vector<16xi32>], vector<16xf32>,
        %mul3A_498 = arith.mulf %gather3A_496, %gather3A_465 : vector<16xf32>
        %add3A_499 = arith.addf %add3A_455, %mul3A_498 : vector<16xf32>
        %mul3A_500 = arith.mulf %gather3A_497, %gather3A_465 : vector<16xf32>
        %add3A_501 = arith.addf %add3A_457, %mul3A_500 : vector<16xf32>
        %broadcast_in_dim3A_502 = arith.constant 8 : i32
        %broadcast_in_dim3A_503 = vector.broadcast %broadcast_in_dim3A_502 : i32 to vector<16xi32>
        %add3A_504 = arith.addi %broadcast_in_dim3A_503, %iota3A : vector<16xi32>
        %and3A_505 = arith.constant 31 : i32
        %and3A_506 = vector.broadcast %and3A_505 : i32 to vector<16xi32>
        %and3A_507 = arith.andi %add3A_504, %and3A_506 : vector<16xi32>
        %add3A_508 = arith.addi %mul3A_148, %and3A_507 : vector<16xi32>
        %gather3A_509 = tpu.vector_load_idx %arg21[%add3A_117, %add3A_508] : memref<64x128xf32, #tpu.memory_space<vmem>>[vector<16xi32>, vector<16xi32>], vector<16xf32>,
        %add3A_510 = arith.constant 0 : i32
        %add3A_511 = vector.broadcast %add3A_510 : i32 to vector<16xi32>
        %add3A_512 = arith.addi %and3A_507, %add3A_511 : vector<16xi32>
        %gather3A_513 = tpu.vector_load_idx %arg19[%add3A_117, %add3A_512] : memref<64x128xf32, #tpu.memory_space<vmem>>[vector<16xi32>, vector<16xi32>], vector<16xf32>,
        %gather3A_514 = tpu.vector_load_idx %arg17[%add3A_117, %add3A_512] : memref<64x128xf32, #tpu.memory_space<vmem>>[vector<16xi32>, vector<16xi32>], vector<16xf32>,
        %mul3A_515 = arith.mulf %gather3A_513, %gather3A_509 : vector<16xf32>
        %add3A_516 = arith.addf %add3A_472, %mul3A_515 : vector<16xf32>
        %mul3A_517 = arith.mulf %gather3A_514, %gather3A_509 : vector<16xf32>
        %add3A_518 = arith.addf %add3A_474, %mul3A_517 : vector<16xf32>
        %add3A_519 = arith.constant 32 : i32
        %add3A_520 = vector.broadcast %add3A_519 : i32 to vector<16xi32>
        %add3A_521 = arith.addi %and3A_507, %add3A_520 : vector<16xi32>
        %gather3A_522 = tpu.vector_load_idx %arg19[%add3A_117, %add3A_521] : memref<64x128xf32, #tpu.memory_space<vmem>>[vector<16xi32>, vector<16xi32>], vector<16xf32>,
        %gather3A_523 = tpu.vector_load_idx %arg17[%add3A_117, %add3A_521] : memref<64x128xf32, #tpu.memory_space<vmem>>[vector<16xi32>, vector<16xi32>], vector<16xf32>,
        %mul3A_524 = arith.mulf %gather3A_522, %gather3A_509 : vector<16xf32>
        %add3A_525 = arith.addf %add3A_481, %mul3A_524 : vector<16xf32>
        %mul3A_526 = arith.mulf %gather3A_523, %gather3A_509 : vector<16xf32>
        %add3A_527 = arith.addf %add3A_483, %mul3A_526 : vector<16xf32>
        %add3A_528 = arith.constant 64 : i32
        %add3A_529 = vector.broadcast %add3A_528 : i32 to vector<16xi32>
        %add3A_530 = arith.addi %and3A_507, %add3A_529 : vector<16xi32>
        %gather3A_531 = tpu.vector_load_idx %arg19[%add3A_117, %add3A_530] : memref<64x128xf32, #tpu.memory_space<vmem>>[vector<16xi32>, vector<16xi32>], vector<16xf32>,
        %gather3A_532 = tpu.vector_load_idx %arg17[%add3A_117, %add3A_530] : memref<64x128xf32, #tpu.memory_space<vmem>>[vector<16xi32>, vector<16xi32>], vector<16xf32>,
        %mul3A_533 = arith.mulf %gather3A_531, %gather3A_509 : vector<16xf32>
        %add3A_534 = arith.addf %add3A_490, %mul3A_533 : vector<16xf32>
        %mul3A_535 = arith.mulf %gather3A_532, %gather3A_509 : vector<16xf32>
        %add3A_536 = arith.addf %add3A_492, %mul3A_535 : vector<16xf32>
        %add3A_537 = arith.constant 96 : i32
        %add3A_538 = vector.broadcast %add3A_537 : i32 to vector<16xi32>
        %add3A_539 = arith.addi %and3A_507, %add3A_538 : vector<16xi32>
        %gather3A_540 = tpu.vector_load_idx %arg19[%add3A_117, %add3A_539] : memref<64x128xf32, #tpu.memory_space<vmem>>[vector<16xi32>, vector<16xi32>], vector<16xf32>,
        %gather3A_541 = tpu.vector_load_idx %arg17[%add3A_117, %add3A_539] : memref<64x128xf32, #tpu.memory_space<vmem>>[vector<16xi32>, vector<16xi32>], vector<16xf32>,
        %mul3A_542 = arith.mulf %gather3A_540, %gather3A_509 : vector<16xf32>
        %add3A_543 = arith.addf %add3A_499, %mul3A_542 : vector<16xf32>
        %mul3A_544 = arith.mulf %gather3A_541, %gather3A_509 : vector<16xf32>
        %add3A_545 = arith.addf %add3A_501, %mul3A_544 : vector<16xf32>
        %broadcast_in_dim3A_546 = arith.constant 9 : i32
        %broadcast_in_dim3A_547 = vector.broadcast %broadcast_in_dim3A_546 : i32 to vector<16xi32>
        %add3A_548 = arith.addi %broadcast_in_dim3A_547, %iota3A : vector<16xi32>
        %and3A_549 = arith.constant 31 : i32
        %and3A_550 = vector.broadcast %and3A_549 : i32 to vector<16xi32>
        %and3A_551 = arith.andi %add3A_548, %and3A_550 : vector<16xi32>
        %add3A_552 = arith.addi %mul3A_148, %and3A_551 : vector<16xi32>
        %gather3A_553 = tpu.vector_load_idx %arg21[%add3A_117, %add3A_552] : memref<64x128xf32, #tpu.memory_space<vmem>>[vector<16xi32>, vector<16xi32>], vector<16xf32>,
        %add3A_554 = arith.constant 0 : i32
        %add3A_555 = vector.broadcast %add3A_554 : i32 to vector<16xi32>
        %add3A_556 = arith.addi %and3A_551, %add3A_555 : vector<16xi32>
        %gather3A_557 = tpu.vector_load_idx %arg19[%add3A_117, %add3A_556] : memref<64x128xf32, #tpu.memory_space<vmem>>[vector<16xi32>, vector<16xi32>], vector<16xf32>,
        %gather3A_558 = tpu.vector_load_idx %arg17[%add3A_117, %add3A_556] : memref<64x128xf32, #tpu.memory_space<vmem>>[vector<16xi32>, vector<16xi32>], vector<16xf32>,
        %mul3A_559 = arith.mulf %gather3A_557, %gather3A_553 : vector<16xf32>
        %add3A_560 = arith.addf %add3A_516, %mul3A_559 : vector<16xf32>
        %mul3A_561 = arith.mulf %gather3A_558, %gather3A_553 : vector<16xf32>
        %add3A_562 = arith.addf %add3A_518, %mul3A_561 : vector<16xf32>
        %add3A_563 = arith.constant 32 : i32
        %add3A_564 = vector.broadcast %add3A_563 : i32 to vector<16xi32>
        %add3A_565 = arith.addi %and3A_551, %add3A_564 : vector<16xi32>
        %gather3A_566 = tpu.vector_load_idx %arg19[%add3A_117, %add3A_565] : memref<64x128xf32, #tpu.memory_space<vmem>>[vector<16xi32>, vector<16xi32>], vector<16xf32>,
        %gather3A_567 = tpu.vector_load_idx %arg17[%add3A_117, %add3A_565] : memref<64x128xf32, #tpu.memory_space<vmem>>[vector<16xi32>, vector<16xi32>], vector<16xf32>,
        %mul3A_568 = arith.mulf %gather3A_566, %gather3A_553 : vector<16xf32>
        %add3A_569 = arith.addf %add3A_525, %mul3A_568 : vector<16xf32>
        %mul3A_570 = arith.mulf %gather3A_567, %gather3A_553 : vector<16xf32>
        %add3A_571 = arith.addf %add3A_527, %mul3A_570 : vector<16xf32>
        %add3A_572 = arith.constant 64 : i32
        %add3A_573 = vector.broadcast %add3A_572 : i32 to vector<16xi32>
        %add3A_574 = arith.addi %and3A_551, %add3A_573 : vector<16xi32>
        %gather3A_575 = tpu.vector_load_idx %arg19[%add3A_117, %add3A_574] : memref<64x128xf32, #tpu.memory_space<vmem>>[vector<16xi32>, vector<16xi32>], vector<16xf32>,
        %gather3A_576 = tpu.vector_load_idx %arg17[%add3A_117, %add3A_574] : memref<64x128xf32, #tpu.memory_space<vmem>>[vector<16xi32>, vector<16xi32>], vector<16xf32>,
        %mul3A_577 = arith.mulf %gather3A_575, %gather3A_553 : vector<16xf32>
        %add3A_578 = arith.addf %add3A_534, %mul3A_577 : vector<16xf32>
        %mul3A_579 = arith.mulf %gather3A_576, %gather3A_553 : vector<16xf32>
        %add3A_580 = arith.addf %add3A_536, %mul3A_579 : vector<16xf32>
        %add3A_581 = arith.constant 96 : i32
        %add3A_582 = vector.broadcast %add3A_581 : i32 to vector<16xi32>
        %add3A_583 = arith.addi %and3A_551, %add3A_582 : vector<16xi32>
        %gather3A_584 = tpu.vector_load_idx %arg19[%add3A_117, %add3A_583] : memref<64x128xf32, #tpu.memory_space<vmem>>[vector<16xi32>, vector<16xi32>], vector<16xf32>,
        %gather3A_585 = tpu.vector_load_idx %arg17[%add3A_117, %add3A_583] : memref<64x128xf32, #tpu.memory_space<vmem>>[vector<16xi32>, vector<16xi32>], vector<16xf32>,
        %mul3A_586 = arith.mulf %gather3A_584, %gather3A_553 : vector<16xf32>
        %add3A_587 = arith.addf %add3A_543, %mul3A_586 : vector<16xf32>
        %mul3A_588 = arith.mulf %gather3A_585, %gather3A_553 : vector<16xf32>
        %add3A_589 = arith.addf %add3A_545, %mul3A_588 : vector<16xf32>
        %broadcast_in_dim3A_590 = arith.constant 10 : i32
        %broadcast_in_dim3A_591 = vector.broadcast %broadcast_in_dim3A_590 : i32 to vector<16xi32>
        %add3A_592 = arith.addi %broadcast_in_dim3A_591, %iota3A : vector<16xi32>
        %and3A_593 = arith.constant 31 : i32
        %and3A_594 = vector.broadcast %and3A_593 : i32 to vector<16xi32>
        %and3A_595 = arith.andi %add3A_592, %and3A_594 : vector<16xi32>
        %add3A_596 = arith.addi %mul3A_148, %and3A_595 : vector<16xi32>
        %gather3A_597 = tpu.vector_load_idx %arg21[%add3A_117, %add3A_596] : memref<64x128xf32, #tpu.memory_space<vmem>>[vector<16xi32>, vector<16xi32>], vector<16xf32>,
        %add3A_598 = arith.constant 0 : i32
        %add3A_599 = vector.broadcast %add3A_598 : i32 to vector<16xi32>
        %add3A_600 = arith.addi %and3A_595, %add3A_599 : vector<16xi32>
        %gather3A_601 = tpu.vector_load_idx %arg19[%add3A_117, %add3A_600] : memref<64x128xf32, #tpu.memory_space<vmem>>[vector<16xi32>, vector<16xi32>], vector<16xf32>,
        %gather3A_602 = tpu.vector_load_idx %arg17[%add3A_117, %add3A_600] : memref<64x128xf32, #tpu.memory_space<vmem>>[vector<16xi32>, vector<16xi32>], vector<16xf32>,
        %mul3A_603 = arith.mulf %gather3A_601, %gather3A_597 : vector<16xf32>
        %add3A_604 = arith.addf %add3A_560, %mul3A_603 : vector<16xf32>
        %mul3A_605 = arith.mulf %gather3A_602, %gather3A_597 : vector<16xf32>
        %add3A_606 = arith.addf %add3A_562, %mul3A_605 : vector<16xf32>
        %add3A_607 = arith.constant 32 : i32
        %add3A_608 = vector.broadcast %add3A_607 : i32 to vector<16xi32>
        %add3A_609 = arith.addi %and3A_595, %add3A_608 : vector<16xi32>
        %gather3A_610 = tpu.vector_load_idx %arg19[%add3A_117, %add3A_609] : memref<64x128xf32, #tpu.memory_space<vmem>>[vector<16xi32>, vector<16xi32>], vector<16xf32>,
        %gather3A_611 = tpu.vector_load_idx %arg17[%add3A_117, %add3A_609] : memref<64x128xf32, #tpu.memory_space<vmem>>[vector<16xi32>, vector<16xi32>], vector<16xf32>,
        %mul3A_612 = arith.mulf %gather3A_610, %gather3A_597 : vector<16xf32>
        %add3A_613 = arith.addf %add3A_569, %mul3A_612 : vector<16xf32>
        %mul3A_614 = arith.mulf %gather3A_611, %gather3A_597 : vector<16xf32>
        %add3A_615 = arith.addf %add3A_571, %mul3A_614 : vector<16xf32>
        %add3A_616 = arith.constant 64 : i32
        %add3A_617 = vector.broadcast %add3A_616 : i32 to vector<16xi32>
        %add3A_618 = arith.addi %and3A_595, %add3A_617 : vector<16xi32>
        %gather3A_619 = tpu.vector_load_idx %arg19[%add3A_117, %add3A_618] : memref<64x128xf32, #tpu.memory_space<vmem>>[vector<16xi32>, vector<16xi32>], vector<16xf32>,
        %gather3A_620 = tpu.vector_load_idx %arg17[%add3A_117, %add3A_618] : memref<64x128xf32, #tpu.memory_space<vmem>>[vector<16xi32>, vector<16xi32>], vector<16xf32>,
        %mul3A_621 = arith.mulf %gather3A_619, %gather3A_597 : vector<16xf32>
        %add3A_622 = arith.addf %add3A_578, %mul3A_621 : vector<16xf32>
        %mul3A_623 = arith.mulf %gather3A_620, %gather3A_597 : vector<16xf32>
        %add3A_624 = arith.addf %add3A_580, %mul3A_623 : vector<16xf32>
        %add3A_625 = arith.constant 96 : i32
        %add3A_626 = vector.broadcast %add3A_625 : i32 to vector<16xi32>
        %add3A_627 = arith.addi %and3A_595, %add3A_626 : vector<16xi32>
        %gather3A_628 = tpu.vector_load_idx %arg19[%add3A_117, %add3A_627] : memref<64x128xf32, #tpu.memory_space<vmem>>[vector<16xi32>, vector<16xi32>], vector<16xf32>,
        %gather3A_629 = tpu.vector_load_idx %arg17[%add3A_117, %add3A_627] : memref<64x128xf32, #tpu.memory_space<vmem>>[vector<16xi32>, vector<16xi32>], vector<16xf32>,
        %mul3A_630 = arith.mulf %gather3A_628, %gather3A_597 : vector<16xf32>
        %add3A_631 = arith.addf %add3A_587, %mul3A_630 : vector<16xf32>
        %mul3A_632 = arith.mulf %gather3A_629, %gather3A_597 : vector<16xf32>
        %add3A_633 = arith.addf %add3A_589, %mul3A_632 : vector<16xf32>
        %broadcast_in_dim3A_634 = arith.constant 11 : i32
        %broadcast_in_dim3A_635 = vector.broadcast %broadcast_in_dim3A_634 : i32 to vector<16xi32>
        %add3A_636 = arith.addi %broadcast_in_dim3A_635, %iota3A : vector<16xi32>
        %and3A_637 = arith.constant 31 : i32
        %and3A_638 = vector.broadcast %and3A_637 : i32 to vector<16xi32>
        %and3A_639 = arith.andi %add3A_636, %and3A_638 : vector<16xi32>
        %add3A_640 = arith.addi %mul3A_148, %and3A_639 : vector<16xi32>
        %gather3A_641 = tpu.vector_load_idx %arg21[%add3A_117, %add3A_640] : memref<64x128xf32, #tpu.memory_space<vmem>>[vector<16xi32>, vector<16xi32>], vector<16xf32>,
        %add3A_642 = arith.constant 0 : i32
        %add3A_643 = vector.broadcast %add3A_642 : i32 to vector<16xi32>
        %add3A_644 = arith.addi %and3A_639, %add3A_643 : vector<16xi32>
        %gather3A_645 = tpu.vector_load_idx %arg19[%add3A_117, %add3A_644] : memref<64x128xf32, #tpu.memory_space<vmem>>[vector<16xi32>, vector<16xi32>], vector<16xf32>,
        %gather3A_646 = tpu.vector_load_idx %arg17[%add3A_117, %add3A_644] : memref<64x128xf32, #tpu.memory_space<vmem>>[vector<16xi32>, vector<16xi32>], vector<16xf32>,
        %mul3A_647 = arith.mulf %gather3A_645, %gather3A_641 : vector<16xf32>
        %add3A_648 = arith.addf %add3A_604, %mul3A_647 : vector<16xf32>
        %mul3A_649 = arith.mulf %gather3A_646, %gather3A_641 : vector<16xf32>
        %add3A_650 = arith.addf %add3A_606, %mul3A_649 : vector<16xf32>
        %add3A_651 = arith.constant 32 : i32
        %add3A_652 = vector.broadcast %add3A_651 : i32 to vector<16xi32>
        %add3A_653 = arith.addi %and3A_639, %add3A_652 : vector<16xi32>
        %gather3A_654 = tpu.vector_load_idx %arg19[%add3A_117, %add3A_653] : memref<64x128xf32, #tpu.memory_space<vmem>>[vector<16xi32>, vector<16xi32>], vector<16xf32>,
        %gather3A_655 = tpu.vector_load_idx %arg17[%add3A_117, %add3A_653] : memref<64x128xf32, #tpu.memory_space<vmem>>[vector<16xi32>, vector<16xi32>], vector<16xf32>,
        %mul3A_656 = arith.mulf %gather3A_654, %gather3A_641 : vector<16xf32>
        %add3A_657 = arith.addf %add3A_613, %mul3A_656 : vector<16xf32>
        %mul3A_658 = arith.mulf %gather3A_655, %gather3A_641 : vector<16xf32>
        %add3A_659 = arith.addf %add3A_615, %mul3A_658 : vector<16xf32>
        %add3A_660 = arith.constant 64 : i32
        %add3A_661 = vector.broadcast %add3A_660 : i32 to vector<16xi32>
        %add3A_662 = arith.addi %and3A_639, %add3A_661 : vector<16xi32>
        %gather3A_663 = tpu.vector_load_idx %arg19[%add3A_117, %add3A_662] : memref<64x128xf32, #tpu.memory_space<vmem>>[vector<16xi32>, vector<16xi32>], vector<16xf32>,
        %gather3A_664 = tpu.vector_load_idx %arg17[%add3A_117, %add3A_662] : memref<64x128xf32, #tpu.memory_space<vmem>>[vector<16xi32>, vector<16xi32>], vector<16xf32>,
        %mul3A_665 = arith.mulf %gather3A_663, %gather3A_641 : vector<16xf32>
        %add3A_666 = arith.addf %add3A_622, %mul3A_665 : vector<16xf32>
        %mul3A_667 = arith.mulf %gather3A_664, %gather3A_641 : vector<16xf32>
        %add3A_668 = arith.addf %add3A_624, %mul3A_667 : vector<16xf32>
        %add3A_669 = arith.constant 96 : i32
        %add3A_670 = vector.broadcast %add3A_669 : i32 to vector<16xi32>
        %add3A_671 = arith.addi %and3A_639, %add3A_670 : vector<16xi32>
        %gather3A_672 = tpu.vector_load_idx %arg19[%add3A_117, %add3A_671] : memref<64x128xf32, #tpu.memory_space<vmem>>[vector<16xi32>, vector<16xi32>], vector<16xf32>,
        %gather3A_673 = tpu.vector_load_idx %arg17[%add3A_117, %add3A_671] : memref<64x128xf32, #tpu.memory_space<vmem>>[vector<16xi32>, vector<16xi32>], vector<16xf32>,
        %mul3A_674 = arith.mulf %gather3A_672, %gather3A_641 : vector<16xf32>
        %add3A_675 = arith.addf %add3A_631, %mul3A_674 : vector<16xf32>
        %mul3A_676 = arith.mulf %gather3A_673, %gather3A_641 : vector<16xf32>
        %add3A_677 = arith.addf %add3A_633, %mul3A_676 : vector<16xf32>
        %broadcast_in_dim3A_678 = arith.constant 12 : i32
        %broadcast_in_dim3A_679 = vector.broadcast %broadcast_in_dim3A_678 : i32 to vector<16xi32>
        %add3A_680 = arith.addi %broadcast_in_dim3A_679, %iota3A : vector<16xi32>
        %and3A_681 = arith.constant 31 : i32
        %and3A_682 = vector.broadcast %and3A_681 : i32 to vector<16xi32>
        %and3A_683 = arith.andi %add3A_680, %and3A_682 : vector<16xi32>
        %add3A_684 = arith.addi %mul3A_148, %and3A_683 : vector<16xi32>
        %gather3A_685 = tpu.vector_load_idx %arg21[%add3A_117, %add3A_684] : memref<64x128xf32, #tpu.memory_space<vmem>>[vector<16xi32>, vector<16xi32>], vector<16xf32>,
        %add3A_686 = arith.constant 0 : i32
        %add3A_687 = vector.broadcast %add3A_686 : i32 to vector<16xi32>
        %add3A_688 = arith.addi %and3A_683, %add3A_687 : vector<16xi32>
        %gather3A_689 = tpu.vector_load_idx %arg19[%add3A_117, %add3A_688] : memref<64x128xf32, #tpu.memory_space<vmem>>[vector<16xi32>, vector<16xi32>], vector<16xf32>,
        %gather3A_690 = tpu.vector_load_idx %arg17[%add3A_117, %add3A_688] : memref<64x128xf32, #tpu.memory_space<vmem>>[vector<16xi32>, vector<16xi32>], vector<16xf32>,
        %mul3A_691 = arith.mulf %gather3A_689, %gather3A_685 : vector<16xf32>
        %add3A_692 = arith.addf %add3A_648, %mul3A_691 : vector<16xf32>
        %mul3A_693 = arith.mulf %gather3A_690, %gather3A_685 : vector<16xf32>
        %add3A_694 = arith.addf %add3A_650, %mul3A_693 : vector<16xf32>
        %add3A_695 = arith.constant 32 : i32
        %add3A_696 = vector.broadcast %add3A_695 : i32 to vector<16xi32>
        %add3A_697 = arith.addi %and3A_683, %add3A_696 : vector<16xi32>
        %gather3A_698 = tpu.vector_load_idx %arg19[%add3A_117, %add3A_697] : memref<64x128xf32, #tpu.memory_space<vmem>>[vector<16xi32>, vector<16xi32>], vector<16xf32>,
        %gather3A_699 = tpu.vector_load_idx %arg17[%add3A_117, %add3A_697] : memref<64x128xf32, #tpu.memory_space<vmem>>[vector<16xi32>, vector<16xi32>], vector<16xf32>,
        %mul3A_700 = arith.mulf %gather3A_698, %gather3A_685 : vector<16xf32>
        %add3A_701 = arith.addf %add3A_657, %mul3A_700 : vector<16xf32>
        %mul3A_702 = arith.mulf %gather3A_699, %gather3A_685 : vector<16xf32>
        %add3A_703 = arith.addf %add3A_659, %mul3A_702 : vector<16xf32>
        %add3A_704 = arith.constant 64 : i32
        %add3A_705 = vector.broadcast %add3A_704 : i32 to vector<16xi32>
        %add3A_706 = arith.addi %and3A_683, %add3A_705 : vector<16xi32>
        %gather3A_707 = tpu.vector_load_idx %arg19[%add3A_117, %add3A_706] : memref<64x128xf32, #tpu.memory_space<vmem>>[vector<16xi32>, vector<16xi32>], vector<16xf32>,
        %gather3A_708 = tpu.vector_load_idx %arg17[%add3A_117, %add3A_706] : memref<64x128xf32, #tpu.memory_space<vmem>>[vector<16xi32>, vector<16xi32>], vector<16xf32>,
        %mul3A_709 = arith.mulf %gather3A_707, %gather3A_685 : vector<16xf32>
        %add3A_710 = arith.addf %add3A_666, %mul3A_709 : vector<16xf32>
        %mul3A_711 = arith.mulf %gather3A_708, %gather3A_685 : vector<16xf32>
        %add3A_712 = arith.addf %add3A_668, %mul3A_711 : vector<16xf32>
        %add3A_713 = arith.constant 96 : i32
        %add3A_714 = vector.broadcast %add3A_713 : i32 to vector<16xi32>
        %add3A_715 = arith.addi %and3A_683, %add3A_714 : vector<16xi32>
        %gather3A_716 = tpu.vector_load_idx %arg19[%add3A_117, %add3A_715] : memref<64x128xf32, #tpu.memory_space<vmem>>[vector<16xi32>, vector<16xi32>], vector<16xf32>,
        %gather3A_717 = tpu.vector_load_idx %arg17[%add3A_117, %add3A_715] : memref<64x128xf32, #tpu.memory_space<vmem>>[vector<16xi32>, vector<16xi32>], vector<16xf32>,
        %mul3A_718 = arith.mulf %gather3A_716, %gather3A_685 : vector<16xf32>
        %add3A_719 = arith.addf %add3A_675, %mul3A_718 : vector<16xf32>
        %mul3A_720 = arith.mulf %gather3A_717, %gather3A_685 : vector<16xf32>
        %add3A_721 = arith.addf %add3A_677, %mul3A_720 : vector<16xf32>
        %broadcast_in_dim3A_722 = arith.constant 13 : i32
        %broadcast_in_dim3A_723 = vector.broadcast %broadcast_in_dim3A_722 : i32 to vector<16xi32>
        %add3A_724 = arith.addi %broadcast_in_dim3A_723, %iota3A : vector<16xi32>
        %and3A_725 = arith.constant 31 : i32
        %and3A_726 = vector.broadcast %and3A_725 : i32 to vector<16xi32>
        %and3A_727 = arith.andi %add3A_724, %and3A_726 : vector<16xi32>
        %add3A_728 = arith.addi %mul3A_148, %and3A_727 : vector<16xi32>
        %gather3A_729 = tpu.vector_load_idx %arg21[%add3A_117, %add3A_728] : memref<64x128xf32, #tpu.memory_space<vmem>>[vector<16xi32>, vector<16xi32>], vector<16xf32>,
        %add3A_730 = arith.constant 0 : i32
        %add3A_731 = vector.broadcast %add3A_730 : i32 to vector<16xi32>
        %add3A_732 = arith.addi %and3A_727, %add3A_731 : vector<16xi32>
        %gather3A_733 = tpu.vector_load_idx %arg19[%add3A_117, %add3A_732] : memref<64x128xf32, #tpu.memory_space<vmem>>[vector<16xi32>, vector<16xi32>], vector<16xf32>,
        %gather3A_734 = tpu.vector_load_idx %arg17[%add3A_117, %add3A_732] : memref<64x128xf32, #tpu.memory_space<vmem>>[vector<16xi32>, vector<16xi32>], vector<16xf32>,
        %mul3A_735 = arith.mulf %gather3A_733, %gather3A_729 : vector<16xf32>
        %add3A_736 = arith.addf %add3A_692, %mul3A_735 : vector<16xf32>
        %mul3A_737 = arith.mulf %gather3A_734, %gather3A_729 : vector<16xf32>
        %add3A_738 = arith.addf %add3A_694, %mul3A_737 : vector<16xf32>
        %add3A_739 = arith.constant 32 : i32
        %add3A_740 = vector.broadcast %add3A_739 : i32 to vector<16xi32>
        %add3A_741 = arith.addi %and3A_727, %add3A_740 : vector<16xi32>
        %gather3A_742 = tpu.vector_load_idx %arg19[%add3A_117, %add3A_741] : memref<64x128xf32, #tpu.memory_space<vmem>>[vector<16xi32>, vector<16xi32>], vector<16xf32>,
        %gather3A_743 = tpu.vector_load_idx %arg17[%add3A_117, %add3A_741] : memref<64x128xf32, #tpu.memory_space<vmem>>[vector<16xi32>, vector<16xi32>], vector<16xf32>,
        %mul3A_744 = arith.mulf %gather3A_742, %gather3A_729 : vector<16xf32>
        %add3A_745 = arith.addf %add3A_701, %mul3A_744 : vector<16xf32>
        %mul3A_746 = arith.mulf %gather3A_743, %gather3A_729 : vector<16xf32>
        %add3A_747 = arith.addf %add3A_703, %mul3A_746 : vector<16xf32>
        %add3A_748 = arith.constant 64 : i32
        %add3A_749 = vector.broadcast %add3A_748 : i32 to vector<16xi32>
        %add3A_750 = arith.addi %and3A_727, %add3A_749 : vector<16xi32>
        %gather3A_751 = tpu.vector_load_idx %arg19[%add3A_117, %add3A_750] : memref<64x128xf32, #tpu.memory_space<vmem>>[vector<16xi32>, vector<16xi32>], vector<16xf32>,
        %gather3A_752 = tpu.vector_load_idx %arg17[%add3A_117, %add3A_750] : memref<64x128xf32, #tpu.memory_space<vmem>>[vector<16xi32>, vector<16xi32>], vector<16xf32>,
        %mul3A_753 = arith.mulf %gather3A_751, %gather3A_729 : vector<16xf32>
        %add3A_754 = arith.addf %add3A_710, %mul3A_753 : vector<16xf32>
        %mul3A_755 = arith.mulf %gather3A_752, %gather3A_729 : vector<16xf32>
        %add3A_756 = arith.addf %add3A_712, %mul3A_755 : vector<16xf32>
        %add3A_757 = arith.constant 96 : i32
        %add3A_758 = vector.broadcast %add3A_757 : i32 to vector<16xi32>
        %add3A_759 = arith.addi %and3A_727, %add3A_758 : vector<16xi32>
        %gather3A_760 = tpu.vector_load_idx %arg19[%add3A_117, %add3A_759] : memref<64x128xf32, #tpu.memory_space<vmem>>[vector<16xi32>, vector<16xi32>], vector<16xf32>,
        %gather3A_761 = tpu.vector_load_idx %arg17[%add3A_117, %add3A_759] : memref<64x128xf32, #tpu.memory_space<vmem>>[vector<16xi32>, vector<16xi32>], vector<16xf32>,
        %mul3A_762 = arith.mulf %gather3A_760, %gather3A_729 : vector<16xf32>
        %add3A_763 = arith.addf %add3A_719, %mul3A_762 : vector<16xf32>
        %mul3A_764 = arith.mulf %gather3A_761, %gather3A_729 : vector<16xf32>
        %add3A_765 = arith.addf %add3A_721, %mul3A_764 : vector<16xf32>
        %broadcast_in_dim3A_766 = arith.constant 14 : i32
        %broadcast_in_dim3A_767 = vector.broadcast %broadcast_in_dim3A_766 : i32 to vector<16xi32>
        %add3A_768 = arith.addi %broadcast_in_dim3A_767, %iota3A : vector<16xi32>
        %and3A_769 = arith.constant 31 : i32
        %and3A_770 = vector.broadcast %and3A_769 : i32 to vector<16xi32>
        %and3A_771 = arith.andi %add3A_768, %and3A_770 : vector<16xi32>
        %add3A_772 = arith.addi %mul3A_148, %and3A_771 : vector<16xi32>
        %gather3A_773 = tpu.vector_load_idx %arg21[%add3A_117, %add3A_772] : memref<64x128xf32, #tpu.memory_space<vmem>>[vector<16xi32>, vector<16xi32>], vector<16xf32>,
        %add3A_774 = arith.constant 0 : i32
        %add3A_775 = vector.broadcast %add3A_774 : i32 to vector<16xi32>
        %add3A_776 = arith.addi %and3A_771, %add3A_775 : vector<16xi32>
        %gather3A_777 = tpu.vector_load_idx %arg19[%add3A_117, %add3A_776] : memref<64x128xf32, #tpu.memory_space<vmem>>[vector<16xi32>, vector<16xi32>], vector<16xf32>,
        %gather3A_778 = tpu.vector_load_idx %arg17[%add3A_117, %add3A_776] : memref<64x128xf32, #tpu.memory_space<vmem>>[vector<16xi32>, vector<16xi32>], vector<16xf32>,
        %mul3A_779 = arith.mulf %gather3A_777, %gather3A_773 : vector<16xf32>
        %add3A_780 = arith.addf %add3A_736, %mul3A_779 : vector<16xf32>
        %mul3A_781 = arith.mulf %gather3A_778, %gather3A_773 : vector<16xf32>
        %add3A_782 = arith.addf %add3A_738, %mul3A_781 : vector<16xf32>
        %add3A_783 = arith.constant 32 : i32
        %add3A_784 = vector.broadcast %add3A_783 : i32 to vector<16xi32>
        %add3A_785 = arith.addi %and3A_771, %add3A_784 : vector<16xi32>
        %gather3A_786 = tpu.vector_load_idx %arg19[%add3A_117, %add3A_785] : memref<64x128xf32, #tpu.memory_space<vmem>>[vector<16xi32>, vector<16xi32>], vector<16xf32>,
        %gather3A_787 = tpu.vector_load_idx %arg17[%add3A_117, %add3A_785] : memref<64x128xf32, #tpu.memory_space<vmem>>[vector<16xi32>, vector<16xi32>], vector<16xf32>,
        %mul3A_788 = arith.mulf %gather3A_786, %gather3A_773 : vector<16xf32>
        %add3A_789 = arith.addf %add3A_745, %mul3A_788 : vector<16xf32>
        %mul3A_790 = arith.mulf %gather3A_787, %gather3A_773 : vector<16xf32>
        %add3A_791 = arith.addf %add3A_747, %mul3A_790 : vector<16xf32>
        %add3A_792 = arith.constant 64 : i32
        %add3A_793 = vector.broadcast %add3A_792 : i32 to vector<16xi32>
        %add3A_794 = arith.addi %and3A_771, %add3A_793 : vector<16xi32>
        %gather3A_795 = tpu.vector_load_idx %arg19[%add3A_117, %add3A_794] : memref<64x128xf32, #tpu.memory_space<vmem>>[vector<16xi32>, vector<16xi32>], vector<16xf32>,
        %gather3A_796 = tpu.vector_load_idx %arg17[%add3A_117, %add3A_794] : memref<64x128xf32, #tpu.memory_space<vmem>>[vector<16xi32>, vector<16xi32>], vector<16xf32>,
        %mul3A_797 = arith.mulf %gather3A_795, %gather3A_773 : vector<16xf32>
        %add3A_798 = arith.addf %add3A_754, %mul3A_797 : vector<16xf32>
        %mul3A_799 = arith.mulf %gather3A_796, %gather3A_773 : vector<16xf32>
        %add3A_800 = arith.addf %add3A_756, %mul3A_799 : vector<16xf32>
        %add3A_801 = arith.constant 96 : i32
        %add3A_802 = vector.broadcast %add3A_801 : i32 to vector<16xi32>
        %add3A_803 = arith.addi %and3A_771, %add3A_802 : vector<16xi32>
        %gather3A_804 = tpu.vector_load_idx %arg19[%add3A_117, %add3A_803] : memref<64x128xf32, #tpu.memory_space<vmem>>[vector<16xi32>, vector<16xi32>], vector<16xf32>,
        %gather3A_805 = tpu.vector_load_idx %arg17[%add3A_117, %add3A_803] : memref<64x128xf32, #tpu.memory_space<vmem>>[vector<16xi32>, vector<16xi32>], vector<16xf32>,
        %mul3A_806 = arith.mulf %gather3A_804, %gather3A_773 : vector<16xf32>
        %add3A_807 = arith.addf %add3A_763, %mul3A_806 : vector<16xf32>
        %mul3A_808 = arith.mulf %gather3A_805, %gather3A_773 : vector<16xf32>
        %add3A_809 = arith.addf %add3A_765, %mul3A_808 : vector<16xf32>
        %broadcast_in_dim3A_810 = arith.constant 15 : i32
        %broadcast_in_dim3A_811 = vector.broadcast %broadcast_in_dim3A_810 : i32 to vector<16xi32>
        %add3A_812 = arith.addi %broadcast_in_dim3A_811, %iota3A : vector<16xi32>
        %and3A_813 = arith.constant 31 : i32
        %and3A_814 = vector.broadcast %and3A_813 : i32 to vector<16xi32>
        %and3A_815 = arith.andi %add3A_812, %and3A_814 : vector<16xi32>
        %add3A_816 = arith.addi %mul3A_148, %and3A_815 : vector<16xi32>
        %gather3A_817 = tpu.vector_load_idx %arg21[%add3A_117, %add3A_816] : memref<64x128xf32, #tpu.memory_space<vmem>>[vector<16xi32>, vector<16xi32>], vector<16xf32>,
        %add3A_818 = arith.constant 0 : i32
        %add3A_819 = vector.broadcast %add3A_818 : i32 to vector<16xi32>
        %add3A_820 = arith.addi %and3A_815, %add3A_819 : vector<16xi32>
        %gather3A_821 = tpu.vector_load_idx %arg19[%add3A_117, %add3A_820] : memref<64x128xf32, #tpu.memory_space<vmem>>[vector<16xi32>, vector<16xi32>], vector<16xf32>,
        %gather3A_822 = tpu.vector_load_idx %arg17[%add3A_117, %add3A_820] : memref<64x128xf32, #tpu.memory_space<vmem>>[vector<16xi32>, vector<16xi32>], vector<16xf32>,
        %mul3A_823 = arith.mulf %gather3A_821, %gather3A_817 : vector<16xf32>
        %add3A_824 = arith.addf %add3A_780, %mul3A_823 : vector<16xf32>
        %mul3A_825 = arith.mulf %gather3A_822, %gather3A_817 : vector<16xf32>
        %add3A_826 = arith.addf %add3A_782, %mul3A_825 : vector<16xf32>
        %add3A_827 = arith.constant 32 : i32
        %add3A_828 = vector.broadcast %add3A_827 : i32 to vector<16xi32>
        %add3A_829 = arith.addi %and3A_815, %add3A_828 : vector<16xi32>
        %gather3A_830 = tpu.vector_load_idx %arg19[%add3A_117, %add3A_829] : memref<64x128xf32, #tpu.memory_space<vmem>>[vector<16xi32>, vector<16xi32>], vector<16xf32>,
        %gather3A_831 = tpu.vector_load_idx %arg17[%add3A_117, %add3A_829] : memref<64x128xf32, #tpu.memory_space<vmem>>[vector<16xi32>, vector<16xi32>], vector<16xf32>,
        %mul3A_832 = arith.mulf %gather3A_830, %gather3A_817 : vector<16xf32>
        %add3A_833 = arith.addf %add3A_789, %mul3A_832 : vector<16xf32>
        %mul3A_834 = arith.mulf %gather3A_831, %gather3A_817 : vector<16xf32>
        %add3A_835 = arith.addf %add3A_791, %mul3A_834 : vector<16xf32>
        %add3A_836 = arith.constant 64 : i32
        %add3A_837 = vector.broadcast %add3A_836 : i32 to vector<16xi32>
        %add3A_838 = arith.addi %and3A_815, %add3A_837 : vector<16xi32>
        %gather3A_839 = tpu.vector_load_idx %arg19[%add3A_117, %add3A_838] : memref<64x128xf32, #tpu.memory_space<vmem>>[vector<16xi32>, vector<16xi32>], vector<16xf32>,
        %gather3A_840 = tpu.vector_load_idx %arg17[%add3A_117, %add3A_838] : memref<64x128xf32, #tpu.memory_space<vmem>>[vector<16xi32>, vector<16xi32>], vector<16xf32>,
        %mul3A_841 = arith.mulf %gather3A_839, %gather3A_817 : vector<16xf32>
        %add3A_842 = arith.addf %add3A_798, %mul3A_841 : vector<16xf32>
        %mul3A_843 = arith.mulf %gather3A_840, %gather3A_817 : vector<16xf32>
        %add3A_844 = arith.addf %add3A_800, %mul3A_843 : vector<16xf32>
        %add3A_845 = arith.constant 96 : i32
        %add3A_846 = vector.broadcast %add3A_845 : i32 to vector<16xi32>
        %add3A_847 = arith.addi %and3A_815, %add3A_846 : vector<16xi32>
        %gather3A_848 = tpu.vector_load_idx %arg19[%add3A_117, %add3A_847] : memref<64x128xf32, #tpu.memory_space<vmem>>[vector<16xi32>, vector<16xi32>], vector<16xf32>,
        %gather3A_849 = tpu.vector_load_idx %arg17[%add3A_117, %add3A_847] : memref<64x128xf32, #tpu.memory_space<vmem>>[vector<16xi32>, vector<16xi32>], vector<16xf32>,
        %mul3A_850 = arith.mulf %gather3A_848, %gather3A_817 : vector<16xf32>
        %add3A_851 = arith.addf %add3A_807, %mul3A_850 : vector<16xf32>
        %mul3A_852 = arith.mulf %gather3A_849, %gather3A_817 : vector<16xf32>
        %add3A_853 = arith.addf %add3A_809, %mul3A_852 : vector<16xf32>
        %broadcast_in_dim3A_854 = arith.constant 16 : i32
        %broadcast_in_dim3A_855 = vector.broadcast %broadcast_in_dim3A_854 : i32 to vector<16xi32>
        %add3A_856 = arith.addi %broadcast_in_dim3A_855, %iota3A : vector<16xi32>
        %and3A_857 = arith.constant 31 : i32
        %and3A_858 = vector.broadcast %and3A_857 : i32 to vector<16xi32>
        %and3A_859 = arith.andi %add3A_856, %and3A_858 : vector<16xi32>
        %add3A_860 = arith.addi %mul3A_148, %and3A_859 : vector<16xi32>
        %gather3A_861 = tpu.vector_load_idx %arg21[%add3A_117, %add3A_860] : memref<64x128xf32, #tpu.memory_space<vmem>>[vector<16xi32>, vector<16xi32>], vector<16xf32>,
        %add3A_862 = arith.constant 0 : i32
        %add3A_863 = vector.broadcast %add3A_862 : i32 to vector<16xi32>
        %add3A_864 = arith.addi %and3A_859, %add3A_863 : vector<16xi32>
        %gather3A_865 = tpu.vector_load_idx %arg19[%add3A_117, %add3A_864] : memref<64x128xf32, #tpu.memory_space<vmem>>[vector<16xi32>, vector<16xi32>], vector<16xf32>,
        %gather3A_866 = tpu.vector_load_idx %arg17[%add3A_117, %add3A_864] : memref<64x128xf32, #tpu.memory_space<vmem>>[vector<16xi32>, vector<16xi32>], vector<16xf32>,
        %mul3A_867 = arith.mulf %gather3A_865, %gather3A_861 : vector<16xf32>
        %add3A_868 = arith.addf %add3A_824, %mul3A_867 : vector<16xf32>
        %mul3A_869 = arith.mulf %gather3A_866, %gather3A_861 : vector<16xf32>
        %add3A_870 = arith.addf %add3A_826, %mul3A_869 : vector<16xf32>
        %add3A_871 = arith.constant 32 : i32
        %add3A_872 = vector.broadcast %add3A_871 : i32 to vector<16xi32>
        %add3A_873 = arith.addi %and3A_859, %add3A_872 : vector<16xi32>
        %gather3A_874 = tpu.vector_load_idx %arg19[%add3A_117, %add3A_873] : memref<64x128xf32, #tpu.memory_space<vmem>>[vector<16xi32>, vector<16xi32>], vector<16xf32>,
        %gather3A_875 = tpu.vector_load_idx %arg17[%add3A_117, %add3A_873] : memref<64x128xf32, #tpu.memory_space<vmem>>[vector<16xi32>, vector<16xi32>], vector<16xf32>,
        %mul3A_876 = arith.mulf %gather3A_874, %gather3A_861 : vector<16xf32>
        %add3A_877 = arith.addf %add3A_833, %mul3A_876 : vector<16xf32>
        %mul3A_878 = arith.mulf %gather3A_875, %gather3A_861 : vector<16xf32>
        %add3A_879 = arith.addf %add3A_835, %mul3A_878 : vector<16xf32>
        %add3A_880 = arith.constant 64 : i32
        %add3A_881 = vector.broadcast %add3A_880 : i32 to vector<16xi32>
        %add3A_882 = arith.addi %and3A_859, %add3A_881 : vector<16xi32>
        %gather3A_883 = tpu.vector_load_idx %arg19[%add3A_117, %add3A_882] : memref<64x128xf32, #tpu.memory_space<vmem>>[vector<16xi32>, vector<16xi32>], vector<16xf32>,
        %gather3A_884 = tpu.vector_load_idx %arg17[%add3A_117, %add3A_882] : memref<64x128xf32, #tpu.memory_space<vmem>>[vector<16xi32>, vector<16xi32>], vector<16xf32>,
        %mul3A_885 = arith.mulf %gather3A_883, %gather3A_861 : vector<16xf32>
        %add3A_886 = arith.addf %add3A_842, %mul3A_885 : vector<16xf32>
        %mul3A_887 = arith.mulf %gather3A_884, %gather3A_861 : vector<16xf32>
        %add3A_888 = arith.addf %add3A_844, %mul3A_887 : vector<16xf32>
        %add3A_889 = arith.constant 96 : i32
        %add3A_890 = vector.broadcast %add3A_889 : i32 to vector<16xi32>
        %add3A_891 = arith.addi %and3A_859, %add3A_890 : vector<16xi32>
        %gather3A_892 = tpu.vector_load_idx %arg19[%add3A_117, %add3A_891] : memref<64x128xf32, #tpu.memory_space<vmem>>[vector<16xi32>, vector<16xi32>], vector<16xf32>,
        %gather3A_893 = tpu.vector_load_idx %arg17[%add3A_117, %add3A_891] : memref<64x128xf32, #tpu.memory_space<vmem>>[vector<16xi32>, vector<16xi32>], vector<16xf32>,
        %mul3A_894 = arith.mulf %gather3A_892, %gather3A_861 : vector<16xf32>
        %add3A_895 = arith.addf %add3A_851, %mul3A_894 : vector<16xf32>
        %mul3A_896 = arith.mulf %gather3A_893, %gather3A_861 : vector<16xf32>
        %add3A_897 = arith.addf %add3A_853, %mul3A_896 : vector<16xf32>
        %broadcast_in_dim3A_898 = arith.constant 17 : i32
        %broadcast_in_dim3A_899 = vector.broadcast %broadcast_in_dim3A_898 : i32 to vector<16xi32>
        %add3A_900 = arith.addi %broadcast_in_dim3A_899, %iota3A : vector<16xi32>
        %and3A_901 = arith.constant 31 : i32
        %and3A_902 = vector.broadcast %and3A_901 : i32 to vector<16xi32>
        %and3A_903 = arith.andi %add3A_900, %and3A_902 : vector<16xi32>
        %add3A_904 = arith.addi %mul3A_148, %and3A_903 : vector<16xi32>
        %gather3A_905 = tpu.vector_load_idx %arg21[%add3A_117, %add3A_904] : memref<64x128xf32, #tpu.memory_space<vmem>>[vector<16xi32>, vector<16xi32>], vector<16xf32>,
        %add3A_906 = arith.constant 0 : i32
        %add3A_907 = vector.broadcast %add3A_906 : i32 to vector<16xi32>
        %add3A_908 = arith.addi %and3A_903, %add3A_907 : vector<16xi32>
        %gather3A_909 = tpu.vector_load_idx %arg19[%add3A_117, %add3A_908] : memref<64x128xf32, #tpu.memory_space<vmem>>[vector<16xi32>, vector<16xi32>], vector<16xf32>,
        %gather3A_910 = tpu.vector_load_idx %arg17[%add3A_117, %add3A_908] : memref<64x128xf32, #tpu.memory_space<vmem>>[vector<16xi32>, vector<16xi32>], vector<16xf32>,
        %mul3A_911 = arith.mulf %gather3A_909, %gather3A_905 : vector<16xf32>
        %add3A_912 = arith.addf %add3A_868, %mul3A_911 : vector<16xf32>
        %mul3A_913 = arith.mulf %gather3A_910, %gather3A_905 : vector<16xf32>
        %add3A_914 = arith.addf %add3A_870, %mul3A_913 : vector<16xf32>
        %add3A_915 = arith.constant 32 : i32
        %add3A_916 = vector.broadcast %add3A_915 : i32 to vector<16xi32>
        %add3A_917 = arith.addi %and3A_903, %add3A_916 : vector<16xi32>
        %gather3A_918 = tpu.vector_load_idx %arg19[%add3A_117, %add3A_917] : memref<64x128xf32, #tpu.memory_space<vmem>>[vector<16xi32>, vector<16xi32>], vector<16xf32>,
        %gather3A_919 = tpu.vector_load_idx %arg17[%add3A_117, %add3A_917] : memref<64x128xf32, #tpu.memory_space<vmem>>[vector<16xi32>, vector<16xi32>], vector<16xf32>,
        %mul3A_920 = arith.mulf %gather3A_918, %gather3A_905 : vector<16xf32>
        %add3A_921 = arith.addf %add3A_877, %mul3A_920 : vector<16xf32>
        %mul3A_922 = arith.mulf %gather3A_919, %gather3A_905 : vector<16xf32>
        %add3A_923 = arith.addf %add3A_879, %mul3A_922 : vector<16xf32>
        %add3A_924 = arith.constant 64 : i32
        %add3A_925 = vector.broadcast %add3A_924 : i32 to vector<16xi32>
        %add3A_926 = arith.addi %and3A_903, %add3A_925 : vector<16xi32>
        %gather3A_927 = tpu.vector_load_idx %arg19[%add3A_117, %add3A_926] : memref<64x128xf32, #tpu.memory_space<vmem>>[vector<16xi32>, vector<16xi32>], vector<16xf32>,
        %gather3A_928 = tpu.vector_load_idx %arg17[%add3A_117, %add3A_926] : memref<64x128xf32, #tpu.memory_space<vmem>>[vector<16xi32>, vector<16xi32>], vector<16xf32>,
        %mul3A_929 = arith.mulf %gather3A_927, %gather3A_905 : vector<16xf32>
        %add3A_930 = arith.addf %add3A_886, %mul3A_929 : vector<16xf32>
        %mul3A_931 = arith.mulf %gather3A_928, %gather3A_905 : vector<16xf32>
        %add3A_932 = arith.addf %add3A_888, %mul3A_931 : vector<16xf32>
        %add3A_933 = arith.constant 96 : i32
        %add3A_934 = vector.broadcast %add3A_933 : i32 to vector<16xi32>
        %add3A_935 = arith.addi %and3A_903, %add3A_934 : vector<16xi32>
        %gather3A_936 = tpu.vector_load_idx %arg19[%add3A_117, %add3A_935] : memref<64x128xf32, #tpu.memory_space<vmem>>[vector<16xi32>, vector<16xi32>], vector<16xf32>,
        %gather3A_937 = tpu.vector_load_idx %arg17[%add3A_117, %add3A_935] : memref<64x128xf32, #tpu.memory_space<vmem>>[vector<16xi32>, vector<16xi32>], vector<16xf32>,
        %mul3A_938 = arith.mulf %gather3A_936, %gather3A_905 : vector<16xf32>
        %add3A_939 = arith.addf %add3A_895, %mul3A_938 : vector<16xf32>
        %mul3A_940 = arith.mulf %gather3A_937, %gather3A_905 : vector<16xf32>
        %add3A_941 = arith.addf %add3A_897, %mul3A_940 : vector<16xf32>
        %broadcast_in_dim3A_942 = arith.constant 18 : i32
        %broadcast_in_dim3A_943 = vector.broadcast %broadcast_in_dim3A_942 : i32 to vector<16xi32>
        %add3A_944 = arith.addi %broadcast_in_dim3A_943, %iota3A : vector<16xi32>
        %and3A_945 = arith.constant 31 : i32
        %and3A_946 = vector.broadcast %and3A_945 : i32 to vector<16xi32>
        %and3A_947 = arith.andi %add3A_944, %and3A_946 : vector<16xi32>
        %add3A_948 = arith.addi %mul3A_148, %and3A_947 : vector<16xi32>
        %gather3A_949 = tpu.vector_load_idx %arg21[%add3A_117, %add3A_948] : memref<64x128xf32, #tpu.memory_space<vmem>>[vector<16xi32>, vector<16xi32>], vector<16xf32>,
        %add3A_950 = arith.constant 0 : i32
        %add3A_951 = vector.broadcast %add3A_950 : i32 to vector<16xi32>
        %add3A_952 = arith.addi %and3A_947, %add3A_951 : vector<16xi32>
        %gather3A_953 = tpu.vector_load_idx %arg19[%add3A_117, %add3A_952] : memref<64x128xf32, #tpu.memory_space<vmem>>[vector<16xi32>, vector<16xi32>], vector<16xf32>,
        %gather3A_954 = tpu.vector_load_idx %arg17[%add3A_117, %add3A_952] : memref<64x128xf32, #tpu.memory_space<vmem>>[vector<16xi32>, vector<16xi32>], vector<16xf32>,
        %mul3A_955 = arith.mulf %gather3A_953, %gather3A_949 : vector<16xf32>
        %add3A_956 = arith.addf %add3A_912, %mul3A_955 : vector<16xf32>
        %mul3A_957 = arith.mulf %gather3A_954, %gather3A_949 : vector<16xf32>
        %add3A_958 = arith.addf %add3A_914, %mul3A_957 : vector<16xf32>
        %add3A_959 = arith.constant 32 : i32
        %add3A_960 = vector.broadcast %add3A_959 : i32 to vector<16xi32>
        %add3A_961 = arith.addi %and3A_947, %add3A_960 : vector<16xi32>
        %gather3A_962 = tpu.vector_load_idx %arg19[%add3A_117, %add3A_961] : memref<64x128xf32, #tpu.memory_space<vmem>>[vector<16xi32>, vector<16xi32>], vector<16xf32>,
        %gather3A_963 = tpu.vector_load_idx %arg17[%add3A_117, %add3A_961] : memref<64x128xf32, #tpu.memory_space<vmem>>[vector<16xi32>, vector<16xi32>], vector<16xf32>,
        %mul3A_964 = arith.mulf %gather3A_962, %gather3A_949 : vector<16xf32>
        %add3A_965 = arith.addf %add3A_921, %mul3A_964 : vector<16xf32>
        %mul3A_966 = arith.mulf %gather3A_963, %gather3A_949 : vector<16xf32>
        %add3A_967 = arith.addf %add3A_923, %mul3A_966 : vector<16xf32>
        %add3A_968 = arith.constant 64 : i32
        %add3A_969 = vector.broadcast %add3A_968 : i32 to vector<16xi32>
        %add3A_970 = arith.addi %and3A_947, %add3A_969 : vector<16xi32>
        %gather3A_971 = tpu.vector_load_idx %arg19[%add3A_117, %add3A_970] : memref<64x128xf32, #tpu.memory_space<vmem>>[vector<16xi32>, vector<16xi32>], vector<16xf32>,
        %gather3A_972 = tpu.vector_load_idx %arg17[%add3A_117, %add3A_970] : memref<64x128xf32, #tpu.memory_space<vmem>>[vector<16xi32>, vector<16xi32>], vector<16xf32>,
        %mul3A_973 = arith.mulf %gather3A_971, %gather3A_949 : vector<16xf32>
        %add3A_974 = arith.addf %add3A_930, %mul3A_973 : vector<16xf32>
        %mul3A_975 = arith.mulf %gather3A_972, %gather3A_949 : vector<16xf32>
        %add3A_976 = arith.addf %add3A_932, %mul3A_975 : vector<16xf32>
        %add3A_977 = arith.constant 96 : i32
        %add3A_978 = vector.broadcast %add3A_977 : i32 to vector<16xi32>
        %add3A_979 = arith.addi %and3A_947, %add3A_978 : vector<16xi32>
        %gather3A_980 = tpu.vector_load_idx %arg19[%add3A_117, %add3A_979] : memref<64x128xf32, #tpu.memory_space<vmem>>[vector<16xi32>, vector<16xi32>], vector<16xf32>,
        %gather3A_981 = tpu.vector_load_idx %arg17[%add3A_117, %add3A_979] : memref<64x128xf32, #tpu.memory_space<vmem>>[vector<16xi32>, vector<16xi32>], vector<16xf32>,
        %mul3A_982 = arith.mulf %gather3A_980, %gather3A_949 : vector<16xf32>
        %add3A_983 = arith.addf %add3A_939, %mul3A_982 : vector<16xf32>
        %mul3A_984 = arith.mulf %gather3A_981, %gather3A_949 : vector<16xf32>
        %add3A_985 = arith.addf %add3A_941, %mul3A_984 : vector<16xf32>
        %broadcast_in_dim3A_986 = arith.constant 19 : i32
        %broadcast_in_dim3A_987 = vector.broadcast %broadcast_in_dim3A_986 : i32 to vector<16xi32>
        %add3A_988 = arith.addi %broadcast_in_dim3A_987, %iota3A : vector<16xi32>
        %and3A_989 = arith.constant 31 : i32
        %and3A_990 = vector.broadcast %and3A_989 : i32 to vector<16xi32>
        %and3A_991 = arith.andi %add3A_988, %and3A_990 : vector<16xi32>
        %add3A_992 = arith.addi %mul3A_148, %and3A_991 : vector<16xi32>
        %gather3A_993 = tpu.vector_load_idx %arg21[%add3A_117, %add3A_992] : memref<64x128xf32, #tpu.memory_space<vmem>>[vector<16xi32>, vector<16xi32>], vector<16xf32>,
        %add3A_994 = arith.constant 0 : i32
        %add3A_995 = vector.broadcast %add3A_994 : i32 to vector<16xi32>
        %add3A_996 = arith.addi %and3A_991, %add3A_995 : vector<16xi32>
        %gather3A_997 = tpu.vector_load_idx %arg19[%add3A_117, %add3A_996] : memref<64x128xf32, #tpu.memory_space<vmem>>[vector<16xi32>, vector<16xi32>], vector<16xf32>,
        %gather3A_998 = tpu.vector_load_idx %arg17[%add3A_117, %add3A_996] : memref<64x128xf32, #tpu.memory_space<vmem>>[vector<16xi32>, vector<16xi32>], vector<16xf32>,
        %mul3A_999 = arith.mulf %gather3A_997, %gather3A_993 : vector<16xf32>
        %add3A_1000 = arith.addf %add3A_956, %mul3A_999 : vector<16xf32>
        %mul3A_1001 = arith.mulf %gather3A_998, %gather3A_993 : vector<16xf32>
        %add3A_1002 = arith.addf %add3A_958, %mul3A_1001 : vector<16xf32>
        %add3A_1003 = arith.constant 32 : i32
        %add3A_1004 = vector.broadcast %add3A_1003 : i32 to vector<16xi32>
        %add3A_1005 = arith.addi %and3A_991, %add3A_1004 : vector<16xi32>
        %gather3A_1006 = tpu.vector_load_idx %arg19[%add3A_117, %add3A_1005] : memref<64x128xf32, #tpu.memory_space<vmem>>[vector<16xi32>, vector<16xi32>], vector<16xf32>,
        %gather3A_1007 = tpu.vector_load_idx %arg17[%add3A_117, %add3A_1005] : memref<64x128xf32, #tpu.memory_space<vmem>>[vector<16xi32>, vector<16xi32>], vector<16xf32>,
        %mul3A_1008 = arith.mulf %gather3A_1006, %gather3A_993 : vector<16xf32>
        %add3A_1009 = arith.addf %add3A_965, %mul3A_1008 : vector<16xf32>
        %mul3A_1010 = arith.mulf %gather3A_1007, %gather3A_993 : vector<16xf32>
        %add3A_1011 = arith.addf %add3A_967, %mul3A_1010 : vector<16xf32>
        %add3A_1012 = arith.constant 64 : i32
        %add3A_1013 = vector.broadcast %add3A_1012 : i32 to vector<16xi32>
        %add3A_1014 = arith.addi %and3A_991, %add3A_1013 : vector<16xi32>
        %gather3A_1015 = tpu.vector_load_idx %arg19[%add3A_117, %add3A_1014] : memref<64x128xf32, #tpu.memory_space<vmem>>[vector<16xi32>, vector<16xi32>], vector<16xf32>,
        %gather3A_1016 = tpu.vector_load_idx %arg17[%add3A_117, %add3A_1014] : memref<64x128xf32, #tpu.memory_space<vmem>>[vector<16xi32>, vector<16xi32>], vector<16xf32>,
        %mul3A_1017 = arith.mulf %gather3A_1015, %gather3A_993 : vector<16xf32>
        %add3A_1018 = arith.addf %add3A_974, %mul3A_1017 : vector<16xf32>
        %mul3A_1019 = arith.mulf %gather3A_1016, %gather3A_993 : vector<16xf32>
        %add3A_1020 = arith.addf %add3A_976, %mul3A_1019 : vector<16xf32>
        %add3A_1021 = arith.constant 96 : i32
        %add3A_1022 = vector.broadcast %add3A_1021 : i32 to vector<16xi32>
        %add3A_1023 = arith.addi %and3A_991, %add3A_1022 : vector<16xi32>
        %gather3A_1024 = tpu.vector_load_idx %arg19[%add3A_117, %add3A_1023] : memref<64x128xf32, #tpu.memory_space<vmem>>[vector<16xi32>, vector<16xi32>], vector<16xf32>,
        %gather3A_1025 = tpu.vector_load_idx %arg17[%add3A_117, %add3A_1023] : memref<64x128xf32, #tpu.memory_space<vmem>>[vector<16xi32>, vector<16xi32>], vector<16xf32>,
        %mul3A_1026 = arith.mulf %gather3A_1024, %gather3A_993 : vector<16xf32>
        %add3A_1027 = arith.addf %add3A_983, %mul3A_1026 : vector<16xf32>
        %mul3A_1028 = arith.mulf %gather3A_1025, %gather3A_993 : vector<16xf32>
        %add3A_1029 = arith.addf %add3A_985, %mul3A_1028 : vector<16xf32>
        %broadcast_in_dim3A_1030 = arith.constant 20 : i32
        %broadcast_in_dim3A_1031 = vector.broadcast %broadcast_in_dim3A_1030 : i32 to vector<16xi32>
        %add3A_1032 = arith.addi %broadcast_in_dim3A_1031, %iota3A : vector<16xi32>
        %and3A_1033 = arith.constant 31 : i32
        %and3A_1034 = vector.broadcast %and3A_1033 : i32 to vector<16xi32>
        %and3A_1035 = arith.andi %add3A_1032, %and3A_1034 : vector<16xi32>
        %add3A_1036 = arith.addi %mul3A_148, %and3A_1035 : vector<16xi32>
        %gather3A_1037 = tpu.vector_load_idx %arg21[%add3A_117, %add3A_1036] : memref<64x128xf32, #tpu.memory_space<vmem>>[vector<16xi32>, vector<16xi32>], vector<16xf32>,
        %add3A_1038 = arith.constant 0 : i32
        %add3A_1039 = vector.broadcast %add3A_1038 : i32 to vector<16xi32>
        %add3A_1040 = arith.addi %and3A_1035, %add3A_1039 : vector<16xi32>
        %gather3A_1041 = tpu.vector_load_idx %arg19[%add3A_117, %add3A_1040] : memref<64x128xf32, #tpu.memory_space<vmem>>[vector<16xi32>, vector<16xi32>], vector<16xf32>,
        %gather3A_1042 = tpu.vector_load_idx %arg17[%add3A_117, %add3A_1040] : memref<64x128xf32, #tpu.memory_space<vmem>>[vector<16xi32>, vector<16xi32>], vector<16xf32>,
        %mul3A_1043 = arith.mulf %gather3A_1041, %gather3A_1037 : vector<16xf32>
        %add3A_1044 = arith.addf %add3A_1000, %mul3A_1043 : vector<16xf32>
        %mul3A_1045 = arith.mulf %gather3A_1042, %gather3A_1037 : vector<16xf32>
        %add3A_1046 = arith.addf %add3A_1002, %mul3A_1045 : vector<16xf32>
        %add3A_1047 = arith.constant 32 : i32
        %add3A_1048 = vector.broadcast %add3A_1047 : i32 to vector<16xi32>
        %add3A_1049 = arith.addi %and3A_1035, %add3A_1048 : vector<16xi32>
        %gather3A_1050 = tpu.vector_load_idx %arg19[%add3A_117, %add3A_1049] : memref<64x128xf32, #tpu.memory_space<vmem>>[vector<16xi32>, vector<16xi32>], vector<16xf32>,
        %gather3A_1051 = tpu.vector_load_idx %arg17[%add3A_117, %add3A_1049] : memref<64x128xf32, #tpu.memory_space<vmem>>[vector<16xi32>, vector<16xi32>], vector<16xf32>,
        %mul3A_1052 = arith.mulf %gather3A_1050, %gather3A_1037 : vector<16xf32>
        %add3A_1053 = arith.addf %add3A_1009, %mul3A_1052 : vector<16xf32>
        %mul3A_1054 = arith.mulf %gather3A_1051, %gather3A_1037 : vector<16xf32>
        %add3A_1055 = arith.addf %add3A_1011, %mul3A_1054 : vector<16xf32>
        %add3A_1056 = arith.constant 64 : i32
        %add3A_1057 = vector.broadcast %add3A_1056 : i32 to vector<16xi32>
        %add3A_1058 = arith.addi %and3A_1035, %add3A_1057 : vector<16xi32>
        %gather3A_1059 = tpu.vector_load_idx %arg19[%add3A_117, %add3A_1058] : memref<64x128xf32, #tpu.memory_space<vmem>>[vector<16xi32>, vector<16xi32>], vector<16xf32>,
        %gather3A_1060 = tpu.vector_load_idx %arg17[%add3A_117, %add3A_1058] : memref<64x128xf32, #tpu.memory_space<vmem>>[vector<16xi32>, vector<16xi32>], vector<16xf32>,
        %mul3A_1061 = arith.mulf %gather3A_1059, %gather3A_1037 : vector<16xf32>
        %add3A_1062 = arith.addf %add3A_1018, %mul3A_1061 : vector<16xf32>
        %mul3A_1063 = arith.mulf %gather3A_1060, %gather3A_1037 : vector<16xf32>
        %add3A_1064 = arith.addf %add3A_1020, %mul3A_1063 : vector<16xf32>
        %add3A_1065 = arith.constant 96 : i32
        %add3A_1066 = vector.broadcast %add3A_1065 : i32 to vector<16xi32>
        %add3A_1067 = arith.addi %and3A_1035, %add3A_1066 : vector<16xi32>
        %gather3A_1068 = tpu.vector_load_idx %arg19[%add3A_117, %add3A_1067] : memref<64x128xf32, #tpu.memory_space<vmem>>[vector<16xi32>, vector<16xi32>], vector<16xf32>,
        %gather3A_1069 = tpu.vector_load_idx %arg17[%add3A_117, %add3A_1067] : memref<64x128xf32, #tpu.memory_space<vmem>>[vector<16xi32>, vector<16xi32>], vector<16xf32>,
        %mul3A_1070 = arith.mulf %gather3A_1068, %gather3A_1037 : vector<16xf32>
        %add3A_1071 = arith.addf %add3A_1027, %mul3A_1070 : vector<16xf32>
        %mul3A_1072 = arith.mulf %gather3A_1069, %gather3A_1037 : vector<16xf32>
        %add3A_1073 = arith.addf %add3A_1029, %mul3A_1072 : vector<16xf32>
        %broadcast_in_dim3A_1074 = arith.constant 21 : i32
        %broadcast_in_dim3A_1075 = vector.broadcast %broadcast_in_dim3A_1074 : i32 to vector<16xi32>
        %add3A_1076 = arith.addi %broadcast_in_dim3A_1075, %iota3A : vector<16xi32>
        %and3A_1077 = arith.constant 31 : i32
        %and3A_1078 = vector.broadcast %and3A_1077 : i32 to vector<16xi32>
        %and3A_1079 = arith.andi %add3A_1076, %and3A_1078 : vector<16xi32>
        %add3A_1080 = arith.addi %mul3A_148, %and3A_1079 : vector<16xi32>
        %gather3A_1081 = tpu.vector_load_idx %arg21[%add3A_117, %add3A_1080] : memref<64x128xf32, #tpu.memory_space<vmem>>[vector<16xi32>, vector<16xi32>], vector<16xf32>,
        %add3A_1082 = arith.constant 0 : i32
        %add3A_1083 = vector.broadcast %add3A_1082 : i32 to vector<16xi32>
        %add3A_1084 = arith.addi %and3A_1079, %add3A_1083 : vector<16xi32>
        %gather3A_1085 = tpu.vector_load_idx %arg19[%add3A_117, %add3A_1084] : memref<64x128xf32, #tpu.memory_space<vmem>>[vector<16xi32>, vector<16xi32>], vector<16xf32>,
        %gather3A_1086 = tpu.vector_load_idx %arg17[%add3A_117, %add3A_1084] : memref<64x128xf32, #tpu.memory_space<vmem>>[vector<16xi32>, vector<16xi32>], vector<16xf32>,
        %mul3A_1087 = arith.mulf %gather3A_1085, %gather3A_1081 : vector<16xf32>
        %add3A_1088 = arith.addf %add3A_1044, %mul3A_1087 : vector<16xf32>
        %mul3A_1089 = arith.mulf %gather3A_1086, %gather3A_1081 : vector<16xf32>
        %add3A_1090 = arith.addf %add3A_1046, %mul3A_1089 : vector<16xf32>
        %add3A_1091 = arith.constant 32 : i32
        %add3A_1092 = vector.broadcast %add3A_1091 : i32 to vector<16xi32>
        %add3A_1093 = arith.addi %and3A_1079, %add3A_1092 : vector<16xi32>
        %gather3A_1094 = tpu.vector_load_idx %arg19[%add3A_117, %add3A_1093] : memref<64x128xf32, #tpu.memory_space<vmem>>[vector<16xi32>, vector<16xi32>], vector<16xf32>,
        %gather3A_1095 = tpu.vector_load_idx %arg17[%add3A_117, %add3A_1093] : memref<64x128xf32, #tpu.memory_space<vmem>>[vector<16xi32>, vector<16xi32>], vector<16xf32>,
        %mul3A_1096 = arith.mulf %gather3A_1094, %gather3A_1081 : vector<16xf32>
        %add3A_1097 = arith.addf %add3A_1053, %mul3A_1096 : vector<16xf32>
        %mul3A_1098 = arith.mulf %gather3A_1095, %gather3A_1081 : vector<16xf32>
        %add3A_1099 = arith.addf %add3A_1055, %mul3A_1098 : vector<16xf32>
        %add3A_1100 = arith.constant 64 : i32
        %add3A_1101 = vector.broadcast %add3A_1100 : i32 to vector<16xi32>
        %add3A_1102 = arith.addi %and3A_1079, %add3A_1101 : vector<16xi32>
        %gather3A_1103 = tpu.vector_load_idx %arg19[%add3A_117, %add3A_1102] : memref<64x128xf32, #tpu.memory_space<vmem>>[vector<16xi32>, vector<16xi32>], vector<16xf32>,
        %gather3A_1104 = tpu.vector_load_idx %arg17[%add3A_117, %add3A_1102] : memref<64x128xf32, #tpu.memory_space<vmem>>[vector<16xi32>, vector<16xi32>], vector<16xf32>,
        %mul3A_1105 = arith.mulf %gather3A_1103, %gather3A_1081 : vector<16xf32>
        %add3A_1106 = arith.addf %add3A_1062, %mul3A_1105 : vector<16xf32>
        %mul3A_1107 = arith.mulf %gather3A_1104, %gather3A_1081 : vector<16xf32>
        %add3A_1108 = arith.addf %add3A_1064, %mul3A_1107 : vector<16xf32>
        %add3A_1109 = arith.constant 96 : i32
        %add3A_1110 = vector.broadcast %add3A_1109 : i32 to vector<16xi32>
        %add3A_1111 = arith.addi %and3A_1079, %add3A_1110 : vector<16xi32>
        %gather3A_1112 = tpu.vector_load_idx %arg19[%add3A_117, %add3A_1111] : memref<64x128xf32, #tpu.memory_space<vmem>>[vector<16xi32>, vector<16xi32>], vector<16xf32>,
        %gather3A_1113 = tpu.vector_load_idx %arg17[%add3A_117, %add3A_1111] : memref<64x128xf32, #tpu.memory_space<vmem>>[vector<16xi32>, vector<16xi32>], vector<16xf32>,
        %mul3A_1114 = arith.mulf %gather3A_1112, %gather3A_1081 : vector<16xf32>
        %add3A_1115 = arith.addf %add3A_1071, %mul3A_1114 : vector<16xf32>
        %mul3A_1116 = arith.mulf %gather3A_1113, %gather3A_1081 : vector<16xf32>
        %add3A_1117 = arith.addf %add3A_1073, %mul3A_1116 : vector<16xf32>
        %broadcast_in_dim3A_1118 = arith.constant 22 : i32
        %broadcast_in_dim3A_1119 = vector.broadcast %broadcast_in_dim3A_1118 : i32 to vector<16xi32>
        %add3A_1120 = arith.addi %broadcast_in_dim3A_1119, %iota3A : vector<16xi32>
        %and3A_1121 = arith.constant 31 : i32
        %and3A_1122 = vector.broadcast %and3A_1121 : i32 to vector<16xi32>
        %and3A_1123 = arith.andi %add3A_1120, %and3A_1122 : vector<16xi32>
        %add3A_1124 = arith.addi %mul3A_148, %and3A_1123 : vector<16xi32>
        %gather3A_1125 = tpu.vector_load_idx %arg21[%add3A_117, %add3A_1124] : memref<64x128xf32, #tpu.memory_space<vmem>>[vector<16xi32>, vector<16xi32>], vector<16xf32>,
        %add3A_1126 = arith.constant 0 : i32
        %add3A_1127 = vector.broadcast %add3A_1126 : i32 to vector<16xi32>
        %add3A_1128 = arith.addi %and3A_1123, %add3A_1127 : vector<16xi32>
        %gather3A_1129 = tpu.vector_load_idx %arg19[%add3A_117, %add3A_1128] : memref<64x128xf32, #tpu.memory_space<vmem>>[vector<16xi32>, vector<16xi32>], vector<16xf32>,
        %gather3A_1130 = tpu.vector_load_idx %arg17[%add3A_117, %add3A_1128] : memref<64x128xf32, #tpu.memory_space<vmem>>[vector<16xi32>, vector<16xi32>], vector<16xf32>,
        %mul3A_1131 = arith.mulf %gather3A_1129, %gather3A_1125 : vector<16xf32>
        %add3A_1132 = arith.addf %add3A_1088, %mul3A_1131 : vector<16xf32>
        %mul3A_1133 = arith.mulf %gather3A_1130, %gather3A_1125 : vector<16xf32>
        %add3A_1134 = arith.addf %add3A_1090, %mul3A_1133 : vector<16xf32>
        %add3A_1135 = arith.constant 32 : i32
        %add3A_1136 = vector.broadcast %add3A_1135 : i32 to vector<16xi32>
        %add3A_1137 = arith.addi %and3A_1123, %add3A_1136 : vector<16xi32>
        %gather3A_1138 = tpu.vector_load_idx %arg19[%add3A_117, %add3A_1137] : memref<64x128xf32, #tpu.memory_space<vmem>>[vector<16xi32>, vector<16xi32>], vector<16xf32>,
        %gather3A_1139 = tpu.vector_load_idx %arg17[%add3A_117, %add3A_1137] : memref<64x128xf32, #tpu.memory_space<vmem>>[vector<16xi32>, vector<16xi32>], vector<16xf32>,
        %mul3A_1140 = arith.mulf %gather3A_1138, %gather3A_1125 : vector<16xf32>
        %add3A_1141 = arith.addf %add3A_1097, %mul3A_1140 : vector<16xf32>
        %mul3A_1142 = arith.mulf %gather3A_1139, %gather3A_1125 : vector<16xf32>
        %add3A_1143 = arith.addf %add3A_1099, %mul3A_1142 : vector<16xf32>
        %add3A_1144 = arith.constant 64 : i32
        %add3A_1145 = vector.broadcast %add3A_1144 : i32 to vector<16xi32>
        %add3A_1146 = arith.addi %and3A_1123, %add3A_1145 : vector<16xi32>
        %gather3A_1147 = tpu.vector_load_idx %arg19[%add3A_117, %add3A_1146] : memref<64x128xf32, #tpu.memory_space<vmem>>[vector<16xi32>, vector<16xi32>], vector<16xf32>,
        %gather3A_1148 = tpu.vector_load_idx %arg17[%add3A_117, %add3A_1146] : memref<64x128xf32, #tpu.memory_space<vmem>>[vector<16xi32>, vector<16xi32>], vector<16xf32>,
        %mul3A_1149 = arith.mulf %gather3A_1147, %gather3A_1125 : vector<16xf32>
        %add3A_1150 = arith.addf %add3A_1106, %mul3A_1149 : vector<16xf32>
        %mul3A_1151 = arith.mulf %gather3A_1148, %gather3A_1125 : vector<16xf32>
        %add3A_1152 = arith.addf %add3A_1108, %mul3A_1151 : vector<16xf32>
        %add3A_1153 = arith.constant 96 : i32
        %add3A_1154 = vector.broadcast %add3A_1153 : i32 to vector<16xi32>
        %add3A_1155 = arith.addi %and3A_1123, %add3A_1154 : vector<16xi32>
        %gather3A_1156 = tpu.vector_load_idx %arg19[%add3A_117, %add3A_1155] : memref<64x128xf32, #tpu.memory_space<vmem>>[vector<16xi32>, vector<16xi32>], vector<16xf32>,
        %gather3A_1157 = tpu.vector_load_idx %arg17[%add3A_117, %add3A_1155] : memref<64x128xf32, #tpu.memory_space<vmem>>[vector<16xi32>, vector<16xi32>], vector<16xf32>,
        %mul3A_1158 = arith.mulf %gather3A_1156, %gather3A_1125 : vector<16xf32>
        %add3A_1159 = arith.addf %add3A_1115, %mul3A_1158 : vector<16xf32>
        %mul3A_1160 = arith.mulf %gather3A_1157, %gather3A_1125 : vector<16xf32>
        %add3A_1161 = arith.addf %add3A_1117, %mul3A_1160 : vector<16xf32>
        %broadcast_in_dim3A_1162 = arith.constant 23 : i32
        %broadcast_in_dim3A_1163 = vector.broadcast %broadcast_in_dim3A_1162 : i32 to vector<16xi32>
        %add3A_1164 = arith.addi %broadcast_in_dim3A_1163, %iota3A : vector<16xi32>
        %and3A_1165 = arith.constant 31 : i32
        %and3A_1166 = vector.broadcast %and3A_1165 : i32 to vector<16xi32>
        %and3A_1167 = arith.andi %add3A_1164, %and3A_1166 : vector<16xi32>
        %add3A_1168 = arith.addi %mul3A_148, %and3A_1167 : vector<16xi32>
        %gather3A_1169 = tpu.vector_load_idx %arg21[%add3A_117, %add3A_1168] : memref<64x128xf32, #tpu.memory_space<vmem>>[vector<16xi32>, vector<16xi32>], vector<16xf32>,
        %add3A_1170 = arith.constant 0 : i32
        %add3A_1171 = vector.broadcast %add3A_1170 : i32 to vector<16xi32>
        %add3A_1172 = arith.addi %and3A_1167, %add3A_1171 : vector<16xi32>
        %gather3A_1173 = tpu.vector_load_idx %arg19[%add3A_117, %add3A_1172] : memref<64x128xf32, #tpu.memory_space<vmem>>[vector<16xi32>, vector<16xi32>], vector<16xf32>,
        %gather3A_1174 = tpu.vector_load_idx %arg17[%add3A_117, %add3A_1172] : memref<64x128xf32, #tpu.memory_space<vmem>>[vector<16xi32>, vector<16xi32>], vector<16xf32>,
        %mul3A_1175 = arith.mulf %gather3A_1173, %gather3A_1169 : vector<16xf32>
        %add3A_1176 = arith.addf %add3A_1132, %mul3A_1175 : vector<16xf32>
        %mul3A_1177 = arith.mulf %gather3A_1174, %gather3A_1169 : vector<16xf32>
        %add3A_1178 = arith.addf %add3A_1134, %mul3A_1177 : vector<16xf32>
        %add3A_1179 = arith.constant 32 : i32
        %add3A_1180 = vector.broadcast %add3A_1179 : i32 to vector<16xi32>
        %add3A_1181 = arith.addi %and3A_1167, %add3A_1180 : vector<16xi32>
        %gather3A_1182 = tpu.vector_load_idx %arg19[%add3A_117, %add3A_1181] : memref<64x128xf32, #tpu.memory_space<vmem>>[vector<16xi32>, vector<16xi32>], vector<16xf32>,
        %gather3A_1183 = tpu.vector_load_idx %arg17[%add3A_117, %add3A_1181] : memref<64x128xf32, #tpu.memory_space<vmem>>[vector<16xi32>, vector<16xi32>], vector<16xf32>,
        %mul3A_1184 = arith.mulf %gather3A_1182, %gather3A_1169 : vector<16xf32>
        %add3A_1185 = arith.addf %add3A_1141, %mul3A_1184 : vector<16xf32>
        %mul3A_1186 = arith.mulf %gather3A_1183, %gather3A_1169 : vector<16xf32>
        %add3A_1187 = arith.addf %add3A_1143, %mul3A_1186 : vector<16xf32>
        %add3A_1188 = arith.constant 64 : i32
        %add3A_1189 = vector.broadcast %add3A_1188 : i32 to vector<16xi32>
        %add3A_1190 = arith.addi %and3A_1167, %add3A_1189 : vector<16xi32>
        %gather3A_1191 = tpu.vector_load_idx %arg19[%add3A_117, %add3A_1190] : memref<64x128xf32, #tpu.memory_space<vmem>>[vector<16xi32>, vector<16xi32>], vector<16xf32>,
        %gather3A_1192 = tpu.vector_load_idx %arg17[%add3A_117, %add3A_1190] : memref<64x128xf32, #tpu.memory_space<vmem>>[vector<16xi32>, vector<16xi32>], vector<16xf32>,
        %mul3A_1193 = arith.mulf %gather3A_1191, %gather3A_1169 : vector<16xf32>
        %add3A_1194 = arith.addf %add3A_1150, %mul3A_1193 : vector<16xf32>
        %mul3A_1195 = arith.mulf %gather3A_1192, %gather3A_1169 : vector<16xf32>
        %add3A_1196 = arith.addf %add3A_1152, %mul3A_1195 : vector<16xf32>
        %add3A_1197 = arith.constant 96 : i32
        %add3A_1198 = vector.broadcast %add3A_1197 : i32 to vector<16xi32>
        %add3A_1199 = arith.addi %and3A_1167, %add3A_1198 : vector<16xi32>
        %gather3A_1200 = tpu.vector_load_idx %arg19[%add3A_117, %add3A_1199] : memref<64x128xf32, #tpu.memory_space<vmem>>[vector<16xi32>, vector<16xi32>], vector<16xf32>,
        %gather3A_1201 = tpu.vector_load_idx %arg17[%add3A_117, %add3A_1199] : memref<64x128xf32, #tpu.memory_space<vmem>>[vector<16xi32>, vector<16xi32>], vector<16xf32>,
        %mul3A_1202 = arith.mulf %gather3A_1200, %gather3A_1169 : vector<16xf32>
        %add3A_1203 = arith.addf %add3A_1159, %mul3A_1202 : vector<16xf32>
        %mul3A_1204 = arith.mulf %gather3A_1201, %gather3A_1169 : vector<16xf32>
        %add3A_1205 = arith.addf %add3A_1161, %mul3A_1204 : vector<16xf32>
        %broadcast_in_dim3A_1206 = arith.constant 24 : i32
        %broadcast_in_dim3A_1207 = vector.broadcast %broadcast_in_dim3A_1206 : i32 to vector<16xi32>
        %add3A_1208 = arith.addi %broadcast_in_dim3A_1207, %iota3A : vector<16xi32>
        %and3A_1209 = arith.constant 31 : i32
        %and3A_1210 = vector.broadcast %and3A_1209 : i32 to vector<16xi32>
        %and3A_1211 = arith.andi %add3A_1208, %and3A_1210 : vector<16xi32>
        %add3A_1212 = arith.addi %mul3A_148, %and3A_1211 : vector<16xi32>
        %gather3A_1213 = tpu.vector_load_idx %arg21[%add3A_117, %add3A_1212] : memref<64x128xf32, #tpu.memory_space<vmem>>[vector<16xi32>, vector<16xi32>], vector<16xf32>,
        %add3A_1214 = arith.constant 0 : i32
        %add3A_1215 = vector.broadcast %add3A_1214 : i32 to vector<16xi32>
        %add3A_1216 = arith.addi %and3A_1211, %add3A_1215 : vector<16xi32>
        %gather3A_1217 = tpu.vector_load_idx %arg19[%add3A_117, %add3A_1216] : memref<64x128xf32, #tpu.memory_space<vmem>>[vector<16xi32>, vector<16xi32>], vector<16xf32>,
        %gather3A_1218 = tpu.vector_load_idx %arg17[%add3A_117, %add3A_1216] : memref<64x128xf32, #tpu.memory_space<vmem>>[vector<16xi32>, vector<16xi32>], vector<16xf32>,
        %mul3A_1219 = arith.mulf %gather3A_1217, %gather3A_1213 : vector<16xf32>
        %add3A_1220 = arith.addf %add3A_1176, %mul3A_1219 : vector<16xf32>
        %mul3A_1221 = arith.mulf %gather3A_1218, %gather3A_1213 : vector<16xf32>
        %add3A_1222 = arith.addf %add3A_1178, %mul3A_1221 : vector<16xf32>
        %add3A_1223 = arith.constant 32 : i32
        %add3A_1224 = vector.broadcast %add3A_1223 : i32 to vector<16xi32>
        %add3A_1225 = arith.addi %and3A_1211, %add3A_1224 : vector<16xi32>
        %gather3A_1226 = tpu.vector_load_idx %arg19[%add3A_117, %add3A_1225] : memref<64x128xf32, #tpu.memory_space<vmem>>[vector<16xi32>, vector<16xi32>], vector<16xf32>,
        %gather3A_1227 = tpu.vector_load_idx %arg17[%add3A_117, %add3A_1225] : memref<64x128xf32, #tpu.memory_space<vmem>>[vector<16xi32>, vector<16xi32>], vector<16xf32>,
        %mul3A_1228 = arith.mulf %gather3A_1226, %gather3A_1213 : vector<16xf32>
        %add3A_1229 = arith.addf %add3A_1185, %mul3A_1228 : vector<16xf32>
        %mul3A_1230 = arith.mulf %gather3A_1227, %gather3A_1213 : vector<16xf32>
        %add3A_1231 = arith.addf %add3A_1187, %mul3A_1230 : vector<16xf32>
        %add3A_1232 = arith.constant 64 : i32
        %add3A_1233 = vector.broadcast %add3A_1232 : i32 to vector<16xi32>
        %add3A_1234 = arith.addi %and3A_1211, %add3A_1233 : vector<16xi32>
        %gather3A_1235 = tpu.vector_load_idx %arg19[%add3A_117, %add3A_1234] : memref<64x128xf32, #tpu.memory_space<vmem>>[vector<16xi32>, vector<16xi32>], vector<16xf32>,
        %gather3A_1236 = tpu.vector_load_idx %arg17[%add3A_117, %add3A_1234] : memref<64x128xf32, #tpu.memory_space<vmem>>[vector<16xi32>, vector<16xi32>], vector<16xf32>,
        %mul3A_1237 = arith.mulf %gather3A_1235, %gather3A_1213 : vector<16xf32>
        %add3A_1238 = arith.addf %add3A_1194, %mul3A_1237 : vector<16xf32>
        %mul3A_1239 = arith.mulf %gather3A_1236, %gather3A_1213 : vector<16xf32>
        %add3A_1240 = arith.addf %add3A_1196, %mul3A_1239 : vector<16xf32>
        %add3A_1241 = arith.constant 96 : i32
        %add3A_1242 = vector.broadcast %add3A_1241 : i32 to vector<16xi32>
        %add3A_1243 = arith.addi %and3A_1211, %add3A_1242 : vector<16xi32>
        %gather3A_1244 = tpu.vector_load_idx %arg19[%add3A_117, %add3A_1243] : memref<64x128xf32, #tpu.memory_space<vmem>>[vector<16xi32>, vector<16xi32>], vector<16xf32>,
        %gather3A_1245 = tpu.vector_load_idx %arg17[%add3A_117, %add3A_1243] : memref<64x128xf32, #tpu.memory_space<vmem>>[vector<16xi32>, vector<16xi32>], vector<16xf32>,
        %mul3A_1246 = arith.mulf %gather3A_1244, %gather3A_1213 : vector<16xf32>
        %add3A_1247 = arith.addf %add3A_1203, %mul3A_1246 : vector<16xf32>
        %mul3A_1248 = arith.mulf %gather3A_1245, %gather3A_1213 : vector<16xf32>
        %add3A_1249 = arith.addf %add3A_1205, %mul3A_1248 : vector<16xf32>
        %broadcast_in_dim3A_1250 = arith.constant 25 : i32
        %broadcast_in_dim3A_1251 = vector.broadcast %broadcast_in_dim3A_1250 : i32 to vector<16xi32>
        %add3A_1252 = arith.addi %broadcast_in_dim3A_1251, %iota3A : vector<16xi32>
        %and3A_1253 = arith.constant 31 : i32
        %and3A_1254 = vector.broadcast %and3A_1253 : i32 to vector<16xi32>
        %and3A_1255 = arith.andi %add3A_1252, %and3A_1254 : vector<16xi32>
        %add3A_1256 = arith.addi %mul3A_148, %and3A_1255 : vector<16xi32>
        %gather3A_1257 = tpu.vector_load_idx %arg21[%add3A_117, %add3A_1256] : memref<64x128xf32, #tpu.memory_space<vmem>>[vector<16xi32>, vector<16xi32>], vector<16xf32>,
        %add3A_1258 = arith.constant 0 : i32
        %add3A_1259 = vector.broadcast %add3A_1258 : i32 to vector<16xi32>
        %add3A_1260 = arith.addi %and3A_1255, %add3A_1259 : vector<16xi32>
        %gather3A_1261 = tpu.vector_load_idx %arg19[%add3A_117, %add3A_1260] : memref<64x128xf32, #tpu.memory_space<vmem>>[vector<16xi32>, vector<16xi32>], vector<16xf32>,
        %gather3A_1262 = tpu.vector_load_idx %arg17[%add3A_117, %add3A_1260] : memref<64x128xf32, #tpu.memory_space<vmem>>[vector<16xi32>, vector<16xi32>], vector<16xf32>,
        %mul3A_1263 = arith.mulf %gather3A_1261, %gather3A_1257 : vector<16xf32>
        %add3A_1264 = arith.addf %add3A_1220, %mul3A_1263 : vector<16xf32>
        %mul3A_1265 = arith.mulf %gather3A_1262, %gather3A_1257 : vector<16xf32>
        %add3A_1266 = arith.addf %add3A_1222, %mul3A_1265 : vector<16xf32>
        %add3A_1267 = arith.constant 32 : i32
        %add3A_1268 = vector.broadcast %add3A_1267 : i32 to vector<16xi32>
        %add3A_1269 = arith.addi %and3A_1255, %add3A_1268 : vector<16xi32>
        %gather3A_1270 = tpu.vector_load_idx %arg19[%add3A_117, %add3A_1269] : memref<64x128xf32, #tpu.memory_space<vmem>>[vector<16xi32>, vector<16xi32>], vector<16xf32>,
        %gather3A_1271 = tpu.vector_load_idx %arg17[%add3A_117, %add3A_1269] : memref<64x128xf32, #tpu.memory_space<vmem>>[vector<16xi32>, vector<16xi32>], vector<16xf32>,
        %mul3A_1272 = arith.mulf %gather3A_1270, %gather3A_1257 : vector<16xf32>
        %add3A_1273 = arith.addf %add3A_1229, %mul3A_1272 : vector<16xf32>
        %mul3A_1274 = arith.mulf %gather3A_1271, %gather3A_1257 : vector<16xf32>
        %add3A_1275 = arith.addf %add3A_1231, %mul3A_1274 : vector<16xf32>
        %add3A_1276 = arith.constant 64 : i32
        %add3A_1277 = vector.broadcast %add3A_1276 : i32 to vector<16xi32>
        %add3A_1278 = arith.addi %and3A_1255, %add3A_1277 : vector<16xi32>
        %gather3A_1279 = tpu.vector_load_idx %arg19[%add3A_117, %add3A_1278] : memref<64x128xf32, #tpu.memory_space<vmem>>[vector<16xi32>, vector<16xi32>], vector<16xf32>,
        %gather3A_1280 = tpu.vector_load_idx %arg17[%add3A_117, %add3A_1278] : memref<64x128xf32, #tpu.memory_space<vmem>>[vector<16xi32>, vector<16xi32>], vector<16xf32>,
        %mul3A_1281 = arith.mulf %gather3A_1279, %gather3A_1257 : vector<16xf32>
        %add3A_1282 = arith.addf %add3A_1238, %mul3A_1281 : vector<16xf32>
        %mul3A_1283 = arith.mulf %gather3A_1280, %gather3A_1257 : vector<16xf32>
        %add3A_1284 = arith.addf %add3A_1240, %mul3A_1283 : vector<16xf32>
        %add3A_1285 = arith.constant 96 : i32
        %add3A_1286 = vector.broadcast %add3A_1285 : i32 to vector<16xi32>
        %add3A_1287 = arith.addi %and3A_1255, %add3A_1286 : vector<16xi32>
        %gather3A_1288 = tpu.vector_load_idx %arg19[%add3A_117, %add3A_1287] : memref<64x128xf32, #tpu.memory_space<vmem>>[vector<16xi32>, vector<16xi32>], vector<16xf32>,
        %gather3A_1289 = tpu.vector_load_idx %arg17[%add3A_117, %add3A_1287] : memref<64x128xf32, #tpu.memory_space<vmem>>[vector<16xi32>, vector<16xi32>], vector<16xf32>,
        %mul3A_1290 = arith.mulf %gather3A_1288, %gather3A_1257 : vector<16xf32>
        %add3A_1291 = arith.addf %add3A_1247, %mul3A_1290 : vector<16xf32>
        %mul3A_1292 = arith.mulf %gather3A_1289, %gather3A_1257 : vector<16xf32>
        %add3A_1293 = arith.addf %add3A_1249, %mul3A_1292 : vector<16xf32>
        %broadcast_in_dim3A_1294 = arith.constant 26 : i32
        %broadcast_in_dim3A_1295 = vector.broadcast %broadcast_in_dim3A_1294 : i32 to vector<16xi32>
        %add3A_1296 = arith.addi %broadcast_in_dim3A_1295, %iota3A : vector<16xi32>
        %and3A_1297 = arith.constant 31 : i32
        %and3A_1298 = vector.broadcast %and3A_1297 : i32 to vector<16xi32>
        %and3A_1299 = arith.andi %add3A_1296, %and3A_1298 : vector<16xi32>
        %add3A_1300 = arith.addi %mul3A_148, %and3A_1299 : vector<16xi32>
        %gather3A_1301 = tpu.vector_load_idx %arg21[%add3A_117, %add3A_1300] : memref<64x128xf32, #tpu.memory_space<vmem>>[vector<16xi32>, vector<16xi32>], vector<16xf32>,
        %add3A_1302 = arith.constant 0 : i32
        %add3A_1303 = vector.broadcast %add3A_1302 : i32 to vector<16xi32>
        %add3A_1304 = arith.addi %and3A_1299, %add3A_1303 : vector<16xi32>
        %gather3A_1305 = tpu.vector_load_idx %arg19[%add3A_117, %add3A_1304] : memref<64x128xf32, #tpu.memory_space<vmem>>[vector<16xi32>, vector<16xi32>], vector<16xf32>,
        %gather3A_1306 = tpu.vector_load_idx %arg17[%add3A_117, %add3A_1304] : memref<64x128xf32, #tpu.memory_space<vmem>>[vector<16xi32>, vector<16xi32>], vector<16xf32>,
        %mul3A_1307 = arith.mulf %gather3A_1305, %gather3A_1301 : vector<16xf32>
        %add3A_1308 = arith.addf %add3A_1264, %mul3A_1307 : vector<16xf32>
        %mul3A_1309 = arith.mulf %gather3A_1306, %gather3A_1301 : vector<16xf32>
        %add3A_1310 = arith.addf %add3A_1266, %mul3A_1309 : vector<16xf32>
        %add3A_1311 = arith.constant 32 : i32
        %add3A_1312 = vector.broadcast %add3A_1311 : i32 to vector<16xi32>
        %add3A_1313 = arith.addi %and3A_1299, %add3A_1312 : vector<16xi32>
        %gather3A_1314 = tpu.vector_load_idx %arg19[%add3A_117, %add3A_1313] : memref<64x128xf32, #tpu.memory_space<vmem>>[vector<16xi32>, vector<16xi32>], vector<16xf32>,
        %gather3A_1315 = tpu.vector_load_idx %arg17[%add3A_117, %add3A_1313] : memref<64x128xf32, #tpu.memory_space<vmem>>[vector<16xi32>, vector<16xi32>], vector<16xf32>,
        %mul3A_1316 = arith.mulf %gather3A_1314, %gather3A_1301 : vector<16xf32>
        %add3A_1317 = arith.addf %add3A_1273, %mul3A_1316 : vector<16xf32>
        %mul3A_1318 = arith.mulf %gather3A_1315, %gather3A_1301 : vector<16xf32>
        %add3A_1319 = arith.addf %add3A_1275, %mul3A_1318 : vector<16xf32>
        %add3A_1320 = arith.constant 64 : i32
        %add3A_1321 = vector.broadcast %add3A_1320 : i32 to vector<16xi32>
        %add3A_1322 = arith.addi %and3A_1299, %add3A_1321 : vector<16xi32>
        %gather3A_1323 = tpu.vector_load_idx %arg19[%add3A_117, %add3A_1322] : memref<64x128xf32, #tpu.memory_space<vmem>>[vector<16xi32>, vector<16xi32>], vector<16xf32>,
        %gather3A_1324 = tpu.vector_load_idx %arg17[%add3A_117, %add3A_1322] : memref<64x128xf32, #tpu.memory_space<vmem>>[vector<16xi32>, vector<16xi32>], vector<16xf32>,
        %mul3A_1325 = arith.mulf %gather3A_1323, %gather3A_1301 : vector<16xf32>
        %add3A_1326 = arith.addf %add3A_1282, %mul3A_1325 : vector<16xf32>
        %mul3A_1327 = arith.mulf %gather3A_1324, %gather3A_1301 : vector<16xf32>
        %add3A_1328 = arith.addf %add3A_1284, %mul3A_1327 : vector<16xf32>
        %add3A_1329 = arith.constant 96 : i32
        %add3A_1330 = vector.broadcast %add3A_1329 : i32 to vector<16xi32>
        %add3A_1331 = arith.addi %and3A_1299, %add3A_1330 : vector<16xi32>
        %gather3A_1332 = tpu.vector_load_idx %arg19[%add3A_117, %add3A_1331] : memref<64x128xf32, #tpu.memory_space<vmem>>[vector<16xi32>, vector<16xi32>], vector<16xf32>,
        %gather3A_1333 = tpu.vector_load_idx %arg17[%add3A_117, %add3A_1331] : memref<64x128xf32, #tpu.memory_space<vmem>>[vector<16xi32>, vector<16xi32>], vector<16xf32>,
        %mul3A_1334 = arith.mulf %gather3A_1332, %gather3A_1301 : vector<16xf32>
        %add3A_1335 = arith.addf %add3A_1291, %mul3A_1334 : vector<16xf32>
        %mul3A_1336 = arith.mulf %gather3A_1333, %gather3A_1301 : vector<16xf32>
        %add3A_1337 = arith.addf %add3A_1293, %mul3A_1336 : vector<16xf32>
        %broadcast_in_dim3A_1338 = arith.constant 27 : i32
        %broadcast_in_dim3A_1339 = vector.broadcast %broadcast_in_dim3A_1338 : i32 to vector<16xi32>
        %add3A_1340 = arith.addi %broadcast_in_dim3A_1339, %iota3A : vector<16xi32>
        %and3A_1341 = arith.constant 31 : i32
        %and3A_1342 = vector.broadcast %and3A_1341 : i32 to vector<16xi32>
        %and3A_1343 = arith.andi %add3A_1340, %and3A_1342 : vector<16xi32>
        %add3A_1344 = arith.addi %mul3A_148, %and3A_1343 : vector<16xi32>
        %gather3A_1345 = tpu.vector_load_idx %arg21[%add3A_117, %add3A_1344] : memref<64x128xf32, #tpu.memory_space<vmem>>[vector<16xi32>, vector<16xi32>], vector<16xf32>,
        %add3A_1346 = arith.constant 0 : i32
        %add3A_1347 = vector.broadcast %add3A_1346 : i32 to vector<16xi32>
        %add3A_1348 = arith.addi %and3A_1343, %add3A_1347 : vector<16xi32>
        %gather3A_1349 = tpu.vector_load_idx %arg19[%add3A_117, %add3A_1348] : memref<64x128xf32, #tpu.memory_space<vmem>>[vector<16xi32>, vector<16xi32>], vector<16xf32>,
        %gather3A_1350 = tpu.vector_load_idx %arg17[%add3A_117, %add3A_1348] : memref<64x128xf32, #tpu.memory_space<vmem>>[vector<16xi32>, vector<16xi32>], vector<16xf32>,
        %mul3A_1351 = arith.mulf %gather3A_1349, %gather3A_1345 : vector<16xf32>
        %add3A_1352 = arith.addf %add3A_1308, %mul3A_1351 : vector<16xf32>
        %mul3A_1353 = arith.mulf %gather3A_1350, %gather3A_1345 : vector<16xf32>
        %add3A_1354 = arith.addf %add3A_1310, %mul3A_1353 : vector<16xf32>
        %add3A_1355 = arith.constant 32 : i32
        %add3A_1356 = vector.broadcast %add3A_1355 : i32 to vector<16xi32>
        %add3A_1357 = arith.addi %and3A_1343, %add3A_1356 : vector<16xi32>
        %gather3A_1358 = tpu.vector_load_idx %arg19[%add3A_117, %add3A_1357] : memref<64x128xf32, #tpu.memory_space<vmem>>[vector<16xi32>, vector<16xi32>], vector<16xf32>,
        %gather3A_1359 = tpu.vector_load_idx %arg17[%add3A_117, %add3A_1357] : memref<64x128xf32, #tpu.memory_space<vmem>>[vector<16xi32>, vector<16xi32>], vector<16xf32>,
        %mul3A_1360 = arith.mulf %gather3A_1358, %gather3A_1345 : vector<16xf32>
        %add3A_1361 = arith.addf %add3A_1317, %mul3A_1360 : vector<16xf32>
        %mul3A_1362 = arith.mulf %gather3A_1359, %gather3A_1345 : vector<16xf32>
        %add3A_1363 = arith.addf %add3A_1319, %mul3A_1362 : vector<16xf32>
        %add3A_1364 = arith.constant 64 : i32
        %add3A_1365 = vector.broadcast %add3A_1364 : i32 to vector<16xi32>
        %add3A_1366 = arith.addi %and3A_1343, %add3A_1365 : vector<16xi32>
        %gather3A_1367 = tpu.vector_load_idx %arg19[%add3A_117, %add3A_1366] : memref<64x128xf32, #tpu.memory_space<vmem>>[vector<16xi32>, vector<16xi32>], vector<16xf32>,
        %gather3A_1368 = tpu.vector_load_idx %arg17[%add3A_117, %add3A_1366] : memref<64x128xf32, #tpu.memory_space<vmem>>[vector<16xi32>, vector<16xi32>], vector<16xf32>,
        %mul3A_1369 = arith.mulf %gather3A_1367, %gather3A_1345 : vector<16xf32>
        %add3A_1370 = arith.addf %add3A_1326, %mul3A_1369 : vector<16xf32>
        %mul3A_1371 = arith.mulf %gather3A_1368, %gather3A_1345 : vector<16xf32>
        %add3A_1372 = arith.addf %add3A_1328, %mul3A_1371 : vector<16xf32>
        %add3A_1373 = arith.constant 96 : i32
        %add3A_1374 = vector.broadcast %add3A_1373 : i32 to vector<16xi32>
        %add3A_1375 = arith.addi %and3A_1343, %add3A_1374 : vector<16xi32>
        %gather3A_1376 = tpu.vector_load_idx %arg19[%add3A_117, %add3A_1375] : memref<64x128xf32, #tpu.memory_space<vmem>>[vector<16xi32>, vector<16xi32>], vector<16xf32>,
        %gather3A_1377 = tpu.vector_load_idx %arg17[%add3A_117, %add3A_1375] : memref<64x128xf32, #tpu.memory_space<vmem>>[vector<16xi32>, vector<16xi32>], vector<16xf32>,
        %mul3A_1378 = arith.mulf %gather3A_1376, %gather3A_1345 : vector<16xf32>
        %add3A_1379 = arith.addf %add3A_1335, %mul3A_1378 : vector<16xf32>
        %mul3A_1380 = arith.mulf %gather3A_1377, %gather3A_1345 : vector<16xf32>
        %add3A_1381 = arith.addf %add3A_1337, %mul3A_1380 : vector<16xf32>
        %broadcast_in_dim3A_1382 = arith.constant 28 : i32
        %broadcast_in_dim3A_1383 = vector.broadcast %broadcast_in_dim3A_1382 : i32 to vector<16xi32>
        %add3A_1384 = arith.addi %broadcast_in_dim3A_1383, %iota3A : vector<16xi32>
        %and3A_1385 = arith.constant 31 : i32
        %and3A_1386 = vector.broadcast %and3A_1385 : i32 to vector<16xi32>
        %and3A_1387 = arith.andi %add3A_1384, %and3A_1386 : vector<16xi32>
        %add3A_1388 = arith.addi %mul3A_148, %and3A_1387 : vector<16xi32>
        %gather3A_1389 = tpu.vector_load_idx %arg21[%add3A_117, %add3A_1388] : memref<64x128xf32, #tpu.memory_space<vmem>>[vector<16xi32>, vector<16xi32>], vector<16xf32>,
        %add3A_1390 = arith.constant 0 : i32
        %add3A_1391 = vector.broadcast %add3A_1390 : i32 to vector<16xi32>
        %add3A_1392 = arith.addi %and3A_1387, %add3A_1391 : vector<16xi32>
        %gather3A_1393 = tpu.vector_load_idx %arg19[%add3A_117, %add3A_1392] : memref<64x128xf32, #tpu.memory_space<vmem>>[vector<16xi32>, vector<16xi32>], vector<16xf32>,
        %gather3A_1394 = tpu.vector_load_idx %arg17[%add3A_117, %add3A_1392] : memref<64x128xf32, #tpu.memory_space<vmem>>[vector<16xi32>, vector<16xi32>], vector<16xf32>,
        %mul3A_1395 = arith.mulf %gather3A_1393, %gather3A_1389 : vector<16xf32>
        %add3A_1396 = arith.addf %add3A_1352, %mul3A_1395 : vector<16xf32>
        %mul3A_1397 = arith.mulf %gather3A_1394, %gather3A_1389 : vector<16xf32>
        %add3A_1398 = arith.addf %add3A_1354, %mul3A_1397 : vector<16xf32>
        %add3A_1399 = arith.constant 32 : i32
        %add3A_1400 = vector.broadcast %add3A_1399 : i32 to vector<16xi32>
        %add3A_1401 = arith.addi %and3A_1387, %add3A_1400 : vector<16xi32>
        %gather3A_1402 = tpu.vector_load_idx %arg19[%add3A_117, %add3A_1401] : memref<64x128xf32, #tpu.memory_space<vmem>>[vector<16xi32>, vector<16xi32>], vector<16xf32>,
        %gather3A_1403 = tpu.vector_load_idx %arg17[%add3A_117, %add3A_1401] : memref<64x128xf32, #tpu.memory_space<vmem>>[vector<16xi32>, vector<16xi32>], vector<16xf32>,
        %mul3A_1404 = arith.mulf %gather3A_1402, %gather3A_1389 : vector<16xf32>
        %add3A_1405 = arith.addf %add3A_1361, %mul3A_1404 : vector<16xf32>
        %mul3A_1406 = arith.mulf %gather3A_1403, %gather3A_1389 : vector<16xf32>
        %add3A_1407 = arith.addf %add3A_1363, %mul3A_1406 : vector<16xf32>
        %add3A_1408 = arith.constant 64 : i32
        %add3A_1409 = vector.broadcast %add3A_1408 : i32 to vector<16xi32>
        %add3A_1410 = arith.addi %and3A_1387, %add3A_1409 : vector<16xi32>
        %gather3A_1411 = tpu.vector_load_idx %arg19[%add3A_117, %add3A_1410] : memref<64x128xf32, #tpu.memory_space<vmem>>[vector<16xi32>, vector<16xi32>], vector<16xf32>,
        %gather3A_1412 = tpu.vector_load_idx %arg17[%add3A_117, %add3A_1410] : memref<64x128xf32, #tpu.memory_space<vmem>>[vector<16xi32>, vector<16xi32>], vector<16xf32>,
        %mul3A_1413 = arith.mulf %gather3A_1411, %gather3A_1389 : vector<16xf32>
        %add3A_1414 = arith.addf %add3A_1370, %mul3A_1413 : vector<16xf32>
        %mul3A_1415 = arith.mulf %gather3A_1412, %gather3A_1389 : vector<16xf32>
        %add3A_1416 = arith.addf %add3A_1372, %mul3A_1415 : vector<16xf32>
        %add3A_1417 = arith.constant 96 : i32
        %add3A_1418 = vector.broadcast %add3A_1417 : i32 to vector<16xi32>
        %add3A_1419 = arith.addi %and3A_1387, %add3A_1418 : vector<16xi32>
        %gather3A_1420 = tpu.vector_load_idx %arg19[%add3A_117, %add3A_1419] : memref<64x128xf32, #tpu.memory_space<vmem>>[vector<16xi32>, vector<16xi32>], vector<16xf32>,
        %gather3A_1421 = tpu.vector_load_idx %arg17[%add3A_117, %add3A_1419] : memref<64x128xf32, #tpu.memory_space<vmem>>[vector<16xi32>, vector<16xi32>], vector<16xf32>,
        %mul3A_1422 = arith.mulf %gather3A_1420, %gather3A_1389 : vector<16xf32>
        %add3A_1423 = arith.addf %add3A_1379, %mul3A_1422 : vector<16xf32>
        %mul3A_1424 = arith.mulf %gather3A_1421, %gather3A_1389 : vector<16xf32>
        %add3A_1425 = arith.addf %add3A_1381, %mul3A_1424 : vector<16xf32>
        %broadcast_in_dim3A_1426 = arith.constant 29 : i32
        %broadcast_in_dim3A_1427 = vector.broadcast %broadcast_in_dim3A_1426 : i32 to vector<16xi32>
        %add3A_1428 = arith.addi %broadcast_in_dim3A_1427, %iota3A : vector<16xi32>
        %and3A_1429 = arith.constant 31 : i32
        %and3A_1430 = vector.broadcast %and3A_1429 : i32 to vector<16xi32>
        %and3A_1431 = arith.andi %add3A_1428, %and3A_1430 : vector<16xi32>
        %add3A_1432 = arith.addi %mul3A_148, %and3A_1431 : vector<16xi32>
        %gather3A_1433 = tpu.vector_load_idx %arg21[%add3A_117, %add3A_1432] : memref<64x128xf32, #tpu.memory_space<vmem>>[vector<16xi32>, vector<16xi32>], vector<16xf32>,
        %add3A_1434 = arith.constant 0 : i32
        %add3A_1435 = vector.broadcast %add3A_1434 : i32 to vector<16xi32>
        %add3A_1436 = arith.addi %and3A_1431, %add3A_1435 : vector<16xi32>
        %gather3A_1437 = tpu.vector_load_idx %arg19[%add3A_117, %add3A_1436] : memref<64x128xf32, #tpu.memory_space<vmem>>[vector<16xi32>, vector<16xi32>], vector<16xf32>,
        %gather3A_1438 = tpu.vector_load_idx %arg17[%add3A_117, %add3A_1436] : memref<64x128xf32, #tpu.memory_space<vmem>>[vector<16xi32>, vector<16xi32>], vector<16xf32>,
        %mul3A_1439 = arith.mulf %gather3A_1437, %gather3A_1433 : vector<16xf32>
        %add3A_1440 = arith.addf %add3A_1396, %mul3A_1439 : vector<16xf32>
        %mul3A_1441 = arith.mulf %gather3A_1438, %gather3A_1433 : vector<16xf32>
        %add3A_1442 = arith.addf %add3A_1398, %mul3A_1441 : vector<16xf32>
        %add3A_1443 = arith.constant 32 : i32
        %add3A_1444 = vector.broadcast %add3A_1443 : i32 to vector<16xi32>
        %add3A_1445 = arith.addi %and3A_1431, %add3A_1444 : vector<16xi32>
        %gather3A_1446 = tpu.vector_load_idx %arg19[%add3A_117, %add3A_1445] : memref<64x128xf32, #tpu.memory_space<vmem>>[vector<16xi32>, vector<16xi32>], vector<16xf32>,
        %gather3A_1447 = tpu.vector_load_idx %arg17[%add3A_117, %add3A_1445] : memref<64x128xf32, #tpu.memory_space<vmem>>[vector<16xi32>, vector<16xi32>], vector<16xf32>,
        %mul3A_1448 = arith.mulf %gather3A_1446, %gather3A_1433 : vector<16xf32>
        %add3A_1449 = arith.addf %add3A_1405, %mul3A_1448 : vector<16xf32>
        %mul3A_1450 = arith.mulf %gather3A_1447, %gather3A_1433 : vector<16xf32>
        %add3A_1451 = arith.addf %add3A_1407, %mul3A_1450 : vector<16xf32>
        %add3A_1452 = arith.constant 64 : i32
        %add3A_1453 = vector.broadcast %add3A_1452 : i32 to vector<16xi32>
        %add3A_1454 = arith.addi %and3A_1431, %add3A_1453 : vector<16xi32>
        %gather3A_1455 = tpu.vector_load_idx %arg19[%add3A_117, %add3A_1454] : memref<64x128xf32, #tpu.memory_space<vmem>>[vector<16xi32>, vector<16xi32>], vector<16xf32>,
        %gather3A_1456 = tpu.vector_load_idx %arg17[%add3A_117, %add3A_1454] : memref<64x128xf32, #tpu.memory_space<vmem>>[vector<16xi32>, vector<16xi32>], vector<16xf32>,
        %mul3A_1457 = arith.mulf %gather3A_1455, %gather3A_1433 : vector<16xf32>
        %add3A_1458 = arith.addf %add3A_1414, %mul3A_1457 : vector<16xf32>
        %mul3A_1459 = arith.mulf %gather3A_1456, %gather3A_1433 : vector<16xf32>
        %add3A_1460 = arith.addf %add3A_1416, %mul3A_1459 : vector<16xf32>
        %add3A_1461 = arith.constant 96 : i32
        %add3A_1462 = vector.broadcast %add3A_1461 : i32 to vector<16xi32>
        %add3A_1463 = arith.addi %and3A_1431, %add3A_1462 : vector<16xi32>
        %gather3A_1464 = tpu.vector_load_idx %arg19[%add3A_117, %add3A_1463] : memref<64x128xf32, #tpu.memory_space<vmem>>[vector<16xi32>, vector<16xi32>], vector<16xf32>,
        %gather3A_1465 = tpu.vector_load_idx %arg17[%add3A_117, %add3A_1463] : memref<64x128xf32, #tpu.memory_space<vmem>>[vector<16xi32>, vector<16xi32>], vector<16xf32>,
        %mul3A_1466 = arith.mulf %gather3A_1464, %gather3A_1433 : vector<16xf32>
        %add3A_1467 = arith.addf %add3A_1423, %mul3A_1466 : vector<16xf32>
        %mul3A_1468 = arith.mulf %gather3A_1465, %gather3A_1433 : vector<16xf32>
        %add3A_1469 = arith.addf %add3A_1425, %mul3A_1468 : vector<16xf32>
        %broadcast_in_dim3A_1470 = arith.constant 30 : i32
        %broadcast_in_dim3A_1471 = vector.broadcast %broadcast_in_dim3A_1470 : i32 to vector<16xi32>
        %add3A_1472 = arith.addi %broadcast_in_dim3A_1471, %iota3A : vector<16xi32>
        %and3A_1473 = arith.constant 31 : i32
        %and3A_1474 = vector.broadcast %and3A_1473 : i32 to vector<16xi32>
        %and3A_1475 = arith.andi %add3A_1472, %and3A_1474 : vector<16xi32>
        %add3A_1476 = arith.addi %mul3A_148, %and3A_1475 : vector<16xi32>
        %gather3A_1477 = tpu.vector_load_idx %arg21[%add3A_117, %add3A_1476] : memref<64x128xf32, #tpu.memory_space<vmem>>[vector<16xi32>, vector<16xi32>], vector<16xf32>,
        %add3A_1478 = arith.constant 0 : i32
        %add3A_1479 = vector.broadcast %add3A_1478 : i32 to vector<16xi32>
        %add3A_1480 = arith.addi %and3A_1475, %add3A_1479 : vector<16xi32>
        %gather3A_1481 = tpu.vector_load_idx %arg19[%add3A_117, %add3A_1480] : memref<64x128xf32, #tpu.memory_space<vmem>>[vector<16xi32>, vector<16xi32>], vector<16xf32>,
        %gather3A_1482 = tpu.vector_load_idx %arg17[%add3A_117, %add3A_1480] : memref<64x128xf32, #tpu.memory_space<vmem>>[vector<16xi32>, vector<16xi32>], vector<16xf32>,
        %mul3A_1483 = arith.mulf %gather3A_1481, %gather3A_1477 : vector<16xf32>
        %add3A_1484 = arith.addf %add3A_1440, %mul3A_1483 : vector<16xf32>
        %mul3A_1485 = arith.mulf %gather3A_1482, %gather3A_1477 : vector<16xf32>
        %add3A_1486 = arith.addf %add3A_1442, %mul3A_1485 : vector<16xf32>
        %add3A_1487 = arith.constant 32 : i32
        %add3A_1488 = vector.broadcast %add3A_1487 : i32 to vector<16xi32>
        %add3A_1489 = arith.addi %and3A_1475, %add3A_1488 : vector<16xi32>
        %gather3A_1490 = tpu.vector_load_idx %arg19[%add3A_117, %add3A_1489] : memref<64x128xf32, #tpu.memory_space<vmem>>[vector<16xi32>, vector<16xi32>], vector<16xf32>,
        %gather3A_1491 = tpu.vector_load_idx %arg17[%add3A_117, %add3A_1489] : memref<64x128xf32, #tpu.memory_space<vmem>>[vector<16xi32>, vector<16xi32>], vector<16xf32>,
        %mul3A_1492 = arith.mulf %gather3A_1490, %gather3A_1477 : vector<16xf32>
        %add3A_1493 = arith.addf %add3A_1449, %mul3A_1492 : vector<16xf32>
        %mul3A_1494 = arith.mulf %gather3A_1491, %gather3A_1477 : vector<16xf32>
        %add3A_1495 = arith.addf %add3A_1451, %mul3A_1494 : vector<16xf32>
        %add3A_1496 = arith.constant 64 : i32
        %add3A_1497 = vector.broadcast %add3A_1496 : i32 to vector<16xi32>
        %add3A_1498 = arith.addi %and3A_1475, %add3A_1497 : vector<16xi32>
        %gather3A_1499 = tpu.vector_load_idx %arg19[%add3A_117, %add3A_1498] : memref<64x128xf32, #tpu.memory_space<vmem>>[vector<16xi32>, vector<16xi32>], vector<16xf32>,
        %gather3A_1500 = tpu.vector_load_idx %arg17[%add3A_117, %add3A_1498] : memref<64x128xf32, #tpu.memory_space<vmem>>[vector<16xi32>, vector<16xi32>], vector<16xf32>,
        %mul3A_1501 = arith.mulf %gather3A_1499, %gather3A_1477 : vector<16xf32>
        %add3A_1502 = arith.addf %add3A_1458, %mul3A_1501 : vector<16xf32>
        %mul3A_1503 = arith.mulf %gather3A_1500, %gather3A_1477 : vector<16xf32>
        %add3A_1504 = arith.addf %add3A_1460, %mul3A_1503 : vector<16xf32>
        %add3A_1505 = arith.constant 96 : i32
        %add3A_1506 = vector.broadcast %add3A_1505 : i32 to vector<16xi32>
        %add3A_1507 = arith.addi %and3A_1475, %add3A_1506 : vector<16xi32>
        %gather3A_1508 = tpu.vector_load_idx %arg19[%add3A_117, %add3A_1507] : memref<64x128xf32, #tpu.memory_space<vmem>>[vector<16xi32>, vector<16xi32>], vector<16xf32>,
        %gather3A_1509 = tpu.vector_load_idx %arg17[%add3A_117, %add3A_1507] : memref<64x128xf32, #tpu.memory_space<vmem>>[vector<16xi32>, vector<16xi32>], vector<16xf32>,
        %mul3A_1510 = arith.mulf %gather3A_1508, %gather3A_1477 : vector<16xf32>
        %add3A_1511 = arith.addf %add3A_1467, %mul3A_1510 : vector<16xf32>
        %mul3A_1512 = arith.mulf %gather3A_1509, %gather3A_1477 : vector<16xf32>
        %add3A_1513 = arith.addf %add3A_1469, %mul3A_1512 : vector<16xf32>
        %broadcast_in_dim3A_1514 = arith.constant 31 : i32
        %broadcast_in_dim3A_1515 = vector.broadcast %broadcast_in_dim3A_1514 : i32 to vector<16xi32>
        %add3A_1516 = arith.addi %broadcast_in_dim3A_1515, %iota3A : vector<16xi32>
        %and3A_1517 = arith.constant 31 : i32
        %and3A_1518 = vector.broadcast %and3A_1517 : i32 to vector<16xi32>
        %and3A_1519 = arith.andi %add3A_1516, %and3A_1518 : vector<16xi32>
        %add3A_1520 = arith.addi %mul3A_148, %and3A_1519 : vector<16xi32>
        %gather3A_1521 = tpu.vector_load_idx %arg21[%add3A_117, %add3A_1520] : memref<64x128xf32, #tpu.memory_space<vmem>>[vector<16xi32>, vector<16xi32>], vector<16xf32>,
        %add3A_1522 = arith.constant 0 : i32
        %add3A_1523 = vector.broadcast %add3A_1522 : i32 to vector<16xi32>
        %add3A_1524 = arith.addi %and3A_1519, %add3A_1523 : vector<16xi32>
        %gather3A_1525 = tpu.vector_load_idx %arg19[%add3A_117, %add3A_1524] : memref<64x128xf32, #tpu.memory_space<vmem>>[vector<16xi32>, vector<16xi32>], vector<16xf32>,
        %gather3A_1526 = tpu.vector_load_idx %arg17[%add3A_117, %add3A_1524] : memref<64x128xf32, #tpu.memory_space<vmem>>[vector<16xi32>, vector<16xi32>], vector<16xf32>,
        %mul3A_1527 = arith.mulf %gather3A_1525, %gather3A_1521 : vector<16xf32>
        %add3A_1528 = arith.addf %add3A_1484, %mul3A_1527 : vector<16xf32>
        %mul3A_1529 = arith.mulf %gather3A_1526, %gather3A_1521 : vector<16xf32>
        %add3A_1530 = arith.addf %add3A_1486, %mul3A_1529 : vector<16xf32>
        %add3A_1531 = arith.constant 32 : i32
        %add3A_1532 = vector.broadcast %add3A_1531 : i32 to vector<16xi32>
        %add3A_1533 = arith.addi %and3A_1519, %add3A_1532 : vector<16xi32>
        %gather3A_1534 = tpu.vector_load_idx %arg19[%add3A_117, %add3A_1533] : memref<64x128xf32, #tpu.memory_space<vmem>>[vector<16xi32>, vector<16xi32>], vector<16xf32>,
        %gather3A_1535 = tpu.vector_load_idx %arg17[%add3A_117, %add3A_1533] : memref<64x128xf32, #tpu.memory_space<vmem>>[vector<16xi32>, vector<16xi32>], vector<16xf32>,
        %mul3A_1536 = arith.mulf %gather3A_1534, %gather3A_1521 : vector<16xf32>
        %add3A_1537 = arith.addf %add3A_1493, %mul3A_1536 : vector<16xf32>
        %mul3A_1538 = arith.mulf %gather3A_1535, %gather3A_1521 : vector<16xf32>
        %add3A_1539 = arith.addf %add3A_1495, %mul3A_1538 : vector<16xf32>
        %add3A_1540 = arith.constant 64 : i32
        %add3A_1541 = vector.broadcast %add3A_1540 : i32 to vector<16xi32>
        %add3A_1542 = arith.addi %and3A_1519, %add3A_1541 : vector<16xi32>
        %gather3A_1543 = tpu.vector_load_idx %arg19[%add3A_117, %add3A_1542] : memref<64x128xf32, #tpu.memory_space<vmem>>[vector<16xi32>, vector<16xi32>], vector<16xf32>,
        %gather3A_1544 = tpu.vector_load_idx %arg17[%add3A_117, %add3A_1542] : memref<64x128xf32, #tpu.memory_space<vmem>>[vector<16xi32>, vector<16xi32>], vector<16xf32>,
        %mul3A_1545 = arith.mulf %gather3A_1543, %gather3A_1521 : vector<16xf32>
        %add3A_1546 = arith.addf %add3A_1502, %mul3A_1545 : vector<16xf32>
        %mul3A_1547 = arith.mulf %gather3A_1544, %gather3A_1521 : vector<16xf32>
        %add3A_1548 = arith.addf %add3A_1504, %mul3A_1547 : vector<16xf32>
        %add3A_1549 = arith.constant 96 : i32
        %add3A_1550 = vector.broadcast %add3A_1549 : i32 to vector<16xi32>
        %add3A_1551 = arith.addi %and3A_1519, %add3A_1550 : vector<16xi32>
        %gather3A_1552 = tpu.vector_load_idx %arg19[%add3A_117, %add3A_1551] : memref<64x128xf32, #tpu.memory_space<vmem>>[vector<16xi32>, vector<16xi32>], vector<16xf32>,
        %gather3A_1553 = tpu.vector_load_idx %arg17[%add3A_117, %add3A_1551] : memref<64x128xf32, #tpu.memory_space<vmem>>[vector<16xi32>, vector<16xi32>], vector<16xf32>,
        %mul3A_1554 = arith.mulf %gather3A_1552, %gather3A_1521 : vector<16xf32>
        %add3A_1555 = arith.addf %add3A_1511, %mul3A_1554 : vector<16xf32>
        %mul3A_1556 = arith.mulf %gather3A_1553, %gather3A_1521 : vector<16xf32>
        %add3A_1557 = arith.addf %add3A_1513, %mul3A_1556 : vector<16xf32>
        %max3A = arith.maximumf %add3A_1528, %add3A_1537 : vector<16xf32>
        %max3A_1558 = arith.maximumf %add3A_1546, %add3A_1555 : vector<16xf32>
        %max3A_1559 = arith.maximumf %max3A, %max3A_1558 : vector<16xf32>
        %sub3A_1560 = arith.subf %add3A_1528, %max3A_1559 : vector<16xf32>
        %exp3A = math.exp %sub3A_1560 : vector<16xf32>
        %sub3A_1561 = arith.subf %add3A_1537, %max3A_1559 : vector<16xf32>
        %exp3A_1562 = math.exp %sub3A_1561 : vector<16xf32>
        %sub3A_1563 = arith.subf %add3A_1546, %max3A_1559 : vector<16xf32>
        %exp3A_1564 = math.exp %sub3A_1563 : vector<16xf32>
        %sub3A_1565 = arith.subf %add3A_1555, %max3A_1559 : vector<16xf32>
        %exp3A_1566 = math.exp %sub3A_1565 : vector<16xf32>
        %mul3A_1567 = arith.mulf %exp3A, %add3A_1530 : vector<16xf32>
        %mul3A_1568 = arith.mulf %exp3A_1562, %add3A_1539 : vector<16xf32>
        %add3A_1569 = arith.addf %mul3A_1567, %mul3A_1568 : vector<16xf32>
        %mul3A_1570 = arith.mulf %exp3A_1564, %add3A_1548 : vector<16xf32>
        %add3A_1571 = arith.addf %add3A_1569, %mul3A_1570 : vector<16xf32>
        %mul3A_1572 = arith.mulf %exp3A_1566, %add3A_1557 : vector<16xf32>
        %add3A_1573 = arith.addf %add3A_1571, %mul3A_1572 : vector<16xf32>
        %add3A_1574 = arith.addf %exp3A, %exp3A_1562 : vector<16xf32>
        %add3A_1575 = arith.addf %add3A_1574, %exp3A_1564 : vector<16xf32>
        %add3A_1576 = arith.addf %add3A_1575, %exp3A_1566 : vector<16xf32>
        %mul3A_1577 = arith.constant 16 : i32
        %mul3A_1578 = arith.muli %scan3A_114, %mul3A_1577 : i32
        %add3A_1579 = arith.addi %mul3A_85, %mul3A_1578 : i32
        %div3A_1580 = arith.divf %add3A_1573, %add3A_1576 : vector<16xf32>
        %get3A_1581 = arith.index_cast %add3A_1579 : i32 to index
        %get3A_1582 = tpu.vector_load %arg13[%get3A_1581] {strides = array<i32>} : memref<512xf32, #tpu.memory_space<vmem>>, vector<16xf32>,
        %add3A_1583 = arith.addf %div3A_1580, %get3A_1582 : vector<16xf32>
        %get3A_1584 = arith.index_cast %add3A_1579 : i32 to index
        %get3A_1585 = tpu.vector_load %arg14[%get3A_1584] {strides = array<i32>} : memref<512xf32, #tpu.memory_space<vmem>>, vector<16xf32>,
        %add3A_1586 = arith.addf %add3A_1583, %get3A_1585 : vector<16xf32>
        %swap3A = arith.index_cast %add3A_1579 : i32 to index
        %swap3A_1587 = tpu.vector_load %arg15[%swap3A] {strides = array<i32>} : memref<512xf32, #tpu.memory_space<vmem>>, vector<16xf32>,
        tpu.vector_store %arg15[%swap3A], %add3A_1586 {strides = array<i32>} : memref<512xf32, #tpu.memory_space<vmem>>, vector<16xf32>,
      }
      %scan3A_108 = arith.constant 4 : i32
      %lt3A_109 = arith.constant 3 : i32
      %lt3A_110 = arith.cmpi slt, %scan3A_48, %lt3A_109 : i32
      %convert_element_type3A_111 = arith.extui %lt3A_110 : i1 to i32
      %cond3A_112 = arith.constant 0 : i32
      %cond3A_113 = arith.cmpi ne, %convert_element_type3A_111, %cond3A_112 : i32
      scf.if %cond3A_113 {
        %mul3A_114 = arith.constant 2 : i32
        %mul3A_115 = arith.muli %scan3A_48, %mul3A_114 : i32
        %add3A_116 = arith.constant 1 : i32
        %add3A_117 = arith.addi %mul3A_115, %add3A_116 : i32
        %add3A_118 = arith.constant 2 : i32
        %add3A_119 = arith.addi %add3A_117, %add3A_118 : i32
        %mul3A_120 = arith.constant 64 : i32
        %mul3A_121 = arith.muli %add3A_119, %mul3A_120 : i32
        %dma_start3A_122 = tpu.memref_slice %arg10[%mul3A_121] : memref<512xi32, #tpu.memory_space<vmem>> -> memref<64xi32, #tpu.memory_space<vmem>>
        %dma_start3A_123 = arith.constant 0 : i32
        %dma_start3A_124 = arith.constant 0 : i32
        %dma_start3A_125 = tpu.memref_slice %arg4[%dma_start3A_123, %dma_start3A_124] : memref<100000x128xf32, #tpu.memory_space<hbm>> -> memref<100000x128xf32, #tpu.memory_space<hbm>>
        tpu.enqueue_indirect_dma source(%dma_start3A_125 : memref<100000x128xf32, #tpu.memory_space<hbm>>) target(%arg17 : memref<64x128xf32, #tpu.memory_space<vmem>>) offsets(%dma_start3A_122 : memref<64xi32, #tpu.memory_space<vmem>>) semaphore(%arg24 : memref<!tpu.dma_semaphore, #tpu.memory_space<semaphore_mem>>)
        %dma_start3A_126 = tpu.memref_slice %arg10[%mul3A_121] : memref<512xi32, #tpu.memory_space<vmem>> -> memref<64xi32, #tpu.memory_space<vmem>>
        %dma_start3A_127 = arith.constant 0 : i32
        %dma_start3A_128 = arith.constant 0 : i32
        %dma_start3A_129 = tpu.memref_slice %arg5[%dma_start3A_127, %dma_start3A_128] : memref<100000x128xf32, #tpu.memory_space<hbm>> -> memref<100000x128xf32, #tpu.memory_space<hbm>>
        tpu.enqueue_indirect_dma source(%dma_start3A_129 : memref<100000x128xf32, #tpu.memory_space<hbm>>) target(%arg19 : memref<64x128xf32, #tpu.memory_space<vmem>>) offsets(%dma_start3A_126 : memref<64xi32, #tpu.memory_space<vmem>>) semaphore(%arg24 : memref<!tpu.dma_semaphore, #tpu.memory_space<semaphore_mem>>)
        %dma_start3A_130 = tpu.memref_slice %arg12[%mul3A_121] : memref<512xi32, #tpu.memory_space<vmem>> -> memref<64xi32, #tpu.memory_space<vmem>>
        %dma_start3A_131 = arith.constant 0 : i32
        %dma_start3A_132 = arith.constant 0 : i32
        %dma_start3A_133 = tpu.memref_slice %arg6[%dma_start3A_131, %dma_start3A_132] : memref<25088x128xf32, #tpu.memory_space<hbm>> -> memref<25088x128xf32, #tpu.memory_space<hbm>>
        tpu.enqueue_indirect_dma source(%dma_start3A_133 : memref<25088x128xf32, #tpu.memory_space<hbm>>) target(%arg21 : memref<64x128xf32, #tpu.memory_space<vmem>>) offsets(%dma_start3A_130 : memref<64xi32, #tpu.memory_space<vmem>>) semaphore(%arg24 : memref<!tpu.dma_semaphore, #tpu.memory_space<semaphore_mem>>)
      } else {
      }
    }
    %scan3A_47 = arith.constant 4 : i32
    "tpu.region"() ({
      %run_scoped3A = tpu.sem_alloc : memref<!tpu.dma_semaphore, #tpu.memory_space<semaphore_mem>>
      %dma_start3A_48 = tpu.memref_slice %arg9[%mul3A_2] : memref<16384xf32, #tpu.memory_space<hbm>> -> memref<512xf32, #tpu.memory_space<hbm>>
      %dma_start3A_49 = tpu.memref_slice %arg9[%mul3A_2] : memref<16384xf32, #tpu.memory_space<hbm>> -> memref<512xf32, #tpu.memory_space<hbm>>
      tpu.enqueue_dma source(%arg15 : memref<512xf32, #tpu.memory_space<vmem>>) target(%dma_start3A_49 : memref<512xf32, #tpu.memory_space<hbm>>) target_semaphore(%run_scoped3A : memref<!tpu.dma_semaphore, #tpu.memory_space<semaphore_mem>>)
      %dma_wait3A_50 = tpu.memref_slice %arg9[%mul3A_2] : memref<16384xf32, #tpu.memory_space<hbm>> -> memref<512xf32, #tpu.memory_space<hbm>>
      %dma_wait3A_51 = tpu.memref_slice %arg9[%mul3A_2] : memref<16384xf32, #tpu.memory_space<hbm>> -> memref<512xf32, #tpu.memory_space<hbm>>
      tpu.wait_dma2 semaphore(%run_scoped3A : memref<!tpu.dma_semaphore, #tpu.memory_space<semaphore_mem>>) src(%arg15 : memref<512xf32, #tpu.memory_space<vmem>>) dst(%dma_wait3A_51 : memref<512xf32, #tpu.memory_space<hbm>>)
      tpu.yield
    }) : () -> ()
    return
  }
}

module attributes {stable_mosaic.version = 14 : i64} {
  func.func @_tc_body(%arg0: i32, %arg1: memref<32x3584xf32, #tpu.memory_space<vmem>>, %arg2: memref<32x3584xf32, #tpu.memory_space<vmem>>, %arg3: memref<32x3584xf32, #tpu.memory_space<vmem>>, %arg4: memref<32x3584xf32, #tpu.memory_space<vmem>>, %arg5: memref<3584x128xf32, #tpu.memory_space<vmem>>) attributes {dimension_semantics = [#tpu.dimension_semantics<arbitrary>], iteration_bounds = array<i64: 7>, scalar_prefetch = 0 : i64, scratch_operands = 0 : i64, tpu.core_type = #tpu.core_type<tc>, window_params = [{transform_indices = @transform_0, window_bounds = array<i64: 32, 3584>}, {transform_indices = @transform_1, window_bounds = array<i64: 32, 3584>}, {transform_indices = @transform_2, window_bounds = array<i64: 32, 3584>}, {transform_indices = @transform_3, window_bounds = array<i64: 32, 3584>}, {transform_indices = @transform_4, window_bounds = array<i64: 3584, 128>}]} {
    %get3A = arith.constant 0 : index
    %get3A_0 = arith.constant 0 : index
    %get3A_1 = vector.load %arg1[%get3A, %get3A_0] : memref<32x3584xf32, #tpu.memory_space<vmem>>, vector<32x3584xf32>
    %get3A_2 = arith.constant 0 : index
    %get3A_3 = arith.constant 0 : index
    %get3A_4 = vector.load %arg2[%get3A_2, %get3A_3] : memref<32x3584xf32, #tpu.memory_space<vmem>>, vector<32x3584xf32>
    %get3A_5 = arith.constant 0 : index
    %get3A_6 = arith.constant 0 : index
    %get3A_7 = vector.load %arg3[%get3A_5, %get3A_6] : memref<32x3584xf32, #tpu.memory_space<vmem>>, vector<32x3584xf32>
    %get3A_8 = arith.constant 0 : index
    %get3A_9 = arith.constant 0 : index
    %get3A_10 = vector.load %arg4[%get3A_8, %get3A_9] : memref<32x3584xf32, #tpu.memory_space<vmem>>, vector<32x3584xf32>
    %concatenate3A = tpu.concatenate %get3A_1, %get3A_4, %get3A_7, %get3A_10 in 0 : vector<32x3584xf32>, vector<32x3584xf32>, vector<32x3584xf32>, vector<32x3584xf32> -> vector<128x3584xf32>
    %iota3A = tpu.iota {dimensions = array<i32: 0>} : vector<128x128xi32>
    %iota3A_11 = tpu.iota {dimensions = array<i32: 1>} : vector<128x128xi32>
    %eq3A = arith.cmpi eq, %iota3A, %iota3A_11 : vector<128x128xi32>
    %convert_element_type3A = arith.extui %eq3A : vector<128x128xi1> to vector<128x128xi32>
    %convert_element_type3A_12 = arith.sitofp %convert_element_type3A : vector<128x128xi32> to vector<128x128xf32>
    %dot_general3A = arith.constant dense<0.000000e+00> : vector<3584x128xf32>
    %dot_general3A_13 = tpu.matmul %concatenate3A, %convert_element_type3A_12, %dot_general3A {dimension_numbers = #tpu.dot_dimension_numbers<[0], [0], [1], [1], [0, 1, 1, 1], [], []>, transpose_lhs_hint = false} : vector<128x3584xf32>, vector<128x128xf32>, vector<3584x128xf32> -> vector<3584x128xf32>
    %swap3A = arith.constant 0 : index
    %swap3A_14 = arith.constant 0 : index
    %swap3A_15 = vector.load %arg5[%swap3A, %swap3A_14] : memref<3584x128xf32, #tpu.memory_space<vmem>>, vector<3584x128xf32>
    tpu.vector_store %arg5[%swap3A, %swap3A_14], %dot_general3A_13 {strides = array<i32>} : memref<3584x128xf32, #tpu.memory_space<vmem>>, vector<3584x128xf32>,
    return
  }
  func.func @transform_0(%arg0: i32) -> (i32, i32) {
    %add3A = arith.constant 0 : i32
    %add3A_0 = arith.addi %add3A, %arg0 : i32
    %min3A = arith.constant 27 : i32
    %min3A_1 = arith.minsi %add3A_0, %min3A : i32
    %c0_i32 = arith.constant 0 : i32
    %c0_i32_2 = arith.constant 0 : i32
    return %c0_i32, %min3A_1 : i32, i32
  }
  func.func @transform_1(%arg0: i32) -> (i32, i32) {
    %add3A = arith.constant 7 : i32
    %add3A_0 = arith.addi %add3A, %arg0 : i32
    %min3A = arith.constant 27 : i32
    %min3A_1 = arith.minsi %add3A_0, %min3A : i32
    %c0_i32 = arith.constant 0 : i32
    %c0_i32_2 = arith.constant 0 : i32
    return %c0_i32, %min3A_1 : i32, i32
  }
  func.func @transform_2(%arg0: i32) -> (i32, i32) {
    %add3A = arith.constant 14 : i32
    %add3A_0 = arith.addi %add3A, %arg0 : i32
    %min3A = arith.constant 27 : i32
    %min3A_1 = arith.minsi %add3A_0, %min3A : i32
    %c0_i32 = arith.constant 0 : i32
    %c0_i32_2 = arith.constant 0 : i32
    return %c0_i32, %min3A_1 : i32, i32
  }
  func.func @transform_3(%arg0: i32) -> (i32, i32) {
    %add3A = arith.constant 21 : i32
    %add3A_0 = arith.addi %add3A, %arg0 : i32
    %min3A = arith.constant 27 : i32
    %min3A_1 = arith.minsi %add3A_0, %min3A : i32
    %c0_i32 = arith.constant 0 : i32
    %c0_i32_2 = arith.constant 0 : i32
    return %c0_i32, %min3A_1 : i32, i32
  }
  func.func @transform_4(%arg0: i32) -> (i32, i32) {
    %c0_i32 = arith.constant 0 : i32
    %c0_i32_0 = arith.constant 0 : i32
    return %arg0, %c0_i32 : i32, i32
  }
}

</mosaic_0001>

<sc_bundles>
// kernel: kernel.4.cloned.1.call-start
scs
__scs_entry_jumppad:
0x0: {  	(pc) =	sbr.rel $0x88, $3  }
0x1: {  	(tag) =	ssettag $0x0;
	lr =	simm.s32 $0x1  }
0x2: {  	[smem:$0x3F9A] =	sst lr;
	_ =	strace $0xD0000000  }
0x3: {  	_ = 	snop  }
0x4: {  	_ = 	snop  }
0x5: {  	_ = 	snop  }
0x6: {  	_ = 	snop  }
0x7: {  	_ = 	snop  }
__scs_overlays_trampoline_lowered:
0x8: {  	[smem:$0x3FA9] =	sst s0  }
0x9: {  	[smem:$0x3FAA] =	sst s1  }
0xa: {  	[smem:$0x3FAB] =	sst s2  }
0xb: {  	[smem:$0x3FAC] =	sst s3  }
0xc: {  	[smem:$0x3FAD] =	sst s4  }
0xd: {  	[smem:$0x3FAE] =	sst s5  }
0xe: {  	[smem:$0x3FAF] =	sst s6  }
0xf: {  	[smem:$0x3FB0] =	sst s7  }
0x10: {  	[smem:$0x3FB1] =	sst s8  }
0x11: {  	[smem:$0x3FB2] =	sst s9;
	s0 =	simm.s32 @!p0 $0x0  }
0x12: {  	s1 =	sld [smem:$0x3F98];
	s0 =	simm.s32 @p0 $0x1  }
0x13: {  	[smem:$0x3FB3] =	sst s0;
	s0 =	simm.s32 @!p1 $0x0  }
0x14: {  	s2 =	sld [smem:$0x3F97];
	s0 =	simm.s32 @p1 $0x1  }
0x15: {  	[smem:$0x3FB4] =	sst s0;
	s0 =	simm.s32 @!p2 $0x0  }
0x16: {  	s3 =	sld [smem:$0x3FDB];
	s0 =	simm.s32 @p2 $0x1  }
0x17: {  	s4 =	simm.s32 $0x1BF5;
	[smem:$0x3FB6] =	sst s0  }
0x18: {  	s0 =	sld [smem:$0x3F99];
	_ =	swait.ge [sflag:s4], $0x0  }
0x19: {  	s7 =	sld [smem:$0x3F9A]  }
0x1a: {  	s8 =	sadd.s32 $0xFFFFE003, lr  }
0x1b: {  	s9 =	sadd.s32 $0xFFFFFEF7, lr;
	s5 =	simm.s32 $0xFFFFFFFF;
	p2 =	slt.u32 s8, $0xFFFFF086  }
0x1c: {  	p1 =	slt.u32 s9, $0xF7A;
	s5 =	simm.s32 @!p2 $0x0  }
0x1d: {  	s5 =	simm.s32 @p1 $0x1;
	p0 =	seq.s32 s7, s2  }
0x1e: {  	s7 =	smul.u32 @!p0 $0xF7A, s2;
	p2 =	seq.s32 @!p0 s5, $0x0  }
0x1f: {  	s9 =	smul.u32 $0xF7A, s1;
	s8 =	simm.s32 @!p0 $0x1BF5;
	p2 =	por !p2, p0  }
0x20: {  	[sflag:s8] =	ssyncset.s32 @!p0 $0xFFFFF086;
	s6 =	sadd.s32 @!p0 s3, s7;
	s7 =	simm.s32 @!p0 $0x108  }
0x21: {  	s3 =	sadd.s32 s3, s9;
	s6 =	sadd.s32 @!p0 $0x88, s6;
	s7 =	simm.s32 @p2 $0x1082  }
0x22: {  	[simem:s7], [sflag:s8] =	dma.local @!p0 [hbm:s6], $0xF7A  }
0x23: {  	s9 =	sor.u32 $0xD0000000, s2;
	s6 =	simm.s32 $0x108;
	_ =	swait.ge @!p0 [sflag:s8], $0x0  }
0x24: {  	s3 =	sadd.s32 $0x88, s3;
	s6 =	simm.s32 @!p1 $0x1082;
	[sflag:s4] =	ssyncset.s32 $0xFFFFF086  }
0x25: {  	[simem:s6], [sflag:s4] =	dma.local [hbm:s3], $0xF7A  }
0x26: {  	[smem:$0x3F9A] =	sst s1;
	(tag) =	ssettag s2;
	_ =	strace s9  }
0x27: {  	s1 =	sld [smem:$0x3FAA]  }
0x28: {  	s2 =	sld [smem:$0x3FAB]  }
0x29: {  	s4 =	sld [smem:$0x3FAD]  }
0x2a: {  	p0 =	seq.s32 s5, $0x0;
	s5 =	sld [smem:$0x3FAE]  }
0x2b: {  	s6 =	sld [smem:$0x3FAF]  }
0x2c: {  	s7 =	sld [smem:$0x3FB0]  }
0x2d: {  	s3 =	simm.s32 $0x108;
	s8 =	sld [smem:$0x3FB1]  }
0x2e: {  	s3 =	simm.s32 @!p0 $0x1082;
	s9 =	sld [smem:$0x3FB2]  }
0x2f: {  	lr =	sadd.s32 s0, s3;
	s0 =	sld [smem:$0x3FA9]  }
0x30: {  	s3 =	sld [smem:$0x3FAC]  }
0x31: {  	[smem:$0x3FB5] =	sst s10  }
0x32: {  	s10 =	sld [smem:$0x3FB3];
	_ =	sdelay $0x3  }
0x33: {  	p0 =	seq.s32 s10, $0x1;
	s10 =	sld [smem:$0x3FB5];
	_ =	sdelay $0x3  }
0x34: {  	[smem:$0x3FB5] =	sst s10  }
0x35: {  	s10 =	sld [smem:$0x3FB4];
	_ =	sdelay $0x3  }
0x36: {  	p1 =	seq.s32 s10, $0x1;
	s10 =	sld [smem:$0x3FB5];
	_ =	sdelay $0x3  }
0x37: {  	[smem:$0x3FB5] =	sst s10  }
0x38: {  	s10 =	sld [smem:$0x3FB6]  }
0x39: {  	_ = 	snop;
	(pc) =	sbr.ind lr, $3  }
0x3a: {  	_ = 	snop  }
0x3b: {  	_ = 	snop  }
0x3c: {  	p2 =	seq.s32 s10, $0x1;
	s10 =	sld [smem:$0x3FB5]  }
0x3d: {  	_ =	shalt  }
0x3e: {  	_ =	shalt  }
0x3f: {  	_ =	shalt  }
0x40: {  	_ =	shalt  }
0x41: {  	_ =	shalt  }
0x42: {  	_ =	shalt  }
0x43: {  	_ =	shalt  }
0x44: {  	_ =	shalt  }
0x45: {  	_ =	shalt  }
0x46: {  	_ =	shalt  }
0x47: {  	_ =	shalt  }
0x48: {  	_ =	shalt  }
0x49: {  	_ =	shalt  }
0x4a: {  	_ =	shalt  }
0x4b: {  	_ =	shalt  }
0x4c: {  	_ =	shalt  }
0x4d: {  	_ =	shalt  }
0x4e: {  	_ =	shalt  }
0x4f: {  	_ =	shalt  }
0x50: {  	_ =	shalt  }
0x51: {  	_ =	shalt  }
0x52: {  	_ =	shalt  }
0x53: {  	_ =	shalt  }
0x54: {  	_ =	shalt  }
0x55: {  	_ =	shalt  }
0x56: {  	_ =	shalt  }
0x57: {  	_ =	shalt  }
0x58: {  	_ =	shalt  }
0x59: {  	_ =	shalt  }
0x5a: {  	_ =	shalt  }
0x5b: {  	_ =	shalt  }
0x5c: {  	_ =	shalt  }
0x5d: {  	_ =	shalt  }
0x5e: {  	_ =	shalt  }
0x5f: {  	_ =	shalt  }
0x60: {  	_ =	shalt  }
0x61: {  	_ =	shalt  }
0x62: {  	_ =	shalt  }
0x63: {  	_ =	shalt  }
0x64: {  	_ =	shalt  }
0x65: {  	_ =	shalt  }
0x66: {  	_ =	shalt  }
0x67: {  	_ =	shalt  }
0x68: {  	_ =	shalt  }
0x69: {  	_ =	shalt  }
0x6a: {  	_ =	shalt  }
0x6b: {  	_ =	shalt  }
0x6c: {  	_ =	shalt  }
0x6d: {  	_ =	shalt  }
0x6e: {  	_ =	shalt  }
0x6f: {  	_ =	shalt  }
0x70: {  	_ =	shalt  }
0x71: {  	_ =	shalt  }
0x72: {  	_ =	shalt  }
0x73: {  	_ =	shalt  }
0x74: {  	_ =	shalt  }
0x75: {  	_ =	shalt  }
0x76: {  	_ =	shalt  }
0x77: {  	_ =	shalt  }
0x78: {  	_ =	shalt  }
0x79: {  	_ =	shalt  }
0x7a: {  	_ =	shalt  }
0x7b: {  	_ =	shalt  }
0x7c: {  	_ =	shalt  }
0x7d: {  	_ =	shalt  }
0x7e: {  	_ =	shalt  }
0x7f: {  	_ =	shalt  }
0x80: {  	_ =	shalt  }
0x81: {  	_ =	shalt  }
0x82: {  	_ =	shalt  }
0x83: {  	_ =	shalt  }
0x84: {  	_ =	shalt  }
0x85: {  	_ =	shalt  }
0x86: {  	_ =	shalt  }
0x87: {  	_ =	shalt  }
.Lfunc_end0:
.L_simem_size_0:
called_computation_lowered:
.L_overlay_start_0:
0x88: {  	s2 =	sld [smem:$0x3FD9]  }
0x89: {  	s3 =	sld [smem:$0x3FFE];
	_ =	sdelay $0x1  }
0x8a: {  	s1 =	srdreg.scid  }
0x8b: {  	s0 =	sand.u32 $0x1, s1  }
0x8c: {  	s17 =	sshll.u32 s0, $0xA;
	s2 =	sadd.s32 s3, s2  }
0x8d: {  	s2 =	sadd.s32 s2, s17  }
0x8e: {  	[smem:$0x3FC1] =	sst s2  }
0x8f: {  	_ = 	snop  }
0x90: {  	s2 =	sld [smem:$0x3FC9]  }
0x91: {  	s18 =	sld [smem:$0x3FC8]  }
0x92: {  	s4 =	sld [smem:$0x3FC7]  }
0x93: {  	s5 =	sld [smem:$0x3FC6]  }
0x94: {  	s6 =	sld [smem:$0x3FD0];
	(tm) =	ssettm $0x1  }
0x95: {  	s7 =	sld [smem:$0x3FFB];
	_ =	sdelay $0x3  }
0x96: {  	_ =	strace s7  }
0x97: {  	s7 =	sld [smem:$0x3FFC];
	_ =	sdelay $0x3  }
0x98: {  	_ =	strace s7  }
0x99: {  	s7 =	sld [smem:$0x3FFD];
	_ =	sdelay $0x3  }
0x9a: {  	_ =	strace s7  }
0x9b: {  	_ =	strace $0x8FFFFFFF  }
0x9c: {  	s19 =	sld [smem:$0x3FDB];
	_ =	sdelay $0x1  }
0x9d: {  	s8 =	simm.s32 $_scs_section_size  }
0x9e: {  	s9 =	simm.s32 $_size__tile_overlayer_lowered;
	s10 =	simm.s32 $_tile_overlayer_lowered  }
0x9f: {  	s22 =	simm.s32 $0x1BFF;
	s21 =	sshll.u32 s10, $0x1;
	s7 =	sadd.s32 s8, s19  }
0xa0: {  	s11 =	simm.s32 $0x0;
	s20 =	sshll.u32 s9, $0x1;
	s9 =	sadd.s32 s21, s7  }
0xa1: {  	[timem:s11], [sflag:s22] =	dma.local [hbm:s9], s20  }
0xa2: {  	_ =	swait.ge [sflag:s22], s20  }
0xa3: {  	s8 =	ssub.s32 $0x0, s20;
	[sflag:s22] =	ssyncset.done $0x0  }
0xa4: {  	[sflag:s22] =	ssyncadd.s32 s8;
	_ =	sdelay $0x1  }
0xa5: {  	s23 =	simm.s32 $0x1B8B  }
0xa6: {  	_ =	swait.ge [sflag:s23], $0x1  }
0xa7: {  	[sflag:s23] =	ssyncset.done $0x0  }
0xa8: {  	s25 =	simm.s32 $0x1B8E;
	s24 =	sld [smem:$0x3FFE];
	[sflag:s23] =	ssyncadd.s32 $0xFFFFFFFF  }
0xa9: {  	s26 =	simm.s32 $execute0_lowered;
	[smem:$0x3FD2] =	sst s25  }
0xaa: {  	s9 =	sshll.u32 s26, $0x1;
	_ =	strace $0x80000046;
	[dreg:$0x1] =	wrdreg $0xFFFFFFFF  }
0xab: {  	s28 =	simm.s32 $_size_execute0_lowered;
	s7 =	sadd.s32 s7, s9;
	[dreg:$0x0] =	wrdreg $0x0  }
0xac: {  	s9 =	sshll.u32 s28, $0x1;
	[dreg:$0x2] =	wrdreg s7  }
0xad: {  	[dreg:$0x3] =	wrdreg s9  }
0xae: {  	[dreg:$0x4] =	wrdreg $0xC0  }
0xaf: {  	_ =	task [dreg:s11], $0x5FFFF  }
0xb0: {  	[dreg:$0x1] =	wrdreg $0xFFFFFFFF  }
0xb1: {  	[dreg:$0x0] =	wrdreg $0x60  }
0xb2: {  	[dreg:$0x2] =	wrdreg s2  }
0xb3: {  	[dreg:$0x3] =	wrdreg s18  }
0xb4: {  	[dreg:$0x4] =	wrdreg s4  }
0xb5: {  	[dreg:$0x5] =	wrdreg s5  }
0xb6: {  	[dreg:$0x6] =	wrdreg s24  }
0xb7: {  	[dreg:$0x7] =	wrdreg s6  }
0xb8: {  	[dreg:$0x8] =	wrdreg $0x9  }
0xb9: {  	_ =	task.clear_ibuf [dreg:s11], $0x9FFFF;
	_ =	strace $0x90000046  }
0xba: {  	s29 =	simm.s32 $0x9;
	_ =	strace $0x80000048  }
0xbb: {  	_ =	swait.ge [sflag:s29], $0x1  }
0xbc: {  	[sflag:s29] =	ssyncadd.s32 $0xFFFFFFFF  }
0xbd: {  	_ =	strace $0x90000048  }
0xbe: {  	_ =	sfence  }
0xbf: {  	s30 =	sld [smem:$0x0];
	_ =	sdelay $0x2  }
0xc0: {  	s31 =	sshll.u32 s1, $0xD;
	s1 =	sshrl.u32 s1, $0x2  }
0xc1: {  	s3 =	sand.u32 $0x4000, s31;
	s1 =	sadd.s32 s1, s30  }
0xc2: {  	s0 =	sor.u32 s3, s0;
	s1 =	sshll.u32 s1, $0x11  }
0xc3: {  	s0 =	sor.u32 s1, s0  }
0xc4: {  	s0 =	sadd.s32 $0x8F2B, s0  }
0xc5: {  	[sflag:s0] =	ssyncadd.remote.s32 $0x1  }
0xc6: {  	_ =	sfence.sel $0xFFFF  }
0xc7: {  	[dreg:$0x0] =	wrdreg $0xFFFFFFFF;
	(pc) =	sbr.abs _section_cstart, $3  }
0xc8: {  	[dreg:$0x1] =	wrdreg $0xFFFFFFFF  }
0xc9: {  	_ =	task.clear_ibuf [dreg:s11], $0x2FFFF;
	_ =	strace $0x9FFFFFFF  }
0xca: {  	(tm) =	ssettm $0x7FFFFFFF  }
0xcb: {  	_ =	shalt  }
tec
execute0_lowered:
.L_overlay_start_1:
0x0: {  	(tag) =	ssettag $0x1  }
0x1: {  	v0 =	vimm.s32 $0xECA86420;
	v17 =	vimm.s32 $0x14131211  }
0x2: {  	vm0 =	vcmask $0x1F10;
	v1 =	vimm.s32 $0x18171615;
	v18 =	vimm.s32 $0x34333231  }
0x3: {  	v2 =	vimm.s32 $0x38373635;
	v3 =	vimm.s32 $0x1C1B1A19;
	v19 =	vimm.s32 $0x1F1E1D  }
0x4: {  	v20 =	vimm.s32 $0x3C3B3A39;
	v21 =	vimm.s32 $0x203F3E3D;
	v22 =	vimm.s32 $0x54535251  }
0x5: {  	v24 =	vimm.s32 $0x58575655;
	v25 =	vimm.s32 $0x74737271;
	v26 =	vimm.s32 $0x78777675  }
0x6: {  	v27 =	vimm.s32 $0x5C5B5A59;
	v28 =	vimm.s32 $0x405F5E5D;
	v29 =	vimm.s32 $0x7C7B7A79  }
0x7: {  	v30 =	vimm.s32 $0x607F7E7D;
	v31 =	vimm.s32 $0x15141312;
	v33 =	vimm.s32 $0x19181716  }
0x8: {  	v34 =	vimm.s32 $0x35343332;
	v35 =	vimm.s32 $0x39383736;
	v36 =	vimm.s32 $0x1D1C1B1A  }
0x9: {  	v37 =	vimm.s32 $0x1001F1E;
	v38 =	vimm.s32 $0x3D3C3B3A;
	v39 =	vimm.s32 $0x21203F3E  }
0xa: {  	v40 =	vimm.s32 $0x55545352;
	v42 =	vimm.s32 $0x59585756;
	v43 =	vimm.s32 $0x75747372  }
0xb: {  	v44 =	vimm.s32 $0x79787776;
	v45 =	vimm.s32 $0x5D5C5B5A;
	v46 =	vimm.s32 $0x41405F5E  }
0xc: {  	v47 =	vimm.s32 $0x7D7C7B7A;
	v48 =	vimm.s32 $0x61607F7E;
	v49 =	vimm.s32 $0x16151413  }
0xd: {  	v51 =	vimm.s32 $0x1A191817;
	v52 =	vimm.s32 $0x36353433;
	v53 =	vimm.s32 $0x3A393837  }
0xe: {  	v54 =	vimm.s32 $0x1E1D1C1B;
	v55 =	vimm.s32 $0x201001F;
	v56 =	vimm.s32 $0x3E3D3C3B  }
0xf: {  	v57 =	vimm.s32 $0x2221203F;
	v58 =	vimm.s32 $0x56555453;
	v60 =	vimm.s32 $0x5A595857  }
0x10: {  	v61 =	vimm.s32 $0x76757473;
	v62 =	vimm.s32 $0x7A797877;
	v63 =	vimm.s32 $0x5E5D5C5B  }
0x11: {  	v4 =	vimm.s32 $0x4241405F;
	v5 =	vimm.s32 $0x7E7D7C7B;
	v6 =	vimm.s32 $0x3020100  }
0x12: {  	v7 =	vimm.s32 $0x1F1E1D1C;
	v8 =	vimm.s32 $0x17161514;
	vm1 =	vcmask $0x2F10  }
0x13: {  	vm2 =	vcmask $0x3F30;
	v0 =	vunpack.c.l.s4.s8 v0;
	v9 =	vunpack.c.0.s8.s32 v1  }
0x14: {  	v1 =	vunpack.c.0.s8.s32 v18;
	v10 =	vunpack.c.0.s8.s32 v2;
	v12 =	vunpack.c.0.s8.s32 v3  }
0x15: {  	v13 =	vunpack.c.0.s8.s32 v19;
	v16 =	vunpack.c.0.s8.s32 v20;
	v23 =	vunpack.c.0.s8.s32 v22  }
0x16: {  	v18 =	vunpack.c.0.s8.s32 v24;
	v19 =	vunpack.c.0.s8.s32 v26;
	v22 =	vunpack.c.0.s8.s32 v28  }
0x17: {  	v24 =	vunpack.c.0.s8.s32 v29;
	v32 =	vunpack.c.0.s8.s32 v31;
	v26 =	vunpack.c.0.s8.s32 v33  }
0x18: {  	v29 =	vunpack.c.0.s8.s32 v36;
	v33 =	vunpack.c.0.s8.s32 v39;
	v41 =	vunpack.c.0.s8.s32 v40  }
0x19: {  	v40 =	vunpack.c.0.s8.s32 v47;
	v50 =	vunpack.c.0.s8.s32 v49;
	v49 =	vunpack.c.0.s8.s32 v57  }
0x1a: {  	v59 =	vunpack.c.0.s8.s32 v58;
	v57 =	vunpack.c.0.s8.s32 v7;
	v7 =	vimm.s32 $0x3F3E3D3C  }
0x1b: {  	v14 =	vunpack.c.0.s8.s32 v0;
	v0 =	vunpack.c.0.s8.s32 v17;
	v15 =	vsel vm0, v10, v1  }
0x1c: {  	v17 =	vunpack.c.0.s8.s32 v21;
	v1 =	vunpack.c.0.s8.s32 v25;
	v20 =	vsel vm0, v18, v23  }
0x1d: {  	v21 =	vunpack.c.0.s8.s32 v27;
	v25 =	vunpack.c.0.s8.s32 v30;
	v27 =	vunpack.c.0.s8.s32 v35  }
0x1e: {  	v28 =	vsel vm0, v26, v32;
	v30 =	vunpack.c.0.s8.s32 v37;
	v32 =	vunpack.c.0.s8.s32 v38  }
0x1f: {  	v35 =	vunpack.c.0.s8.s32 v44;
	v37 =	vunpack.c.0.s8.s32 v45;
	v38 =	vunpack.c.0.s8.s32 v46  }
0x20: {  	v45 =	vunpack.c.0.s8.s32 v54;
	v46 =	vunpack.c.0.s8.s32 v55;
	v54 =	vunpack.c.0.s8.s32 v4  }
0x21: {  	v4 =	vimm.s32 $0x3B3A3938;
	v11 =	vsel vm0, v9, v0;
	v23 =	vsel vm0, v19, v1  }
0x22: {  	v1 =	vunpack.c.0.s8.s32 v34;
	v34 =	vunpack.c.0.s8.s32 v42;
	v42 =	vunpack.c.0.s8.s32 v51  }
0x23: {  	v51 =	vunpack.c.0.s8.s32 v62;
	v0 =	vimm.s32 $0x6261607F;
	v62 =	vimm.s32 $0x37363534  }
0x24: {  	v3 =	vunpack.c.0.s8.s32 v62;
	v31 =	vsel vm0, v27, v1;
	v1 =	vunpack.c.0.s8.s32 v43  }
0x25: {  	v36 =	vsel vm0, v34, v41;
	v41 =	vunpack.c.0.s8.s32 v48;
	v43 =	vunpack.c.0.s8.s32 v53  }
0x26: {  	v44 =	vsel vm0, v42, v50;
	v48 =	vunpack.c.0.s8.s32 v56;
	v50 =	vunpack.c.0.s8.s32 v60  }
0x27: {  	v53 =	vunpack.c.0.s8.s32 v63;
	v60 =	vunpack.c.0.s8.s32 v8;
	v8 =	vimm.s32 $0x23222120  }
0x28: {  	v56 =	vunpack.c.0.s8.s32 v5;
	v63 =	vimm.s32 $0x32107654;
	v5 =	vunpack.c.0.s8.s32 v8  }
0x29: {  	v8 =	vimm.s32 $0xB0A0908;
	v39 =	vsel vm0, v35, v1;
	v1 =	vunpack.c.0.s8.s32 v52  }
0x2a: {  	v52 =	vsel vm0, v50, v59;
	v59 =	vunpack.c.0.s8.s32 v4;
	v4 =	vunpack.c.l.s4.s8 v63  }
0x2b: {  	v63 =	vunpack.c.0.s8.s32 v7;
	v7 =	vimm.s32 $0x43218765;
	[tilespmem:$0x1F580] =	vst v5;
	v5 =	vimm.s32 $0x54329876  }
0x2c: {  	v47 =	vsel vm0, v43, v1;
	v1 =	vunpack.c.0.s8.s32 v61;
	v61 =	vimm.s32 $0x1B1A1918  }
0x2d: {  	v62 =	vsel vm0, v59, v3;
	v4 =	vunpack.c.0.s8.s32 v4;
	v5 =	vunpack.c.l.s4.s8 v5  }
0x2e: {  	v58 =	vunpack.c.0.s8.s32 v61;
	v55 =	vsel vm0, v51, v1;
	v1 =	vunpack.c.0.s8.s32 v6  }
0x2f: {  	v3 =	vunpack.c.0.s8.s32 v8;
	v6 =	vimm.s32 $0x57565554;
	v8 =	vunpack.c.0.s8.s32 v5  }
0x30: {  	v2 =	vsel vm0, v58, v60;
	v60 =	vunpack.c.0.s8.s32 v0;
	v1 =	vsel vm0, v1, v57  }
0x31: {  	v0 =	vunpack.c.0.s8.s32 v6;
	v61 =	vcombine.low v2, v1;
	v2 =	vunpack.c.l.s4.s8 v7  }
0x32: {  	v6 =	vimm.s32 $0xC0B0A09;
	v1 =	vand.u32 $0xF, v4;
	v7 =	vimm.s32 $0x6543A987  }
0x33: {  	v4 =	vimm.s32 $0x5B5A5958;
	v7 =	vunpack.c.l.s4.s8 v7;
	v2 =	vunpack.c.0.s8.s32 v2  }
0x34: {  	v6 =	vunpack.c.0.s8.s32 v6;
	v1 =	vsel vm1, v1, v57;
	v4 =	vunpack.c.0.s8.s32 v4  }
0x35: {  	v1 =	vsel vm2, v3, v1;
	v3 =	vunpack.c.0.s8.s32 v7;
	v2 =	vand.u32 $0xF, v2  }
0x36: {  	[tilespmem:$0x1F590] =	vst v1;
	v0 =	vsel vm0, v4, v0;
	v1 =	vsel vm1, v2, v13;
	v2 =	vand.u32 $0xF, v8  }
0x37: {  	v8 =	vimm.s32 $0xE0D0C0B;
	v1 =	vsel vm2, v6, v1;
	v6 =	vimm.s32 $0xD0C0B0A  }
0x38: {  	v3 =	vand.u32 $0xF, v3;
	v2 =	vsel vm1, v2, v30;
	[tilespmem:$0x1F5A0] =	vst v1;
	v1 =	vunpack.c.0.s8.s32 v6  }
0x39: {  	[tilespmem:$0x1F5D0] =	vst v4;
	v5 =	vunpack.c.0.s8.s32 v8;
	v7 =	vsel vm1, v3, v46;
	v8 =	vimm.s32 $0x77767574  }
0x3a: {  	[tilespmem:$0x1F5E0] =	vst v0;
	v1 =	vsel vm2, v1, v2;
	v2 =	vunpack.c.0.s8.s32 v8;
	v8 =	vimm.s32 $0x5F5E5D5C  }
0x3b: {  	v6 =	vimm.s32 $0x7B7A7978;
	[tilespmem:$0x1F5B0] =	vst v1;
	v1 =	vsel vm2, v5, v7;
	v4 =	vunpack.c.0.s8.s32 v8  }
0x3c: {  	v7 =	vunpack.c.0.s8.s32 v6;
	v5 =	vimm.s32 $0x43424140;
	[tilespmem:$0x1F5C0] =	vst v1  }
0x3d: {  	v0 =	vunpack.c.0.s8.s32 v5;
	[tilespmem:$0x1F5F0] =	vst v4  }
0x3e: {  	v8 =	vimm.s32 $0x7F7E7D7C;
	[tilespmem:$0x1F610] =	vst v7;
	v6 =	vsel vm0, v7, v2;
	v7 =	vimm.s32 $0x4030201  }
0x3f: {  	v1 =	vunpack.c.0.s8.s32 v8;
	[tilespmem:$0x1F600] =	vst v0;
	v0 =	vunpack.c.0.s8.s32 v7  }
0x40: {  	v8 =	vimm.s32 $0x5040302;
	v4 =	vimm.s32 $0x63626160;
	[tilespmem:$0x1F620] =	vst v6  }
0x41: {  	[tilespmem:$0x1F630] =	vst v1;
	v5 =	vunpack.c.0.s8.s32 v4;
	v6 =	vimm.s32 $0x24232221;
	v0 =	vsel vm0, v0, v13  }
0x42: {  	v4 =	vimm.s32 $0x44434241;
	v7 =	vunpack.c.0.s8.s32 v6;
	[tilespmem:$0x1F650] =	vst v0;
	v0 =	vunpack.c.0.s8.s32 v8  }
0x43: {  	v1 =	vunpack.c.0.s8.s32 v4;
	[tilespmem:$0x1F640] =	vst v5  }
0x44: {  	v4 =	vimm.s32 $0x6050403;
	v5 =	vimm.s32 $0x64636261;
	[tilespmem:$0x1F660] =	vst v7;
	v0 =	vsel vm0, v0, v30  }
0x45: {  	v6 =	vunpack.c.0.s8.s32 v5;
	v7 =	vimm.s32 $0x25242322;
	[tilespmem:$0x1F690] =	vst v0;
	v0 =	vunpack.c.0.s8.s32 v4  }
0x46: {  	[tilespmem:$0x1F670] =	vst v1;
	v5 =	vimm.s32 $0x45444342;
	v8 =	vunpack.c.0.s8.s32 v7  }
0x47: {  	v1 =	vunpack.c.0.s8.s32 v5;
	v5 =	vimm.s32 $0x76543210;
	[tilespmem:$0x1F680] =	vst v6;
	v0 =	vsel vm0, v0, v46  }
0x48: {  	v6 =	vimm.s32 $0x65646362;
	[tilespmem:$0x1F6D0] =	vst v0;
	v0 =	vunpack.c.l.s4.s8 v5  }
0x49: {  	[tilespmem:$0x1F6A0] =	vst v8;
	v7 =	vunpack.c.0.s8.s32 v6  }
0x4a: {  	[tilespmem:$0x1F6B0] =	vst v1;
	v8 =	vimm.s32 $0x26252423;
	v0 =	vunpack.c.0.s8.s32 v0  }
0x4b: {  	v4 =	vunpack.c.0.s8.s32 v8;
	[tilespmem:$0x1F6C0] =	vst v7;
	v7 =	vimm.s32 $0x87654321;
	v5 =	vimm.s32 $0x27262524  }
0x4c: {  	v6 =	vimm.s32 $0x46454443;
	v8 =	vunpack.c.l.s4.s8 v7;
	[tilespmem:$0x1F710] =	vst v0;
	v0 =	vunpack.c.0.s8.s32 v5  }
0x4d: {  	v1 =	vunpack.c.0.s8.s32 v6;
	[tilespmem:$0x1F6E0] =	vst v4;
	v4 =	vimm.s32 $0x66656463  }
0x4e: {  	v6 =	vimm.s32 $0x98765432;
	v2 =	vunpack.c.0.s8.s32 v4;
	[tilespmem:$0x1F750] =	vst v0;
	v0 =	vunpack.c.0.s8.s32 v8  }
0x4f: {  	[tilespmem:$0x1F6F0] =	vst v1;
	v1 =	vunpack.c.l.s4.s8 v6  }
0x50: {  	v7 =	vimm.s32 $0x47464544;
	[tilespmem:$0x1F700] =	vst v2;
	v0 =	vand.u32 $0xF, v0  }
0x51: {  	v2 =	vunpack.c.0.s8.s32 v7;
	v7 =	vimm.s32 $0xA9876543;
	[tilespmem:$0x1F720] =	vst v0;
	v0 =	vunpack.c.0.s8.s32 v1  }
0x52: {  	v8 =	vimm.s32 $0x67666564;
	v1 =	vunpack.c.l.s4.s8 v7  }
0x53: {  	v5 =	vimm.s32 $0x29282726;
	v6 =	vunpack.c.0.s8.s32 v8;
	v0 =	vand.u32 $0xF, v0  }
0x54: {  	v8 =	vimm.s32 $0x48474645;
	[tilespmem:$0x1F730] =	vst v0;
	v0 =	vunpack.c.0.s8.s32 v1;
	v1 =	vunpack.c.0.s8.s32 v5  }
0x55: {  	v4 =	vimm.s32 $0x68676665;
	[tilespmem:$0x1F790] =	vst v6;
	v7 =	vunpack.c.0.s8.s32 v8;
	v6 =	vimm.s32 $0x49484746  }
0x56: {  	[tilespmem:$0x1F810] =	vst v1;
	v1 =	vunpack.c.0.s8.s32 v6;
	v0 =	vand.u32 $0xF, v0;
	v6 =	vimm.s32 $0x2A292827  }
0x57: {  	v8 =	vunpack.c.0.s8.s32 v4;
	v4 =	vimm.s32 $0x69686766;
	[tilespmem:$0x1F740] =	vst v0;
	v0 =	vunpack.c.0.s8.s32 v6  }
0x58: {  	v5 =	vunpack.c.0.s8.s32 v4  }
0x59: {  	v4 =	vimm.s32 $0x4A494847;
	[tilespmem:$0x1F870] =	vst v0;
	v0 =	vld [tilespmem:$0x1F750]  }
0x5a: {  	[tilespmem:$0x1F850] =	vst v5;
	v5 =	vimm.s32 $0x6A696867;
	v6 =	vunpack.c.0.s8.s32 v4  }
0x5b: {  	v4 =	vunpack.c.0.s8.s32 v5;
	v5 =	vimm.s32 $0x2B2A2928  }
0x5c: {  	[tilespmem:$0x1F890] =	vst v6;
	v6 =	vunpack.c.0.s8.s32 v5  }
0x5d: {  	[tilespmem:$0x1F770] =	vst v2  }
0x5e: {  	v0 =	vsel vm0, v6, v0;
	v6 =	vld [tilespmem:$0x1F770];
	_ =	sdelay $0x1  }
0x5f: {  	[tilespmem:$0x1F830] =	vst v1;
	v1 =	vimm.s32 $0x4B4A4948  }
0x60: {  	v1 =	vunpack.c.0.s8.s32 v1  }
0x61: {  	v2 =	vimm.s32 $0x28272625  }
0x62: {  	v2 =	vunpack.c.0.s8.s32 v2;
	[tilespmem:$0x1F760] =	vst v0;
	v0 =	vsel vm0, v1, v6;
	v6 =	vld [tilespmem:$0x1F790];
	_ =	sdelay $0x1  }
0x63: {  	[tilespmem:$0x1F7B0] =	vst v2;
	v2 =	vimm.s32 $0x6B6A6968  }
0x64: {  	v2 =	vunpack.c.0.s8.s32 v2;
	_ =	sdelay $0x1  }
0x65: {  	[tilespmem:$0x1F780] =	vst v0;
	v0 =	vsel vm0, v2, v6;
	v6 =	vld [tilespmem:$0x1F7B0];
	_ =	sdelay $0x1  }
0x66: {  	v3 =	vimm.s32 $0x2C2B2A29  }
0x67: {  	v3 =	vunpack.c.0.s8.s32 v3;
	[tilespmem:$0x1F8B0] =	vst v4;
	v4 =	vimm.s32 $0x4C4B4A49  }
0x68: {  	v5 =	vimm.s32 $0x6C6B6A69;
	v4 =	vunpack.c.0.s8.s32 v4  }
0x69: {  	v5 =	vunpack.c.0.s8.s32 v5;
	[tilespmem:$0x1F7A0] =	vst v0;
	v0 =	vsel vm0, v3, v6;
	v6 =	vimm.s32 $0x4D4C4B4A  }
0x6a: {  	[tilespmem:$0x1F7D0] =	vst v7;
	v7 =	vsel vm0, v4, v7;
	v1 =	vunpack.c.0.s8.s32 v6;
	v6 =	vld [tilespmem:$0x1F810]  }
0x6b: {  	[tilespmem:$0x1F7F0] =	vst v8;
	v4 =	vsel vm0, v5, v8;
	v5 =	vimm.s32 $0x2D2C2B2A;
	v8 =	vimm.s32 $0x6E6D6C6B  }
0x6c: {  	[tilespmem:$0x1F7C0] =	vst v0;
	v0 =	vunpack.c.0.s8.s32 v5;
	v5 =	vunpack.c.0.s8.s32 v8;
	v8 =	vld [tilespmem:$0x1F830];
	_ =	sdelay $0x2  }
0x6d: {  	[tilespmem:$0x1F7E0] =	vst v7;
	v7 =	vimm.s32 $0x6D6C6B6A;
	v0 =	vsel vm0, v0, v6;
	v6 =	vld [tilespmem:$0x1F850]  }
0x6e: {  	v2 =	vunpack.c.0.s8.s32 v7;
	v7 =	vld [tilespmem:$0x1F870]  }
0x6f: {  	[tilespmem:$0x1F820] =	vst v0;
	v0 =	vsel vm0, v1, v8;
	v8 =	vld [tilespmem:$0x1F890]  }
0x70: {  	v3 =	vimm.s32 $0x2E2D2C2B  }
0x71: {  	[tilespmem:$0x1F800] =	vst v4;
	v4 =	vimm.s32 $0x4E4D4C4B;
	v3 =	vunpack.c.0.s8.s32 v3  }
0x72: {  	v4 =	vunpack.c.0.s8.s32 v4;
	[tilespmem:$0x1F840] =	vst v0;
	v0 =	vsel vm0, v2, v6  }
0x73: {  	[tilespmem:$0x1F860] =	vst v0;
	v0 =	vsel vm0, v3, v7  }
0x74: {  	[tilespmem:$0x1F880] =	vst v0;
	v0 =	vsel vm0, v4, v8;
	v4 =	vld [tilespmem:$0x1F8B0];
	_ =	sdelay $0x4  }
0x75: {  	[tilespmem:$0x1F8A0] =	vst v0;
	v0 =	vsel vm0, v5, v4  }
0x76: {  	[tilespmem:$0x1F8C0] =	vst v0;
	v0 =	vlaneseq.u32  }
0x77: {  	v7 =	vor.u32 $0x20, v0  }
0x78: {  	v4 =	vor.u32 $0x40, v0;
	[tilespmem:$0x1F8E0] =	vst v7  }
0x79: {  	v6 =	vmul.u32 $0x80, v0;
	v5 =	vor.u32 $0x60, v0;
	[tilespmem:$0x1F8F0] =	vst v4  }
0x7a: {  	[tilespmem:$0x1F900] =	vst v5  }
0x7b: {  	v7 =	vadd.s32 $0x21, v0;
	[tilespmem:$0x1F8D0] =	vst v6  }
0x7c: {  	v4 =	vadd.s32 $0x41, v0;
	[tilespmem:$0x1F920] =	vst v7  }
0x7d: {  	v5 =	vadd.s32 $0x61, v0;
	[tilespmem:$0x1F930] =	vst v4  }
0x7e: {  	v6 =	vadd.s32 $0x1, v0;
	[tilespmem:$0x1F940] =	vst v5  }
0x7f: {  	v7 =	vadd.s32 $0x22, v0;
	[tilespmem:$0x1F910] =	vst v6  }
0x80: {  	v4 =	vadd.s32 $0x42, v0;
	[tilespmem:$0x1F960] =	vst v7  }
0x81: {  	v5 =	vadd.s32 $0x62, v0;
	[tilespmem:$0x1F970] =	vst v4  }
0x82: {  	v6 =	vadd.s32 $0x2, v0;
	[tilespmem:$0x1F980] =	vst v5  }
0x83: {  	v7 =	vadd.s32 $0x23, v0;
	[tilespmem:$0x1F950] =	vst v6  }
0x84: {  	v4 =	vadd.s32 $0x43, v0;
	[tilespmem:$0x1F9A0] =	vst v7  }
0x85: {  	v5 =	vadd.s32 $0x63, v0;
	[tilespmem:$0x1F9B0] =	vst v4  }
0x86: {  	v6 =	vadd.s32 $0x3, v0;
	[tilespmem:$0x1F9C0] =	vst v5  }
0x87: {  	v7 =	vadd.s32 $0x24, v0;
	[tilespmem:$0x1F990] =	vst v6  }
0x88: {  	v4 =	vadd.s32 $0x44, v0;
	[tilespmem:$0x1F9E0] =	vst v7  }
0x89: {  	v5 =	vadd.s32 $0x64, v0;
	[tilespmem:$0x1F9F0] =	vst v4  }
0x8a: {  	v6 =	vadd.s32 $0x4, v0;
	[tilespmem:$0x1FA00] =	vst v5  }
0x8b: {  	v7 =	vadd.s32 $0x25, v0;
	[tilespmem:$0x1F9D0] =	vst v6  }
0x8c: {  	v4 =	vadd.s32 $0x45, v0;
	[tilespmem:$0x1FA20] =	vst v7  }
0x8d: {  	v5 =	vadd.s32 $0x65, v0;
	[tilespmem:$0x1FA30] =	vst v4  }
0x8e: {  	v6 =	vadd.s32 $0x5, v0;
	[tilespmem:$0x1FA40] =	vst v5  }
0x8f: {  	s0 =	rddreg [dreg:$0x0];
	v7 =	vadd.s32 $0x26, v0;
	[tilespmem:$0x1FA10] =	vst v6  }
0x90: {  	s1 =	rddreg [dreg:$0x1];
	v4 =	vadd.s32 $0x46, v0;
	[tilespmem:$0x1FA60] =	vst v7  }
0x91: {  	s6 =	rddreg [dreg:$0x4];
	s7 =	simm.s32 $0x0;
	v6 =	vadd.s32 $0x6, v0;
	[tilespmem:$0x1FA70] =	vst v4  }
0x92: {  	[smem:$0x7FF] =	sst s7;
	v5 =	vadd.s32 $0x66, v0;
	[tilespmem:$0x1FA50] =	vst v6  }
0x93: {  	s2 =	rddreg [dreg:$0x5];
	v6 =	vadd.s32 $0x7, v0;
	_ =	strace $0x80000047;
	[tilespmem:$0x1FA80] =	vst v5  }
0x94: {  	v7 =	vadd.s32 $0x27, v0;
	[tilespmem:$0x1FA90] =	vst v6  }
0x95: {  	v4 =	vadd.s32 $0x47, v0;
	[tilespmem:$0x1FAA0] =	vst v7  }
0x96: {  	[tilespmem:$0x1FAB0] =	vst v4  }
0x97: {  	[tilespmem:$0x1FC80] =	vst v14  }
0x98: {  	[tilespmem:$0x1FC90] =	vst v9  }
0x99: {  	[tilespmem:$0x1FCA0] =	vst v10  }
0x9a: {  	[tilespmem:$0x1FCB0] =	vst v11  }
0x9b: {  	[tilespmem:$0x1FCC0] =	vst v12  }
0x9c: {  	[tilespmem:$0x1FCD0] =	vst v13  }
0x9d: {  	[tilespmem:$0x1FCE0] =	vst v15  }
0x9e: {  	[tilespmem:$0x1FCF0] =	vst v16  }
0x9f: {  	[tilespmem:$0x1FD00] =	vst v17  }
0xa0: {  	[tilespmem:$0x1FD10] =	vst v18  }
0xa1: {  	[tilespmem:$0x1FD20] =	vst v19  }
0xa2: {  	[tilespmem:$0x1FD30] =	vst v20  }
0xa3: {  	[tilespmem:$0x1FD40] =	vst v21  }
0xa4: {  	[tilespmem:$0x1FD50] =	vst v22  }
0xa5: {  	[tilespmem:$0x1FD60] =	vst v23  }
0xa6: {  	[tilespmem:$0x1FD70] =	vst v24  }
0xa7: {  	[tilespmem:$0x1FD80] =	vst v25  }
0xa8: {  	[tilespmem:$0x1FD90] =	vst v26  }
0xa9: {  	[tilespmem:$0x1FDA0] =	vst v27  }
0xaa: {  	[tilespmem:$0x1FDB0] =	vst v28  }
0xab: {  	[tilespmem:$0x1FDC0] =	vst v29  }
0xac: {  	[tilespmem:$0x1FDD0] =	vst v30  }
0xad: {  	[tilespmem:$0x1FDE0] =	vst v31  }
0xae: {  	[tilespmem:$0x1FDF0] =	vst v32  }
0xaf: {  	[tilespmem:$0x1FE00] =	vst v33  }
0xb0: {  	[tilespmem:$0x1FE10] =	vst v34  }
0xb1: {  	[tilespmem:$0x1FE20] =	vst v35  }
0xb2: {  	[tilespmem:$0x1FE30] =	vst v36  }
0xb3: {  	[tilespmem:$0x1FE40] =	vst v37  }
0xb4: {  	[tilespmem:$0x1FE50] =	vst v38  }
0xb5: {  	[tilespmem:$0x1FE60] =	vst v39  }
0xb6: {  	[tilespmem:$0x1FE70] =	vst v40  }
0xb7: {  	[tilespmem:$0x1FE80] =	vst v41  }
0xb8: {  	[tilespmem:$0x1FE90] =	vst v42  }
0xb9: {  	[tilespmem:$0x1FEA0] =	vst v43  }
0xba: {  	[tilespmem:$0x1FEB0] =	vst v44  }
0xbb: {  	[tilespmem:$0x1FEC0] =	vst v45  }
0xbc: {  	[tilespmem:$0x1FED0] =	vst v46  }
0xbd: {  	[tilespmem:$0x1FEE0] =	vst v47  }
0xbe: {  	[tilespmem:$0x1FEF0] =	vst v48  }
0xbf: {  	[tilespmem:$0x1FF00] =	vst v49  }
0xc0: {  	[tilespmem:$0x1FF10] =	vst v50  }
0xc1: {  	[tilespmem:$0x1FF20] =	vst v51  }
0xc2: {  	[tilespmem:$0x1FF30] =	vst v52  }
0xc3: {  	[tilespmem:$0x1FF40] =	vst v53  }
0xc4: {  	[tilespmem:$0x1FF50] =	vst v54  }
0xc5: {  	[tilespmem:$0x1FF60] =	vst v55  }
0xc6: {  	[tilespmem:$0x1FF70] =	vst v56  }
0xc7: {  	[tilespmem:$0x1FF80] =	vst v57  }
0xc8: {  	[tilespmem:$0x1FF90] =	vst v58  }
0xc9: {  	[tilespmem:$0x1FFA0] =	vst v59  }
0xca: {  	[tilespmem:$0x1FFB0] =	vst v60  }
0xcb: {  	v8 =	vmul.u32 $0x2, v0;
	[tilespmem:$0x1FFC0] =	vst v62  }
0xcc: {  	[tilespmem:$0x1FFD0] =	vst v63  }
0xcd: {  	[tilespmem:$0x1FFE0] =	vst v8  }
0xce: {  	v5 =	vadd.s32 $0x67, v0;
	[tilespmem:$0x1FFF0] =	vst v61  }
0xcf: {  	v6 =	vadd.s32 $0x8, v0;
	[tilespmem:$0x1FAC0] =	vst v5  }
0xd0: {  	v7 =	vadd.s32 $0x28, v0;
	[tilespmem:$0x1FAD0] =	vst v6  }
0xd1: {  	v4 =	vadd.s32 $0x48, v0;
	[tilespmem:$0x1FAE0] =	vst v7  }
0xd2: {  	[tilespmem:$0x1FAF0] =	vst v4;
	v5 =	vadd.s32 $0x68, v0  }
0xd3: {  	v6 =	vadd.s32 $0x9, v0;
	[tilespmem:$0x1FB00] =	vst v5  }
0xd4: {  	v7 =	vadd.s32 $0x29, v0;
	[tilespmem:$0x1FB10] =	vst v6  }
0xd5: {  	v4 =	vadd.s32 $0x49, v0;
	[tilespmem:$0x1FB20] =	vst v7  }
0xd6: {  	[tilespmem:$0x1FB30] =	vst v4;
	v5 =	vadd.s32 $0x69, v0  }
0xd7: {  	v6 =	vadd.s32 $0xA, v0;
	[tilespmem:$0x1FB40] =	vst v5  }
0xd8: {  	v7 =	vadd.s32 $0x2A, v0;
	[tilespmem:$0x1FB50] =	vst v6  }
0xd9: {  	v4 =	vadd.s32 $0x4A, v0;
	[tilespmem:$0x1FB60] =	vst v7  }
0xda: {  	[tilespmem:$0x1FB70] =	vst v4;
	v5 =	vadd.s32 $0x6A, v0  }
0xdb: {  	v6 =	vadd.s32 $0xB, v0;
	[tilespmem:$0x1FB80] =	vst v5  }
0xdc: {  	v7 =	vadd.s32 $0x2B, v0;
	[tilespmem:$0x1FB90] =	vst v6  }
0xdd: {  	v4 =	vadd.s32 $0x4B, v0;
	[tilespmem:$0x1FBA0] =	vst v7  }
0xde: {  	[tilespmem:$0x1FBB0] =	vst v4;
	v5 =	vadd.s32 $0x6B, v0  }
0xdf: {  	v6 =	vadd.s32 $0xC, v0;
	[tilespmem:$0x1FBC0] =	vst v5  }
0xe0: {  	v7 =	vadd.s32 $0x2C, v0;
	[tilespmem:$0x1FBD0] =	vst v6  }
0xe1: {  	v4 =	vadd.s32 $0x4C, v0;
	[tilespmem:$0x1FBE0] =	vst v7  }
0xe2: {  	s3 =	srdreg.scid;
	s5 =	stileid.u32;
	[tilespmem:$0x1FBF0] =	vst v4;
	v5 =	vadd.s32 $0x6C, v0  }
0xe3: {  	s19 =	simm.s32 $0x2C00;
	s4 =	sadd.s32 $0x6400, s6;
	s3 =	sand.u32 $0x1, s3;
	v6 =	vadd.s32 $0xD, v0;
	[tilespmem:$0x1FC00] =	vst v5  }
0xe4: {  	s5 =	sshll.u32 s5, $0x7;
	s26 =	ssub.s32 $0x2, s3;
	s3 =	sshll.u32 s3, $0x6;
	v7 =	vadd.s32 $0x2D, v0;
	[tilespmem:$0x1FC10] =	vst v6  }
0xe5: {  	vm3 =	vcmask $0x1B18;
	vm5 =	vcmask $0x300;
	s6 =	sadd.s32 $0x3200, s6;
	s3 =	sor.u32 s3, s5;
	[dreg:$0x7] =	wrdreg s4;
	v4 =	vadd.s32 $0x4D, v0;
	[tilespmem:$0x1FC20] =	vst v7  }
.Ltmp0:
0xe6: {  	vm6 =	vcmask $0x2B28;
	vm7 =	vcmask $0x3330;
	s0 =	sadd.s32 s0, s3;
	[dreg:$0x8] =	wrdreg s6;
	[tilespmem:$0x1FC30] =	vst v4;
	v5 =	vadd.s32 $0x6D, v0;
	(pc) =	sbr.rel .LBB2_1-.Ltmp0, $4  }
0xe7: {  	vm8 =	vcmask $0x3B38;
	vm9 =	vmmov $0xff;
	s28 =	sshrl.u32 s26, $0x1;
	s29 =	sadd.s32 s1, s3;
	[dreg:$0x9] =	wrdreg s0;
	v6 =	vadd.s32 $0xE, v0;
	[tilespmem:$0x1FC40] =	vst v5  }
0xe8: {  	vm12 =	vcmask $0x704;
	vm11 =	vcmask $0x1714;
	s30 =	sadd.s32 s2, s3;
	s4 =	ssub.s32 s26, s28;
	[dreg:$0xa] =	wrdreg s29;
	v7 =	vadd.s32 $0x2E, v0;
	[tilespmem:$0x1FC50] =	vst v6  }
0xe9: {  	vm13 =	vcmask $0x1F1C;
	vm14 =	vcmask $0x2724;
	s20 =	simm.s32 $0x6C00;
	[dreg:$0xb] =	wrdreg s30;
	s31 =	smax.u32 s4, $0x1;
	v0 =	vadd.s32 $0x4E, v0;
	[tilespmem:$0x1FC60] =	vst v7  }
0xea: {  	vm4 =	vcmask $0x2F2C;
	s1 =	simm.s32 $0x4;
	s2 =	simm.s32 $0x0;
	vm1 =	vcmask $0xB08;
	vm2 =	vcmask $0x1310;
	[dreg:$0xc] =	wrdreg s31;
	[tilespmem:$0x1FC70] =	vst v0  }
.LBB2_10:
0xeb: {  	s7 =	simm.s32 $0x0;
	s0 =	rddreg [dreg:$0xb];
	s1 =	simm.s32 $0xA00  }
0xec: {  	[hbm4b:s0+s7] =	stream.linear.scatter [tilespmem:s1], [sflag:$0x4], $0x200, $0x38;
	[tilespmem:$0xCC00] =	vst v63  }
0xed: {  	s1 =	simm.s32 $0x4  }
0xee: {  	_ =	swait.ge [sflag:s1], $0x200  }
0xef: {  	s2 =	rddreg [dreg:$0xd]  }
0xf0: {  	s31 =	rddreg [dreg:$0xc];
	s2 =	sadd.s32 $0x1, s2  }
0xf1: {  	p0 =	sne.s32 s2, s31  }
.Ltmp1:
0xf2: {  	_ = 	snop;
	(pc) =	sbr.rel @!p0 .LBB2_11-.Ltmp1, $3  }
0xf3: {  	_ =	sdelay $0x1  }
0xf4: {  	vm13 =	vcmask $0x1F1C;
	[sflag:s1] =	ssyncset.done $0x0  }
0xf5: {  	vm14 =	vcmask $0x2724;
	vm4 =	vcmask $0x2F2C;
	vm5 =	vcmask $0x300;
	[sflag:s1] =	ssyncadd.s32 $0xFFFFFE00  }
.LBB2_1:
0xf6: {  	[dreg:$0xd] =	wrdreg s2  }
0xf7: {  	s0 =	rddreg [dreg:$0x9]  }
0xf8: {  	[tilespmem:s7], [sflag:$0x4] =	stream.linear.gather [hbm4b:s0+s7], $0x200, $0x38;
	[tilespmem:$0xCC00] =	vst v63  }
0xf9: {  	_ =	swait.ge [sflag:s1], $0x200  }
0xfa: {  	[sflag:s1] =	ssyncset.done $0x0  }
0xfb: {  	s23 =	simm.s32 $0x200;
	s22 =	rddreg [dreg:$0xa];
	[sflag:s1] =	ssyncadd.s32 $0xFFFFFE00  }
0xfc: {  	[tilespmem:s23], [sflag:$0x4] =	stream.linear.gather [hbm4b:s22+s7], $0x200, $0x38;
	[tilespmem:$0xCC00] =	vst v63  }
0xfd: {  	_ =	swait.ge [sflag:s1], $0x200  }
0xfe: {  	[sflag:s1] =	ssyncset.done $0x0  }
0xff: {  	s24 =	simm.s32 $0x0;
	[sflag:s1] =	ssyncadd.s32 $0xFFFFFE00  }
0x100: {  	v0 =	vld [tilespmem:s24+$0x200];
	_ =	sdelay $0x4  }
0x101: {  	(v2sf) =	vpush v0, $0x7  }
0x102: {  	(v2sf) =	vpush v0, $0x0  }
0x103: {  	(v2sf) =	vpush v0, $0x1  }
0x104: {  	(v2sf) =	vpush v0, $0x2  }
0x105: {  	(v2sf) =	vpush v0, $0x3  }
0x106: {  	(v2sf) =	vpush v0, $0x4;
	_ =	sdelay $0x5  }
0x107: {  	(v2sf) =	vpush v0, $0xC  }
0x108: {  	(v2sf) =	vpush v0, $0x8;
	_ =	sdelay $0x1  }
0x109: {  	(v2sf) =	vpush v0, $0xD  }
0x10a: {  	(v2sf) =	vpush v0, $0x9;
	s25 =	spop (v2sf)  }
0x10b: {  	(v2sf) =	vpush v0, $0xA;
	s3 =	spop (v2sf)  }
0x10c: {  	s4 =	spop (v2sf)  }
0x10d: {  	s26 =	smulhi.u32 $0x5397829D, s25;
	s0 =	sshra.s32 s25, $0x1F;
	s5 =	spop (v2sf)  }
0x10e: {  	s0 =	smul.u32 $0x5397829D, s0;
	(v2sf) =	vpush v0, $0xE;
	s14 =	spop (v2sf)  }
0x10f: {  	s21 =	smulhi.u32 $0x5397829D, s3;
	s12 =	spop (v2sf);
	(v2sf) =	vpush v0, $0x5  }
0x110: {  	s11 =	sshra.s32 s3, $0x1F;
	s6 =	smulhi.u32 $0x5397829D, s4  }
0x111: {  	s11 =	smul.u32 $0x5397829D, s11  }
0x112: {  	s16 =	simm.s32 $0x0;
	s4 =	sshra.s32 s4, $0x1F;
	s28 =	smulhi.u32 $0x5397829D, s5  }
0x113: {  	s8 =	sshra.s32 s5, $0x1F;
	s5 =	sadd.s32 s0, s26;
	s10 =	smul.u32 $0x5397829D, s4  }
0x114: {  	s22 =	sshra.s32 s5, $0x1F;
	s8 =	smul.u32 $0x5397829D, s8;
	s9 =	sshra.s32 s12, $0x1F  }
0x115: {  	s0 =	sadd.s32 s10, s6;
	s25 =	spop (v2sf);
	s12 =	smulhi.u32 $0x5397829D, s12  }
0x116: {  	s17 =	smul.u32 $0x5397829D, s9;
	s18 =	sshra.s32 s0, $0xD;
	s26 =	spop (v2sf)  }
0x117: {  	s10 =	sshra.s32 s25, $0x1F;
	s7 =	sadd.s32 s8, s28;
	s28 =	smulhi.u32 $0x5397829D, s25  }
0x118: {  	s23 =	smulhi.u32 $0x5397829D, s26;
	s3 =	sshra.s32 s26, $0x1F;
	s26 =	spop (v2sf)  }
0x119: {  	s2 =	sshra.s32 s0, $0x1F;
	s24 =	smul.u32 $0x5397829D, s10;
	s29 =	spop (v2sf)  }
0x11a: {  	s10 =	sshrl.u32 s0, $0x1F;
	s6 =	smulhi.u32 $0x5397829D, s26;
	s31 =	spop (v2sf)  }
0x11b: {  	s0 =	sadd.s32 s24, s28;
	s24 =	smulhi.u32 $0x5397829D, s31;
	s31 =	sshra.s32 s31, $0x1F  }
0x11c: {  	(v2sf) =	vpush v0, $0x6;
	[smem:$0x7FD] =	sst s6;
	s6 =	sadd.s32 s17, s12;
	s12 =	smul.u32 $0x5397829D, s31  }
0x11d: {  	s13 =	sshra.s32 s14, $0x1F;
	s15 =	smulhi.u32 $0x5397829D, s14;
	s25 =	spop (v2sf)  }
0x11e: {  	s13 =	smul.u32 $0x5397829D, s13;
	s17 =	sadd.s32 s12, s24;
	s24 =	spop (v2sf);
	(v2sf) =	vpush v0, $0xB  }
0x11f: {  	s8 =	sshra.s32 s7, $0xD;
	s9 =	sshrl.u32 s7, $0x1F;
	s7 =	sshra.s32 s7, $0x1F  }
0x120: {  	s4 =	sadd.s32 s13, s15;
	s13 =	simm.s32 $0x10;
	s15 =	simm.s32 $0x10  }
0x121: {  	s3 =	smul.u32 $0x5397829D, s3;
	s26 =	sshra.s32 s26, $0x1F;
	v1 =	vld [tilespmem:s13+$0x200];
	s13 =	sshra.s32 s4, $0xD;
	(v2sf) =	vpush v0, $0xF  }
0x122: {  	s30 =	sshra.s32 s29, $0x1F;
	s29 =	smulhi.u32 $0x5397829D, s29;
	s14 =	sshrl.u32 s0, $0x1F  }
0x123: {  	s23 =	sadd.s32 s3, s23;
	s28 =	sshra.s32 s0, $0xD;
	s0 =	sadd.s32 s11, s21  }
0x124: {  	s21 =	sshrl.u32 s4, $0x1F;
	s11 =	sshra.s32 s4, $0x1F;
	s4 =	smul.u32 $0x5397829D, s26  }
0x125: {  	vm15 =	vmmov vm9;
	s26 =	simm.s32 $0x80;
	s30 =	smul.u32 $0x5397829D, s30;
	s1 =	sshra.s32 s23, $0xD  }
0x126: {  	vm9 =	vcmask $0xF0C;
	vm10 =	vmmov vm8;
	v4 =	vmov s22;
	s23 =	sshrl.u32 s23, $0x1F;
	s3 =	smulhi.u32 $0x5397829D, s25;
	s22 =	sshra.s32 s24, $0x1F  }
0x127: {  	vm8 =	vmmov vm7;
	v3 =	vmov s1;
	v2 =	vmov s23;
	s23 =	sshra.s32 s0, $0xD;
	s1 =	smul.u32 $0x5397829D, s22;
	s22 =	sld [smem:$0x7FD]  }
0x128: {  	vm7 =	vmmov vm6;
	v4 =	vsel vm5, s23, v4;
	s25 =	sshra.s32 s25, $0x1F;
	s12 =	sshrl.u32 s0, $0x1F;
	s0 =	sshra.s32 s0, $0x1F;
	(v2sf) =	vpush v1, $0x7  }
0x129: {  	vm6 =	vmmov vm4;
	s31 =	sshrl.u32 s6, $0x1F;
	s25 =	smul.u32 $0x5397829D, s25;
	v4 =	vsel vm12, s0, v4;
	s0 =	sadd.s32 s30, s29;
	(v2sf) =	vpush v1, $0x0  }
0x12a: {  	v6 =	vmov s14;
	v5 =	vmov s28;
	s30 =	sshra.s32 s6, $0xD;
	s29 =	sshra.s32 s6, $0x1F;
	(v2sf) =	vpush v1, $0x1;
	s14 =	sadd.s32 s4, s22  }
0x12b: {  	v7 =	vmov s12;
	s23 =	sshrl.u32 s17, $0x1F;
	v8 =	vsel vm1, s18, v4;
	s4 =	spop (v2sf);
	(v2sf) =	vpush v1, $0x2;
	s28 =	sshrl.u32 s14, $0x1F  }
0x12c: {  	s24 =	smulhi.u32 $0x5397829D, s24;
	s12 =	sadd.s32 s25, s3;
	s14 =	sshra.s32 s14, $0xD;
	v4 =	vsel vm1, s28, v6;
	v6 =	vnsel vm5, $0x0, v7;
	v7 =	vsel vm9, s2, v8;
	v8 =	vld [tilespmem:$0x1FFE0]  }
.LBB2_2:
0x12d: {  	v6 =	vsel vm1, s10, v6;
	s6 =	smulhi.u32 $0x5397829D, s4;
	s10 =	sshra.s32 s4, $0x1F;
	s25 =	spop (v2sf)  }
0x12e: {  	(v2sf) =	vpush v1, $0x3;
	s4 =	smov.u32 s26;
	s28 =	smov.u32 s16;
	s16 =	smov.u32 s15;
	v5 =	vsel vm1, s14, v5  }
0x12f: {  	s1 =	sadd.s32 s1, s24;
	v7 =	vsel vm2, s8, v7;
	(v2sf) =	vpush v1, $0x4;
	v6 =	vsel vm2, s9, v6;
	s3 =	smul.u32 $0x5397829D, s10;
	s9 =	sshra.s32 s0, $0xD  }
0x130: {  	vm4 =	vcmask $0x2320;
	s10 =	smulhi.u32 $0x5397829D, s25;
	s14 =	sshra.s32 s25, $0x1F;
	v6 =	vsel vm3, s21, v6;
	v3 =	vsel vm1, s9, v3;
	s8 =	spop (v2sf)  }
0x131: {  	s0 =	sshrl.u32 s0, $0x1F;
	v7 =	vsel vm11, s7, v7;
	(v2sf) =	vpush v1, $0xC;
	s9 =	smulhi.u32 $0x5397829D, s8;
	v6 =	vsel vm4, s31, v6;
	s3 =	sadd.s32 s3, s6  }
0x132: {  	s7 =	sshrl.u32 s1, $0x1F;
	v2 =	vsel vm1, s0, v2;
	s0 =	smul.u32 $0x5397829D, s14;
	v7 =	vsel vm3, s13, v7;
	s6 =	sshra.s32 s8, $0x1F;
	(v2sf) =	vpush v1, $0x8  }
0x133: {  	s8 =	sshrl.u32 s12, $0x1F;
	v2 =	vsel vm2, s23, v2;
	v7 =	vsel vm13, s11, v7;
	s6 =	smul.u32 $0x5397829D, s6;
	v6 =	vsel vm7, s7, v6;
	s7 =	sshra.s32 s5, $0xD  }
0x134: {  	v4 =	vsel vm2, s8, v4;
	s0 =	sadd.s32 s0, s10;
	s8 =	sshrl.u32 s3, $0x1F;
	s5 =	sshrl.u32 s5, $0x1F;
	v7 =	vsel vm4, s30, v7;
	(v2sf) =	vpush v1, $0xD  }
0x135: {  	s11 =	sshra.s32 s1, $0xD;
	s10 =	sshrl.u32 s0, $0x1F;
	v6 =	vsel vm8, s8, v6;
	s8 =	sshra.s32 s12, $0xD;
	v7 =	vsel vm14, s29, v7  }
0x136: {  	s1 =	sshra.s32 s1, $0x1F;
	s6 =	sadd.s32 s6, s9;
	v6 =	vsel vm10, s5, v6;
	v5 =	vsel vm2, s8, v5;
	s5 =	sshra.s32 s17, $0xD;
	v7 =	vsel vm7, s11, v7  }
0x137: {  	v2 =	vsel vm3, s10, v2;
	s9 =	sshra.s32 s0, $0xD;
	s0 =	sshra.s32 s3, $0xD;
	s8 =	sshra.s32 s6, $0xD;
	v7 =	vsel vm6, s1, v7;
	(v2sf) =	vpush v1, $0x9  }
0x138: {  	vm4 =	vcmask $0x3734;
	s6 =	sshrl.u32 s6, $0x1F;
	s1 =	spop (v2sf)  }
0x139: {  	v3 =	vsel vm2, s5, v3;
	v5 =	vsel vm3, s8, v5;
	v7 =	vsel vm8, s0, v7;
	s0 =	sshra.s32 s3, $0x1F;
	s3 =	smulhi.u32 $0x5397829D, s1;
	s1 =	sshra.s32 s1, $0x1F  }
0x13a: {  	v4 =	vsel vm3, s6, v4;
	v7 =	vsel vm4, s0, v7;
	(v2sf) =	vpush v1, $0xA;
	s8 =	spop (v2sf);
	s1 =	smul.u32 $0x5397829D, s1  }
0x13b: {  	v3 =	vsel vm3, s9, v3;
	v2 =	vcombine.low v2, v4;
	v4 =	vsel vm10, s7, v7;
	s0 =	sshra.s32 s8, $0x1F;
	s5 =	spop (v2sf);
	s13 =	smulhi.u32 $0x5397829D, s8  }
0x13c: {  	v3 =	vcombine.low v3, v5;
	v4 =	vperm.xlane v4, v8;
	s6 =	smulhi.u32 $0x5397829D, s5;
	s7 =	sshra.s32 s5, $0x1F;
	(v2sf) =	vpush v1, $0xE;
	s5 =	spop (v2sf)  }
0x13d: {  	v5 =	vperm.xlane v6, v8;
	v2 =	vperm.xlane v2, v14;
	s9 =	smulhi.u32 $0x5397829D, s5;
	s10 =	sshra.s32 s5, $0x1F;
	s5 =	sadd.s32 s1, s3  }
0x13e: {  	v3 =	vperm.xlane v3, v14;
	s1 =	smul.u32 $0x5397829D, s7;
	s3 =	sshra.s32 s5, $0x1F;
	s7 =	spop (v2sf)  }
0x13f: {  	v2 =	vsel vm15, v5, v2;
	s10 =	smul.u32 $0x5397829D, s10;
	s17 =	sshra.s32 s7, $0x1F;
	v7 =	vmov s3;
	s3 =	spop (v2sf)  }
0x140: {  	v3 =	vsel vm15, v4, v3;
	s14 =	sadd.s32 s1, s6;
	s1 =	smulhi.u32 $0x5397829D, s7;
	s6 =	sshra.s32 s3, $0x1F  }
0x141: {  	v2 =	vadd.s32 v2, v3;
	s12 =	sshra.s32 s14, $0xD;
	s11 =	smul.u32 $0x5397829D, s6;
	s7 =	spop (v2sf)  }
0x142: {  	s0 =	smul.u32 $0x5397829D, s0;
	v2 =	vmul.u32 $0x6200, v2;
	s6 =	sshra.s32 s14, $0x1F;
	s8 =	spop (v2sf);
	(v2sf) =	vpush v1, $0x5  }
0x143: {  	s24 =	sadd.s32 s10, s9;
	s21 =	sshra.s32 s7, $0x1F;
	s23 =	smulhi.u32 $0x5397829D, s8  }
0x144: {  	vm4 =	vmmov vm11;
	v2 =	vsub.s32 v0, v2;
	v0 =	vmov v1;
	s21 =	smul.u32 $0x5397829D, s21;
	s8 =	sshra.s32 s8, $0x1F;
	s25 =	spop (v2sf)  }
0x145: {  	s10 =	sshrl.u32 s14, $0x1F;
	vm11 =	vlt.s32 v2, $0x0;
	v1 =	vadd.s32 $0x6200, v2;
	s29 =	smul.u32 $0x5397829D, s8;
	s8 =	sshra.s32 s24, $0xD;
	(v2sf) =	vpush v0, $0x6  }
0x146: {  	s9 =	sshrl.u32 s24, $0x1F;
	s30 =	smulhi.u32 $0x5397829D, s7;
	s7 =	sshra.s32 s24, $0x1F;
	v1 =	vsel vm11, v1, v2;
	vm11 =	vmmov vm4  }
0x147: {  	s14 =	smulhi.u32 $0x5397829D, s25;
	s24 =	sshra.s32 s25, $0x1F;
	s25 =	spop (v2sf);
	[tilespmem:s28+$0x400] =	vst v1  }
0x148: {  	s17 =	smul.u32 $0x5397829D, s17;
	s28 =	sadd.s32 $0x40, s26;
	s31 =	sshra.s32 s25, $0x1F  }
0x149: {  	p0 =	sne.s32 s26, $0x7C0;
	s26 =	smulhi.u32 $0x5397829D, s3;
	s3 =	spop (v2sf);
	(v2sf) =	vpush v0, $0xB  }
0x14a: {  	s21 =	sadd.s32 s21, s30;
	s30 =	smulhi.u32 $0x5397829D, s3;
	s18 =	sshra.s32 s3, $0x1F  }
0x14b: {  	s1 =	sadd.s32 s17, s1;
	s3 =	sshrl.u32 s21, $0x1F;
	s22 =	spop (v2sf);
	(v2sf) =	vpush v0, $0xF  }
0x14c: {  	s23 =	sadd.s32 s29, s23;
	s29 =	sshra.s32 s21, $0xD;
	v4 =	vmov s3;
	s2 =	smulhi.u32 $0x5397829D, s22  }
0x14d: {  	s21 =	sshra.s32 s23, $0xD;
	s3 =	sshra.s32 s4, $0x2;
	s4 =	sshra.s32 s22, $0x1F  }
0x14e: {  	v3 =	vmov s21;
	s15 =	smov.u32 s3;
	s22 =	smulhi.u32 $0x5397829D, s25;
	s25 =	sadd.s32 s11, s26;
	v1 =	vld [tilespmem:s3+$0x200]  }
0x14f: {  	s0 =	sadd.s32 s0, s13;
	s13 =	sshra.s32 s1, $0xD;
	s11 =	sshrl.u32 s23, $0x1F  }
0x150: {  	s17 =	smul.u32 $0x5397829D, s18;
	s21 =	sshrl.u32 s1, $0x1F;
	v2 =	vmov s11;
	s11 =	sshra.s32 s1, $0x1F  }
0x151: {  	s24 =	smul.u32 $0x5397829D, s24;
	s1 =	sshrl.u32 s0, $0x1F;
	s23 =	spop (v2sf)  }
0x152: {  	v5 =	vmov s29;
	s18 =	smul.u32 $0x5397829D, s31;
	v6 =	vmov s1;
	s1 =	sshra.s32 s23, $0x1F  }
0x153: {  	s14 =	sadd.s32 s24, s14;
	s17 =	sadd.s32 s17, s30;
	s1 =	smul.u32 $0x5397829D, s1  }
.Ltmp2:
0x154: {  	s26 =	sshra.s32 s0, $0xD;
	s31 =	sshrl.u32 s25, $0x1F;
	v6 =	vnsel vm5, $0x0, v6;
	(v2sf) =	vpush v1, $0x7;
	(pc) =	sbr.rel @p0 .LBB2_2-.Ltmp2, $4  }
0x155: {  	v7 =	vsel vm5, s26, v7;
	s0 =	sshra.s32 s0, $0x1F;
	s3 =	smul.u32 $0x5397829D, s4;
	(v2sf) =	vpush v1, $0x0;
	s4 =	spop (v2sf)  }
0x156: {  	s30 =	sshra.s32 s25, $0xD;
	s29 =	sshra.s32 s25, $0x1F;
	v7 =	vsel vm12, s0, v7;
	s24 =	smulhi.u32 $0x5397829D, s23;
	(v2sf) =	vpush v1, $0x1  }
0x157: {  	vm9 =	vcmask $0xF0C;
	s26 =	smov.u32 s28;
	s0 =	sadd.s32 s18, s22;
	v7 =	vsel vm1, s12, v7;
	s23 =	sshrl.u32 s14, $0x1F;
	(v2sf) =	vpush v1, $0x2  }
0x158: {  	s12 =	sadd.s32 s3, s2;
	v7 =	vsel vm9, s6, v7;
	s14 =	sshra.s32 s14, $0xD;
	v4 =	vsel vm1, s23, v4;
	s23 =	sshrl.u32 s17, $0x1F  }
0x159: {  	_ = 	snop  }
0x15a: {  	(v2sf) =	vpush v1, $0x3  }
0x15b: {  	(v2sf) =	vpush v1, $0x4  }
0x15c: {  	(v2sf) =	vpush v1, $0xC  }
0x15d: {  	s2 =	smulhi.u32 $0x5397829D, s4;
	s3 =	sshra.s32 s4, $0x1F  }
0x15e: {  	s22 =	spop (v2sf);
	s25 =	smul.u32 $0x5397829D, s3  }
0x15f: {  	s26 =	smulhi.u32 $0x5397829D, s22;
	s18 =	spop (v2sf);
	(v2sf) =	vpush v1, $0x8  }
0x160: {  	s4 =	sshra.s32 s22, $0x1F;
	s22 =	smulhi.u32 $0x5397829D, s18  }
0x161: {  	s18 =	sshra.s32 s18, $0x1F;
	s28 =	smul.u32 $0x5397829D, s4;
	[smem:$0x7DE] =	sst s25  }
0x162: {  	[smem:$0x7DF] =	sst s26;
	s3 =	smul.u32 $0x5397829D, s18  }
0x163: {  	[smem:$0x7E0] =	sst s28;
	s25 =	spop (v2sf)  }
0x164: {  	[smem:$0x7E1] =	sst s3;
	s28 =	spop (v2sf)  }
0x165: {  	s4 =	smulhi.u32 $0x5397829D, s25;
	s6 =	spop (v2sf)  }
0x166: {  	(v2sf) =	vpush v1, $0xD;
	s18 =	smulhi.u32 $0x5397829D, s6;
	s26 =	spop (v2sf)  }
0x167: {  	(v2sf) =	vpush v1, $0x9;
	[smem:$0x7E2] =	sst s4;
	s6 =	sshra.s32 s6, $0x1F;
	s4 =	smulhi.u32 $0x5397829D, s26  }
0x168: {  	s6 =	smul.u32 $0x5397829D, s6;
	[smem:$0x7E3] =	sst s18  }
0x169: {  	(v2sf) =	vpush v1, $0xA;
	[smem:$0x7E5] =	sst s4;
	s4 =	spop (v2sf)  }
0x16a: {  	s3 =	sshra.s32 s26, $0x1F;
	[smem:$0x7E4] =	sst s6;
	s6 =	spop (v2sf)  }
0x16b: {  	s18 =	smul.u32 $0x5397829D, s3;
	s26 =	sshra.s32 s6, $0x1F;
	s3 =	spop (v2sf)  }
0x16c: {  	[smem:$0x7DD] =	sst s2;
	s2 =	smul.u32 $0x5397829D, s26;
	s26 =	sshra.s32 s3, $0x1F  }
0x16d: {  	[smem:$0x7E6] =	sst s18;
	s18 =	smul.u32 $0x5397829D, s26  }
0x16e: {  	[smem:$0x7EC] =	sst s2;
	s2 =	spop (v2sf)  }
0x16f: {  	[smem:$0x7E7] =	sst s18;
	s26 =	smulhi.u32 $0x5397829D, s2  }
0x170: {  	s18 =	smulhi.u32 $0x5397829D, s6;
	s6 =	sld [smem:$0x7DD]  }
0x171: {  	s2 =	sshra.s32 s2, $0x1F;
	[smem:$0x7E8] =	sst s26  }
0x172: {  	s2 =	smul.u32 $0x5397829D, s2;
	[smem:$0x7ED] =	sst s18  }
0x173: {  	s26 =	smulhi.u32 $0x5397829D, s4;
	s4 =	sshra.s32 s4, $0x1F;
	s18 =	sld [smem:$0x7DE]  }
0x174: {  	[smem:$0x7E9] =	sst s2;
	s4 =	smul.u32 $0x5397829D, s4  }
0x175: {  	s2 =	spop (v2sf);
	[smem:$0x7EA] =	sst s26  }
0x176: {  	s26 =	smulhi.u32 $0x5397829D, s3;
	s3 =	spop (v2sf)  }
0x177: {  	[smem:$0x7EB] =	sst s4;
	s4 =	smulhi.u32 $0x5397829D, s28  }
0x178: {  	s24 =	sadd.s32 s1, s24;
	s1 =	spop (v2sf)  }
0x179: {  	s18 =	sadd.s32 s18, s6;
	s6 =	smulhi.u32 $0x5397829D, s1;
	[smem:$0x7EE] =	sst s4  }
0x17a: {  	s4 =	sld [smem:$0x7DF]  }
0x17b: {  	s28 =	sshra.s32 s28, $0x1F;
	[smem:$0x7F0] =	sst s6  }
0x17c: {  	s28 =	smul.u32 $0x5397829D, s28;
	s6 =	sld [smem:$0x7E0]  }
0x17d: {  	_ = 	snop  }
0x17e: {  	[smem:$0x7EF] =	sst s28  }
0x17f: {  	s4 =	sadd.s32 s6, s4;
	s6 =	sld [smem:$0x7E1]  }
0x180: {  	s25 =	sshra.s32 s25, $0x1F;
	s28 =	sld [smem:$0x7E2]  }
0x181: {  	s25 =	smul.u32 $0x5397829D, s25;
	[smem:$0x7F1] =	sst s4  }
0x182: {  	s4 =	sadd.s32 s6, s22;
	s6 =	sld [smem:$0x7E4]  }
0x183: {  	[smem:$0x7F2] =	sst s4;
	s4 =	sadd.s32 s25, s28  }
0x184: {  	[smem:$0x7F5] =	sst s4  }
0x185: {  	s4 =	sld [smem:$0x7E3];
	_ =	sdelay $0x2  }
0x186: {  	s4 =	sadd.s32 s6, s4;
	s6 =	sld [smem:$0x7E7]  }
0x187: {  	s22 =	sld [smem:$0x7E5]  }
0x188: {  	s1 =	sshra.s32 s1, $0x1F;
	s25 =	sld [smem:$0x7E6]  }
0x189: {  	s28 =	smul.u32 $0x5397829D, s1;
	s1 =	sadd.s32 s6, s26;
	s26 =	sld [smem:$0x7E9]  }
0x18a: {  	(v2sf) =	vpush v1, $0xE;
	[smem:$0x7F3] =	sst s1  }
0x18b: {  	s1 =	sld [smem:$0x7E8];
	_ =	sdelay $0x1  }
0x18c: {  	s25 =	sadd.s32 s25, s22;
	s22 =	smulhi.u32 $0x5397829D, s2  }
0x18d: {  	s2 =	sshra.s32 s2, $0x1F;
	s1 =	sadd.s32 s26, s1;
	s26 =	sld [smem:$0x7EB]  }
0x18e: {  	s17 =	sshra.s32 s17, $0xD;
	(v2sf) =	vpush v1, $0x5;
	s2 =	smul.u32 $0x5397829D, s2;
	[smem:$0x7F4] =	sst s1  }
0x18f: {  	s6 =	smulhi.u32 $0x5397829D, s3;
	s1 =	sshra.s32 s3, $0x1F;
	s3 =	sld [smem:$0x7EA]  }
0x190: {  	[smem:$0x7F6] =	sst s17;
	s2 =	sadd.s32 s2, s22  }
0x191: {  	v7 =	vsel vm2, s8, v7;
	[smem:$0x7FA] =	sst s2  }
0x192: {  	v7 =	vsel vm11, s7, v7;
	s3 =	sadd.s32 s26, s3;
	s26 =	sld [smem:$0x7ED]  }
0x193: {  	v7 =	vsel vm3, s13, v7;
	[smem:$0x7F7] =	sst s3  }
0x194: {  	v6 =	vsel vm1, s10, v6;
	vm9 =	vcmask $0x2320;
	v7 =	vsel vm13, s11, v7;
	s2 =	sshra.s32 s5, $0xD;
	s3 =	sld [smem:$0x7EC]  }
0x195: {  	v6 =	vsel vm2, s9, v6;
	v7 =	vsel vm9, s30, v7;
	s9 =	sshrl.u32 s18, $0x1F;
	[smem:$0x7F8] =	sst s2  }
0x196: {  	v5 =	vsel vm1, s14, v5;
	v7 =	vsel vm14, s29, v7;
	s14 =	sshra.s32 s18, $0xD;
	s18 =	sshra.s32 s18, $0x1F;
	s29 =	sld [smem:$0x7F4]  }
0x197: {  	v6 =	vsel vm3, s21, v6;
	s1 =	smul.u32 $0x5397829D, s1;
	s3 =	sadd.s32 s3, s26;
	s26 =	sld [smem:$0x7EF]  }
0x198: {  	v6 =	vsel vm9, s31, v6;
	(v2sf) =	vpush v1, $0x6;
	s31 =	spop (v2sf);
	s7 =	sshrl.u32 s25, $0x1F;
	[smem:$0x7F9] =	sst s3  }
0x199: {  	s13 =	sshra.s32 s4, $0xD;
	s1 =	sadd.s32 s1, s6;
	s3 =	sld [smem:$0x7EE]  }
0x19a: {  	(v2sf) =	vpush v1, $0xB;
	s21 =	sshra.s32 s4, $0x1F;
	s22 =	sshra.s32 s12, $0xD;
	[smem:$0x7FC] =	sst s1  }
0x19b: {  	s6 =	sshrl.u32 s0, $0x1F;
	s1 =	sshra.s32 s0, $0xD;
	s0 =	sld [smem:$0x7F3]  }
0x19c: {  	s2 =	sshrl.u32 s12, $0x1F;
	v2 =	vsel vm1, s6, v2;
	s3 =	sadd.s32 s26, s3;
	s26 =	sld [smem:$0x7F0]  }
0x19d: {  	s12 =	sshra.s32 s24, $0xD;
	s6 =	sshra.s32 s29, $0xD;
	v2 =	vsel vm2, s23, v2;
	s23 =	spop (v2sf)  }
0x19e: {  	(v2sf) =	vpush v1, $0xF;
	v4 =	vsel vm2, s2, v4;
	v3 =	vsel vm1, s1, v3;
	s1 =	sshrl.u32 s4, $0x1F;
	s4 =	sshra.s32 s25, $0xD;
	s2 =	sshra.s32 s23, $0x1F  }
0x19f: {  	s11 =	sshrl.u32 s0, $0x1F;
	s28 =	sadd.s32 s28, s26;
	s26 =	sld [smem:$0x7F1]  }
0x1a0: {  	v5 =	vsel vm2, s22, v5;
	v7 =	vsel vm7, s12, v7;
	s12 =	sshrl.u32 s3, $0x1F;
	s22 =	sshra.s32 s3, $0xD;
	[smem:$0x7FB] =	sst s28  }
0x1a1: {  	s28 =	sshrl.u32 s5, $0x1F;
	s5 =	sshrl.u32 s24, $0x1F;
	s24 =	sshra.s32 s24, $0x1F  }
0x1a2: {  	v6 =	vsel vm7, s5, v6;
	s5 =	sshra.s32 s25, $0x1F;
	s25 =	smulhi.u32 $0x5397829D, s31;
	v7 =	vsel vm6, s24, v7;
	s24 =	sld [smem:$0x7F5]  }
0x1a3: {  	s17 =	sshrl.u32 s26, $0x1F;
	s10 =	sshra.s32 s26, $0xD;
	s26 =	sld [smem:$0x7F2];
	v6 =	vsel vm8, s9, v6  }
0x1a4: {  	s9 =	sshra.s32 s0, $0xD;
	s0 =	smul.u32 $0x5397829D, s2;
	v6 =	vsel vm10, s28, v6;
	s28 =	sshra.s32 s31, $0x1F  }
0x1a5: {  	s31 =	sld [smem:$0x7F6];
	s2 =	smul.u32 $0x5397829D, s28;
	s30 =	sshra.s32 s24, $0x1F  }
0x1a6: {  	vm9 =	vcmask $0x3734;
	v7 =	vsel vm8, s14, v7;
	s28 =	sld [smem:$0x7F8];
	s8 =	sshra.s32 s26, $0xD;
	s26 =	sshrl.u32 s26, $0x1F  }
0x1a7: {  	s3 =	sshra.s32 s3, $0x1F;
	v7 =	vsel vm9, s18, v7;
	s18 =	spop (v2sf);
	v8 =	vmov s30;
	v4 =	vsel vm3, s26, v4;
	s26 =	sld [smem:$0x7F7]  }
0x1a8: {  	v9 =	vmov s11;
	s11 =	smulhi.u32 $0x5397829D, s18;
	v5 =	vsel vm3, s8, v5;
	s8 =	sshrl.u32 s29, $0x1F;
	v8 =	vsel vm5, s22, v8;
	s29 =	sld [smem:$0x7FA]  }
0x1a9: {  	v3 =	vsel vm2, s31, v3;
	s31 =	spop (v2sf);
	v8 =	vsel vm12, s3, v8;
	s3 =	smulhi.u32 $0x5397829D, s23  }
0x1aa: {  	vm9 =	vcmask $0xF0C;
	s23 =	sld [smem:$0x7F9];
	v11 =	vmov s8;
	s8 =	smulhi.u32 $0x5397829D, s31;
	v8 =	vsel vm1, s13, v8;
	s13 =	sshra.s32 s31, $0x1F  }
0x1ab: {  	v8 =	vsel vm9, s21, v8;
	s31 =	smul.u32 $0x5397829D, s13;
	s13 =	sld [smem:$0x7FC]  }
0x1ac: {  	v12 =	vmov s12;
	s2 =	sadd.s32 s2, s25;
	s22 =	sshra.s32 s18, $0x1F;
	s21 =	sld [smem:$0x7FB];
	v8 =	vsel vm2, s4, v8  }
0x1ad: {  	v10 =	vmov s6;
	v12 =	vnsel vm5, $0x0, v12;
	s25 =	spop (v2sf);
	s14 =	sshra.s32 s26, $0xD;
	s30 =	sshrl.u32 s29, $0x1F;
	v8 =	vsel vm11, s5, v8  }
0x1ae: {  	v12 =	vsel vm1, s1, v12;
	s4 =	smulhi.u32 $0x5397829D, s25;
	v9 =	vsel vm1, s30, v9;
	s30 =	sshra.s32 s25, $0x1F;
	v8 =	vsel vm3, s14, v8;
	s14 =	sshra.s32 s13, $0xD  }
0x1af: {  	v12 =	vsel vm2, s7, v12;
	v2 =	vsel vm3, s17, v2;
	s5 =	smul.u32 $0x5397829D, s30;
	s25 =	sadd.s32 s31, s8;
	s30 =	sshra.s32 s21, $0xD;
	v10 =	vsel vm1, s14, v10  }
0x1b0: {  	v13 =	vmov s9;
	v7 =	vsel vm10, s28, v7;
	s28 =	sshrl.u32 s2, $0x1F;
	s0 =	sadd.s32 s0, s3;
	s3 =	sshra.s32 s25, $0xD;
	v10 =	vsel vm2, s30, v10  }
0x1b1: {  	vm5 =	vcmask $0x2320;
	v2 =	vcombine.low v2, v4;
	s17 =	sshra.s32 s26, $0x1F;
	s29 =	sshra.s32 s29, $0xD;
	s7 =	sshrl.u32 s13, $0x1F;
	v4 =	vsel vm3, s3, v10;
	v10 =	vld [tilespmem:$0x1FFE0]  }
0x1b2: {  	v3 =	vsel vm3, s10, v3;
	s10 =	sshra.s32 s23, $0xD;
	v13 =	vsel vm1, s29, v13;
	s9 =	sshrl.u32 s21, $0x1F;
	v11 =	vsel vm1, s7, v11;
	s4 =	sadd.s32 s5, s4  }
0x1b3: {  	v9 =	vsel vm2, s28, v9;
	s29 =	sshrl.u32 s25, $0x1F;
	v8 =	vsel vm13, s17, v8;
	v11 =	vsel vm2, s9, v11;
	s31 =	sshra.s32 s4, $0xD;
	s4 =	sshrl.u32 s4, $0x1F  }
0x1b4: {  	s1 =	smul.u32 $0x5397829D, s22;
	s6 =	sshra.s32 s23, $0x1F;
	v8 =	vsel vm5, s10, v8;
	v11 =	vsel vm3, s29, v11;
	v9 =	vsel vm3, s4, v9  }
0x1b5: {  	v3 =	vcombine.low v3, v5;
	v8 =	vsel vm14, s6, v8;
	s4 =	sshra.s32 s0, $0xD;
	v5 =	vcombine.low v11, v9;
	v9 =	vld [tilespmem:$0x1FFE0]  }
0x1b6: {  	s1 =	sadd.s32 s1, s11;
	s6 =	sshra.s32 s0, $0x1F;
	v8 =	vsel vm7, s4, v8;
	v6 =	vperm.xlane v6, v10;
	v10 =	vld [tilespmem:$0x1FFE0]  }
0x1b7: {  	s8 =	sshra.s32 s1, $0xD;
	v8 =	vsel vm6, s6, v8  }
0x1b8: {  	s9 =	sshra.s32 s1, $0x1F;
	vm6 =	vcmask $0x3734;
	v8 =	vsel vm8, s8, v8  }
0x1b9: {  	s10 =	sshra.s32 s24, $0xD;
	v8 =	vsel vm6, s9, v8  }
0x1ba: {  	s5 =	sshrl.u32 s26, $0x1F;
	v8 =	vsel vm10, s10, v8  }
0x1bb: {  	s2 =	sshra.s32 s2, $0xD;
	s7 =	sshrl.u32 s23, $0x1F;
	v7 =	vperm.xlane v7, v9;
	v9 =	vsel vm3, s5, v12;
	v8 =	vperm.xlane v8, v10;
	v10 =	vld [tilespmem:$0x1FFE0]  }
0x1bc: {  	v13 =	vsel vm2, s2, v13;
	s0 =	sshrl.u32 s0, $0x1F;
	v9 =	vsel vm5, s7, v9  }
0x1bd: {  	s1 =	sshrl.u32 s1, $0x1F;
	v13 =	vsel vm3, s31, v13;
	v9 =	vsel vm7, s0, v9  }
0x1be: {  	v2 =	vperm.xlane v2, v14;
	s11 =	sshrl.u32 s24, $0x1F;
	v4 =	vcombine.low v4, v13;
	v9 =	vsel vm8, s1, v9  }
0x1bf: {  	v3 =	vperm.xlane v3, v14;
	v5 =	vperm.xlane v5, v14;
	v9 =	vsel vm10, s11, v9  }
0x1c0: {  	v4 =	vperm.xlane v4, v14;
	v9 =	vperm.xlane v9, v10  }
0x1c1: {  	v2 =	vsel vm15, v6, v2;
	v3 =	vsel vm15, v7, v3  }
0x1c2: {  	v2 =	vadd.s32 v2, v3;
	v4 =	vsel vm15, v8, v4;
	v61 =	vsel vm15, v9, v5  }
0x1c3: {  	v2 =	vmul.u32 $0x6200, v2;
	v3 =	vadd.s32 v61, v4  }
0x1c4: {  	v3 =	vmul.u32 $0x6200, v3  }
0x1c5: {  	v0 =	vsub.s32 v0, v2  }
0x1c6: {  	vm11 =	vlt.s32 v0, $0x0;
	v2 =	vadd.s32 $0x6200, v0;
	v62 =	vsub.s32 v1, v3  }
0x1c7: {  	v0 =	vsel vm11, v2, v0;
	vm11 =	vlt.s32 v62, $0x0;
	v63 =	vadd.s32 $0x6200, v62  }
0x1c8: {  	s12 =	rddreg [dreg:$0x4];
	[tilespmem:s16+$0x400] =	vst v0;
	v1 =	vsel vm11, v63, v62  }
0x1c9: {  	s6 =	simm.s32 $0x200;
	s8 =	simm.s32 $0x600;
	s7 =	simm.s32 $0x0;
	[tilespmem:s15+$0x400] =	vst v1  }
0x1ca: {  	[tilespmem:s8], [sflag:$0x1] =	stream.indirect.gather [hbm4b:s12+s6], $0x1, s7, s6, $0xb8;
	[tilespmem:$0xCC00] =	vst v63  }
0x1cb: {  	s13 =	rddreg [dreg:$0x8];
	s9 =	simm.s32 $0x800  }
0x1cc: {  	[tilespmem:s9], [sflag:$0x1] =	stream.indirect.gather [hbm4b:s13+s6], $0x1, s6, s6, $0xb8;
	[tilespmem:$0xCC00] =	vst v63  }
0x1cd: {  	s14 =	rddreg [dreg:$0x2];
	s16 =	simm.s32 $0xC00;
	s15 =	simm.s32 $0x40  }
0x1ce: {  	[tilespmem:s16], [sflag:$0x2] =	stream.indirect.gather [hbm4b:s14+s15], $0x80, s7, s15, $0xb8;
	[tilespmem:$0xCC00] =	vst v63  }
0x1cf: {  	s18 =	simm.s32 $0x4C00;
	s17 =	rddreg [dreg:$0x3]  }
0x1d0: {  	[tilespmem:s18], [sflag:$0x2] =	stream.indirect.gather [hbm4b:s17+s15], $0x80, s7, s15, $0xb8;
	[tilespmem:$0xCC00] =	vst v63  }
0x1d1: {  	s22 =	simm.s32 $0x400;
	s21 =	rddreg [dreg:$0x7];
	s23 =	simm.s32 $0x8C00  }
0x1d2: {  	[tilespmem:s23], [sflag:$0x2] =	stream.indirect.gather [hbm4b:s21+s15], $0x80, s22, s15, $0xb8;
	[tilespmem:$0xCC00] =	vst v63  }
0x1d3: {  	_ = 	snop  }
0x1d4: {  	[tilespmem:s19], [sflag:$0x3] =	stream.indirect.gather [hbm4b:s14+s15], $0x80, s15, s15, $0xb8;
	[tilespmem:$0xCC00] =	vst v63  }
0x1d5: {  	_ = 	snop  }
0x1d6: {  	[tilespmem:s20], [sflag:$0x3] =	stream.indirect.gather [hbm4b:s17+s15], $0x80, s15, s15, $0xb8;
	[tilespmem:$0xCC00] =	vst v63  }
0x1d7: {  	s25 =	simm.s32 $0xAC00;
	s26 =	simm.s32 $0x1;
	s24 =	simm.s32 $0x440  }
0x1d8: {  	[tilespmem:s25], [sflag:$0x3] =	stream.indirect.gather [hbm4b:s21+s15], $0x80, s24, s15, $0xb8;
	[tilespmem:$0xCC00] =	vst v63  }
0x1d9: {  	v8 =	vld [tilespmem:$0x1FFE0];
	_ =	swait.ge [sflag:s26], $0x200  }
0x1da: {  	[sflag:s26] =	ssyncset.done $0x0  }
0x1db: {  	s28 =	simm.s32 $0x240;
	[sflag:s26] =	ssyncadd.s32 $0xFFFFFE00  }
0x1dc: {  	s29 =	simm.s32 $0x640;
	_ =	swait.ge [sflag:s26], $0x200;
	[dreg:$0x13] =	wrdreg s28  }
0x1dd: {  	vm9 =	vmmov vm15;
	s30 =	simm.s32 $0x840;
	[dreg:$0x14] =	wrdreg s29  }
0x1de: {  	s31 =	simm.s32 $0xA40;
	vm6 =	vmmov vm7;
	v6 =	vlaneseq.u32;
	vm7 =	vmmov vm8;
	[dreg:$0x15] =	wrdreg s30;
	[sflag:s26] =	ssyncset.done $0x0  }
0x1df: {  	v7 =	vimm.s32 $0x0;
	s1 =	simm.s32 $0xA00;
	vm8 =	vmmov vm10;
	vm11 =	vmmov vm4;
	[dreg:$0x16] =	wrdreg s31;
	[sflag:s26] =	ssyncadd.s32 $0xFFFFFE00  }
.LBB2_4:
0x1e0: {  	s0 =	simm.s32 $0x2  }
0x1e1: {  	_ =	swait.ge [sflag:s0], $0x2000  }
0x1e2: {  	[sflag:s0] =	ssyncset.done $0x0  }
0x1e3: {  	[sflag:s0] =	ssyncadd.s32 $0xFFFFE000  }
0x1e4: {  	_ =	swait.ge [sflag:s0], $0x2000  }
0x1e5: {  	[sflag:s0] =	ssyncset.done $0x0  }
0x1e6: {  	[sflag:s0] =	ssyncadd.s32 $0xFFFFE000  }
0x1e7: {  	_ =	swait.ge [sflag:s0], $0x2000  }
0x1e8: {  	v9 =	vld [tilespmem:$0x1F8D0]  }
0x1e9: {  	v10 =	vld [tilespmem:$0x1F8E0]  }
0x1ea: {  	v11 =	vld [tilespmem:$0x1F8F0]  }
0x1eb: {  	v12 =	vld [tilespmem:$0x1F900]  }
0x1ec: {  	v13 =	vld [tilespmem:$0x1F910]  }
0x1ed: {  	v16 =	vld [tilespmem:$0x1F920]  }
0x1ee: {  	v17 =	vld [tilespmem:$0x1F930]  }
0x1ef: {  	v18 =	vld [tilespmem:$0x1F940]  }
0x1f0: {  	v19 =	vld [tilespmem:$0x1F950]  }
0x1f1: {  	v22 =	vld [tilespmem:$0x1F960]  }
0x1f2: {  	v27 =	vld [tilespmem:$0x1F970]  }
0x1f3: {  	v39 =	vld [tilespmem:$0x1F980]  }
0x1f4: {  	v31 =	vld [tilespmem:$0x1F990]  }
0x1f5: {  	v32 =	vld [tilespmem:$0x1F9A0]  }
0x1f6: {  	v34 =	vld [tilespmem:$0x1F9B0]  }
0x1f7: {  	v36 =	vld [tilespmem:$0x1F9C0]  }
0x1f8: {  	v38 =	vld [tilespmem:$0x1F9D0]  }
0x1f9: {  	v42 =	vld [tilespmem:$0x1F9F0]  }
0x1fa: {  	s2 =	sshll.u32 s7, $0x7;
	[dreg:$0xf] =	wrdreg s7;
	v50 =	vld [tilespmem:$0x1FA10]  }
0x1fb: {  	[dreg:$0x17] =	wrdreg s2;
	v56 =	vld [tilespmem:$0x1FA20]  }
0x1fc: {  	[dreg:$0xe] =	wrdreg s6;
	v57 =	vld [tilespmem:$0x1FA30]  }
0x1fd: {  	s16 =	simm.s32 $0xC00;
	[dreg:$0x10] =	wrdreg s8;
	v59 =	vld [tilespmem:$0x1FA40]  }
0x1fe: {  	s19 =	simm.s32 $0x4C00;
	[dreg:$0x11] =	wrdreg s9;
	[sflag:s0] =	ssyncset.done $0x0;
	v61 =	vld [tilespmem:$0x1FA50]  }
0x1ff: {  	vm10 =	vcmask $0x2F2C;
	vm14 =	vcmask $0xF0C;
	vm15 =	vcmask $0x300;
	[dreg:$0x12] =	wrdreg s1;
	v55 =	vld [tilespmem:$0x1FA60];
	[sflag:s0] =	ssyncadd.s32 $0xFFFFE000;
	s0 =	simm.s32 $0x0  }
.LBB2_5:
0x200: {  	v0 =	vld [tilespmem:s6+$0x0];
	_ =	sdelay $0x4  }
0x201: {  	(v2sf) =	vpush v0, $0xD;
	_ =	sdelay $0x1  }
0x202: {  	(v2sf) =	vpush v0, $0xC;
	_ =	sdelay $0x1  }
0x203: {  	(v2sf) =	vpush v0, $0xE;
	_ =	sdelay $0x1  }
0x204: {  	(v2sf) =	vpush v0, $0xF;
	_ =	sdelay $0x1  }
0x205: {  	(v2sf) =	vpush v0, $0x9;
	_ =	sdelay $0x1  }
0x206: {  	(v2sf) =	vpush v0, $0x8;
	_ =	sdelay $0x1  }
0x207: {  	(v2sf) =	vpush v0, $0xA;
	_ =	sdelay $0x1  }
0x208: {  	(v2sf) =	vpush v0, $0xB  }
0x209: {  	s2 =	spop (v2sf)  }
0x20a: {  	[dreg:$0x1c] =	wrdreg s0;
	(v2sf) =	vpush v0, $0x0;
	s3 =	smulhi.u32 $0x5397829D, s2;
	s0 =	sshra.s32 s2, $0x1F  }
0x20b: {  	s4 =	spop (v2sf);
	s0 =	smul.u32 $0x5397829D, s0  }
0x20c: {  	(v2sf) =	vpush v0, $0x1;
	s5 =	smulhi.u32 $0x5397829D, s4;
	s4 =	sshra.s32 s4, $0x1F  }
0x20d: {  	s10 =	spop (v2sf);
	s4 =	smul.u32 $0x5397829D, s4  }
0x20e: {  	(v2sf) =	vpush v0, $0x2;
	s14 =	smulhi.u32 $0x5397829D, s10;
	s10 =	sshra.s32 s10, $0x1F  }
0x20f: {  	(v2sf) =	vpush v0, $0x3;
	s12 =	spop (v2sf);
	s22 =	smul.u32 $0x5397829D, s10  }
0x210: {  	(v2sf) =	vpush v0, $0x4;
	s23 =	smulhi.u32 $0x5397829D, s12;
	s12 =	sshra.s32 s12, $0x1F  }
0x211: {  	(v2sf) =	vpush v0, $0x5;
	s18 =	spop (v2sf);
	s12 =	smul.u32 $0x5397829D, s12  }
0x212: {  	[dreg:$0x1a] =	wrdreg s9;
	(v2sf) =	vpush v0, $0x6;
	s25 =	smulhi.u32 $0x5397829D, s18;
	s18 =	sshra.s32 s18, $0x1F  }
0x213: {  	(v2sf) =	vpush v0, $0x7;
	s9 =	spop (v2sf);
	s18 =	smul.u32 $0x5397829D, s18  }
0x214: {  	[dreg:$0x19] =	wrdreg s8;
	s21 =	smulhi.u32 $0x5397829D, s9;
	s10 =	sshra.s32 s9, $0x1F  }
0x215: {  	s24 =	spop (v2sf);
	s8 =	smul.u32 $0x5397829D, s10  }
0x216: {  	[dreg:$0x1b] =	wrdreg s1;
	s7 =	smulhi.u32 $0x5397829D, s24;
	s11 =	sshra.s32 s24, $0x1F  }
0x217: {  	s28 =	spop (v2sf);
	s2 =	smul.u32 $0x5397829D, s11  }
0x218: {  	[dreg:$0x18] =	wrdreg s6;
	s31 =	smulhi.u32 $0x5397829D, s28;
	s15 =	sshra.s32 s28, $0x1F  }
0x219: {  	s1 =	sadd.s32 s0, s3;
	s13 =	spop (v2sf);
	s3 =	smul.u32 $0x5397829D, s15  }
0x21a: {  	s6 =	sadd.s32 s4, s5;
	s5 =	smulhi.u32 $0x5397829D, s13;
	s24 =	sshra.s32 s13, $0x1F  }
0x21b: {  	s17 =	spop (v2sf);
	s15 =	smul.u32 $0x5397829D, s24  }
0x21c: {  	s4 =	sadd.s32 s22, s14;
	s22 =	smulhi.u32 $0x5397829D, s17;
	s28 =	sshra.s32 s17, $0x1F  }
0x21d: {  	s0 =	sadd.s32 s12, s23;
	s26 =	spop (v2sf);
	s23 =	smul.u32 $0x5397829D, s28  }
0x21e: {  	s24 =	sadd.s32 s18, s25;
	s9 =	spop (v2sf);
	s18 =	smulhi.u32 $0x5397829D, s26  }
0x21f: {  	s14 =	sshra.s32 s26, $0x1F;
	s28 =	sadd.s32 s8, s21;
	s30 =	spop (v2sf)  }
0x220: {  	s8 =	smul.u32 $0x5397829D, s14;
	s14 =	sadd.s32 s2, s7;
	s29 =	spop (v2sf)  }
0x221: {  	s2 =	smulhi.u32 $0x5397829D, s9;
	s21 =	sshra.s32 s9, $0x1F;
	s10 =	spop (v2sf)  }
0x222: {  	s12 =	sadd.s32 s3, s31;
	s3 =	smul.u32 $0x5397829D, s21;
	s26 =	spop (v2sf)  }
0x223: {  	s9 =	smulhi.u32 $0x5397829D, s26;
	s7 =	sshra.s32 s26, $0x1F  }
0x224: {  	s11 =	sshrl.u32 s6, $0x1F;
	s7 =	smul.u32 $0x5397829D, s7  }
0x225: {  	s21 =	sadd.s32 s23, s22;
	s31 =	smulhi.u32 $0x5397829D, s30;
	s23 =	sshra.s32 s30, $0x1F  }
0x226: {  	s13 =	sshrl.u32 s1, $0x1F;
	s22 =	smul.u32 $0x5397829D, s23;
	s23 =	sadd.s32 s7, s9  }
0x227: {  	s17 =	sshrl.u32 s4, $0x1F;
	s5 =	sadd.s32 s15, s5;
	s30 =	sshra.s32 s23, $0x1F  }
0x228: {  	s25 =	sshrl.u32 s0, $0x1F;
	s9 =	sadd.s32 s22, s31;
	s31 =	sshra.s32 s5, $0xD;
	v1 =	vmov s30  }
0x229: {  	s15 =	sshrl.u32 s24, $0x1F;
	s22 =	sshrl.u32 s5, $0x1F;
	s5 =	sshra.s32 s5, $0x1F;
	v1 =	vsel vm15, s31, v1  }
0x22a: {  	v2 =	vmov s11;
	s8 =	sadd.s32 s8, s18;
	s18 =	sshrl.u32 s12, $0x1F;
	s31 =	sshra.s32 s21, $0xD;
	v1 =	vsel vm12, s5, v1  }
0x22b: {  	v2 =	vsel vm1, s13, v2;
	s11 =	smulhi.u32 $0x5397829D, s29;
	s30 =	sshra.s32 s29, $0x1F;
	s29 =	sshra.s32 s21, $0x1F;
	v1 =	vsel vm1, s31, v1  }
0x22c: {  	v2 =	vsel vm2, s17, v2;
	s2 =	sadd.s32 s3, s2;
	s26 =	sshrl.u32 s28, $0x1F;
	s31 =	sshra.s32 s8, $0xD;
	v1 =	vsel vm14, s29, v1  }
0x22d: {  	s3 =	sshrl.u32 s21, $0x1F;
	v4 =	vmov s26;
	v3 =	vmov s22;
	s22 =	sshrl.u32 s8, $0x1F;
	s8 =	sshra.s32 s8, $0x1F;
	v1 =	vsel vm2, s31, v1  }
0x22e: {  	v2 =	vsel vm3, s25, v2;
	s26 =	sshra.s32 s2, $0xD;
	v4 =	vsel vm1, s15, v4;
	s7 =	sshrl.u32 s14, $0x1F;
	s25 =	sshrl.u32 s9, $0x1F;
	v1 =	vsel vm11, s8, v1  }
0x22f: {  	v3 =	vnsel vm15, $0x0, v3;
	s13 =	smul.u32 $0x5397829D, s30;
	s21 =	sshrl.u32 s2, $0x1F;
	s2 =	sshra.s32 s2, $0x1F;
	vm11 =	vcmask $0x1F1C;
	v1 =	vsel vm3, s26, v1  }
0x230: {  	v4 =	vsel vm2, s7, v4;
	v3 =	vsel vm1, s3, v3;
	s30 =	smulhi.u32 $0x5397829D, s10;
	s10 =	sshra.s32 s10, $0x1F;
	s31 =	sshra.s32 s9, $0xD;
	v1 =	vsel vm11, s2, v1  }
0x231: {  	v3 =	vsel vm2, s22, v3;
	s10 =	smul.u32 $0x5397829D, s10;
	s22 =	sadd.s32 s13, s11;
	s9 =	sshra.s32 s9, $0x1F;
	vm11 =	vcmask $0x2724;
	v1 =	vsel vm5, s31, v1  }
0x232: {  	v35 =	vsub.s32 $0x0, v0;
	v4 =	vsel vm3, s18, v4;
	s11 =	sshra.s32 s22, $0xD;
	v1 =	vsel vm11, s9, v1  }
0x233: {  	s6 =	sshra.s32 s6, $0xD;
	v2 =	vcombine.low v4, v2;
	v3 =	vsel vm3, s21, v3;
	s3 =	sadd.s32 s10, s30;
	s15 =	sshra.s32 s22, $0x1F;
	v1 =	vsel vm6, s11, v1  }
0x234: {  	v4 =	vmov s6;
	v3 =	vsel vm5, s25, v3;
	s25 =	rddreg [dreg:$0x1c];
	s18 =	sshra.s32 s3, $0xD;
	v1 =	vsel vm10, s15, v1  }
0x235: {  	s29 =	sshrl.u32 s22, $0x1F;
	s22 =	sshra.s32 s3, $0x1F;
	v37 =	vmov s25;
	vm11 =	vcmask $0x3734;
	v1 =	vsel vm7, s18, v1  }
0x236: {  	s1 =	sshra.s32 s1, $0xD;
	v1 =	vsel vm11, s22, v1;
	vm11 =	vlt.s32 v0, $0x1;
	v0 =	vshll.u32 v37, $0x7  }
0x237: {  	v4 =	vsel vm1, s1, v4;
	s8 =	sshra.s32 s28, $0xD;
	v25 =	vor.u32 v9, v0  }
0x238: {  	s13 =	sshra.s32 s4, $0xD;
	v2 =	vperm.xlane v2, v14;
	s10 =	sshra.s32 s24, $0xD;
	v5 =	vmov s8;
	v41 =	vor.u32 v6, v25  }
0x239: {  	s0 =	sshra.s32 s0, $0xD;
	s14 =	sshra.s32 s14, $0xD;
	v4 =	vsel vm2, s13, v4;
	v3 =	vsel vm6, s29, v3;
	v5 =	vsel vm1, s10, v5  }
0x23a: {  	s17 =	sshra.s32 s12, $0xD;
	s30 =	sshrl.u32 s3, $0x1F;
	v4 =	vsel vm3, s0, v4;
	v5 =	vsel vm2, s14, v5;
	v44 =	vor.u32 v10, v25  }
0x23b: {  	s21 =	sshrl.u32 s23, $0x1F;
	s24 =	sshra.s32 s23, $0xD;
	v3 =	vsel vm7, s30, v3;
	v5 =	vsel vm3, s17, v5;
	v45 =	vor.u32 v12, v25  }
0x23c: {  	v53 =	vld [tilespmem:$0x1F9E0];
	v3 =	vsel vm8, s21, v3;
	v4 =	vcombine.low v5, v4;
	v1 =	vsel vm8, s24, v1  }
0x23d: {  	v3 =	vperm.xlane v3, v8;
	v1 =	vperm.xlane v1, v8;
	v8 =	vor.u32 v13, v25;
	v5 =	vld.idx.msk [tilespmem:v41+s19+$0x0], $0xffff  }
0x23e: {  	v4 =	vperm.xlane v4, v14;
	v12 =	vor.u32 v16, v25;
	v6 =	vld.idx.msk [tilespmem:v41+s16+$0x0], $0xffff  }
0x23f: {  	v2 =	vsel vm9, v3, v2;
	v3 =	vld.idx.msk [tilespmem:v44+s16+$0x0], $0xffff  }
0x240: {  	v46 =	vor.u32 v17, v25;
	v1 =	vsel vm9, v1, v4;
	v4 =	vor.u32 v11, v25;
	v11 =	vld.idx.msk [tilespmem:v45+s19+$0x0], $0xffff  }
0x241: {  	v13 =	vld.idx.msk [tilespmem:v45+s16+$0x0], $0xffff  }
0x242: {  	v15 =	vor.u32 v18, v25;
	v14 =	vld.idx.msk [tilespmem:v8+s19+$0x0], $0xffff  }
0x243: {  	v16 =	vld.idx.msk [tilespmem:v12+s19+$0x0], $0xffff  }
0x244: {  	v17 =	vor.u32 v19, v25;
	v12 =	vld.idx.msk [tilespmem:v12+s16+$0x0], $0xffff  }
0x245: {  	v47 =	vor.u32 v22, v25;
	v19 =	vld.idx.msk [tilespmem:v46+s19+$0x0], $0xffff  }
0x246: {  	v20 =	vld.idx.msk [tilespmem:v46+s16+$0x0], $0xffff  }
0x247: {  	v22 =	vor.u32 v27, v25;
	v21 =	vld.idx.msk [tilespmem:v15+s19+$0x0], $0xffff  }
0x248: {  	v15 =	vld.idx.msk [tilespmem:v15+s16+$0x0], $0xffff  }
0x249: {  	v24 =	vor.u32 v39, v25;
	v23 =	vld.idx.msk [tilespmem:v17+s19+$0x0], $0xffff  }
0x24a: {  	v26 =	vld.idx.msk [tilespmem:v47+s19+$0x0], $0xffff  }
0x24b: {  	v27 =	vor.u32 v31, v25;
	v28 =	vld.idx.msk [tilespmem:v47+s16+$0x0], $0xffff  }
0x24c: {  	v49 =	vor.u32 v34, v25;
	v29 =	vld.idx.msk [tilespmem:v22+s19+$0x0], $0xffff  }
0x24d: {  	v22 =	vld.idx.msk [tilespmem:v22+s16+$0x0], $0xffff  }
0x24e: {  	v51 =	vor.u32 v36, v25;
	v30 =	vld.idx.msk [tilespmem:v24+s19+$0x0], $0xffff  }
0x24f: {  	v52 =	vor.u32 v38, v25;
	v24 =	vld.idx.msk [tilespmem:v24+s16+$0x0], $0xffff  }
0x250: {  	v33 =	vld.idx.msk [tilespmem:v27+s19+$0x0], $0xffff  }
0x251: {  	v58 =	vor.u32 v42, v25;
	v38 =	vld.idx.msk [tilespmem:v49+s19+$0x0], $0xffff  }
0x252: {  	v31 =	vor.u32 v32, v25;
	v39 =	vld.idx.msk [tilespmem:v49+s16+$0x0], $0xffff  }
0x253: {  	v34 =	vld.idx.msk [tilespmem:v51+s16+$0x0], $0xffff  }
0x254: {  	v1 =	vadd.s32 v2, v1;
	v60 =	vld.idx.msk [tilespmem:v52+s19+$0x0], $0xffff  }
0x255: {  	v2 =	vmul.u32 $0xFFFF9E00, v1;
	v36 =	vld.idx.msk [tilespmem:v52+s16+$0x0], $0xffff  }
0x256: {  	v47 =	vld.idx.msk [tilespmem:v58+s19+$0x0], $0xffff  }
0x257: {  	vm13 =	vmmov vm12;
	vm12 =	vne.s32 v2, v35;
	v35 =	vld.idx.msk [tilespmem:v31+s19+$0x0], $0xffff  }
0x258: {  	v45 =	vor.u32 v50, v25;
	v31 =	vld.idx.msk [tilespmem:v31+s16+$0x0], $0xffff  }
0x259: {  	vm11 =	vmand vm11, vm12;
	v10 =	vld.idx.msk [tilespmem:v4+s19+$0x0], $0xffff  }
0x25a: {  	v4 =	vld.idx.msk [tilespmem:v4+s16+$0x0], $0xffff;
	v40 =	vsel vm11, $0xFFFFFFFF, v7  }
0x25b: {  	v7 =	vld.idx.msk [tilespmem:v44+s19+$0x0], $0xffff;
	v1 =	vadd.s32 v40, v1  }
0x25c: {  	v40 =	vld.idx.msk [tilespmem:v51+s19+$0x0], $0xffff;
	v0 =	vshll.u32 v1, $0x5  }
0x25d: {  	v50 =	vld.idx.msk [tilespmem:v45+s19+$0x0], $0xffff;
	v43 =	vadd.s32 v0, v41  }
0x25e: {  	v9 =	vadd.s32 v0, v8;
	v8 =	vld.idx.msk [tilespmem:v8+s16+$0x0], $0xffff  }
0x25f: {  	v18 =	vadd.s32 v0, v17;
	v17 =	vld.idx.msk [tilespmem:v17+s16+$0x0], $0xffff  }
0x260: {  	v48 =	vadd.s32 v0, v27;
	v27 =	vld.idx.msk [tilespmem:v27+s16+$0x0], $0xffff  }
0x261: {  	s31 =	simm.s32 $0x8C00;
	v46 =	vadd.s32 v0, v45;
	v45 =	vld.idx.msk [tilespmem:v45+s16+$0x0], $0xffff  }
0x262: {  	v37 =	vadd.s32 v0, v52;
	v2 =	vld.idx.msk [tilespmem:v43+s31+$0x0], $0xffff  }
0x263: {  	v41 =	vor.u32 v53, v25;
	v9 =	vld.idx.msk [tilespmem:v9+s31+$0x0], $0xffff  }
0x264: {  	v18 =	vld.idx.msk [tilespmem:v18+s31+$0x0], $0xffff  }
0x265: {  	v32 =	vld.idx.msk [tilespmem:v48+s31+$0x0], $0xffff  }
0x266: {  	v43 =	vld [tilespmem:$0x1FA00]  }
0x267: {  	v49 =	vor.u32 v56, v25;
	v1 =	vld.idx.msk [tilespmem:v37+s31+$0x0], $0xffff;
	v5 =	vmul.f32 v5, v2;
	v6 =	vmul.f32 v6, v2  }
0x268: {  	v62 =	vor.u32 v57, v25;
	v44 =	vld.idx.msk [tilespmem:v41+s19+$0x0], $0xffff;
	v7 =	vmul.f32 v7, v2;
	v3 =	vmul.f32 v3, v2  }
0x269: {  	v51 =	vor.u32 v59, v25;
	v41 =	vld.idx.msk [tilespmem:v41+s16+$0x0], $0xffff;
	v10 =	vmul.f32 v10, v2;
	v4 =	vmul.f32 v4, v2  }
0x26a: {  	v37 =	vld.idx.msk [tilespmem:v58+s16+$0x0], $0xffff;
	v11 =	vmul.f32 v11, v2;
	v14 =	vmul.f32 v14, v9;
	v5 =	vadd.f32 $0.0e+00, v5  }
0x26b: {  	v43 =	vor.u32 v43, v25;
	v13 =	vmul.f32 v13, v2;
	v2 =	vld.idx.msk [tilespmem:v46+s31+$0x0], $0xffff;
	v8 =	vmul.f32 v8, v9  }
0x26c: {  	v16 =	vmul.f32 v16, v9;
	v6 =	vadd.f32 $0.0e+00, v6;
	v5 =	vadd.f32 v14, v5;
	v14 =	vld.idx.msk [tilespmem:v49+s19+$0x0], $0xffff  }
0x26d: {  	v12 =	vmul.f32 v12, v9;
	v7 =	vadd.f32 $0.0e+00, v7;
	v3 =	vadd.f32 $0.0e+00, v3;
	v49 =	vld.idx.msk [tilespmem:v49+s16+$0x0], $0xffff  }
0x26e: {  	v6 =	vadd.f32 v8, v6;
	v8 =	vmul.f32 v19, v9;
	v19 =	vmul.f32 v20, v9;
	v20 =	vld.idx.msk [tilespmem:v62+s19+$0x0], $0xffff  }
0x26f: {  	v52 =	vor.u32 v61, v25;
	v7 =	vadd.f32 v16, v7;
	v16 =	vld.idx.msk [tilespmem:v62+s16+$0x0], $0xffff  }
0x270: {  	v3 =	vadd.f32 v12, v3;
	v12 =	vmul.f32 v21, v9;
	v9 =	vmul.f32 v15, v9;
	v15 =	vld.idx.msk [tilespmem:v51+s16+$0x0], $0xffff  }
0x271: {  	v53 =	vadd.s32 v0, v52;
	v10 =	vadd.f32 $0.0e+00, v10;
	v21 =	vmul.f32 v26, v18;
	v26 =	vld [tilespmem:$0x1FA70]  }
0x272: {  	v4 =	vadd.f32 $0.0e+00, v4;
	v11 =	vadd.f32 $0.0e+00, v11;
	v48 =	vld.idx.msk [tilespmem:v43+s19+$0x0], $0xffff  }
0x273: {  	v13 =	vadd.f32 $0.0e+00, v13;
	v43 =	vld.idx.msk [tilespmem:v43+s16+$0x0], $0xffff;
	v8 =	vadd.f32 v8, v10  }
0x274: {  	v4 =	vadd.f32 v19, v4;
	v7 =	vadd.f32 v21, v7;
	v21 =	vld [tilespmem:$0x1FA80]  }
0x275: {  	v10 =	vld.idx.msk [tilespmem:v51+s19+$0x0], $0xffff;
	v19 =	vor.u32 v55, v25;
	v11 =	vadd.f32 v12, v11;
	v12 =	vmul.f32 v23, v18  }
0x276: {  	v17 =	vmul.f32 v17, v18;
	v23 =	vld.idx.msk [tilespmem:v53+s31+$0x0], $0xffff;
	v9 =	vadd.f32 v9, v13  }
0x277: {  	v13 =	vld.idx.msk [tilespmem:v52+s19+$0x0], $0xffff;
	v5 =	vadd.f32 v12, v5;
	v12 =	vmul.f32 v28, v18;
	v26 =	vor.u32 v26, v25  }
0x278: {  	v6 =	vadd.f32 v17, v6;
	v17 =	vld.idx.msk [tilespmem:v52+s16+$0x0], $0xffff  }
0x279: {  	v3 =	vadd.f32 v12, v3;
	v12 =	vmul.f32 v29, v18;
	v29 =	vld [tilespmem:$0x1FA90];
	v21 =	vor.u32 v21, v25  }
0x27a: {  	v28 =	vld.idx.msk [tilespmem:v19+s19+$0x0], $0xffff  }
0x27b: {  	s29 =	rddreg [dreg:$0x19];
	v19 =	vld.idx.msk [tilespmem:v19+s16+$0x0], $0xffff  }
0x27c: {  	s28 =	rddreg [dreg:$0x1a];
	v22 =	vmul.f32 v22, v18;
	v8 =	vadd.f32 v12, v8;
	v12 =	vmul.f32 v24, v18;
	v24 =	vld.idx.msk [tilespmem:v26+s19+$0x0], $0xffff  }
0x27d: {  	s30 =	rddreg [dreg:$0x18];
	v30 =	vmul.f32 v30, v18;
	v18 =	vmul.f32 v33, v32;
	v26 =	vld.idx.msk [tilespmem:v26+s16+$0x0], $0xffff  }
0x27e: {  	s26 =	rddreg [dreg:$0x1b];
	v9 =	vadd.f32 v12, v9;
	v12 =	vld.idx.msk [tilespmem:v21+s19+$0x0], $0xffff  }
0x27f: {  	v5 =	vadd.f32 v18, v5;
	v18 =	vld [tilespmem:$0x1FAA0]  }
0x280: {  	v11 =	vadd.f32 v30, v11;
	v30 =	vmul.f32 v38, v32;
	v21 =	vld.idx.msk [tilespmem:v21+s16+$0x0], $0xffff  }
0x281: {  	v51 =	vld [tilespmem:$0x1FAB0]  }
0x282: {  	v8 =	vadd.f32 v30, v8;
	v30 =	vld [tilespmem:$0x1FAC0]  }
0x283: {  	v36 =	vmul.f32 v36, v1;
	v4 =	vadd.f32 v22, v4;
	v22 =	vmul.f32 v27, v32;
	v52 =	vld [tilespmem:$0x1FAD0]  }
0x284: {  	v56 =	vmul.f32 v41, v1;
	v62 =	vmul.f32 v50, v2;
	v59 =	vld [tilespmem:$0x1FAE0]  }
0x285: {  	v53 =	vmul.f32 v60, v1;
	v6 =	vadd.f32 v22, v6;
	v22 =	vmul.f32 v35, v32;
	v46 =	vld [tilespmem:$0x1FB00]  }
0x286: {  	v27 =	vmul.f32 v31, v32;
	v61 =	vmul.f32 v48, v1;
	v48 =	vld [tilespmem:$0x1FB10]  }
0x287: {  	v7 =	vadd.f32 v22, v7;
	v22 =	vmul.f32 v40, v32;
	v5 =	vadd.f32 v53, v5;
	v53 =	vld [tilespmem:$0x1FB30]  }
0x288: {  	v60 =	vmul.f32 v37, v1;
	v31 =	vmul.f32 v39, v32;
	v3 =	vadd.f32 v27, v3;
	v37 =	vld [tilespmem:$0x1FCF0]  }
0x289: {  	v50 =	vmul.f32 v49, v2;
	v11 =	vadd.f32 v22, v11;
	v22 =	vmul.f32 v34, v32;
	v40 =	vld [tilespmem:$0x1FD40]  }
0x28a: {  	v4 =	vadd.f32 v31, v4;
	v3 =	vadd.f32 v56, v3;
	v29 =	vor.u32 v29, v25;
	v42 =	vld [tilespmem:$0x1FD50]  }
0x28b: {  	v6 =	vadd.f32 v36, v6;
	v63 =	vadd.s32 v0, v29;
	v9 =	vadd.f32 v22, v9;
	v49 =	vld [tilespmem:$0x1FE00]  }
0x28c: {  	v22 =	vmul.f32 v44, v1;
	v44 =	vmul.f32 v45, v2;
	v3 =	vadd.f32 v50, v3;
	v50 =	vld [tilespmem:$0x1FE40]  }
0x28d: {  	v58 =	vmul.f32 v47, v1;
	v1 =	vmul.f32 v43, v1;
	v43 =	vld [tilespmem:$0x1FE60]  }
0x28e: {  	v14 =	vmul.f32 v14, v2;
	v4 =	vadd.f32 v60, v4;
	v6 =	vadd.f32 v44, v6;
	v44 =	vld [tilespmem:$0x1FD70]  }
0x28f: {  	v20 =	vmul.f32 v20, v2;
	v8 =	vadd.f32 v58, v8;
	v7 =	vadd.f32 v22, v7;
	v27 =	vld.idx.msk [tilespmem:v29+s19+$0x0], $0xffff  }
0x290: {  	v10 =	vmul.f32 v10, v2;
	v1 =	vadd.f32 v1, v9;
	v5 =	vadd.f32 v62, v5;
	v29 =	vld.idx.msk [tilespmem:v29+s16+$0x0], $0xffff  }
0x291: {  	v8 =	vadd.f32 v20, v8;
	v20 =	vmul.f32 v28, v23;
	v7 =	vadd.f32 v14, v7;
	v33 =	vld.idx.msk [tilespmem:v63+s31+$0x0], $0xffff  }
0x292: {  	v14 =	vmul.f32 v16, v2;
	v2 =	vmul.f32 v15, v2;
	v18 =	vor.u32 v18, v25;
	v63 =	vld [tilespmem:$0x1FAF0]  }
0x293: {  	v32 =	vor.u32 v52, v25;
	v36 =	vor.u32 v59, v25;
	v39 =	vor.u32 v48, v25;
	v59 =	vld [tilespmem:$0x1FBB0]  }
0x294: {  	v52 =	vmul.f32 v13, v23;
	v13 =	vmul.f32 v17, v23;
	v48 =	vld [tilespmem:$0x1FED0];
	v4 =	vadd.f32 v14, v4  }
0x295: {  	v35 =	vor.u32 v51, v25;
	v14 =	vld [tilespmem:$0x1FB20];
	v1 =	vadd.f32 v2, v1;
	v7 =	vadd.f32 v20, v7  }
0x296: {  	v20 =	vld [tilespmem:$0x1FB40];
	v2 =	vadd.f32 v52, v5;
	v5 =	vadd.f32 v13, v6;
	v6 =	vmul.f32 v24, v23  }
0x297: {  	v52 =	vld [tilespmem:$0x1FE70]  }
0x298: {  	v30 =	vor.u32 v30, v25;
	v6 =	vadd.f32 v6, v8;
	v8 =	vmul.f32 v26, v23;
	v26 =	vld [tilespmem:$0x1FB50]  }
0x299: {  	v31 =	vld.idx.msk [tilespmem:v18+s19+$0x0], $0xffff  }
0x29a: {  	v18 =	vld.idx.msk [tilespmem:v18+s16+$0x0], $0xffff  }
0x29b: {  	v57 =	vld.idx.msk [tilespmem:v35+s19+$0x0], $0xffff  }
0x29c: {  	v35 =	vld.idx.msk [tilespmem:v35+s16+$0x0], $0xffff  }
0x29d: {  	v22 =	vld.idx.msk [tilespmem:v30+s19+$0x0], $0xffff  }
0x29e: {  	v30 =	vld.idx.msk [tilespmem:v30+s16+$0x0], $0xffff  }
0x29f: {  	v45 =	vld.idx.msk [tilespmem:v32+s19+$0x0], $0xffff  }
0x2a0: {  	v9 =	vld.idx.msk [tilespmem:v32+s16+$0x0], $0xffff  }
0x2a1: {  	v47 =	vld.idx.msk [tilespmem:v36+s19+$0x0], $0xffff  }
0x2a2: {  	v19 =	vmul.f32 v19, v23;
	v36 =	vld.idx.msk [tilespmem:v36+s16+$0x0], $0xffff  }
0x2a3: {  	v55 =	vadd.s32 v0, v32;
	v13 =	vld.idx.msk [tilespmem:v39+s19+$0x0], $0xffff  }
0x2a4: {  	v3 =	vadd.f32 v19, v3;
	v51 =	vadd.s32 v0, v39;
	v19 =	vld.idx.msk [tilespmem:v39+s16+$0x0], $0xffff  }
0x2a5: {  	v39 =	vld [tilespmem:$0x1FD00]  }
0x2a6: {  	v41 =	vor.u32 v63, v25;
	v63 =	vld [tilespmem:$0x1FCE0]  }
0x2a7: {  	v32 =	vor.u32 v46, v25;
	v46 =	vld [tilespmem:$0x1FDC0]  }
0x2a8: {  	v38 =	vld.idx.msk [tilespmem:v55+s31+$0x0], $0xffff  }
0x2a9: {  	v28 =	vld.idx.msk [tilespmem:v51+s31+$0x0], $0xffff  }
0x2aa: {  	v4 =	vadd.f32 v8, v4;
	v8 =	vmul.f32 v27, v33;
	v27 =	vmul.f32 v29, v33;
	v55 =	vld [tilespmem:$0x1FB70]  }
0x2ab: {  	v51 =	vld [tilespmem:$0x1FE50]  }
0x2ac: {  	v14 =	vor.u32 v14, v25;
	v5 =	vadd.f32 v27, v5;
	v27 =	vld [tilespmem:$0x1FB60]  }
0x2ad: {  	v11 =	vadd.f32 v61, v11;
	v16 =	vld.idx.msk [tilespmem:v41+s19+$0x0], $0xffff  }
0x2ae: {  	v20 =	vor.u32 v20, v25;
	v15 =	vld.idx.msk [tilespmem:v41+s16+$0x0], $0xffff  }
0x2af: {  	v10 =	vadd.f32 v10, v11;
	v11 =	vld.idx.msk [tilespmem:v32+s19+$0x0], $0xffff  }
0x2b0: {  	v17 =	vld.idx.msk [tilespmem:v32+s16+$0x0], $0xffff  }
0x2b1: {  	v12 =	vmul.f32 v12, v23;
	v24 =	vld.idx.msk [tilespmem:v14+s19+$0x0], $0xffff  }
0x2b2: {  	v26 =	vor.u32 v26, v25;
	v14 =	vld.idx.msk [tilespmem:v14+s16+$0x0], $0xffff  }
0x2b3: {  	v10 =	vadd.f32 v12, v10;
	v2 =	vadd.f32 v8, v2;
	v12 =	vmul.f32 v31, v33;
	v8 =	vld.idx.msk [tilespmem:v20+s19+$0x0], $0xffff  }
0x2b4: {  	v31 =	vmul.f32 v35, v33;
	v20 =	vld.idx.msk [tilespmem:v20+s16+$0x0], $0xffff;
	v56 =	vmul.f32 v47, v38  }
0x2b5: {  	v47 =	vld [tilespmem:$0x1FDF0];
	v7 =	vadd.f32 v12, v7;
	v12 =	vmul.f32 v18, v33;
	v18 =	vmul.f32 v57, v33  }
0x2b6: {  	v32 =	vor.u32 v53, v25;
	v22 =	vmul.f32 v22, v33;
	v4 =	vadd.f32 v31, v4;
	v31 =	vld [tilespmem:$0x1FB90]  }
0x2b7: {  	v6 =	vadd.f32 v18, v6;
	v18 =	vld.idx.msk [tilespmem:v26+s19+$0x0], $0xffff  }
0x2b8: {  	v21 =	vmul.f32 v21, v23;
	v23 =	vadd.s32 v0, v26;
	v10 =	vadd.f32 v22, v10;
	v22 =	vld.idx.msk [tilespmem:v26+s16+$0x0], $0xffff  }
0x2b9: {  	v26 =	vld [tilespmem:$0x1FB80]  }
0x2ba: {  	v9 =	vmul.f32 v9, v38;
	v7 =	vadd.f32 v56, v7;
	v56 =	vld [tilespmem:$0x1FEF0]  }
0x2bb: {  	v29 =	vld.idx.msk [tilespmem:v32+s19+$0x0], $0xffff  }
0x2bc: {  	v1 =	vadd.f32 v21, v1;
	v19 =	vmul.f32 v19, v28;
	v5 =	vadd.f32 v9, v5;
	v21 =	vld.idx.msk [tilespmem:v32+s16+$0x0], $0xffff  }
0x2bd: {  	v27 =	vor.u32 v27, v25;
	v23 =	vld.idx.msk [tilespmem:v23+s31+$0x0], $0xffff  }
0x2be: {  	v3 =	vadd.f32 v12, v3;
	v12 =	vmul.f32 v30, v33;
	v5 =	vadd.f32 v19, v5;
	v19 =	vld [tilespmem:$0x1FBC0]  }
0x2bf: {  	v32 =	vor.u32 v55, v25;
	v16 =	vmul.f32 v16, v38;
	v55 =	vld [tilespmem:$0x1FEC0]  }
0x2c0: {  	v1 =	vadd.f32 v12, v1;
	v12 =	vmul.f32 v45, v38;
	v45 =	vld [tilespmem:$0x1FD80]  }
0x2c1: {  	v9 =	vmul.f32 v15, v38;
	v6 =	vadd.f32 v16, v6;
	v16 =	vld [tilespmem:$0x1FBA0]  }
0x2c2: {  	v30 =	vld.idx.msk [tilespmem:v27+s19+$0x0], $0xffff  }
0x2c3: {  	v31 =	vor.u32 v31, v25;
	v4 =	vadd.f32 v9, v4;
	v9 =	vmul.f32 v11, v38;
	v27 =	vld.idx.msk [tilespmem:v27+s16+$0x0], $0xffff  }
0x2c4: {  	v2 =	vadd.f32 v12, v2;
	v12 =	vmul.f32 v36, v38;
	v36 =	vld [tilespmem:$0x1FCC0]  }
0x2c5: {  	v9 =	vadd.f32 v9, v10;
	v10 =	vmul.f32 v24, v28;
	v24 =	vld [tilespmem:$0x1FBD0]  }
0x2c6: {  	v13 =	vmul.f32 v13, v28;
	v11 =	vmul.f32 v17, v38;
	v26 =	vor.u32 v26, v25;
	v58 =	vld.idx.msk [tilespmem:v32+s19+$0x0], $0xffff  }
0x2c7: {  	v57 =	vadd.s32 v0, v31;
	v15 =	vld.idx.msk [tilespmem:v32+s16+$0x0], $0xffff  }
0x2c8: {  	v1 =	vadd.f32 v11, v1;
	v2 =	vadd.f32 v13, v2;
	v18 =	vmul.f32 v18, v23;
	v11 =	vld.idx.msk [tilespmem:v31+s19+$0x0], $0xffff  }
0x2c9: {  	v32 =	vor.u32 v59, v25;
	v13 =	vld.idx.msk [tilespmem:v31+s16+$0x0], $0xffff  }
0x2ca: {  	v2 =	vadd.f32 v18, v2;
	v18 =	vmul.f32 v22, v23;
	v22 =	vmul.f32 v30, v23;
	v30 =	vld [tilespmem:$0x1FBF0]  }
0x2cb: {  	v3 =	vadd.f32 v12, v3;
	v12 =	vld.idx.msk [tilespmem:v26+s19+$0x0], $0xffff  }
0x2cc: {  	v19 =	vor.u32 v19, v25;
	v17 =	vld.idx.msk [tilespmem:v26+s16+$0x0], $0xffff  }
0x2cd: {  	v7 =	vadd.f32 v10, v7;
	v10 =	vmul.f32 v14, v28;
	v26 =	vld.idx.msk [tilespmem:v57+s31+$0x0], $0xffff  }
0x2ce: {  	v21 =	vmul.f32 v21, v28;
	v57 =	vld [tilespmem:$0x1FF00]  }
0x2cf: {  	v8 =	vmul.f32 v8, v28;
	v3 =	vadd.f32 v10, v3;
	v10 =	vmul.f32 v20, v28;
	v20 =	vld.idx.msk [tilespmem:v32+s19+$0x0], $0xffff  }
0x2d0: {  	v4 =	vadd.f32 v21, v4;
	v21 =	vld.idx.msk [tilespmem:v32+s16+$0x0], $0xffff  }
0x2d1: {  	v8 =	vadd.f32 v8, v9;
	v16 =	vor.u32 v16, v25;
	v9 =	vld.idx.msk [tilespmem:v19+s19+$0x0], $0xffff  }
0x2d2: {  	v27 =	vmul.f32 v27, v23;
	v1 =	vadd.f32 v10, v1;
	v10 =	vld [tilespmem:$0x1FBE0]  }
0x2d3: {  	v24 =	vor.u32 v24, v25;
	v19 =	vld.idx.msk [tilespmem:v19+s16+$0x0], $0xffff  }
0x2d4: {  	v3 =	vadd.f32 v27, v3;
	v27 =	vld [tilespmem:$0x1FC10]  }
0x2d5: {  	v29 =	vmul.f32 v29, v28;
	v28 =	vmul.f32 v58, v23;
	v58 =	vld [tilespmem:$0x1FF50]  }
0x2d6: {  	v31 =	vadd.s32 v0, v24;
	v14 =	vld.idx.msk [tilespmem:v16+s19+$0x0], $0xffff  }
0x2d7: {  	v16 =	vld.idx.msk [tilespmem:v16+s16+$0x0], $0xffff;
	v30 =	vor.u32 v30, v25  }
0x2d8: {  	v5 =	vadd.f32 v18, v5;
	v15 =	vmul.f32 v15, v23;
	v18 =	vld.idx.msk [tilespmem:v24+s19+$0x0], $0xffff  }
0x2d9: {  	v6 =	vadd.f32 v29, v6;
	v7 =	vadd.f32 v22, v7;
	v22 =	vld.idx.msk [tilespmem:v24+s16+$0x0], $0xffff;
	v12 =	vmul.f32 v12, v23  }
0x2da: {  	v4 =	vadd.f32 v15, v4;
	v24 =	vld [tilespmem:$0x1FC00];
	v17 =	vmul.f32 v17, v23;
	v11 =	vmul.f32 v11, v26  }
0x2db: {  	v10 =	vor.u32 v10, v25;
	v29 =	vld.idx.msk [tilespmem:v31+s31+$0x0], $0xffff;
	v8 =	vadd.f32 v12, v8;
	v12 =	vmul.f32 v13, v26  }
0x2dc: {  	v1 =	vadd.f32 v17, v1;
	v17 =	vmul.f32 v21, v26;
	v13 =	vmul.f32 v14, v26;
	v14 =	vld.idx.msk [tilespmem:v30+s19+$0x0], $0xffff  }
0x2dd: {  	v27 =	vor.u32 v27, v25;
	v2 =	vadd.f32 v11, v2;
	v11 =	vmul.f32 v16, v26;
	v16 =	vld.idx.msk [tilespmem:v30+s16+$0x0], $0xffff  }
0x2de: {  	v23 =	vadd.s32 v0, v27;
	v4 =	vadd.f32 v17, v4;
	v17 =	vld [tilespmem:$0x1FC40]  }
0x2df: {  	v7 =	vadd.f32 v13, v7;
	v13 =	vld [tilespmem:$0x1FC20]  }
0x2e0: {  	v9 =	vmul.f32 v9, v26;
	v24 =	vor.u32 v24, v25;
	v15 =	vld.idx.msk [tilespmem:v10+s19+$0x0], $0xffff  }
0x2e1: {  	v10 =	vld.idx.msk [tilespmem:v10+s16+$0x0], $0xffff  }
0x2e2: {  	v8 =	vadd.f32 v9, v8;
	v9 =	vld.idx.msk [tilespmem:v27+s16+$0x0], $0xffff  }
0x2e3: {  	v21 =	vld.idx.msk [tilespmem:v23+s31+$0x0], $0xffff  }
0x2e4: {  	v23 =	vld [tilespmem:$0x1FC30]  }
0x2e5: {  	v6 =	vadd.f32 v28, v6;
	v19 =	vmul.f32 v19, v26;
	v5 =	vadd.f32 v12, v5;
	v12 =	vld.idx.msk [tilespmem:v24+s19+$0x0], $0xffff  }
0x2e6: {  	v3 =	vadd.f32 v11, v3;
	v11 =	vmul.f32 v20, v26;
	v17 =	vor.u32 v17, v25;
	v20 =	vld.idx.msk [tilespmem:v24+s16+$0x0], $0xffff  }
0x2e7: {  	v1 =	vadd.f32 v19, v1;
	v19 =	vmul.f32 v22, v29;
	v13 =	vor.u32 v13, v25;
	v24 =	vld [tilespmem:$0x1FC50]  }
0x2e8: {  	v6 =	vadd.f32 v11, v6;
	v11 =	vld.idx.msk [tilespmem:v27+s19+$0x0], $0xffff;
	v10 =	vmul.f32 v10, v29  }
0x2e9: {  	v5 =	vadd.f32 v19, v5;
	v19 =	vld [tilespmem:$0x1FC70];
	v14 =	vmul.f32 v14, v29  }
0x2ea: {  	v23 =	vor.u32 v23, v25;
	v3 =	vadd.f32 v10, v3;
	v10 =	vmul.f32 v16, v29;
	v16 =	vld [tilespmem:$0x1FC60]  }
0x2eb: {  	v18 =	vmul.f32 v18, v29;
	v6 =	vadd.f32 v14, v6;
	v14 =	vld.idx.msk [tilespmem:v17+s19+$0x0], $0xffff  }
0x2ec: {  	v22 =	vld.idx.msk [tilespmem:v13+s19+$0x0], $0xffff;
	v24 =	vor.u32 v24, v25  }
0x2ed: {  	v54 =	vlaneseq.u32;
	v2 =	vadd.f32 v18, v2;
	v15 =	vmul.f32 v15, v29;
	v13 =	vld.idx.msk [tilespmem:v13+s16+$0x0], $0xffff  }
0x2ee: {  	v11 =	vmul.f32 v11, v21;
	v9 =	vmul.f32 v9, v21;
	v17 =	vld.idx.msk [tilespmem:v17+s16+$0x0], $0xffff;
	v26 =	vadd.s32 v0, v24  }
0x2ef: {  	v19 =	vor.u32 v19, v25;
	v4 =	vadd.f32 v10, v4;
	v10 =	vmul.f32 v20, v29;
	v18 =	vld.idx.msk [tilespmem:v23+s19+$0x0], $0xffff  }
0x2f0: {  	v7 =	vadd.f32 v15, v7;
	v5 =	vadd.f32 v9, v5;
	v15 =	vld.idx.msk [tilespmem:v23+s16+$0x0], $0xffff;
	v16 =	vor.u32 v16, v25  }
0x2f1: {  	v12 =	vmul.f32 v12, v29;
	v1 =	vadd.f32 v10, v1;
	v23 =	vadd.s32 $0xF, v54;
	v10 =	vld.idx.msk [tilespmem:v24+s19+$0x0], $0xffff  }
0x2f2: {  	[tilespmem:$0x1F0A0] =	vst v23;
	v23 =	vor.u32 v23, v25;
	v9 =	vld.idx.msk [tilespmem:v24+s16+$0x0], $0xffff;
	v13 =	vmul.f32 v13, v21  }
0x2f3: {  	v2 =	vadd.f32 v11, v2;
	v11 =	vadd.s32 $0x6E, v54;
	v8 =	vadd.f32 v12, v8;
	v12 =	vld.idx.msk [tilespmem:v26+s31+$0x0], $0xffff  }
0x2f4: {  	[tilespmem:$0x1F090] =	vst v11;
	v11 =	vor.u32 v11, v25;
	v3 =	vadd.f32 v13, v3;
	v13 =	vld.idx.msk [tilespmem:v19+s19+$0x0], $0xffff  }
0x2f5: {  	v62 =	vsel vm0, v39, v37;
	v20 =	vmul.f32 v22, v21;
	v22 =	vld.idx.msk [tilespmem:v16+s19+$0x0], $0xffff  }
0x2f6: {  	v14 =	vmul.f32 v14, v21;
	v24 =	vadd.s32 v0, v23;
	v15 =	vmul.f32 v15, v21;
	v16 =	vld.idx.msk [tilespmem:v16+s16+$0x0], $0xffff  }
0x2f7: {  	v17 =	vmul.f32 v17, v21;
	v18 =	vmul.f32 v18, v21;
	v7 =	vadd.f32 v20, v7;
	v20 =	vld.idx.msk [tilespmem:v23+s16+$0x0], $0xffff  }
0x2f8: {  	v8 =	vadd.f32 v14, v8;
	v21 =	vadd.s32 $0x6F, v54;
	v4 =	vadd.f32 v15, v4;
	v15 =	vld.idx.msk [tilespmem:v19+s16+$0x0], $0xffff  }
0x2f9: {  	[tilespmem:$0x1F0D0] =	vst v21;
	v21 =	vor.u32 v21, v25;
	v6 =	vadd.f32 v18, v6;
	v18 =	vld.idx.msk [tilespmem:v11+s19+$0x0], $0xffff;
	v19 =	vadd.s32 $0x2F, v54  }
0x2fa: {  	v11 =	vld.idx.msk [tilespmem:v11+s16+$0x0], $0xffff;
	[tilespmem:$0x1F0B0] =	vst v19;
	v19 =	vor.u32 v19, v25;
	v10 =	vmul.f32 v10, v12  }
0x2fb: {  	[tilespmem:$0x1F320] =	vst v62;
	v1 =	vadd.f32 v17, v1;
	v17 =	vadd.s32 $0x4F, v54;
	v14 =	vld.idx.msk [tilespmem:v24+s31+$0x0], $0xffff;
	v9 =	vmul.f32 v9, v12  }
0x2fc: {  	[tilespmem:$0x1F0C0] =	vst v17;
	v24 =	vcombine.low v63, v62;
	v62 =	vld [tilespmem:$0x1FF30];
	v2 =	vadd.f32 v10, v2;
	v10 =	vor.u32 v17, v25  }
0x2fd: {  	v13 =	vmul.f32 v13, v12;
	v5 =	vadd.f32 v9, v5;
	v9 =	vld.idx.msk [tilespmem:v23+s19+$0x0], $0xffff;
	v17 =	vmul.f32 v22, v12  }
0x2fe: {  	v16 =	vmul.f32 v16, v12;
	v22 =	vor.u32 $0x10, v54;
	v60 =	vld.idx.msk [tilespmem:v21+s19+$0x0], $0xffff;
	v15 =	vmul.f32 v15, v12  }
0x2ff: {  	[tilespmem:$0x1F0E0] =	vst v22;
	v22 =	vor.u32 v22, v25;
	v7 =	vadd.f32 v17, v7;
	v17 =	vld.idx.msk [tilespmem:v19+s19+$0x0], $0xffff  }
0x300: {  	v6 =	vadd.f32 v13, v6;
	v11 =	vmul.f32 v11, v12;
	v3 =	vadd.f32 v16, v3;
	v13 =	vld.idx.msk [tilespmem:v19+s16+$0x0], $0xffff  }
0x301: {  	v16 =	vadd.s32 v0, v22;
	v4 =	vadd.f32 v15, v4;
	v15 =	vmul.f32 v18, v12;
	v12 =	vld.idx.msk [tilespmem:v10+s19+$0x0], $0xffff  }
0x302: {  	v18 =	vmul.f32 v20, v14;
	v9 =	vmul.f32 v9, v14;
	v10 =	vld.idx.msk [tilespmem:v10+s16+$0x0], $0xffff  }
0x303: {  	v8 =	vadd.f32 v15, v8;
	v15 =	vadd.f32 v11, v1;
	v11 =	vor.u32 $0x50, v54;
	v1 =	vld [tilespmem:$0x1F580]  }
0x304: {  	[tilespmem:$0x1F100] =	vst v11;
	v20 =	vor.u32 v11, v25;
	v11 =	vld [tilespmem:$0x1FCD0]  }
0x305: {  	v2 =	vadd.f32 v9, v2;
	v9 =	vadd.f32 v18, v5;
	v5 =	vld.idx.msk [tilespmem:v21+s16+$0x0], $0xffff  }
0x306: {  	v16 =	vld.idx.msk [tilespmem:v16+s31+$0x0], $0xffff  }
0x307: {  	v19 =	vor.u32 $0x30, v54;
	v17 =	vmul.f32 v17, v14;
	v18 =	vld.idx.msk [tilespmem:v22+s19+$0x0], $0xffff  }
0x308: {  	[tilespmem:$0x1F0F0] =	vst v19;
	v19 =	vor.u32 v19, v25;
	v21 =	vor.u32 $0x70, v54;
	v54 =	vld [tilespmem:$0x1FE80]  }
0x309: {  	v13 =	vmul.f32 v13, v14;
	v7 =	vadd.f32 v17, v7;
	v17 =	vld.idx.msk [tilespmem:v22+s16+$0x0], $0xffff  }
0x30a: {  	v22 =	vld [tilespmem:$0x1FCB0]  }
0x30b: {  	v13 =	vadd.f32 v13, v3;
	v3 =	vld [tilespmem:$0x1F680];
	v12 =	vmul.f32 v12, v14  }
0x30c: {  	v61 =	vmul.f32 v10, v14;
	v10 =	vmul.f32 v60, v14;
	v60 =	vld [tilespmem:$0x1FEE0]  }
0x30d: {  	[tilespmem:$0x1F110] =	vst v21;
	v21 =	vor.u32 v21, v25;
	v6 =	vadd.f32 v12, v6;
	v12 =	vld.idx.msk [tilespmem:v19+s19+$0x0], $0xffff  }
0x30e: {  	v5 =	vmul.f32 v5, v14;
	v8 =	vadd.f32 v10, v8;
	v10 =	vld.idx.msk [tilespmem:v20+s19+$0x0], $0xffff  }
0x30f: {  	v19 =	vld.idx.msk [tilespmem:v19+s16+$0x0], $0xffff  }
0x310: {  	v11 =	vsel vm0, v11, v36;
	v15 =	vadd.f32 v5, v15;
	v5 =	vld [tilespmem:$0x1FD30]  }
0x311: {  	v20 =	vld.idx.msk [tilespmem:v20+s16+$0x0], $0xffff;
	v22 =	vcombine.low v22, v11  }
0x312: {  	v32 =	vsel vm0, v42, v40;
	v18 =	vmul.f32 v18, v16;
	v23 =	vld.idx.msk [tilespmem:v21+s19+$0x0], $0xffff;
	v17 =	vmul.f32 v17, v16  }
0x313: {  	v21 =	vld.idx.msk [tilespmem:v21+s16+$0x0], $0xffff;
	[tilespmem:$0x1F120] =	vst v22;
	v22 =	vor.u32 v22, v25;
	v10 =	vmul.f32 v10, v16  }
0x314: {  	[tilespmem:$0x1F130] =	vst v24;
	v24 =	vor.u32 v24, v25;
	v2 =	vadd.f32 v18, v2;
	v18 =	vadd.f32 v17, v9;
	v9 =	vld [tilespmem:$0x1FDB0]  }
0x315: {  	[tilespmem:$0x1F350] =	vst v32;
	v41 =	vsel vm0, v54, v52;
	v26 =	vcombine.low v5, v32;
	v6 =	vadd.f32 v10, v6;
	v10 =	vld [tilespmem:$0x1FDE0]  }
0x316: {  	[tilespmem:$0x1F3C0] =	vst v41;
	v14 =	vadd.s32 v0, v22;
	v32 =	vcombine.low v43, v41;
	v41 =	vld [tilespmem:$0x1FFF0]  }
0x317: {  	v12 =	vmul.f32 v12, v16;
	v19 =	vmul.f32 v19, v16;
	[tilespmem:$0x1F140] =	vst v26;
	v27 =	vor.u32 v26, v25;
	v26 =	vld [tilespmem:$0x1FD60]  }
0x318: {  	v17 =	vld.idx.msk [tilespmem:v22+s19+$0x0], $0xffff  }
0x319: {  	v7 =	vadd.f32 v12, v7;
	v12 =	vadd.f32 v19, v13;
	v13 =	vld.idx.msk [tilespmem:v22+s16+$0x0], $0xffff  }
0x31a: {  	v22 =	vld.idx.msk [tilespmem:v24+s19+$0x0], $0xffff  }
0x31b: {  	v33 =	vsel vm0, v45, v44;
	v14 =	vld.idx.msk [tilespmem:v14+s31+$0x0], $0xffff  }
0x31c: {  	v34 =	vsel vm0, v49, v47;
	v24 =	vld.idx.msk [tilespmem:v24+s16+$0x0], $0xffff;
	v28 =	vcombine.low v26, v33  }
0x31d: {  	[tilespmem:$0x1F390] =	vst v34;
	v59 =	vsel vm0, v57, v56;
	v26 =	vld [tilespmem:$0x1FDD0]  }
0x31e: {  	[tilespmem:$0x1F3E0] =	vst v59;
	v30 =	vcombine.low v10, v34;
	v34 =	vcombine.low v60, v59;
	v59 =	vld [tilespmem:$0x1FF40];
	v19 =	vor.u32 v28, v25  }
0x31f: {  	v4 =	vadd.f32 v61, v4;
	v20 =	vmul.f32 v20, v16;
	v23 =	vmul.f32 v23, v16;
	v60 =	vld [tilespmem:$0x1FF70]  }
0x320: {  	v16 =	vmul.f32 v21, v16;
	v21 =	vld.idx.msk [tilespmem:v27+s16+$0x0], $0xffff;
	v22 =	vmul.f32 v22, v14  }
0x321: {  	v4 =	vadd.f32 v20, v4;
	v8 =	vadd.f32 v23, v8;
	v23 =	vmul.f32 v17, v14;
	v17 =	vld [tilespmem:$0x1FE30]  }
0x322: {  	v20 =	vld.idx.msk [tilespmem:v27+s19+$0x0], $0xffff;
	v7 =	vadd.f32 v22, v7;
	v22 =	vor.u32 v32, v25;
	v26 =	vsel vm0, v26, v46  }
0x323: {  	v9 =	vcombine.low v9, v26;
	v27 =	vld.idx.msk [tilespmem:v19+s19+$0x0], $0xffff  }
0x324: {  	v35 =	vsel vm0, v51, v50;
	v13 =	vmul.f32 v13, v14;
	v31 =	vld.idx.msk [tilespmem:v19+s16+$0x0], $0xffff  }
0x325: {  	[tilespmem:$0x1F150] =	vst v28;
	v2 =	vadd.f32 v23, v2;
	v23 =	vld [tilespmem:$0x1FEB0];
	v21 =	vmul.f32 v21, v14;
	v28 =	vor.u32 v9, v25  }
0x326: {  	[tilespmem:$0x1F170] =	vst v30;
	v13 =	vadd.f32 v13, v18;
	v18 =	vld [tilespmem:$0x1F600];
	v38 =	vcombine.low v17, v35  }
0x327: {  	v30 =	vor.u32 v30, v25;
	v24 =	vmul.f32 v24, v14;
	v4 =	vadd.f32 v21, v4;
	v21 =	vld.idx.msk [tilespmem:v22+s19+$0x0], $0xffff  }
0x328: {  	v20 =	vmul.f32 v20, v14;
	[tilespmem:$0x1F180] =	vst v38;
	v19 =	vor.u32 v38, v25;
	v38 =	vld [tilespmem:$0x1FF60];
	v29 =	vadd.s32 v0, v28  }
0x329: {  	v12 =	vadd.f32 v24, v12;
	v24 =	vmul.f32 v27, v14;
	v14 =	vmul.f32 v31, v14;
	v31 =	vld.idx.msk [tilespmem:v22+s16+$0x0], $0xffff  }
0x32a: {  	v43 =	vsel vm0, v48, v55;
	v15 =	vadd.f32 v16, v15;
	v16 =	vld.idx.msk [tilespmem:v28+s19+$0x0], $0xffff  }
0x32b: {  	[tilespmem:$0x1F360] =	vst v33;
	v33 =	vcombine.low v23, v43;
	v23 =	vld.idx.msk [tilespmem:v28+s16+$0x0], $0xffff  }
0x32c: {  	v28 =	vld.idx.msk [tilespmem:v30+s19+$0x0], $0xffff  }
0x32d: {  	v53 =	vor.u32 v33, v25;
	v29 =	vld.idx.msk [tilespmem:v29+s31+$0x0], $0xffff  }
0x32e: {  	[tilespmem:$0x1F1A0] =	vst v33;
	v33 =	vadd.s32 v0, v53;
	v30 =	vld.idx.msk [tilespmem:v30+s16+$0x0], $0xffff  }
0x32f: {  	v6 =	vadd.f32 v20, v6;
	v20 =	vld.idx.msk [tilespmem:v19+s16+$0x0], $0xffff  }
0x330: {  	v61 =	vsel vm0, v58, v59;
	v27 =	vld.idx.msk [tilespmem:v19+s19+$0x0], $0xffff  }
0x331: {  	[tilespmem:$0x1F1B0] =	vst v34;
	v19 =	vld [tilespmem:$0x1F5F0];
	v8 =	vadd.f32 v24, v8;
	v24 =	vor.u32 v34, v25;
	v34 =	vcombine.low v62, v61  }
0x332: {  	v62 =	vld [tilespmem:$0x1FFB0];
	v14 =	vadd.f32 v14, v15;
	v16 =	vmul.f32 v16, v29  }
0x333: {  	v33 =	vld.idx.msk [tilespmem:v33+s31+$0x0], $0xffff;
	[tilespmem:$0x1F1C0] =	vst v34;
	v23 =	vmul.f32 v23, v29;
	v15 =	vmul.f32 v28, v29  }
0x334: {  	v34 =	vor.u32 v34, v25;
	v28 =	vld.idx.msk [tilespmem:v53+s16+$0x0], $0xffff;
	v20 =	vmul.f32 v20, v29;
	v2 =	vadd.f32 v16, v2  }
0x335: {  	v16 =	vld.idx.msk [tilespmem:v53+s19+$0x0], $0xffff;
	v13 =	vadd.f32 v23, v13;
	v23 =	vmul.f32 v30, v29;
	v7 =	vadd.f32 v15, v7  }
0x336: {  	v15 =	vmul.f32 v27, v29;
	v27 =	vld.idx.msk [tilespmem:v24+s19+$0x0], $0xffff;
	v4 =	vadd.f32 v20, v4;
	v20 =	vmul.f32 v31, v29  }
0x337: {  	[tilespmem:$0x1F190] =	vst v32;
	v32 =	vor.u32 v41, v25;
	v12 =	vadd.f32 v23, v12;
	v23 =	vld.idx.msk [tilespmem:v24+s16+$0x0], $0xffff  }
0x338: {  	v24 =	vadd.s32 v0, v32;
	v14 =	vadd.f32 v20, v14;
	v20 =	vld [tilespmem:$0x1F5E0]  }
0x339: {  	v22 =	vld [tilespmem:$0x1F640];
	v6 =	vadd.f32 v15, v6;
	v15 =	vmul.f32 v21, v29  }
0x33a: {  	[tilespmem:$0x1F3B0] =	vst v35;
	v63 =	vsel vm0, v62, v60;
	v29 =	vld.idx.msk [tilespmem:v34+s16+$0x0], $0xffff  }
0x33b: {  	[tilespmem:$0x1F420] =	vst v63;
	v35 =	vcombine.low v38, v63;
	v63 =	vld [tilespmem:$0x1FFD0];
	v8 =	vadd.f32 v15, v8;
	v15 =	vmul.f32 v16, v33  }
0x33c: {  	v41 =	vsel vm0, v18, v19;
	v38 =	vld [tilespmem:$0x1F630];
	v16 =	vmul.f32 v28, v33  }
0x33d: {  	v2 =	vadd.f32 v15, v2;
	v15 =	vld.idx.msk [tilespmem:v24+s31+$0x0], $0xffff;
	v24 =	vcombine.low v20, v41  }
0x33e: {  	v31 =	vld [tilespmem:$0x1FFC0];
	v13 =	vadd.f32 v16, v13  }
0x33f: {  	v16 =	vmul.f32 v23, v33;
	[tilespmem:$0x1F1F0] =	vst v24;
	v23 =	vor.u32 v24, v25;
	v24 =	vmul.f32 v29, v33;
	v29 =	vld [tilespmem:$0x1F620]  }
0x340: {  	v21 =	vld.idx.msk [tilespmem:v34+s19+$0x0], $0xffff  }
0x341: {  	v5 =	vld [tilespmem:$0x1F670];
	v30 =	vor.u32 v35, v25  }
0x342: {  	v17 =	vld [tilespmem:$0x1F660];
	[tilespmem:$0x1F160] =	vst v9;
	v48 =	vsel vm0, v1, v63  }
0x343: {  	v9 =	vsel vm0, v3, v45;
	v45 =	vld [tilespmem:$0x1FD90];
	[tilespmem:$0x1F450] =	vst v48;
	v31 =	vcombine.low v31, v48;
	v48 =	vsel vm0, v22, v38  }
0x344: {  	v53 =	vcombine.low v29, v48;
	v29 =	vld [tilespmem:$0x1FC90]  }
0x345: {  	v20 =	vld.idx.msk [tilespmem:v32+s19+$0x0], $0xffff;
	v21 =	vmul.f32 v21, v33  }
0x346: {  	v28 =	vld.idx.msk [tilespmem:v30+s19+$0x0], $0xffff;
	[tilespmem:$0x1F1E0] =	vst v31;
	v31 =	vor.u32 v31, v25  }
0x347: {  	v27 =	vmul.f32 v27, v33;
	v6 =	vadd.f32 v21, v6;
	v21 =	vld [tilespmem:$0x1F650]  }
0x348: {  	v30 =	vld.idx.msk [tilespmem:v30+s16+$0x0], $0xffff  }
0x349: {  	v7 =	vadd.f32 v27, v7;
	v29 =	vsel vm0, v36, v29;
	v36 =	vld [tilespmem:$0x1FCA0]  }
0x34a: {  	v27 =	vld.idx.msk [tilespmem:v32+s16+$0x0], $0xffff;
	v4 =	vadd.f32 v24, v4;
	v20 =	vmul.f32 v20, v15;
	v24 =	vor.u32 v53, v25  }
0x34b: {  	v12 =	vadd.f32 v16, v12;
	v16 =	vld.idx.msk [tilespmem:v31+s19+$0x0], $0xffff  }
0x34c: {  	[tilespmem:$0x1F410] =	vst v61;
	v2 =	vadd.f32 v20, v2;
	v20 =	vld.idx.msk [tilespmem:v23+s16+$0x0], $0xffff;
	v61 =	vcombine.low v29, v21  }
0x34d: {  	[tilespmem:$0x1F200] =	vst v53;
	v21 =	vmul.f32 v28, v33;
	v28 =	vmul.f32 v30, v33;
	v29 =	vld.idx.msk [tilespmem:v31+s16+$0x0], $0xffff  }
0x34e: {  	v53 =	vsel vm0, v17, v39;
	v31 =	vld.idx.msk [tilespmem:v23+s19+$0x0], $0xffff;
	v30 =	vor.u32 v61, v25;
	v33 =	vsel vm0, v37, v36  }
0x34f: {  	v23 =	vld.idx.msk [tilespmem:v24+s19+$0x0], $0xffff;
	v8 =	vadd.f32 v21, v8;
	v21 =	vadd.f32 v28, v14;
	v28 =	vcombine.low v33, v53  }
0x350: {  	v24 =	vld.idx.msk [tilespmem:v24+s16+$0x0], $0xffff;
	v14 =	vmul.f32 v27, v15  }
0x351: {  	[tilespmem:$0x1F220] =	vst v28;
	v27 =	vor.u32 v28, v25;
	v28 =	vld [tilespmem:$0x1FD10]  }
0x352: {  	v16 =	vmul.f32 v16, v15;
	v32 =	vadd.s32 v0, v30;
	v13 =	vadd.f32 v14, v13;
	v14 =	vld [tilespmem:$0x1FD20]  }
0x353: {  	[tilespmem:$0x1F210] =	vst v61;
	v61 =	vsel vm0, v5, v42;
	v42 =	vld.idx.msk [tilespmem:v30+s19+$0x0], $0xffff  }
0x354: {  	v16 =	vadd.f32 v16, v7;
	v7 =	vmul.f32 v20, v15;
	v20 =	vld.idx.msk [tilespmem:v30+s16+$0x0], $0xffff  }
0x355: {  	v30 =	vld [tilespmem:$0x1F690]  }
0x356: {  	v10 =	vld [tilespmem:$0x1F6A0];
	v4 =	vadd.f32 v7, v4;
	v7 =	vmul.f32 v24, v15;
	v28 =	vsel vm0, v40, v28  }
0x357: {  	v39 =	vsel vm0, v44, v14;
	v37 =	vcombine.low v28, v61;
	v28 =	vmul.f32 v31, v15;
	v31 =	vld.idx.msk [tilespmem:v32+s31+$0x0], $0xffff  }
0x358: {  	v33 =	vsel vm0, v46, v45;
	v46 =	vld [tilespmem:$0x1FDA0];
	v40 =	vcombine.low v39, v9  }
0x359: {  	v29 =	vmul.f32 v29, v15;
	v21 =	vadd.f32 v7, v21;
	v7 =	vld [tilespmem:$0x1FE10]  }
0x35a: {  	v14 =	vld [tilespmem:$0x1F6C0];
	v33 =	vcombine.low v33, v30;
	v30 =	vor.u32 v40, v25  }
0x35b: {  	v12 =	vadd.f32 v29, v12;
	v29 =	vld.idx.msk [tilespmem:v27+s19+$0x0], $0xffff  }
0x35c: {  	[tilespmem:$0x1F4A0] =	vst v9;
	v9 =	vld [tilespmem:$0x1F6B0];
	v44 =	vor.u32 v37, v25;
	v20 =	vmul.f32 v20, v31  }
0x35d: {  	v23 =	vmul.f32 v23, v15;
	v27 =	vld.idx.msk [tilespmem:v27+s16+$0x0], $0xffff  }
0x35e: {  	v6 =	vadd.f32 v28, v6;
	v28 =	vor.u32 v33, v25;
	v20 =	vadd.f32 v20, v13;
	v13 =	vld [tilespmem:$0x1FE20]  }
0x35f: {  	[tilespmem:$0x1F250] =	vst v33;
	v33 =	vsel vm0, v10, v49;
	v49 =	vld.idx.msk [tilespmem:v30+s19+$0x0], $0xffff  }
0x360: {  	v8 =	vadd.f32 v23, v8;
	v50 =	vsel vm0, v50, v7;
	v15 =	vadd.s32 v0, v28;
	v30 =	vld.idx.msk [tilespmem:v30+s16+$0x0], $0xffff  }
0x361: {  	v7 =	vsel vm0, v9, v51;
	v23 =	vmul.f32 v42, v31;
	v29 =	vmul.f32 v29, v31;
	v24 =	vld.idx.msk [tilespmem:v44+s19+$0x0], $0xffff  }
0x362: {  	[tilespmem:$0x1F4E0] =	vst v7;
	v51 =	vcombine.low v50, v7;
	v7 =	vsel vm0, v14, v54;
	v34 =	vld.idx.msk [tilespmem:v44+s16+$0x0], $0xffff  }
0x363: {  	v2 =	vadd.f32 v23, v2;
	v16 =	vadd.f32 v29, v16;
	v23 =	vld.idx.msk [tilespmem:v28+s19+$0x0], $0xffff;
	v29 =	vsel vm0, v52, v13  }
0x364: {  	v32 =	vsel vm0, v47, v46;
	v42 =	vcombine.low v29, v7;
	v29 =	vld [tilespmem:$0x1FE90]  }
0x365: {  	v47 =	vcombine.low v32, v33;
	v44 =	vld [tilespmem:$0x1F6D0]  }
0x366: {  	v28 =	vld.idx.msk [tilespmem:v28+s16+$0x0], $0xffff  }
0x367: {  	[tilespmem:$0x1F240] =	vst v40;
	v27 =	vmul.f32 v27, v31;
	v40 =	vor.u32 v47, v25;
	v15 =	vld.idx.msk [tilespmem:v15+s31+$0x0], $0xffff  }
0x368: {  	v24 =	vmul.f32 v24, v31;
	v52 =	vld [tilespmem:$0x1FF10]  }
0x369: {  	[tilespmem:$0x1F4F0] =	vst v7;
	v12 =	vadd.f32 v27, v12;
	v27 =	vor.u32 v51, v25;
	v7 =	vld [tilespmem:$0x1F6E0];
	v29 =	vsel vm0, v55, v29  }
0x36a: {  	v6 =	vadd.f32 v24, v6;
	v24 =	vmul.f32 v49, v31;
	v49 =	vld [tilespmem:$0x1FEA0];
	v45 =	vcombine.low v29, v44  }
0x36b: {  	v30 =	vmul.f32 v30, v31;
	v13 =	vld [tilespmem:$0x1F6F0]  }
0x36c: {  	[tilespmem:$0x1F1D0] =	vst v35;
	v23 =	vmul.f32 v23, v15;
	v29 =	vld.idx.msk [tilespmem:v40+s19+$0x0], $0xffff;
	v35 =	vor.u32 v45, v25  }
0x36d: {  	v30 =	vadd.f32 v30, v21;
	v21 =	vmul.f32 v28, v15;
	v28 =	vadd.s32 v0, v35  }
0x36e: {  	[tilespmem:$0x1F260] =	vst v47;
	v36 =	vadd.f32 v23, v2  }
0x36f: {  	v47 =	vld.idx.msk [tilespmem:v27+s19+$0x0], $0xffff;
	v8 =	vadd.f32 v24, v8;
	v24 =	vsel vm0, v7, v57;
	v2 =	vsel vm0, v56, v49  }
0x370: {  	v34 =	vmul.f32 v34, v31;
	v27 =	vld.idx.msk [tilespmem:v27+s16+$0x0], $0xffff;
	v20 =	vadd.f32 v21, v20;
	v50 =	vcombine.low v2, v24  }
0x371: {  	v31 =	vld.idx.msk [tilespmem:v40+s16+$0x0], $0xffff;
	v2 =	vsel vm0, v59, v52;
	v21 =	vmul.f32 v29, v15;
	v29 =	vsel vm0, v13, v58  }
0x372: {  	v46 =	vor.u32 v42, v25;
	v54 =	vcombine.low v2, v29;
	v2 =	vld.idx.msk [tilespmem:v28+s31+$0x0], $0xffff  }
0x373: {  	v28 =	vld [tilespmem:$0x1FF20]  }
0x374: {  	v57 =	vld [tilespmem:$0x1FF90]  }
0x375: {  	v56 =	vld [tilespmem:$0x1FF80]  }
0x376: {  	v49 =	vld [tilespmem:$0x1F790]  }
0x377: {  	[tilespmem:$0x1F270] =	vst v51;
	v51 =	vld.idx.msk [tilespmem:v46+s19+$0x0], $0xffff  }
0x378: {  	v28 =	vsel vm0, v60, v28;
	v60 =	vld [tilespmem:$0x1F700]  }
0x379: {  	v23 =	vmul.f32 v31, v15;
	v32 =	vld.idx.msk [tilespmem:v46+s16+$0x0], $0xffff  }
0x37a: {  	v46 =	vld [tilespmem:$0x1F5D0]  }
0x37b: {  	[tilespmem:$0x1F290] =	vst v45;
	v45 =	vadd.f32 v23, v12;
	v23 =	vld [tilespmem:$0x1F750]  }
0x37c: {  	v39 =	vor.u32 v50, v25;
	v44 =	vadd.f32 v21, v16;
	v16 =	vld [tilespmem:$0x1F710]  }
0x37d: {  	v4 =	vadd.f32 v34, v4;
	v58 =	vld [tilespmem:$0x1FFA0];
	v31 =	vsel vm0, v60, v62  }
0x37e: {  	v27 =	vmul.f32 v27, v15;
	v40 =	vor.u32 v54, v25;
	v55 =	vcombine.low v28, v31;
	v28 =	vld.idx.msk [tilespmem:v35+s19+$0x0], $0xffff  }
0x37f: {  	[tilespmem:$0x1F280] =	vst v42;
	v42 =	vsel vm0, v56, v57;
	v57 =	vld [tilespmem:$0x1F610]  }
0x380: {  	v34 =	vmul.f32 v47, v15;
	v12 =	vld.idx.msk [tilespmem:v35+s16+$0x0], $0xffff;
	v21 =	vadd.f32 v27, v4;
	v4 =	vmul.f32 v51, v15  }
0x381: {  	[tilespmem:$0x1F230] =	vst v37;
	v15 =	vmul.f32 v32, v15;
	v27 =	vld.idx.msk [tilespmem:v39+s19+$0x0], $0xffff;
	v16 =	vcombine.low v42, v16  }
0x382: {  	v23 =	vsel vm0, v23, v1;
	v37 =	vld.idx.msk [tilespmem:v39+s16+$0x0], $0xffff;
	v47 =	vadd.f32 v4, v8;
	v42 =	vadd.f32 v34, v6  }
0x383: {  	v34 =	vsel vm0, v63, v58;
	v39 =	vld.idx.msk [tilespmem:v40+s19+$0x0], $0xffff;
	v32 =	vor.u32 v16, v25;
	v4 =	vmul.f32 v28, v2  }
0x384: {  	v59 =	vcombine.low v34, v23;
	v23 =	vld.idx.msk [tilespmem:v40+s16+$0x0], $0xffff;
	[tilespmem:$0x1F2D0] =	vst v16;
	v16 =	vadd.s32 v0, v32  }
0x385: {  	v8 =	vmul.f32 v12, v2;
	v40 =	vadd.f32 v4, v36;
	v36 =	vld [tilespmem:$0x1F740]  }
0x386: {  	v63 =	vld [tilespmem:$0x1F730]  }
0x387: {  	v62 =	vld [tilespmem:$0x1F720];
	v35 =	vadd.f32 v8, v20  }
0x388: {  	v52 =	vld.idx.msk [tilespmem:v32+s19+$0x0], $0xffff;
	v6 =	vor.u32 v55, v25  }
0x389: {  	[tilespmem:$0x1F550] =	vst v35;
	v35 =	vld.idx.msk [tilespmem:v16+s31+$0x0], $0xffff  }
0x38a: {  	v34 =	vadd.f32 v15, v30;
	v30 =	vcombine.low v43, v36;
	v43 =	vld [tilespmem:$0x1F770]  }
0x38b: {  	[tilespmem:$0x1F2C0] =	vst v55;
	v55 =	vld [tilespmem:$0x1F5B0]  }
0x38c: {  	[tilespmem:$0x1F2E0] =	vst v59;
	v12 =	vcombine.low v11, v62;
	v11 =	vor.u32 v59, v25;
	v59 =	vld [tilespmem:$0x1F5C0]  }
0x38d: {  	v51 =	vld.idx.msk [tilespmem:v6+s19+$0x0], $0xffff  }
0x38e: {  	v26 =	vcombine.low v26, v63;
	v20 =	vsel vm0, v19, v46;
	[tilespmem:$0x1F2F0] =	vst v12;
	v15 =	vld.idx.msk [tilespmem:v6+s16+$0x0], $0xffff  }
0x38f: {  	v28 =	vor.u32 v12, v25;
	[tilespmem:$0x1F310] =	vst v30;
	v12 =	vor.u32 v30, v25;
	v30 =	vld [tilespmem:$0x1F590];
	v6 =	vsel vm0, v43, v18  }
0x390: {  	v56 =	vcombine.low v20, v6;
	v20 =	vld.idx.msk [tilespmem:v32+s16+$0x0], $0xffff  }
0x391: {  	v16 =	vor.u32 v26, v25;
	v32 =	vmul.f32 v27, v2;
	v27 =	vld [tilespmem:$0x1F5A0]  }
0x392: {  	[tilespmem:$0x1F300] =	vst v26;
	v26 =	vadd.s32 v0, v16  }
0x393: {  	v36 =	vld [tilespmem:$0x1F7B0]  }
0x394: {  	[tilespmem:$0x1F2A0] =	vst v50;
	v58 =	vsel vm0, v38, v57;
	v8 =	vadd.s32 v0, v28;
	v4 =	vor.u32 v55, v25  }
0x395: {  	[tilespmem:$0x1F2B0] =	vst v54;
	v38 =	vld [tilespmem:$0x1F320];
	v55 =	vadd.s32 v0, v4;
	v46 =	vor.u32 v59, v25;
	v6 =	vadd.s32 v0, v12  }
0x396: {  	v54 =	vld.idx.msk [tilespmem:v11+s19+$0x0], $0xffff;
	v50 =	vor.u32 v30, v25;
	v62 =	vor.u32 v27, v25;
	v27 =	vsel vm0, v49, v22  }
0x397: {  	v43 =	vadd.s32 v0, v50;
	v49 =	vadd.s32 v0, v62;
	v63 =	vcombine.low v58, v27;
	v27 =	vld.idx.msk [tilespmem:v26+s31+$0x0], $0xffff  }
0x398: {  	[tilespmem:$0x1F330] =	vst v56;
	v26 =	vadd.s32 v0, v46;
	v0 =	vsel vm0, v36, v17;
	v36 =	vor.u32 v56, v25;
	v56 =	vld [tilespmem:$0x1F7D0]  }
0x399: {  	v11 =	vld.idx.msk [tilespmem:v11+s16+$0x0], $0xffff  }
0x39a: {  	v8 =	vld.idx.msk [tilespmem:v8+s31+$0x0], $0xffff  }
0x39b: {  	v30 =	vld [tilespmem:$0x1F4F0]  }
0x39c: {  	v6 =	vld.idx.msk [tilespmem:v6+s31+$0x0], $0xffff  }
0x39d: {  	v1 =	vsel vm0, v56, v5;
	v5 =	vld [tilespmem:$0x1F350]  }
0x39e: {  	v22 =	vld.idx.msk [tilespmem:v16+s19+$0x0], $0xffff  }
0x39f: {  	v16 =	vld.idx.msk [tilespmem:v16+s16+$0x0], $0xffff  }
0x3a0: {  	v58 =	vld.idx.msk [tilespmem:v43+s31+$0x0], $0xffff  }
0x3a1: {  	v43 =	vld.idx.msk [tilespmem:v55+s31+$0x0], $0xffff  }
0x3a2: {  	v57 =	vcombine.low v5, v1;
	v5 =	vld [tilespmem:$0x1F7F0]  }
0x3a3: {  	v44 =	vadd.f32 v32, v44;
	[tilespmem:$0x1F340] =	vst v63;
	v32 =	vor.u32 v63, v25;
	v63 =	vmul.f32 v39, v2;
	v39 =	vld [tilespmem:$0x1F360]  }
0x3a4: {  	v55 =	vld [tilespmem:$0x1F390]  }
0x3a5: {  	v56 =	vld [tilespmem:$0x1F830]  }
0x3a6: {  	v59 =	vcombine.low v38, v0;
	v1 =	vadd.f32 v63, v42;
	v42 =	vld [tilespmem:$0x1F810]  }
0x3a7: {  	v0 =	vmul.f32 v37, v2;
	[tilespmem:$0x1F380] =	vst v57;
	v37 =	vor.u32 v57, v25;
	v57 =	vld [tilespmem:$0x1F3B0];
	v3 =	vsel vm0, v5, v3  }
0x3a8: {  	[tilespmem:$0x1F370] =	vst v59;
	v5 =	vcombine.low v39, v3;
	v39 =	vor.u32 v59, v25;
	v59 =	vld [tilespmem:$0x1F850]  }
0x3a9: {  	v63 =	vld [tilespmem:$0x1F3C0]  }
0x3aa: {  	v17 =	vld.idx.msk [tilespmem:v28+s19+$0x0], $0xffff  }
0x3ab: {  	v28 =	vld.idx.msk [tilespmem:v28+s16+$0x0], $0xffff  }
0x3ac: {  	v0 =	vadd.f32 v0, v45;
	v9 =	vsel vm0, v56, v9;
	v56 =	vld [tilespmem:$0x1F870];
	v45 =	vsel vm0, v42, v10  }
0x3ad: {  	v42 =	vcombine.low v55, v45;
	v45 =	vcombine.low v57, v9;
	v9 =	vsel vm0, v59, v14;
	v59 =	vld [tilespmem:$0x1F3E0]  }
0x3ae: {  	v38 =	vcombine.low v63, v9;
	v63 =	vld [tilespmem:$0x1F890]  }
0x3af: {  	v49 =	vld.idx.msk [tilespmem:v49+s31+$0x0], $0xffff  }
0x3b0: {  	v26 =	vld.idx.msk [tilespmem:v26+s31+$0x0], $0xffff  }
0x3b1: {  	v10 =	vmul.f32 v51, v2;
	v51 =	vld.idx.msk [tilespmem:v32+s19+$0x0], $0xffff;
	v57 =	vsel vm0, v56, v7  }
0x3b2: {  	[tilespmem:$0x1F3D0] =	vst v42;
	v9 =	vor.u32 v42, v25;
	v42 =	vmul.f32 v52, v35;
	v57 =	vcombine.low v59, v57;
	v59 =	vld [tilespmem:$0x1F410]  }
0x3b3: {  	v47 =	vadd.f32 v10, v47;
	[tilespmem:$0x1F400] =	vst v38;
	v10 =	vor.u32 v38, v25;
	v38 =	vsel vm0, v63, v13;
	v63 =	vld [tilespmem:$0x1F8B0]  }
0x3b4: {  	v56 =	vadd.f32 v42, v40;
	v42 =	vld [tilespmem:$0x1F420]  }
0x3b5: {  	v32 =	vld.idx.msk [tilespmem:v32+s16+$0x0], $0xffff  }
0x3b6: {  	v3 =	vld.idx.msk [tilespmem:v36+s19+$0x0], $0xffff  }
0x3b7: {  	v36 =	vld.idx.msk [tilespmem:v36+s16+$0x0], $0xffff;
	v59 =	vcombine.low v59, v38  }
0x3b8: {  	v19 =	vmul.f32 v54, v35;
	v7 =	vld [tilespmem:$0x1F450];
	[tilespmem:$0x1F3A0] =	vst v5;
	v38 =	vsel vm0, v63, v60  }
0x3b9: {  	v5 =	vor.u32 v5, v25;
	v60 =	vcombine.low v42, v38;
	[tilespmem:$0x1F440] =	vst v59;
	v42 =	vor.u32 v59, v25;
	v59 =	vld [tilespmem:$0x1F760]  }
0x3ba: {  	v19 =	vadd.f32 v19, v44;
	v44 =	vmul.f32 v51, v35;
	v18 =	vld.idx.msk [tilespmem:v39+s19+$0x0], $0xffff  }
0x3bb: {  	v52 =	vld.idx.msk [tilespmem:v37+s19+$0x0], $0xffff  }
0x3bc: {  	v47 =	vadd.f32 v44, v47;
	v44 =	vld [tilespmem:$0x1F7A0]  }
0x3bd: {  	[tilespmem:$0x1F3F0] =	vst v45;
	v45 =	vor.u32 v45, v25;
	v37 =	vld.idx.msk [tilespmem:v37+s16+$0x0], $0xffff  }
0x3be: {  	v3 =	vmul.f32 v3, v35;
	v54 =	vld.idx.msk [tilespmem:v5+s19+$0x0], $0xffff;
	v59 =	vcombine.low v7, v59  }
0x3bf: {  	v23 =	vmul.f32 v23, v2;
	v2 =	vmul.f32 v15, v2;
	v63 =	vld [tilespmem:$0x1F780]  }
0x3c0: {  	v1 =	vadd.f32 v3, v1;
	v3 =	vmul.f32 v17, v8;
	[tilespmem:$0x1F470] =	vst v59;
	v17 =	vor.u32 v59, v25;
	v59 =	vld [tilespmem:$0x1F7C0]  }
0x3c1: {  	v5 =	vld.idx.msk [tilespmem:v5+s16+$0x0], $0xffff  }
0x3c2: {  	v2 =	vadd.f32 v2, v34;
	v51 =	vld.idx.msk [tilespmem:v45+s19+$0x0], $0xffff  }
0x3c3: {  	v34 =	vld [tilespmem:$0x1F9B0];
	[tilespmem:$0x1F460] =	vst v60;
	v38 =	vor.u32 v60, v25;
	v60 =	vcombine.low v48, v44;
	v44 =	vmul.f32 v18, v8  }
0x3c4: {  	v7 =	vld [tilespmem:$0x1F4A0]  }
0x3c5: {  	v41 =	vcombine.low v41, v63;
	v63 =	vcombine.low v53, v59;
	v59 =	vadd.f32 v44, v19;
	v44 =	vld [tilespmem:$0x1F800]  }
0x3c6: {  	v21 =	vadd.f32 v23, v21;
	v23 =	vld.idx.msk [tilespmem:v45+s16+$0x0], $0xffff  }
0x3c7: {  	v55 =	vld.idx.msk [tilespmem:v9+s19+$0x0], $0xffff  }
0x3c8: {  	[tilespmem:$0x1F490] =	vst v60;
	v18 =	vor.u32 v60, v25;
	v60 =	vld [tilespmem:$0x1F7E0]  }
0x3c9: {  	v13 =	vld [tilespmem:$0x1F860]  }
0x3ca: {  	[tilespmem:$0x1F560] =	vst v0;
	v0 =	vcombine.low v7, v44;
	v7 =	vld [tilespmem:$0x1F820]  }
0x3cb: {  	v22 =	vmul.f32 v22, v27;
	v3 =	vadd.f32 v3, v56;
	v9 =	vld.idx.msk [tilespmem:v9+s16+$0x0], $0xffff  }
0x3cc: {  	[tilespmem:$0x1F430] =	vst v57;
	v40 =	vor.u32 v57, v25;
	v57 =	vld.idx.msk [tilespmem:v10+s19+$0x0], $0xffff  }
0x3cd: {  	v3 =	vadd.f32 v22, v3;
	v22 =	vmul.f32 v51, v27;
	v51 =	vld [tilespmem:$0x1F840];
	v61 =	vcombine.low v61, v60  }
0x3ce: {  	v52 =	vmul.f32 v52, v8;
	v48 =	vld.idx.msk [tilespmem:v12+s19+$0x0], $0xffff  }
0x3cf: {  	[tilespmem:$0x1F4C0] =	vst v61;
	v14 =	vor.u32 v61, v25;
	v61 =	vcombine.low v33, v7;
	v7 =	vld [tilespmem:$0x1F4E0]  }
0x3d0: {  	v1 =	vadd.f32 v52, v1;
	v52 =	vld.idx.msk [tilespmem:v50+s19+$0x0], $0xffff  }
0x3d1: {  	v10 =	vld.idx.msk [tilespmem:v10+s16+$0x0], $0xffff  }
0x3d2: {  	v56 =	vld.idx.msk [tilespmem:v40+s19+$0x0], $0xffff;
	v19 =	vmul.f32 v54, v8  }
0x3d3: {  	v55 =	vmul.f32 v55, v27;
	v45 =	vld.idx.msk [tilespmem:v40+s16+$0x0], $0xffff;
	v48 =	vmul.f32 v48, v6  }
0x3d4: {  	v40 =	vld [tilespmem:$0x1F9E0];
	v47 =	vadd.f32 v19, v47;
	[tilespmem:$0x1F4D0] =	vst v0;
	v19 =	vor.u32 v0, v25;
	v0 =	vcombine.low v7, v51  }
0x3d5: {  	v57 =	vmul.f32 v57, v27;
	v52 =	vmul.f32 v52, v58;
	v12 =	vld.idx.msk [tilespmem:v12+s16+$0x0], $0xffff;
	v48 =	vadd.f32 v48, v3  }
0x3d6: {  	v7 =	vadd.f32 v55, v59;
	v59 =	vadd.f32 v22, v1;
	[tilespmem:$0x1F510] =	vst v0;
	v22 =	vor.u32 v0, v25;
	v0 =	vld [tilespmem:$0x1F880]  }
0x3d7: {  	v48 =	vadd.f32 v52, v48;
	v52 =	vld.idx.msk [tilespmem:v46+s19+$0x0], $0xffff  }
0x3d8: {  	v47 =	vadd.f32 v57, v47;
	v57 =	vld [tilespmem:$0x1F8C0]  }
0x3d9: {  	[tilespmem:$0x1F480] =	vst v41;
	v41 =	vor.u32 v41, v25;
	v53 =	vld.idx.msk [tilespmem:v42+s19+$0x0], $0xffff  }
0x3da: {  	v54 =	vld.idx.msk [tilespmem:v38+s19+$0x0], $0xffff;
	v44 =	vor.u32 v63, v25  }
0x3db: {  	v0 =	vcombine.low v24, v0;
	v24 =	vld [tilespmem:$0x1F8A0]  }
0x3dc: {  	v60 =	vld.idx.msk [tilespmem:v17+s19+$0x0], $0xffff  }
0x3dd: {  	v3 =	vcombine.low v31, v57;
	v31 =	vld.idx.msk [tilespmem:v4+s19+$0x0], $0xffff  }
0x3de: {  	[tilespmem:$0x1F4B0] =	vst v63;
	v63 =	vcombine.low v30, v13;
	v33 =	vld.idx.msk [tilespmem:v41+s19+$0x0], $0xffff;
	v13 =	vor.u32 v61, v25  }
0x3df: {  	[tilespmem:$0x1F500] =	vst v61;
	v61 =	vld.idx.msk [tilespmem:v44+s19+$0x0], $0xffff  }
0x3e0: {  	[tilespmem:$0x1F520] =	vst v63;
	v30 =	vor.u32 v63, v25;
	v51 =	vld.idx.msk [tilespmem:v18+s19+$0x0], $0xffff;
	v63 =	vcombine.low v29, v24  }
0x3e1: {  	v56 =	vmul.f32 v56, v6;
	v55 =	vld.idx.msk [tilespmem:v62+s19+$0x0], $0xffff  }
0x3e2: {  	v1 =	vld.idx.msk [tilespmem:v14+s19+$0x0], $0xffff;
	v24 =	vor.u32 v0, v25  }
0x3e3: {  	v54 =	vmul.f32 v54, v6;
	v56 =	vadd.f32 v56, v7;
	v57 =	vld.idx.msk [tilespmem:v13+s19+$0x0], $0xffff;
	v7 =	vor.u32 v63, v25  }
0x3e4: {  	v53 =	vmul.f32 v53, v6;
	v29 =	vld.idx.msk [tilespmem:v19+s19+$0x0], $0xffff;
	[tilespmem:$0x1F540] =	vst v63;
	v63 =	vmov v3;
	v3 =	vor.u32 v3, v25  }
0x3e5: {  	v47 =	vadd.f32 v54, v47;
	[tilespmem:$0x1F530] =	vst v0;
	v0 =	vmul.f32 v60, v58;
	v25 =	vld.idx.msk [tilespmem:v22+s19+$0x0], $0xffff  }
0x3e6: {  	v33 =	vmul.f32 v33, v58;
	v53 =	vadd.f32 v53, v59;
	v51 =	vmul.f32 v51, v58;
	v60 =	vld.idx.msk [tilespmem:v30+s19+$0x0], $0xffff  }
0x3e7: {  	v31 =	vmul.f32 v31, v43;
	v54 =	vadd.f32 v0, v56;
	v0 =	vmul.f32 v55, v49;
	v55 =	vld.idx.msk [tilespmem:v24+s19+$0x0], $0xffff  }
0x3e8: {  	v33 =	vadd.f32 v33, v53;
	v1 =	vmul.f32 v1, v49;
	v47 =	vadd.f32 v51, v47;
	v59 =	vld.idx.msk [tilespmem:v7+s19+$0x0], $0xffff  }
0x3e9: {  	v51 =	vmul.f32 v61, v49;
	v48 =	vadd.f32 v0, v48;
	v29 =	vmul.f32 v29, v49;
	v0 =	vld.idx.msk [tilespmem:v3+s19+$0x0], $0xffff  }
0x3ea: {  	v17 =	vld.idx.msk [tilespmem:v17+s16+$0x0], $0xffff;
	v33 =	vadd.f32 v1, v33;
	v1 =	vmul.f32 v57, v43;
	v25 =	vmul.f32 v25, v43  }
0x3eb: {  	v18 =	vld.idx.msk [tilespmem:v18+s16+$0x0], $0xffff;
	v51 =	vadd.f32 v51, v54;
	v54 =	vmul.f32 v60, v43;
	v29 =	vadd.f32 v29, v47  }
0x3ec: {  	v31 =	vadd.f32 v31, v48;
	v25 =	vadd.f32 v25, v33;
	v33 =	vld.idx.msk [tilespmem:v39+s16+$0x0], $0xffff;
	v39 =	vmul.f32 v52, v26  }
0x3ed: {  	v47 =	vadd.f32 v1, v51;
	v29 =	vadd.f32 v54, v29;
	v51 =	vmul.f32 v55, v26;
	v55 =	vld [tilespmem:$0x1F550]  }
0x3ee: {  	v48 =	vmul.f32 v59, v26;
	v15 =	vadd.f32 v39, v31;
	v39 =	vld [tilespmem:$0x1F560];
	v60 =	vmul.f32 v0, v26  }
0x3ef: {  	v11 =	vmul.f32 v11, v35;
	v14 =	vld.idx.msk [tilespmem:v14+s16+$0x0], $0xffff;
	v31 =	vadd.f32 v51, v47  }
0x3f0: {  	v20 =	vmul.f32 v20, v35;
	v13 =	vld.idx.msk [tilespmem:v13+s16+$0x0], $0xffff;
	v25 =	vadd.f32 v48, v25;
	v29 =	vadd.f32 v60, v29  }
0x3f1: {  	v28 =	vmul.f32 v28, v8;
	v5 =	vmul.f32 v5, v8;
	v61 =	vld [tilespmem:$0x1FA50]  }
0x3f2: {  	[tilespmem:$0x1F570] =	vst v4;
	v57 =	vld [tilespmem:$0x1FA30];
	v53 =	vmax.f32 v15, v31;
	v4 =	vadd.f32 v20, v55;
	v54 =	vmax.f32 v25, v29  }
0x3f3: {  	v56 =	vld [tilespmem:$0x1FA20];
	v0 =	vadd.f32 v11, v39;
	v11 =	vmul.f32 v32, v35;
	v20 =	vmax.f32 v53, v54  }
0x3f4: {  	v9 =	vmul.f32 v9, v27;
	v7 =	vld.idx.msk [tilespmem:v7+s16+$0x0], $0xffff;
	v60 =	vmul.f32 v36, v35;
	v15 =	vsub.f32 v15, v20  }
0x3f5: {  	v3 =	vld.idx.msk [tilespmem:v3+s16+$0x0], $0xffff;
	v31 =	vsub.f32 v31, v20;
	v2 =	vadd.f32 v11, v2;
	v11 =	vmul.f32 v33, v8  }
0x3f6: {  	v47 =	vld.idx.msk [tilespmem:v42+s16+$0x0], $0xffff;
	v4 =	vadd.f32 v28, v4;
	v28 =	vmul.f32 v37, v8;
	v21 =	vadd.f32 v60, v21  }
0x3f7: {  	v8 =	vld.idx.msk [tilespmem:v50+s16+$0x0], $0xffff;
	v15 =	vmul.f32 $1.442695020e+00, v15;
	v31 =	vmul.f32 $1.442695020e+00, v31;
	v0 =	vadd.f32 v11, v0  }
0x3f8: {  	v50 =	vld [tilespmem:$0x1F570];
	v11 =	vadd.f32 v28, v21;
	v2 =	vadd.f32 v5, v2;
	v5 =	vmul.f32 v16, v27  }
0x3f9: {  	v16 =	vld.idx.msk [tilespmem:v41+s16+$0x0], $0xffff;
	v21 =	vmul.f32 v23, v27;
	(erf) = vpow2.f32 v15;
	v15 =	vsub.f32 v25, v20  }
0x3fa: {  	v48 =	vld.idx.msk [tilespmem:v38+s16+$0x0], $0xffff;
	v20 =	vsub.f32 v29, v20;
	v4 =	vadd.f32 v5, v4;
	v5 =	vmul.f32 v10, v27  }
0x3fb: {  	v59 =	vld [tilespmem:$0x1FA40];
	v0 =	vadd.f32 v9, v0;
	(erf) = vpow2.f32 v31;
	v15 =	vmul.f32 $1.442695020e+00, v15  }
0x3fc: {  	v42 =	vld [tilespmem:$0x1F9F0];
	v9 =	vmul.f32 v12, v6;
	v2 =	vadd.f32 v5, v2;
	v5 =	vmul.f32 v45, v6  }
0x3fd: {  	v51 =	vld.idx.msk [tilespmem:v30+s16+$0x0], $0xffff;
	v11 =	vadd.f32 v21, v11;
	(erf) = vpow2.f32 v15;
	v15 =	vmul.f32 $1.442695020e+00, v20  }
0x3fe: {  	v10 =	vld.idx.msk [tilespmem:v62+s16+$0x0], $0xffff;
	v4 =	vadd.f32 v9, v4;
	v9 =	vmul.f32 v47, v6;
	v16 =	vmul.f32 v16, v58  }
0x3ff: {  	v12 =	vld.idx.msk [tilespmem:v44+s16+$0x0], $0xffff;
	v0 =	vadd.f32 v5, v0;
	v5 =	vmul.f32 v48, v6;
	(erf) = vpow2.f32 v15  }
0x400: {  	v6 =	vmul.f32 v8, v58;
	v9 =	vadd.f32 v9, v11;
	v15 =	vld.idx.msk [tilespmem:v19+s16+$0x0], $0xffff  }
0x401: {  	v8 =	vld.idx.msk [tilespmem:v50+s16+$0x0], $0xffff;
	v11 =	vmul.f32 v17, v58;
	v2 =	vadd.f32 v5, v2  }
0x402: {  	v4 =	vadd.f32 v6, v4;
	v5 =	vmul.f32 v18, v58;
	v6 =	vld.idx.msk [tilespmem:v22+s16+$0x0], $0xffff;
	v9 =	vadd.f32 v16, v9  }
0x403: {  	v10 =	vmul.f32 v10, v49;
	v0 =	vadd.f32 v11, v0;
	v11 =	vld.idx.msk [tilespmem:v46+s16+$0x0], $0xffff;
	v16 =	vpop (erf)  }
0x404: {  	v2 =	vadd.f32 v5, v2;
	v5 =	vmul.f32 v12, v49;
	v12 =	vmul.f32 v14, v49;
	v14 =	vld.idx.msk [tilespmem:v24+s16+$0x0], $0xffff;
	v17 =	vpop (erf)  }
0x405: {  	v38 =	vld [tilespmem:$0x1F9D0];
	v4 =	vadd.f32 v10, v4;
	v10 =	vmul.f32 v15, v49;
	v15 =	vadd.f32 v17, v16  }
0x406: {  	v55 =	vld [tilespmem:$0x1FA60];
	v8 =	vmul.f32 v8, v43;
	v0 =	vadd.f32 v5, v0;
	v5 =	vadd.f32 v12, v9;
	v9 =	vpop (erf)  }
0x407: {  	v36 =	vld [tilespmem:$0x1F9C0];
	v2 =	vadd.f32 v10, v2;
	v10 =	vmul.f32 v13, v43;
	v12 =	vadd.f32 v15, v9  }
0x408: {  	v39 =	vld [tilespmem:$0x1F980];
	v4 =	vadd.f32 v8, v4;
	v6 =	vmul.f32 v6, v43;
	v8 =	vmul.f32 v11, v26;
	v11 =	vpop (erf)  }
0x409: {  	v32 =	vld [tilespmem:$0x1F9A0];
	v0 =	vadd.f32 v10, v0;
	v10 =	vmul.f32 v14, v26;
	v12 =	vadd.f32 v12, v11  }
0x40a: {  	v1 =	vmul.f32 v51, v43;
	v27 =	vld [tilespmem:$0x1F970];
	v5 =	vadd.f32 v6, v5;
	v4 =	vadd.f32 v8, v4  }
0x40b: {  	v62 =	vld [tilespmem:s28+$0x0];
	v6 =	vmul.f32 v7, v26;
	v0 =	vadd.f32 v10, v0;
	(erf) = vrcp.f32 v12  }
0x40c: {  	v52 =	vmul.f32 v3, v26;
	v31 =	vld [tilespmem:$0x1F990];
	v1 =	vadd.f32 v1, v2  }
0x40d: {  	v50 =	vld [tilespmem:$0x1FA10];
	v53 =	vadd.f32 v6, v5;
	v4 =	vmul.f32 v16, v4;
	v0 =	vmul.f32 v17, v0  }
0x40e: {  	v19 =	vld [tilespmem:$0x1F950]  }
0x40f: {  	v18 =	vld [tilespmem:$0x1F940];
	v1 =	vadd.f32 v52, v1;
	v54 =	vmul.f32 v9, v53;
	v0 =	vadd.f32 v0, v4  }
0x410: {  	v22 =	vld [tilespmem:$0x1F960]  }
0x411: {  	v58 =	vld [tilespmem:s29+$0x0];
	v1 =	vmul.f32 v11, v1;
	v0 =	vadd.f32 v0, v54  }
0x412: {  	v13 =	vld [tilespmem:$0x1F910]  }
0x413: {  	v43 =	vld [tilespmem:$0x1FA00];
	v0 =	vadd.f32 v0, v1  }
0x414: {  	v8 =	vld [tilespmem:$0x1FFE0];
	v60 =	vpop (erf)  }
0x415: {  	v14 =	vld [tilespmem:$0x1FC80];
	v0 =	vmul.f32 v60, v0  }
0x416: {  	p0 =	sne.s32 s25, $0x30;
	v16 =	vld [tilespmem:$0x1F920]  }
.Ltmp3:
0x417: {  	v10 =	vld [tilespmem:$0x1F8E0];
	v0 =	vadd.f32 v0, v58;
	(pc) =	sbr.rel @p0 .LBB2_5-.Ltmp3, $4  }
0x418: {  	v9 =	vld [tilespmem:$0x1F8D0]  }
0x419: {  	v12 =	vld [tilespmem:$0x1F900];
	v0 =	vadd.f32 v0, v62  }
0x41a: {  	s0 =	sadd.s32 $0x10, s25;
	s8 =	sadd.s32 $0x10, s29;
	vm12 =	vmmov vm13;
	v17 =	vld [tilespmem:$0x1F930]  }
0x41b: {  	s6 =	sadd.s32 $0x10, s30;
	s1 =	sadd.s32 $0x10, s26;
	s9 =	sadd.s32 $0x10, s28;
	vm11 =	vmmov vm4;
	v7 =	vimm.s32 $0x0;
	v6 =	vlaneseq.u32;
	v11 =	vld [tilespmem:$0x1F8F0];
	[tilespmem:s26+$0x0] =	vst v0  }
0x41c: {  	s0 =	rddreg [dreg:$0xf]  }
0x41d: {  	s4 =	rddreg [dreg:$0x17]  }
0x41e: {  	s3 =	rddreg [dreg:$0x2];
	p0 =	seq.s32 s0, $0x3  }
0x41f: {  	s0 =	sadd.s32 @!p0 $0x80, s4;
	s1 =	simm.s32 @!p0 $0x40;
	s2 =	simm.s32 @!p0 $0xC00  }
0x420: {  	[tilespmem:s2], [sflag:$0x2] =	stream.indirect.gather @!p0 [hbm4b:s3+s1], $0x80, s0, s1, $0xb8;
	[tilespmem:$0xCC00] =	vst v63  }
0x421: {  	s31 =	simm.s32 $0x3;
	s2 =	simm.s32 @!p0 $0x4C00;
	s3 =	rddreg [dreg:$0x3]  }
0x422: {  	[tilespmem:s2], [sflag:$0x2] =	stream.indirect.gather @!p0 [hbm4b:s3+s1], $0x80, s0, s1, $0xb8;
	[tilespmem:$0xCC00] =	vst v63  }
0x423: {  	s0 =	sadd.s32 @!p0 $0x480, s4;
	s2 =	simm.s32 @!p0 $0x8C00;
	s3 =	rddreg [dreg:$0x7]  }
0x424: {  	[tilespmem:s2], [sflag:$0x2] =	stream.indirect.gather @!p0 [hbm4b:s3+s1], $0x80, s0, s1, $0xb8;
	[tilespmem:$0xCC00] =	vst v63  }
0x425: {  	_ =	swait.ge [sflag:s31], $0x2000  }
0x426: {  	[sflag:s31] =	ssyncset.done $0x0  }
0x427: {  	[sflag:s31] =	ssyncadd.s32 $0xFFFFE000  }
0x428: {  	_ =	swait.ge [sflag:s31], $0x2000  }
0x429: {  	[sflag:s31] =	ssyncset.done $0x0  }
0x42a: {  	[sflag:s31] =	ssyncadd.s32 $0xFFFFE000  }
0x42b: {  	_ =	swait.ge [sflag:s31], $0x2000  }
0x42c: {  	s1 =	rddreg [dreg:$0x16]  }
0x42d: {  	s2 =	rddreg [dreg:$0x15]  }
0x42e: {  	s19 =	simm.s32 $0x2C00;
	[sflag:s31] =	ssyncset.done $0x0;
	s16 =	rddreg [dreg:$0x14]  }
0x42f: {  	s0 =	simm.s32 $0x0;
	s4 =	rddreg [dreg:$0x13];
	[tilespmem:$0x1F080] =	vst v63;
	[sflag:s31] =	ssyncadd.s32 $0xFFFFE000  }
.LBB2_7:
0x430: {  	v1 =	vld [tilespmem:s4+$0x0];
	_ =	sdelay $0x4  }
0x431: {  	(v2sf) =	vpush v1, $0xD;
	_ =	sdelay $0x1  }
0x432: {  	(v2sf) =	vpush v1, $0xC;
	_ =	sdelay $0x1  }
0x433: {  	(v2sf) =	vpush v1, $0xE;
	_ =	sdelay $0x1  }
0x434: {  	(v2sf) =	vpush v1, $0xF;
	_ =	sdelay $0x1  }
0x435: {  	(v2sf) =	vpush v1, $0x9;
	_ =	sdelay $0x1  }
0x436: {  	(v2sf) =	vpush v1, $0x8  }
0x437: {  	(v2sf) =	vpush v1, $0xA  }
0x438: {  	(v2sf) =	vpush v1, $0xB;
	_ =	sdelay $0x1  }
0x439: {  	(v2sf) =	vpush v1, $0x0  }
0x43a: {  	s26 =	spop (v2sf)  }
0x43b: {  	[dreg:$0x1d] =	wrdreg s0;
	(v2sf) =	vpush v1, $0x1;
	s28 =	smulhi.u32 $0x5397829D, s26;
	s0 =	sshra.s32 s26, $0x1F  }
0x43c: {  	s31 =	spop (v2sf);
	s0 =	smul.u32 $0x5397829D, s0  }
0x43d: {  	[dreg:$0x1f] =	wrdreg s2;
	(v2sf) =	vpush v1, $0x2;
	s3 =	smulhi.u32 $0x5397829D, s31;
	s2 =	sshra.s32 s31, $0x1F  }
0x43e: {  	s6 =	spop (v2sf);
	s2 =	smul.u32 $0x5397829D, s2  }
0x43f: {  	(v2sf) =	vpush v1, $0x3;
	s8 =	smulhi.u32 $0x5397829D, s6;
	s6 =	sshra.s32 s6, $0x1F  }
0x440: {  	(v2sf) =	vpush v1, $0x4;
	s7 =	spop (v2sf);
	s12 =	smul.u32 $0x5397829D, s6  }
0x441: {  	[smem:$0x7DC] =	sst s4;
	(v2sf) =	vpush v1, $0x5;
	s13 =	smulhi.u32 $0x5397829D, s7;
	s7 =	sshra.s32 s7, $0x1F  }
0x442: {  	(v2sf) =	vpush v1, $0x6;
	s9 =	spop (v2sf);
	s7 =	smul.u32 $0x5397829D, s7  }
0x443: {  	[dreg:$0x1e] =	wrdreg s1;
	(v2sf) =	vpush v1, $0x7;
	s14 =	smulhi.u32 $0x5397829D, s9;
	s9 =	sshra.s32 s9, $0x1F  }
0x444: {  	s1 =	sadd.s32 s0, s28;
	s5 =	spop (v2sf);
	s9 =	smul.u32 $0x5397829D, s9  }
0x445: {  	s10 =	spop (v2sf);
	s21 =	smulhi.u32 $0x5397829D, s5;
	s6 =	sshra.s32 s5, $0x1F  }
0x446: {  	s4 =	sadd.s32 s12, s8;
	s15 =	spop (v2sf);
	s23 =	smul.u32 $0x5397829D, s6  }
0x447: {  	s26 =	smulhi.u32 $0x5397829D, s10;
	s11 =	sshra.s32 s10, $0x1F;
	s6 =	sadd.s32 s2, s3  }
0x448: {  	s0 =	sadd.s32 s7, s13;
	s17 =	spop (v2sf);
	s5 =	smul.u32 $0x5397829D, s11  }
0x449: {  	s29 =	smulhi.u32 $0x5397829D, s15;
	s15 =	sshra.s32 s15, $0x1F;
	s31 =	sshrl.u32 s6, $0x1F  }
0x44a: {  	s13 =	sshrl.u32 s0, $0x1F;
	s18 =	spop (v2sf);
	s15 =	smul.u32 $0x5397829D, s15  }
0x44b: {  	s2 =	smulhi.u32 $0x5397829D, s17;
	s24 =	sshra.s32 s17, $0x1F;
	s17 =	sshrl.u32 s1, $0x1F  }
0x44c: {  	s1 =	sshra.s32 s1, $0xD;
	s22 =	spop (v2sf);
	s3 =	smul.u32 $0x5397829D, s24  }
0x44d: {  	s8 =	smulhi.u32 $0x5397829D, s18;
	s28 =	sshra.s32 s18, $0x1F;
	s24 =	sadd.s32 s9, s14  }
0x44e: {  	s14 =	sadd.s32 s5, s26;
	s25 =	spop (v2sf);
	s7 =	smul.u32 $0x5397829D, s28  }
0x44f: {  	s9 =	smulhi.u32 $0x5397829D, s22;
	s22 =	sshra.s32 s22, $0x1F;
	s30 =	spop (v2sf)  }
0x450: {  	s28 =	sadd.s32 s23, s21;
	s23 =	smul.u32 $0x5397829D, s22;
	s11 =	spop (v2sf)  }
0x451: {  	s5 =	smulhi.u32 $0x5397829D, s25;
	s25 =	sshra.s32 s25, $0x1F;
	s10 =	spop (v2sf)  }
0x452: {  	s12 =	sadd.s32 s15, s29;
	s15 =	smul.u32 $0x5397829D, s25;
	s26 =	spop (v2sf)  }
0x453: {  	s2 =	sadd.s32 s3, s2;
	s3 =	smulhi.u32 $0x5397829D, s26;
	s22 =	sshra.s32 s26, $0x1F  }
0x454: {  	s18 =	sshrl.u32 s4, $0x1F;
	s7 =	sadd.s32 s7, s8;
	s8 =	smul.u32 $0x5397829D, s22  }
0x455: {  	s29 =	smulhi.u32 $0x5397829D, s30;
	s9 =	sadd.s32 s23, s9;
	s23 =	sshra.s32 s30, $0x1F  }
0x456: {  	v2 =	vmov s31;
	s21 =	sshrl.u32 s12, $0x1F;
	s22 =	smul.u32 $0x5397829D, s23;
	s23 =	sadd.s32 s8, s3  }
0x457: {  	v2 =	vsel vm1, s17, v2;
	s25 =	sshrl.u32 s24, $0x1F;
	s5 =	sadd.s32 s15, s5;
	s8 =	sshra.s32 s23, $0x1F  }
0x458: {  	v2 =	vsel vm2, s18, v2;
	s26 =	sshrl.u32 s28, $0x1F;
	s15 =	sadd.s32 s22, s29;
	s29 =	sshra.s32 s2, $0xD;
	v0 =	vmov s8  }
0x459: {  	v2 =	vsel vm3, s13, v2;
	s30 =	sshrl.u32 s2, $0x1F;
	s17 =	smulhi.u32 $0x5397829D, s11;
	v4 =	vmov s26;
	s2 =	sshra.s32 s2, $0x1F;
	v0 =	vsel vm15, s29, v0  }
0x45a: {  	v3 =	vmov s30;
	s11 =	sshra.s32 s11, $0x1F;
	v4 =	vsel vm1, s25, v4;
	s3 =	sshrl.u32 s14, $0x1F;
	s22 =	sshra.s32 s7, $0xD;
	v0 =	vsel vm12, s2, v0  }
0x45b: {  	s31 =	sshrl.u32 s7, $0x1F;
	v3 =	vnsel vm15, $0x0, v3;
	s11 =	smul.u32 $0x5397829D, s11;
	s7 =	sshra.s32 s7, $0x1F;
	v4 =	vsel vm2, s3, v4;
	v0 =	vsel vm1, s22, v0  }
0x45c: {  	v3 =	vsel vm1, s31, v3;
	s30 =	smulhi.u32 $0x5397829D, s10;
	s10 =	sshra.s32 s10, $0x1F;
	s31 =	sshra.s32 s9, $0xD;
	v4 =	vsel vm3, s21, v4;
	v0 =	vsel vm14, s7, v0  }
0x45d: {  	s8 =	sshra.s32 s6, $0xD;
	s29 =	sshrl.u32 s9, $0x1F;
	s9 =	sshra.s32 s9, $0x1F;
	v2 =	vcombine.low v4, v2;
	v0 =	vsel vm2, s31, v0  }
0x45e: {  	s13 =	sshrl.u32 s5, $0x1F;
	s18 =	smul.u32 $0x5397829D, s10;
	s26 =	sshra.s32 s5, $0xD;
	v4 =	vmov s8;
	v3 =	vsel vm2, s29, v3;
	v0 =	vsel vm11, s9, v0  }
0x45f: {  	s5 =	sshra.s32 s5, $0x1F;
	s25 =	sshrl.u32 s15, $0x1F;
	v3 =	vsel vm3, s13, v3;
	s22 =	sadd.s32 s11, s17;
	vm11 =	vcmask $0x1F1C;
	v0 =	vsel vm3, s26, v0  }
0x460: {  	v4 =	vsel vm1, s1, v4;
	v3 =	vsel vm5, s25, v3;
	s29 =	sshrl.u32 s22, $0x1F;
	s7 =	sadd.s32 s18, s30;
	s31 =	sshra.s32 s15, $0xD;
	v0 =	vsel vm11, s5, v0  }
0x461: {  	s10 =	sshra.s32 s15, $0x1F;
	v3 =	vsel vm6, s29, v3;
	s30 =	sshrl.u32 s7, $0x1F;
	s9 =	sshra.s32 s28, $0xD;
	vm11 =	vcmask $0x2724;
	v0 =	vsel vm5, s31, v0  }
0x462: {  	s11 =	sshra.s32 s24, $0xD;
	s13 =	sshra.s32 s22, $0xD;
	s15 =	sshra.s32 s4, $0xD;
	v3 =	vsel vm7, s30, v3;
	v5 =	vmov s9;
	v0 =	vsel vm11, s10, v0  }
0x463: {  	s0 =	sshra.s32 s0, $0xD;
	s18 =	sshra.s32 s14, $0xD;
	s2 =	sshra.s32 s22, $0x1F;
	v4 =	vsel vm2, s15, v4;
	v5 =	vsel vm1, s11, v5;
	v0 =	vsel vm6, s13, v0  }
0x464: {  	s21 =	sshra.s32 s12, $0xD;
	s22 =	sshra.s32 s7, $0xD;
	v4 =	vsel vm3, s0, v4;
	v5 =	vsel vm2, s18, v5;
	v0 =	vsel vm10, s2, v0  }
0x465: {  	s24 =	sshrl.u32 s23, $0x1F;
	s28 =	sshra.s32 s7, $0x1F;
	v5 =	vsel vm3, s21, v5;
	vm11 =	vcmask $0x3734;
	v0 =	vsel vm7, s22, v0  }
0x466: {  	s29 =	sshra.s32 s23, $0xD;
	v3 =	vsel vm8, s24, v3;
	v4 =	vcombine.low v5, v4;
	v0 =	vsel vm11, s28, v0  }
0x467: {  	v2 =	vperm.xlane v2, v14;
	v3 =	vperm.xlane v3, v8;
	v0 =	vsel vm8, s29, v0  }
0x468: {  	v4 =	vperm.xlane v4, v14;
	v0 =	vperm.xlane v0, v8  }
0x469: {  	v58 =	vsub.s32 $0x0, v1;
	s30 =	rddreg [dreg:$0x1d]  }
0x46a: {  	v60 =	vmov s30;
	v2 =	vsel vm9, v3, v2;
	v0 =	vsel vm9, v0, v4  }
0x46b: {  	vm11 =	vlt.s32 v1, $0x1;
	v1 =	vshll.u32 v60, $0x7;
	v0 =	vadd.s32 v2, v0  }
0x46c: {  	v25 =	vor.u32 v9, v1;
	v2 =	vmul.u32 $0xFFFF9E00, v0  }
0x46d: {  	v63 =	vor.u32 v6, v25  }
0x46e: {  	v35 =	vor.u32 v10, v25;
	vm12 =	vne.s32 v2, v58  }
0x46f: {  	vm11 =	vmand vm11, vm12  }
0x470: {  	v37 =	vor.u32 v11, v25;
	v62 =	vsel vm11, $0xFFFFFFFF, v7  }
0x471: {  	v0 =	vadd.s32 v62, v0  }
0x472: {  	v10 =	vld.idx.msk [tilespmem:v63+s19+$0x0], $0xffff;
	v26 =	vshll.u32 v0, $0x5  }
0x473: {  	v11 =	vld.idx.msk [tilespmem:v35+s20+$0x0], $0xffff;
	v33 =	vadd.s32 v26, v63  }
0x474: {  	v41 =	vor.u32 v12, v25;
	v46 =	vld.idx.msk [tilespmem:v35+s19+$0x0], $0xffff  }
0x475: {  	v6 =	vor.u32 v13, v25;
	v12 =	vld.idx.msk [tilespmem:v37+s20+$0x0], $0xffff  }
0x476: {  	v49 =	vld.idx.msk [tilespmem:v37+s19+$0x0], $0xffff;
	v47 =	vadd.s32 v26, v6  }
0x477: {  	s17 =	sld [smem:$0x7DC];
	s31 =	simm.s32 $0xAC00;
	v55 =	vor.u32 v17, v25;
	v7 =	vld.idx.msk [tilespmem:v63+s20+$0x0], $0xffff  }
0x478: {  	s25 =	rddreg [dreg:$0x1e];
	v15 =	vld.idx.msk [tilespmem:v33+s31+$0x0], $0xffff  }
0x479: {  	s26 =	rddreg [dreg:$0x1f];
	v58 =	vor.u32 v18, v25;
	v53 =	vld.idx.msk [tilespmem:v41+s20+$0x0], $0xffff  }
0x47a: {  	v37 =	vld.idx.msk [tilespmem:v41+s19+$0x0], $0xffff  }
0x47b: {  	v62 =	vor.u32 v27, v25;
	v23 =	vld.idx.msk [tilespmem:v47+s31+$0x0], $0xffff  }
0x47c: {  	v54 =	vor.u32 v16, v25;
	v18 =	vor.u32 v31, v25;
	v16 =	vld.idx.msk [tilespmem:v55+s20+$0x0], $0xffff  }
0x47d: {  	v63 =	vadd.s32 v26, v18;
	v28 =	vld.idx.msk [tilespmem:v55+s19+$0x0], $0xffff  }
0x47e: {  	v32 =	vor.u32 v32, v25;
	v24 =	vld.idx.msk [tilespmem:v58+s20+$0x0], $0xffff  }
0x47f: {  	v60 =	vor.u32 v22, v25;
	v48 =	vld.idx.msk [tilespmem:v58+s19+$0x0], $0xffff  }
0x480: {  	v17 =	vor.u32 v39, v25;
	v22 =	vor.u32 v38, v25;
	v30 =	vor.u32 v43, v25;
	v39 =	vld.idx.msk [tilespmem:v62+s20+$0x0], $0xffff  }
0x481: {  	v47 =	vld.idx.msk [tilespmem:v62+s19+$0x0], $0xffff;
	v41 =	vadd.s32 v26, v22  }
0x482: {  	v4 =	vld.idx.msk [tilespmem:v63+s31+$0x0], $0xffff;
	v55 =	vor.u32 v42, v25  }
0x483: {  	v51 =	vld.idx.msk [tilespmem:v32+s20+$0x0], $0xffff  }
0x484: {  	v58 =	vld.idx.msk [tilespmem:v32+s19+$0x0], $0xffff;
	v62 =	vor.u32 v50, v25  }
0x485: {  	v42 =	vld.idx.msk [tilespmem:v30+s19+$0x0], $0xffff;
	v31 =	vadd.s32 v26, v62  }
0x486: {  	v13 =	vor.u32 v19, v25;
	v19 =	vor.u32 v34, v25;
	v34 =	vld.idx.msk [tilespmem:v41+s31+$0x0], $0xffff  }
0x487: {  	v43 =	vor.u32 v59, v25;
	v41 =	vld.idx.msk [tilespmem:v55+s20+$0x0], $0xffff  }
0x488: {  	v50 =	vld.idx.msk [tilespmem:v55+s19+$0x0], $0xffff  }
0x489: {  	v38 =	vld.idx.msk [tilespmem:v62+s19+$0x0], $0xffff  }
0x48a: {  	v32 =	vld.idx.msk [tilespmem:v31+s31+$0x0], $0xffff  }
0x48b: {  	v63 =	vor.u32 v56, v25;
	v31 =	vld.idx.msk [tilespmem:v62+s20+$0x0], $0xffff  }
0x48c: {  	v62 =	vld.idx.msk [tilespmem:v43+s20+$0x0], $0xffff  }
0x48d: {  	v43 =	vld.idx.msk [tilespmem:v43+s19+$0x0], $0xffff  }
0x48e: {  	v55 =	vld.idx.msk [tilespmem:v30+s20+$0x0], $0xffff;
	v30 =	vor.u32 v57, v25;
	_ =	sdelay $0x1  }
0x48f: {  	v59 =	vld.idx.msk [tilespmem:v63+s20+$0x0], $0xffff;
	v57 =	vor.u32 v61, v25  }
0x490: {  	v61 =	vld.idx.msk [tilespmem:v63+s19+$0x0], $0xffff;
	v2 =	vadd.s32 v26, v57  }
0x491: {  	[tilespmem:$0x1EE30] =	vst v43;
	v43 =	vld [tilespmem:$0x1FA70]  }
0x492: {  	v56 =	vld.idx.msk [tilespmem:v30+s20+$0x0], $0xffff  }
0x493: {  	v63 =	vld.idx.msk [tilespmem:v30+s19+$0x0], $0xffff  }
0x494: {  	[tilespmem:$0x1EE20] =	vst v62;
	v62 =	vld [tilespmem:$0x1FA60]  }
0x495: {  	v30 =	vld.idx.msk [tilespmem:v2+s31+$0x0], $0xffff  }
0x496: {  	v2 =	vor.u32 v43, v25;
	v43 =	vld.idx.msk [tilespmem:v57+s20+$0x0], $0xffff;
	_ =	sdelay $0x3  }
0x497: {  	v62 =	vor.u32 v62, v25;
	v57 =	vld.idx.msk [tilespmem:v57+s19+$0x0], $0xffff  }
0x498: {  	[tilespmem:$0x1EE40] =	vst v43;
	v43 =	vld [tilespmem:$0x1FA80];
	_ =	sdelay $0x3  }
0x499: {  	[tilespmem:$0x1EE50] =	vst v57;
	v57 =	vld.idx.msk [tilespmem:v62+s20+$0x0], $0xffff  }
0x49a: {  	v1 =	vld.idx.msk [tilespmem:v2+s19+$0x0], $0xffff;
	v43 =	vor.u32 v43, v25;
	_ =	sdelay $0x3  }
0x49b: {  	[tilespmem:$0x1EE60] =	vst v57;
	v57 =	vld [tilespmem:$0x1FA90]  }
0x49c: {  	[tilespmem:$0x1EE70] =	vst v1;
	v1 =	vld.idx.msk [tilespmem:v43+s20+$0x0], $0xffff  }
0x49d: {  	v43 =	vld.idx.msk [tilespmem:v43+s19+$0x0], $0xffff;
	_ =	sdelay $0x2  }
0x49e: {  	v0 =	vor.u32 v57, v25  }
0x49f: {  	v3 =	vadd.s32 v26, v0  }
0x4a0: {  	[tilespmem:$0x1EE90] =	vst v43;
	v43 =	vld [tilespmem:$0x1FAB0];
	_ =	sdelay $0x2  }
0x4a1: {  	[tilespmem:$0x1EE80] =	vst v1;
	v1 =	vld [tilespmem:$0x1FAA0]  }
0x4a2: {  	v5 =	vld.idx.msk [tilespmem:v3+s31+$0x0], $0xffff  }
0x4a3: {  	v3 =	vor.u32 v43, v25;
	v43 =	vld.idx.msk [tilespmem:v0+s20+$0x0], $0xffff;
	_ =	sdelay $0x1  }
0x4a4: {  	v57 =	vld.idx.msk [tilespmem:v62+s19+$0x0], $0xffff  }
0x4a5: {  	v1 =	vor.u32 v1, v25;
	v0 =	vld.idx.msk [tilespmem:v0+s19+$0x0], $0xffff  }
0x4a6: {  	v62 =	vld.idx.msk [tilespmem:v2+s20+$0x0], $0xffff  }
0x4a7: {  	[tilespmem:$0x1EEA0] =	vst v43;
	v43 =	vld [tilespmem:$0x1FAC0]  }
0x4a8: {  	v2 =	vld.idx.msk [tilespmem:v3+s20+$0x0], $0xffff;
	_ =	sdelay $0x1  }
0x4a9: {  	[tilespmem:$0x1EEB0] =	vst v0;
	v0 =	vld.idx.msk [tilespmem:v1+s20+$0x0], $0xffff;
	_ =	sdelay $0x2  }
0x4aa: {  	v43 =	vor.u32 v43, v25;
	[tilespmem:$0x1EEE0] =	vst v2;
	v2 =	vld.idx.msk [tilespmem:v3+s19+$0x0], $0xffff;
	_ =	sdelay $0x1  }
0x4ab: {  	[tilespmem:$0x1EEC0] =	vst v0;
	v0 =	vld [tilespmem:$0x1FAD0]  }
0x4ac: {  	v1 =	vld.idx.msk [tilespmem:v1+s19+$0x0], $0xffff;
	_ =	sdelay $0x1  }
0x4ad: {  	[tilespmem:$0x1EEF0] =	vst v2;
	v2 =	vld.idx.msk [tilespmem:v43+s20+$0x0], $0xffff;
	_ =	sdelay $0x1  }
0x4ae: {  	v0 =	vor.u32 v0, v25  }
0x4af: {  	[tilespmem:$0x1EED0] =	vst v1;
	v43 =	vld.idx.msk [tilespmem:v43+s19+$0x0], $0xffff;
	v1 =	vadd.s32 v26, v0;
	_ =	sdelay $0x1  }
0x4b0: {  	[tilespmem:$0x1EF00] =	vst v2;
	v2 =	vld [tilespmem:$0x1FAE0];
	_ =	sdelay $0x2  }
0x4b1: {  	[tilespmem:$0x1EF10] =	vst v43;
	v43 =	vld.idx.msk [tilespmem:v1+s31+$0x0], $0xffff  }
0x4b2: {  	v1 =	vld [tilespmem:$0x1FAF0]  }
0x4b3: {  	v3 =	vor.u32 v2, v25;
	v2 =	vld.idx.msk [tilespmem:v0+s20+$0x0], $0xffff  }
0x4b4: {  	v0 =	vld.idx.msk [tilespmem:v0+s19+$0x0], $0xffff;
	_ =	sdelay $0x3  }
0x4b5: {  	v1 =	vor.u32 v1, v25  }
0x4b6: {  	[tilespmem:$0x1EF30] =	vst v0;
	v0 =	vld [tilespmem:$0x1FB00];
	_ =	sdelay $0x1  }
0x4b7: {  	v29 =	vld.idx.msk [tilespmem:v13+s20+$0x0], $0xffff  }
0x4b8: {  	v35 =	vld.idx.msk [tilespmem:v13+s19+$0x0], $0xffff  }
0x4b9: {  	v14 =	vadd.s32 v26, v13;
	v13 =	vld.idx.msk [tilespmem:v1+s20+$0x0], $0xffff  }
0x4ba: {  	[tilespmem:$0x1EF20] =	vst v2;
	v1 =	vld.idx.msk [tilespmem:v1+s19+$0x0], $0xffff;
	v2 =	vor.u32 v0, v25;
	_ =	sdelay $0x4  }
0x4bb: {  	[tilespmem:$0x1EF70] =	vst v1;
	v1 =	vld.idx.msk [tilespmem:v2+s20+$0x0], $0xffff;
	_ =	sdelay $0x1  }
0x4bc: {  	v8 =	vld.idx.msk [tilespmem:v6+s20+$0x0], $0xffff  }
0x4bd: {  	v0 =	vld.idx.msk [tilespmem:v3+s20+$0x0], $0xffff;
	_ =	sdelay $0x1  }
0x4be: {  	[tilespmem:$0x1EF80] =	vst v1;
	v1 =	vld [tilespmem:$0x1FB20]  }
0x4bf: {  	v9 =	vld.idx.msk [tilespmem:v6+s19+$0x0], $0xffff;
	v7 =	vmul.f32 v7, v15  }
0x4c0: {  	v6 =	vld.idx.msk [tilespmem:v54+s20+$0x0], $0xffff  }
0x4c1: {  	v8 =	vmul.f32 v8, v23;
	v7 =	vadd.f32 $0.0e+00, v7;
	[tilespmem:$0x1EF40] =	vst v0;
	v0 =	vld [tilespmem:$0x1FB10];
	_ =	sdelay $0x1  }
0x4c2: {  	v10 =	vmul.f32 v10, v15;
	[tilespmem:$0x1EF60] =	vst v13;
	v13 =	vadd.f32 v8, v7;
	v8 =	vor.u32 v1, v25  }
0x4c3: {  	v11 =	vmul.f32 v11, v15  }
0x4c4: {  	v6 =	vmul.f32 v6, v23;
	v3 =	vld.idx.msk [tilespmem:v3+s19+$0x0], $0xffff;
	v7 =	vadd.f32 $0.0e+00, v10  }
0x4c5: {  	v21 =	vld.idx.msk [tilespmem:v54+s19+$0x0], $0xffff;
	v10 =	vadd.f32 $0.0e+00, v11;
	v11 =	vmul.f32 v12, v15;
	v0 =	vor.u32 v0, v25  }
0x4c6: {  	v1 =	vld.idx.msk [tilespmem:v2+s19+$0x0], $0xffff  }
0x4c7: {  	v6 =	vadd.f32 v6, v10;
	v10 =	vadd.f32 $0.0e+00, v11;
	v11 =	vmul.f32 v53, v15;
	v53 =	vld.idx.msk [tilespmem:v8+s20+$0x0], $0xffff  }
0x4c8: {  	v14 =	vld.idx.msk [tilespmem:v14+s31+$0x0], $0xffff;
	v9 =	vmul.f32 v9, v23  }
0x4c9: {  	v33 =	vld.idx.msk [tilespmem:v60+s20+$0x0], $0xffff;
	[tilespmem:$0x1EF50] =	vst v3;
	v3 =	vadd.s32 v26, v0  }
0x4ca: {  	v7 =	vadd.f32 v9, v7;
	v9 =	vmul.f32 v49, v15;
	v49 =	vld.idx.msk [tilespmem:v0+s20+$0x0], $0xffff  }
0x4cb: {  	[tilespmem:$0x1EF90] =	vst v1;
	v1 =	vld [tilespmem:$0x1FB30]  }
0x4cc: {  	[tilespmem:$0x1EFB0] =	vst v53;
	v53 =	vld [tilespmem:$0x1FB50]  }
0x4cd: {  	v44 =	vld.idx.msk [tilespmem:v60+s19+$0x0], $0xffff  }
0x4ce: {  	v2 =	vmul.f32 v46, v15;
	v46 =	vld.idx.msk [tilespmem:v3+s31+$0x0], $0xffff  }
0x4cf: {  	[tilespmem:$0x1EFA0] =	vst v49;
	v49 =	vld.idx.msk [tilespmem:v0+s19+$0x0], $0xffff  }
0x4d0: {  	v0 =	vld [tilespmem:$0x1FB40]  }
0x4d1: {  	v3 =	vor.u32 v1, v25;
	v12 =	vor.u32 v53, v25;
	v53 =	vld.idx.msk [tilespmem:v8+s19+$0x0], $0xffff  }
0x4d2: {  	v54 =	vld.idx.msk [tilespmem:v17+s20+$0x0], $0xffff  }
0x4d3: {  	v52 =	vld.idx.msk [tilespmem:v17+s19+$0x0], $0xffff  }
0x4d4: {  	v20 =	vor.u32 v36, v25;
	v17 =	vld.idx.msk [tilespmem:v18+s20+$0x0], $0xffff  }
0x4d5: {  	v45 =	vld.idx.msk [tilespmem:v18+s19+$0x0], $0xffff;
	v0 =	vor.u32 v0, v25  }
0x4d6: {  	[tilespmem:$0x1EFC0] =	vst v53;
	v53 =	vld.idx.msk [tilespmem:v3+s20+$0x0], $0xffff  }
0x4d7: {  	v18 =	vld.idx.msk [tilespmem:v19+s20+$0x0], $0xffff;
	v21 =	vmul.f32 v21, v23  }
0x4d8: {  	v27 =	vor.u32 v40, v25;
	v19 =	vld.idx.msk [tilespmem:v19+s19+$0x0], $0xffff;
	v16 =	vmul.f32 v16, v23;
	v28 =	vmul.f32 v28, v23  }
0x4d9: {  	v60 =	vld.idx.msk [tilespmem:v20+s20+$0x0], $0xffff;
	v24 =	vmul.f32 v24, v23;
	v9 =	vadd.f32 $0.0e+00, v9;
	v11 =	vadd.f32 $0.0e+00, v11  }
0x4da: {  	v35 =	vmul.f32 v35, v14;
	v10 =	vadd.f32 v16, v10;
	v16 =	vmul.f32 v48, v23;
	v23 =	vld.idx.msk [tilespmem:v0+s19+$0x0], $0xffff  }
0x4db: {  	[tilespmem:$0x1EFD0] =	vst v53;
	v53 =	vadd.f32 v28, v9;
	v9 =	vadd.f32 v24, v11;
	v11 =	vld.idx.msk [tilespmem:v0+s20+$0x0], $0xffff  }
0x4dc: {  	v0 =	vadd.f32 v35, v7;
	v7 =	vld.idx.msk [tilespmem:v12+s19+$0x0], $0xffff  }
0x4dd: {  	v36 =	vld.idx.msk [tilespmem:v20+s19+$0x0], $0xffff  }
0x4de: {  	v20 =	vld.idx.msk [tilespmem:v22+s20+$0x0], $0xffff  }
0x4df: {  	v22 =	vld.idx.msk [tilespmem:v22+s19+$0x0], $0xffff;
	v2 =	vadd.f32 $0.0e+00, v2;
	v8 =	vadd.s32 v26, v12  }
0x4e0: {  	v40 =	vld.idx.msk [tilespmem:v27+s20+$0x0], $0xffff  }
0x4e1: {  	v2 =	vadd.f32 v21, v2;
	v21 =	vmul.f32 v29, v14;
	[tilespmem:$0x1EFF0] =	vst v7;
	v7 =	vld [tilespmem:$0x1FB80]  }
0x4e2: {  	v27 =	vld.idx.msk [tilespmem:v27+s19+$0x0], $0xffff;
	v1 =	vmul.f32 v37, v15  }
0x4e3: {  	v13 =	vadd.f32 v21, v13;
	v21 =	vmul.f32 v47, v14;
	v47 =	vld [tilespmem:$0x1FBE0]  }
0x4e4: {  	v1 =	vadd.f32 $0.0e+00, v1;
	v48 =	vld.idx.msk [tilespmem:v8+s31+$0x0], $0xffff  }
0x4e5: {  	v8 =	vld [tilespmem:$0x1FB70]  }
0x4e6: {  	v1 =	vadd.f32 v16, v1;
	v16 =	vmul.f32 v44, v14;
	v37 =	vld.idx.msk [tilespmem:v3+s19+$0x0], $0xffff;
	v7 =	vor.u32 v7, v25  }
0x4e7: {  	v15 =	vld.idx.msk [tilespmem:v12+s20+$0x0], $0xffff;
	v12 =	vmul.f32 v39, v14  }
0x4e8: {  	v2 =	vadd.f32 v16, v2;
	v16 =	vld [tilespmem:$0x1FB90]  }
0x4e9: {  	v10 =	vadd.f32 v12, v10;
	v12 =	vmul.f32 v52, v14;
	v52 =	vld [tilespmem:$0x1FBF0]  }
0x4ea: {  	v24 =	vmul.f32 v33, v14;
	v28 =	vmul.f32 v54, v14;
	v8 =	vor.u32 v8, v25;
	[tilespmem:$0x1EFE0] =	vst v11;
	v11 =	vld [tilespmem:$0x1FB60]  }
0x4eb: {  	v14 =	vmul.f32 v17, v4;
	v17 =	vmul.f32 v45, v4;
	v1 =	vadd.f32 v12, v1;
	v12 =	vld.idx.msk [tilespmem:v7+s20+$0x0], $0xffff  }
0x4ec: {  	v7 =	vld.idx.msk [tilespmem:v7+s19+$0x0], $0xffff  }
0x4ed: {  	v3 =	vadd.f32 v21, v53;
	v53 =	vld [tilespmem:$0x1FC00];
	v0 =	vadd.f32 v17, v0;
	v17 =	vmul.f32 v19, v4  }
0x4ee: {  	v16 =	vor.u32 v16, v25;
	v19 =	vmul.f32 v22, v34;
	v22 =	vmul.f32 v55, v34;
	v55 =	vld [tilespmem:$0x1FC10]  }
0x4ef: {  	v39 =	vld.idx.msk [tilespmem:v8+s20+$0x0], $0xffff;
	v11 =	vor.u32 v11, v25  }
0x4f0: {  	v44 =	vld.idx.msk [tilespmem:v8+s19+$0x0], $0xffff;
	v8 =	vadd.f32 v14, v13;
	v13 =	vmul.f32 v51, v4  }
0x4f1: {  	v51 =	vmul.f32 v50, v34;
	v50 =	vld [tilespmem:$0x1EE70];
	[tilespmem:$0x1F020] =	vst v7;
	v7 =	vmul.f32 v18, v4  }
0x4f2: {  	v19 =	vadd.f32 v19, v0;
	v0 =	vld [tilespmem:$0x1EF50]  }
0x4f3: {  	v6 =	vadd.f32 v24, v6;
	v10 =	vadd.f32 v7, v10;
	v7 =	vld.idx.msk [tilespmem:v16+s19+$0x0], $0xffff  }
0x4f4: {  	v14 =	vmul.f32 v58, v4;
	v24 =	vld.idx.msk [tilespmem:v11+s20+$0x0], $0xffff  }
0x4f5: {  	v9 =	vadd.f32 v28, v9;
	v6 =	vadd.f32 v13, v6;
	v13 =	vmul.f32 v60, v4;
	v11 =	vld.idx.msk [tilespmem:v11+s19+$0x0], $0xffff  }
0x4f6: {  	v40 =	vmul.f32 v40, v34;
	v2 =	vadd.f32 v14, v2;
	v14 =	vld.idx.msk [tilespmem:v16+s20+$0x0], $0xffff;
	v29 =	vor.u32 v55, v25  }
0x4f7: {  	v3 =	vadd.f32 v17, v3;
	v17 =	vmul.f32 v20, v34;
	v13 =	vadd.f32 v13, v9;
	[tilespmem:$0x1F010] =	vst v12;
	v12 =	vld [tilespmem:$0x1FBA0]  }
0x4f8: {  	v21 =	vmul.f32 v27, v34;
	v27 =	vmul.f32 v31, v32;
	[tilespmem:$0x1F030] =	vst v7;
	v7 =	vld [tilespmem:$0x1FBC0]  }
0x4f9: {  	v8 =	vadd.f32 v17, v8;
	v55 =	vld [tilespmem:$0x1EE60];
	v13 =	vadd.f32 v22, v13;
	v22 =	vmul.f32 v38, v32  }
0x4fa: {  	v6 =	vadd.f32 v40, v6;
	v40 =	vld [tilespmem:$0x1EE40];
	[tilespmem:$0x1F000] =	vst v11;
	v11 =	vadd.s32 v26, v16  }
0x4fb: {  	v8 =	vadd.f32 v27, v8;
	v27 =	vadd.f32 v22, v19;
	v22 =	vld.idx.msk [tilespmem:v29+s20+$0x0], $0xffff  }
0x4fc: {  	v41 =	vmul.f32 v41, v34;
	v4 =	vmul.f32 v36, v4;
	v36 =	vld [tilespmem:$0x1FC20];
	v12 =	vor.u32 v12, v25  }
0x4fd: {  	v16 =	vor.u32 v7, v25;
	v7 =	vld [tilespmem:$0x1FBD0]  }
0x4fe: {  	v10 =	vadd.f32 v41, v10;
	v41 =	vld [tilespmem:$0x1EE50]  }
0x4ff: {  	v58 =	vld.idx.msk [tilespmem:v11+s31+$0x0], $0xffff  }
0x500: {  	v11 =	vld [tilespmem:$0x1FBB0]  }
0x501: {  	v2 =	vadd.f32 v21, v2;
	v21 =	vor.u32 v47, v25;
	v45 =	vld.idx.msk [tilespmem:v12+s20+$0x0], $0xffff  }
0x502: {  	v18 =	vor.u32 v7, v25;
	v7 =	vld.idx.msk [tilespmem:v12+s19+$0x0], $0xffff  }
0x503: {  	v54 =	vld.idx.msk [tilespmem:v16+s20+$0x0], $0xffff  }
0x504: {  	v4 =	vadd.f32 v4, v1;
	v17 =	vld.idx.msk [tilespmem:v16+s19+$0x0], $0xffff;
	v16 =	vmul.f32 v42, v34  }
0x505: {  	v42 =	vmul.f32 v41, v30;
	v41 =	vld.idx.msk [tilespmem:v29+s19+$0x0], $0xffff  }
0x506: {  	v20 =	vadd.s32 v26, v18;
	v4 =	vadd.f32 v16, v4;
	v16 =	vor.u32 v53, v25;
	v53 =	vld.idx.msk [tilespmem:v21+s20+$0x0], $0xffff  }
0x507: {  	v27 =	vadd.f32 v42, v27;
	v42 =	vld [tilespmem:$0x1FC40]  }
0x508: {  	v12 =	vld.idx.msk [tilespmem:v18+s20+$0x0], $0xffff  }
0x509: {  	v47 =	vld.idx.msk [tilespmem:v18+s19+$0x0], $0xffff  }
0x50a: {  	v18 =	vmul.f32 v59, v32;
	v59 =	vld [tilespmem:$0x1EE20]  }
0x50b: {  	v34 =	vld.idx.msk [tilespmem:v20+s31+$0x0], $0xffff  }
0x50c: {  	v20 =	vor.u32 v52, v25;
	v52 =	vld.idx.msk [tilespmem:v21+s19+$0x0], $0xffff  }
0x50d: {  	v33 =	vadd.f32 v18, v6;
	v6 =	vmul.f32 v63, v32;
	v63 =	vld [tilespmem:$0x1EE30]  }
0x50e: {  	v18 =	vld.idx.msk [tilespmem:v16+s20+$0x0], $0xffff  }
0x50f: {  	v28 =	vadd.f32 v51, v3;
	v51 =	vld.idx.msk [tilespmem:v16+s19+$0x0], $0xffff  }
0x510: {  	v19 =	vmul.f32 v61, v32;
	v21 =	vadd.s32 v26, v29;
	v16 =	vmul.f32 v55, v30;
	v55 =	vld [tilespmem:$0x1FC50]  }
0x511: {  	v61 =	vmul.f32 v59, v32;
	v59 =	vmul.f32 v57, v30;
	v57 =	vld [tilespmem:$0x1EE80]  }
0x512: {  	v31 =	vmul.f32 v56, v32;
	v38 =	vld.idx.msk [tilespmem:v20+s20+$0x0], $0xffff  }
0x513: {  	v2 =	vadd.f32 v19, v2;
	v13 =	vadd.f32 v61, v13;
	v61 =	vld [tilespmem:$0x1FC30]  }
0x514: {  	v31 =	vadd.f32 v31, v10;
	v16 =	vadd.f32 v16, v33;
	v33 =	vor.u32 v42, v25;
	v56 =	vld.idx.msk [tilespmem:v20+s19+$0x0], $0xffff  }
0x515: {  	v20 =	vadd.f32 v6, v28;
	v28 =	vor.u32 v36, v25;
	v10 =	vmul.f32 v63, v32;
	v32 =	vld.idx.msk [tilespmem:v21+s31+$0x0], $0xffff  }
0x516: {  	v2 =	vadd.f32 v59, v2;
	v59 =	vld [tilespmem:$0x1EE90]  }
0x517: {  	v63 =	vmul.f32 v62, v30;
	v62 =	vld [tilespmem:$0x1EEB0]  }
0x518: {  	v21 =	vor.u32 v61, v25;
	v61 =	vld [tilespmem:$0x1EEA0]  }
0x519: {  	v19 =	vld.idx.msk [tilespmem:v33+s19+$0x0], $0xffff  }
0x51a: {  	v6 =	vmul.f32 v40, v30;
	v40 =	vld.idx.msk [tilespmem:v28+s20+$0x0], $0xffff  }
0x51b: {  	v29 =	vmul.f32 v50, v30;
	v42 =	vmul.f32 v59, v30;
	v59 =	vld [tilespmem:$0x1EEC0]  }
0x51c: {  	v31 =	vadd.f32 v63, v31;
	v35 =	vmul.f32 v57, v30;
	v63 =	vmul.f32 v62, v5;
	v62 =	vld [tilespmem:$0x1EED0]  }
0x51d: {  	v36 =	vor.u32 v55, v25;
	v55 =	vadd.f32 v29, v20;
	v29 =	vmul.f32 v61, v5;
	v61 =	vld [tilespmem:$0x1FC60]  }
0x51e: {  	v4 =	vadd.f32 v10, v4;
	v13 =	vadd.f32 v35, v13;
	v35 =	vld [tilespmem:$0x1EEF0]  }
0x51f: {  	v8 =	vadd.f32 v6, v8;
	v50 =	vadd.s32 v26, v36;
	v30 =	vld.idx.msk [tilespmem:v28+s19+$0x0], $0xffff  }
0x520: {  	v42 =	vadd.f32 v42, v4;
	v27 =	vadd.f32 v63, v27;
	v63 =	vld [tilespmem:$0x1EEE0];
	v4 =	vmul.f32 v59, v5  }
0x521: {  	v59 =	vadd.f32 v29, v8;
	v29 =	vld.idx.msk [tilespmem:v33+s20+$0x0], $0xffff  }
0x522: {  	v57 =	vor.u32 v61, v25;
	v61 =	vadd.f32 v4, v16;
	v16 =	vmul.f32 v62, v5;
	v62 =	vld [tilespmem:$0x1EF00]  }
0x523: {  	v33 =	vmul.f32 v35, v5;
	v35 =	vld [tilespmem:$0x1EF10]  }
0x524: {  	v6 =	vld.idx.msk [tilespmem:v50+s31+$0x0], $0xffff  }
0x525: {  	v28 =	vld.idx.msk [tilespmem:v21+s20+$0x0], $0xffff  }
0x526: {  	v20 =	vld.idx.msk [tilespmem:v21+s19+$0x0], $0xffff  }
0x527: {  	v21 =	vmul.f32 v63, v5;
	v63 =	vld [tilespmem:$0x1FC70];
	v62 =	vmul.f32 v62, v5  }
0x528: {  	v3 =	vadd.f32 v33, v55;
	v55 =	vld [tilespmem:$0x1EF30];
	v5 =	vmul.f32 v35, v5  }
0x529: {  	v13 =	vadd.f32 v62, v13;
	v62 =	vld [tilespmem:$0x1F090]  }
0x52a: {  	v8 =	vadd.f32 v5, v42;
	v42 =	vld [tilespmem:$0x1F0A0]  }
0x52b: {  	v33 =	vld [tilespmem:$0x1EF20]  }
0x52c: {  	v0 =	vmul.f32 v0, v43;
	v4 =	vld [tilespmem:$0x1EF70];
	v2 =	vadd.f32 v16, v2  }
0x52d: {  	v50 =	vor.u32 v63, v25;
	v63 =	vadd.f32 v21, v31;
	v31 =	vld.idx.msk [tilespmem:v36+s19+$0x0], $0xffff  }
0x52e: {  	v11 =	vor.u32 v11, v25;
	v5 =	vadd.f32 v0, v2;
	v0 =	vld [tilespmem:$0x1EF80]  }
0x52f: {  	v35 =	vld.idx.msk [tilespmem:v36+s20+$0x0], $0xffff;
	v36 =	vor.u32 v62, v25;
	v62 =	vor.u32 v42, v25;
	v42 =	vmul.f32 v55, v43;
	_ =	sdelay $0x1  }
0x530: {  	v16 =	vmul.f32 v33, v43;
	v33 =	vld [tilespmem:$0x1EF40];
	v42 =	vadd.f32 v42, v27;
	v27 =	vmul.f32 v4, v43  }
0x531: {  	v1 =	vld [tilespmem:$0x1EF60]  }
0x532: {  	v9 =	vadd.f32 v27, v3;
	v27 =	vmul.f32 v0, v43;
	v0 =	vld [tilespmem:$0x1EF90]  }
0x533: {  	v60 =	vld.idx.msk [tilespmem:v11+s19+$0x0], $0xffff  }
0x534: {  	v21 =	vld.idx.msk [tilespmem:v57+s20+$0x0], $0xffff  }
0x535: {  	v55 =	vmul.f32 v33, v43;
	v33 =	vld.idx.msk [tilespmem:v57+s19+$0x0], $0xffff;
	v57 =	vadd.s32 v26, v62  }
0x536: {  	[tilespmem:$0x1F040] =	vst v7;
	v7 =	vld.idx.msk [tilespmem:v11+s20+$0x0], $0xffff  }
0x537: {  	v1 =	vmul.f32 v1, v43;
	v43 =	vmul.f32 v0, v43;
	v0 =	vld [tilespmem:$0x1EFA0]  }
0x538: {  	v11 =	vld [tilespmem:$0x1F0F0]  }
0x539: {  	v10 =	vadd.f32 v1, v63;
	v1 =	vld [tilespmem:$0x1EFD0]  }
0x53a: {  	v4 =	vld.idx.msk [tilespmem:v57+s31+$0x0], $0xffff  }
0x53b: {  	v49 =	vmul.f32 v49, v46;
	v57 =	vld [tilespmem:$0x1F0C0]  }
0x53c: {  	v59 =	vadd.f32 v16, v59;
	v13 =	vadd.f32 v27, v13;
	v27 =	vld.idx.msk [tilespmem:v62+s20+$0x0], $0xffff;
	v0 =	vmul.f32 v0, v46  }
0x53d: {  	v8 =	vadd.f32 v43, v8;
	v43 =	vld [tilespmem:$0x1EFB0]  }
0x53e: {  	[tilespmem:$0x1F050] =	vst v7;
	v7 =	vadd.f32 v0, v59;
	v59 =	vadd.f32 v49, v42;
	v42 =	vld.idx.msk [tilespmem:v62+s19+$0x0], $0xffff  }
0x53f: {  	v49 =	vld [tilespmem:$0x1EFC0]  }
0x540: {  	v62 =	vld [tilespmem:$0x1F0D0]  }
0x541: {  	v16 =	vld.idx.msk [tilespmem:v50+s20+$0x0], $0xffff  }
0x542: {  	v61 =	vadd.f32 v55, v61;
	v55 =	vld.idx.msk [tilespmem:v50+s19+$0x0], $0xffff;
	v43 =	vmul.f32 v43, v46  }
0x543: {  	v37 =	vmul.f32 v37, v46;
	v50 =	vld [tilespmem:$0x1F0B0];
	v57 =	vor.u32 v57, v25  }
0x544: {  	v2 =	vmul.f32 v1, v46;
	v63 =	vld.idx.msk [tilespmem:v36+s20+$0x0], $0xffff;
	v43 =	vadd.f32 v43, v61;
	v61 =	vmul.f32 v49, v46  }
0x545: {  	v9 =	vadd.f32 v37, v9;
	v37 =	vor.u32 v11, v25;
	v11 =	vld [tilespmem:$0x1F000];
	v62 =	vor.u32 v62, v25  }
0x546: {  	v5 =	vadd.f32 v61, v5;
	v61 =	vld [tilespmem:$0x1EFE0]  }
0x547: {  	v2 =	vadd.f32 v2, v10;
	v10 =	vmul.f32 v15, v48;
	v0 =	vld [tilespmem:$0x1F0E0]  }
0x548: {  	v23 =	vmul.f32 v23, v46;
	v15 =	vld.idx.msk [tilespmem:v57+s19+$0x0], $0xffff  }
0x549: {  	v10 =	vadd.f32 v10, v7;
	v7 =	vld [tilespmem:$0x1EFF0]  }
0x54a: {  	v8 =	vadd.f32 v23, v8;
	v23 =	vld.idx.msk [tilespmem:v62+s20+$0x0], $0xffff  }
0x54b: {  	v39 =	vmul.f32 v39, v48;
	v1 =	vmul.f32 v61, v46;
	v61 =	vld.idx.msk [tilespmem:v57+s20+$0x0], $0xffff  }
0x54c: {  	v50 =	vor.u32 v50, v25;
	v0 =	vor.u32 v0, v25;
	v46 =	vmul.f32 v24, v48;
	v24 =	vld.idx.msk [tilespmem:v62+s19+$0x0], $0xffff  }
0x54d: {  	v3 =	vadd.s32 v26, v0;
	v62 =	vld [tilespmem:$0x1F100]  }
0x54e: {  	v57 =	vmul.f32 v11, v48;
	v11 =	vadd.f32 v39, v2;
	v39 =	vld [tilespmem:$0x1F010]  }
0x54f: {  	v36 =	vld.idx.msk [tilespmem:v36+s19+$0x0], $0xffff;
	v7 =	vmul.f32 v7, v48  }
0x550: {  	v2 =	vld [tilespmem:$0x1F020]  }
0x551: {  	v49 =	vld.idx.msk [tilespmem:v50+s20+$0x0], $0xffff;
	v59 =	vadd.f32 v7, v59;
	v7 =	vmul.f32 v44, v48  }
0x552: {  	v1 =	vadd.f32 v1, v13;
	v13 =	vld.idx.msk [tilespmem:v3+s31+$0x0], $0xffff;
	v5 =	vadd.f32 v57, v5  }
0x553: {  	v57 =	vadd.f32 v7, v9;
	v3 =	vor.u32 v62, v25;
	v62 =	vld [tilespmem:$0x1F110];
	v7 =	vmul.f32 v39, v48  }
0x554: {  	v44 =	vld.idx.msk [tilespmem:v0+s19+$0x0], $0xffff  }
0x555: {  	v9 =	vmul.f32 v2, v48;
	v2 =	vadd.f32 v7, v1;
	v1 =	vld [tilespmem:$0x1F030]  }
0x556: {  	v43 =	vadd.f32 v46, v43;
	v46 =	vld.idx.msk [tilespmem:v0+s20+$0x0], $0xffff  }
0x557: {  	v39 =	vld.idx.msk [tilespmem:v37+s20+$0x0], $0xffff  }
0x558: {  	v0 =	vor.u32 v62, v25;
	v62 =	vld [tilespmem:$0x1F120]  }
0x559: {  	v48 =	vmul.f32 v14, v58;
	v9 =	vadd.f32 v9, v8;
	v8 =	vld [tilespmem:$0x1F040]  }
0x55a: {  	v7 =	vld.idx.msk [tilespmem:v3+s20+$0x0], $0xffff;
	v1 =	vmul.f32 v1, v58  }
0x55b: {  	v48 =	vadd.f32 v48, v10;
	v10 =	vld.idx.msk [tilespmem:v3+s19+$0x0], $0xffff  }
0x55c: {  	v3 =	vadd.f32 v1, v59;
	v1 =	vld [tilespmem:$0x1F050]  }
0x55d: {  	v14 =	vld.idx.msk [tilespmem:v37+s19+$0x0], $0xffff;
	v62 =	vor.u32 v62, v25  }
0x55e: {  	v45 =	vmul.f32 v45, v58;
	v59 =	vld [tilespmem:$0x1F130];
	v37 =	vadd.s32 v26, v62  }
0x55f: {  	v50 =	vld.idx.msk [tilespmem:v50+s19+$0x0], $0xffff;
	v8 =	vmul.f32 v8, v58  }
0x560: {  	v43 =	vadd.f32 v45, v43;
	v45 =	vld.idx.msk [tilespmem:v0+s20+$0x0], $0xffff  }
0x561: {  	v5 =	vadd.f32 v8, v5;
	v8 =	vmul.f32 v1, v58;
	v1 =	vmul.f32 v60, v58;
	v60 =	vld.idx.msk [tilespmem:v0+s19+$0x0], $0xffff  }
0x562: {  	v17 =	vmul.f32 v17, v58;
	v0 =	vmul.f32 v54, v58;
	v58 =	vld [tilespmem:$0x1F140]  }
0x563: {  	v59 =	vor.u32 v59, v25;
	v37 =	vld.idx.msk [tilespmem:v37+s31+$0x0], $0xffff  }
0x564: {  	v8 =	vadd.f32 v8, v11;
	v11 =	vmul.f32 v12, v34;
	v12 =	vld.idx.msk [tilespmem:v62+s20+$0x0], $0xffff  }
0x565: {  	v38 =	vmul.f32 v38, v34;
	v0 =	vadd.f32 v0, v2;
	v2 =	vadd.f32 v17, v9;
	v9 =	vld [tilespmem:$0x1F150]  }
0x566: {  	v22 =	vmul.f32 v22, v32;
	v17 =	vld.idx.msk [tilespmem:v62+s19+$0x0], $0xffff;
	v11 =	vadd.f32 v11, v48;
	v48 =	vmul.f32 v47, v34  }
0x567: {  	v28 =	vmul.f32 v28, v32;
	v62 =	vld [tilespmem:$0x1F160];
	v8 =	vadd.f32 v38, v8;
	v54 =	vor.u32 v58, v25  }
0x568: {  	v1 =	vadd.f32 v1, v57;
	v47 =	vld.idx.msk [tilespmem:v59+s20+$0x0], $0xffff;
	v3 =	vadd.f32 v48, v3;
	v48 =	vmul.f32 v56, v34  }
0x569: {  	v58 =	vld.idx.msk [tilespmem:v59+s19+$0x0], $0xffff;
	v11 =	vadd.f32 v22, v11;
	v8 =	vadd.f32 v28, v8;
	v28 =	vmul.f32 v35, v6  }
0x56a: {  	v9 =	vor.u32 v9, v25;
	v1 =	vadd.f32 v48, v1;
	v48 =	vld [tilespmem:$0x1F170]  }
0x56b: {  	v52 =	vmul.f32 v52, v34;
	v11 =	vadd.f32 v28, v11;
	v28 =	vld [tilespmem:$0x1F1B0]  }
0x56c: {  	v57 =	vor.u32 v62, v25;
	v56 =	vld.idx.msk [tilespmem:v54+s20+$0x0], $0xffff  }
0x56d: {  	v52 =	vadd.f32 v52, v5;
	v5 =	vld.idx.msk [tilespmem:v54+s19+$0x0], $0xffff  }
0x56e: {  	v53 =	vmul.f32 v53, v34;
	v59 =	vadd.s32 v26, v57;
	v54 =	vld [tilespmem:$0x1F180]  }
0x56f: {  	v62 =	vmul.f32 v18, v34;
	v18 =	vld.idx.msk [tilespmem:v9+s20+$0x0], $0xffff  }
0x570: {  	v40 =	vmul.f32 v40, v32;
	v43 =	vadd.f32 v53, v43;
	v34 =	vmul.f32 v51, v34;
	v9 =	vld.idx.msk [tilespmem:v9+s19+$0x0], $0xffff  }
0x571: {  	v22 =	vmul.f32 v30, v32;
	v30 =	vld.idx.msk [tilespmem:v57+s20+$0x0], $0xffff  }
0x572: {  	v20 =	vmul.f32 v20, v32;
	v2 =	vadd.f32 v34, v2;
	v34 =	vadd.f32 v40, v43;
	v40 =	vld.idx.msk [tilespmem:v57+s19+$0x0], $0xffff  }
0x573: {  	v29 =	vmul.f32 v29, v32;
	v38 =	vor.u32 v48, v25;
	v48 =	vadd.f32 v62, v0;
	v0 =	vld.idx.msk [tilespmem:v59+s31+$0x0], $0xffff  }
0x574: {  	v59 =	vld [tilespmem:$0x1F190]  }
0x575: {  	v53 =	vmul.f32 v63, v6;
	v1 =	vadd.f32 v20, v1;
	v62 =	vld [tilespmem:$0x1F1A0];
	v20 =	vadd.f32 v29, v48  }
0x576: {  	v28 =	vor.u32 v28, v25;
	v51 =	vor.u32 v54, v25;
	v54 =	vld [tilespmem:$0x1F1D0]  }
0x577: {  	v20 =	vadd.f32 v53, v20;
	v53 =	vld [tilespmem:$0x1F210]  }
0x578: {  	v41 =	vmul.f32 v41, v32;
	v43 =	vld.idx.msk [tilespmem:v38+s20+$0x0], $0xffff  }
0x579: {  	v33 =	vmul.f32 v33, v6;
	v22 =	vadd.f32 v22, v52;
	v38 =	vld.idx.msk [tilespmem:v38+s19+$0x0], $0xffff  }
0x57a: {  	v3 =	vadd.f32 v41, v3;
	v29 =	vmul.f32 v31, v6;
	v52 =	vor.u32 v62, v25;
	v62 =	vld [tilespmem:$0x1F1C0]  }
0x57b: {  	v27 =	vmul.f32 v27, v4;
	v42 =	vmul.f32 v42, v4;
	v22 =	vadd.f32 v33, v22;
	v33 =	vld.idx.msk [tilespmem:v28+s20+$0x0], $0xffff  }
0x57c: {  	v29 =	vadd.f32 v29, v3;
	v41 =	vor.u32 v59, v25;
	v59 =	vmul.f32 v55, v6;
	v55 =	vld [tilespmem:$0x1FFF0]  }
0x57d: {  	v19 =	vmul.f32 v19, v32;
	v21 =	vmul.f32 v21, v6;
	v28 =	vld.idx.msk [tilespmem:v28+s19+$0x0], $0xffff  }
0x57e: {  	v11 =	vadd.f32 v27, v11;
	v27 =	vadd.f32 v42, v29;
	v29 =	vmul.f32 v61, v4;
	v61 =	vld [tilespmem:$0x1F250]  }
0x57f: {  	v16 =	vmul.f32 v16, v6;
	v2 =	vadd.f32 v19, v2;
	v6 =	vmul.f32 v36, v6;
	v32 =	vld.idx.msk [tilespmem:v51+s20+$0x0], $0xffff  }
0x580: {  	v21 =	vadd.f32 v21, v34;
	v31 =	vld.idx.msk [tilespmem:v51+s19+$0x0], $0xffff;
	v1 =	vadd.f32 v59, v1  }
0x581: {  	v2 =	vadd.f32 v6, v2;
	v6 =	vmul.f32 v49, v4;
	v59 =	vmul.f32 v50, v4;
	v49 =	vld [tilespmem:$0x1F1F0]  }
0x582: {  	v51 =	vld [tilespmem:$0x1F200]  }
0x583: {  	v6 =	vadd.f32 v6, v21;
	v21 =	vadd.f32 v59, v22;
	v59 =	vld [tilespmem:$0x1F230]  }
0x584: {  	v8 =	vadd.f32 v16, v8;
	v19 =	vld.idx.msk [tilespmem:v41+s20+$0x0], $0xffff  }
0x585: {  	v24 =	vmul.f32 v24, v4;
	v57 =	vadd.s32 v26, v52;
	v35 =	vld.idx.msk [tilespmem:v41+s19+$0x0], $0xffff  }
0x586: {  	v15 =	vmul.f32 v15, v4;
	v7 =	vmul.f32 v7, v13;
	v8 =	vadd.f32 v29, v8;
	v34 =	vld.idx.msk [tilespmem:v52+s20+$0x0], $0xffff  }
0x587: {  	v23 =	vmul.f32 v23, v4;
	v63 =	vmul.f32 v46, v13;
	v2 =	vadd.f32 v24, v2;
	v16 =	vld.idx.msk [tilespmem:v52+s19+$0x0], $0xffff  }
0x588: {  	v48 =	vor.u32 v62, v25;
	v62 =	vld [tilespmem:$0x1F1E0];
	v7 =	vadd.f32 v7, v8;
	v8 =	vmul.f32 v60, v13  }
0x589: {  	v14 =	vmul.f32 v14, v13;
	v9 =	vmul.f32 v9, v37;
	v60 =	vld [tilespmem:$0x1F240]  }
0x58a: {  	v1 =	vadd.f32 v15, v1;
	v41 =	vor.u32 v54, v25;
	v3 =	vld.idx.msk [tilespmem:v57+s31+$0x0], $0xffff;
	v2 =	vadd.f32 v8, v2  }
0x58b: {  	v15 =	vadd.f32 v23, v20;
	v20 =	vmul.f32 v44, v13;
	v14 =	vadd.f32 v14, v21;
	v21 =	vld [tilespmem:$0x1F220]  }
0x58c: {  	v36 =	vor.u32 v55, v25;
	v2 =	vadd.f32 v9, v2;
	v9 =	vmul.f32 v43, v0;
	v43 =	vld [tilespmem:$0x1F270]  }
0x58d: {  	v10 =	vmul.f32 v10, v13;
	v11 =	vadd.f32 v63, v11;
	v5 =	vmul.f32 v5, v37;
	v50 =	vld.idx.msk [tilespmem:v48+s20+$0x0], $0xffff  }
0x58e: {  	v57 =	vadd.s32 v26, v36;
	v20 =	vadd.f32 v20, v27;
	v27 =	vmul.f32 v39, v13;
	v42 =	vld.idx.msk [tilespmem:v48+s19+$0x0], $0xffff  }
0x58f: {  	v1 =	vadd.f32 v10, v1;
	v46 =	vor.u32 v49, v25;
	v8 =	vmul.f32 v12, v37;
	v22 =	vld.idx.msk [tilespmem:v41+s20+$0x0], $0xffff  }
0x590: {  	v12 =	vmul.f32 v17, v37;
	v6 =	vadd.f32 v27, v6;
	v27 =	vmul.f32 v45, v13;
	v29 =	vld.idx.msk [tilespmem:v41+s19+$0x0], $0xffff  }
0x591: {  	v1 =	vadd.f32 v5, v1;
	v5 =	vmul.f32 v30, v0;
	v30 =	vmul.f32 v40, v0;
	v23 =	vld.idx.msk [tilespmem:v36+s20+$0x0], $0xffff  }
0x592: {  	v8 =	vadd.f32 v8, v11;
	v11 =	vadd.f32 v12, v20;
	v48 =	vor.u32 v62, v25;
	v24 =	vld.idx.msk [tilespmem:v36+s19+$0x0], $0xffff  }
0x593: {  	v10 =	vadd.f32 v27, v15;
	v27 =	vmul.f32 v47, v37;
	v47 =	vor.u32 v59, v25;
	v59 =	vld [tilespmem:$0x1F330]  }
0x594: {  	v4 =	vld.idx.msk [tilespmem:v57+s31+$0x0], $0xffff  }
0x595: {  	v36 =	vor.u32 v51, v25;
	v5 =	vadd.f32 v5, v8;
	v8 =	vadd.f32 v30, v11;
	v11 =	vld [tilespmem:$0x1F260]  }
0x596: {  	v57 =	vld.idx.msk [tilespmem:v46+s20+$0x0], $0xffff  }
0x597: {  	v41 =	vor.u32 v53, v25;
	v13 =	vld.idx.msk [tilespmem:v46+s19+$0x0], $0xffff  }
0x598: {  	v52 =	vld.idx.msk [tilespmem:v48+s20+$0x0], $0xffff  }
0x599: {  	v54 =	vld.idx.msk [tilespmem:v48+s19+$0x0], $0xffff  }
0x59a: {  	v15 =	vld.idx.msk [tilespmem:v36+s20+$0x0], $0xffff  }
0x59b: {  	v17 =	vld.idx.msk [tilespmem:v36+s19+$0x0], $0xffff  }
0x59c: {  	v20 =	vld.idx.msk [tilespmem:v41+s20+$0x0], $0xffff  }
0x59d: {  	v18 =	vmul.f32 v18, v37;
	v6 =	vadd.f32 v27, v6;
	v27 =	vld.idx.msk [tilespmem:v41+s19+$0x0], $0xffff  }
0x59e: {  	v63 =	vld.idx.msk [tilespmem:v47+s20+$0x0], $0xffff  }
0x59f: {  	v55 =	vadd.s32 v26, v41;
	v16 =	vmul.f32 v16, v3;
	v10 =	vadd.f32 v18, v10;
	v18 =	vld.idx.msk [tilespmem:v47+s19+$0x0], $0xffff  }
0x5a0: {  	v21 =	vor.u32 v21, v25;
	v47 =	vld [tilespmem:$0x1F290]  }
0x5a1: {  	v58 =	vmul.f32 v58, v37;
	v8 =	vadd.f32 v16, v8;
	v16 =	vmul.f32 v50, v3;
	v50 =	vld [tilespmem:$0x1F2A0]  }
0x5a2: {  	v12 =	vmul.f32 v56, v37;
	v6 =	vadd.f32 v9, v6;
	v36 =	vor.u32 v60, v25;
	v60 =	vld [tilespmem:$0x1F340]  }
0x5a3: {  	v9 =	vmul.f32 v38, v0;
	v38 =	vor.u32 v43, v25;
	v41 =	vor.u32 v61, v25;
	v61 =	vld [tilespmem:$0x1F2F0]  }
0x5a4: {  	v46 =	vld.idx.msk [tilespmem:v55+s31+$0x0], $0xffff  }
0x5a5: {  	v31 =	vmul.f32 v31, v0;
	v14 =	vadd.f32 v58, v14;
	v7 =	vadd.f32 v12, v7;
	v12 =	vld.idx.msk [tilespmem:v21+s20+$0x0], $0xffff  }
0x5a6: {  	v21 =	vld.idx.msk [tilespmem:v21+s19+$0x0], $0xffff  }
0x5a7: {  	v1 =	vadd.f32 v31, v1;
	v31 =	vmul.f32 v34, v3;
	v9 =	vadd.f32 v9, v14;
	v14 =	vld [tilespmem:$0x1F280]  }
0x5a8: {  	v32 =	vmul.f32 v32, v0;
	v48 =	vmul.f32 v28, v3;
	v28 =	vld.idx.msk [tilespmem:v38+s20+$0x0], $0xffff  }
0x5a9: {  	v19 =	vmul.f32 v19, v0;
	v5 =	vadd.f32 v31, v5;
	v31 =	vld.idx.msk [tilespmem:v38+s19+$0x0], $0xffff  }
0x5aa: {  	v7 =	vadd.f32 v32, v7;
	v30 =	vld.idx.msk [tilespmem:v36+s20+$0x0], $0xffff  }
0x5ab: {  	v10 =	vadd.f32 v19, v10;
	v36 =	vld.idx.msk [tilespmem:v36+s19+$0x0], $0xffff  }
0x5ac: {  	v62 =	vadd.s32 v26, v41;
	v7 =	vadd.f32 v16, v7;
	v16 =	vmul.f32 v22, v3;
	v32 =	vld.idx.msk [tilespmem:v41+s20+$0x0], $0xffff  }
0x5ad: {  	v11 =	vor.u32 v11, v25;
	v19 =	vld.idx.msk [tilespmem:v41+s19+$0x0], $0xffff  }
0x5ae: {  	v10 =	vadd.f32 v16, v10;
	v16 =	vmul.f32 v52, v4;
	v52 =	vld [tilespmem:$0x1F2D0]  }
0x5af: {  	v0 =	vmul.f32 v35, v0;
	v35 =	vor.u32 v47, v25;
	v56 =	vmul.f32 v15, v4;
	v15 =	vld [tilespmem:$0x1F2E0]  }
0x5b0: {  	v38 =	vor.u32 v50, v25;
	v50 =	vld [tilespmem:$0x1F370]  }
0x5b1: {  	v37 =	vld.idx.msk [tilespmem:v62+s31+$0x0], $0xffff  }
0x5b2: {  	v34 =	vld.idx.msk [tilespmem:v11+s20+$0x0], $0xffff  }
0x5b3: {  	v33 =	vmul.f32 v33, v3;
	v41 =	vld.idx.msk [tilespmem:v11+s19+$0x0], $0xffff  }
0x5b4: {  	v49 =	vmul.f32 v42, v3;
	v3 =	vmul.f32 v29, v3;
	v14 =	vor.u32 v14, v25;
	v29 =	vld.idx.msk [tilespmem:v35+s20+$0x0], $0xffff  }
0x5b5: {  	v51 =	vmul.f32 v24, v4;
	v24 =	vld.idx.msk [tilespmem:v35+s19+$0x0], $0xffff  }
0x5b6: {  	v11 =	vadd.s32 v26, v35;
	v35 =	vld.idx.msk [tilespmem:v38+s20+$0x0], $0xffff  }
0x5b7: {  	v38 =	vld.idx.msk [tilespmem:v38+s19+$0x0], $0xffff  }
0x5b8: {  	v39 =	vor.u32 v52, v25;
	v52 =	vld [tilespmem:$0x1F380]  }
0x5b9: {  	v6 =	vadd.f32 v33, v6;
	v33 =	vld.idx.msk [tilespmem:v14+s20+$0x0], $0xffff  }
0x5ba: {  	v0 =	vadd.f32 v0, v2;
	v13 =	vmul.f32 v13, v4;
	v22 =	vld.idx.msk [tilespmem:v14+s19+$0x0], $0xffff  }
0x5bb: {  	v53 =	vadd.f32 v51, v8;
	v58 =	vmul.f32 v27, v46;
	v14 =	vmul.f32 v23, v4;
	v2 =	vld.idx.msk [tilespmem:v11+s31+$0x0], $0xffff  }
0x5bc: {  	v11 =	vld [tilespmem:$0x1F2B0];
	v23 =	vmul.f32 v54, v4;
	v54 =	vmul.f32 v57, v4  }
0x5bd: {  	v4 =	vmul.f32 v17, v4;
	v17 =	vmul.f32 v63, v46;
	v63 =	vadd.f32 v58, v53;
	v53 =	vld [tilespmem:$0x1F3A0]  }
0x5be: {  	v12 =	vmul.f32 v12, v46;
	v15 =	vor.u32 v15, v25;
	v58 =	vld [tilespmem:$0x1F3D0];
	v7 =	vadd.f32 v54, v7  }
0x5bf: {  	v6 =	vadd.f32 v16, v6;
	v55 =	vadd.s32 v26, v39;
	v5 =	vadd.f32 v14, v5;
	v14 =	vld [tilespmem:$0x1F2C0]  }
0x5c0: {  	v9 =	vadd.f32 v48, v9;
	v54 =	vld [tilespmem:$0x1F300];
	v7 =	vadd.f32 v17, v7;
	v17 =	vor.u32 v50, v25  }
0x5c1: {  	v12 =	vadd.f32 v12, v6;
	v6 =	vmul.f32 v18, v46;
	v27 =	vld.idx.msk [tilespmem:v39+s20+$0x0], $0xffff;
	v18 =	vor.u32 v52, v25  }
0x5c2: {  	v0 =	vadd.f32 v3, v0;
	v62 =	vld.idx.msk [tilespmem:v39+s19+$0x0], $0xffff  }
0x5c3: {  	v16 =	vmul.f32 v21, v46;
	v9 =	vadd.f32 v23, v9;
	v40 =	vld.idx.msk [tilespmem:v15+s20+$0x0], $0xffff;
	v11 =	vor.u32 v11, v25  }
0x5c4: {  	v23 =	vadd.f32 v4, v0;
	v4 =	vld.idx.msk [tilespmem:v55+s31+$0x0], $0xffff  }
0x5c5: {  	v9 =	vadd.f32 v16, v9;
	v16 =	vor.u32 v53, v25;
	v39 =	vld.idx.msk [tilespmem:v17+s20+$0x0], $0xffff  }
0x5c6: {  	v1 =	vadd.f32 v49, v1;
	v49 =	vld.idx.msk [tilespmem:v18+s20+$0x0], $0xffff  }
0x5c7: {  	v17 =	vld.idx.msk [tilespmem:v17+s19+$0x0], $0xffff  }
0x5c8: {  	v14 =	vor.u32 v14, v25;
	v47 =	vld.idx.msk [tilespmem:v11+s20+$0x0], $0xffff  }
0x5c9: {  	v8 =	vld.idx.msk [tilespmem:v11+s19+$0x0], $0xffff  }
0x5ca: {  	v50 =	vld.idx.msk [tilespmem:v16+s20+$0x0], $0xffff  }
0x5cb: {  	v11 =	vmul.f32 v20, v46;
	v20 =	vadd.f32 v56, v10;
	v10 =	vor.u32 v61, v25;
	v61 =	vld [tilespmem:$0x1F310]  }
0x5cc: {  	v16 =	vld.idx.msk [tilespmem:v16+s19+$0x0], $0xffff  }
0x5cd: {  	v1 =	vadd.f32 v13, v1;
	v13 =	vld.idx.msk [tilespmem:v14+s20+$0x0], $0xffff  }
0x5ce: {  	v51 =	vmul.f32 v30, v46;
	v57 =	vld.idx.msk [tilespmem:v14+s19+$0x0], $0xffff  }
0x5cf: {  	v33 =	vmul.f32 v33, v37;
	v44 =	vadd.f32 v11, v5;
	v5 =	vld.idx.msk [tilespmem:v15+s19+$0x0], $0xffff  }
0x5d0: {  	v21 =	vadd.s32 v26, v10;
	v14 =	vor.u32 v59, v25;
	v56 =	vadd.f32 v51, v20;
	v59 =	vld [tilespmem:$0x1F3F0]  }
0x5d1: {  	v11 =	vor.u32 v60, v25;
	v60 =	vld [tilespmem:$0x1F400]  }
0x5d2: {  	v33 =	vadd.f32 v33, v56;
	v56 =	vld [tilespmem:$0x1F440]  }
0x5d3: {  	v48 =	vld.idx.msk [tilespmem:v10+s20+$0x0], $0xffff  }
0x5d4: {  	v15 =	vor.u32 v54, v25;
	v10 =	vld.idx.msk [tilespmem:v10+s19+$0x0], $0xffff  }
0x5d5: {  	v42 =	vadd.f32 v6, v1;
	v6 =	vld.idx.msk [tilespmem:v21+s31+$0x0], $0xffff  }
0x5d6: {  	v21 =	vor.u32 v58, v25;
	v58 =	vld [tilespmem:$0x1F460]  }
0x5d7: {  	v30 =	vld.idx.msk [tilespmem:v14+s20+$0x0], $0xffff  }
0x5d8: {  	v36 =	vmul.f32 v36, v46;
	v43 =	vld.idx.msk [tilespmem:v11+s20+$0x0], $0xffff  }
0x5d9: {  	v19 =	vmul.f32 v19, v37;
	v51 =	vld.idx.msk [tilespmem:v15+s20+$0x0], $0xffff  }
0x5da: {  	v36 =	vadd.f32 v36, v23;
	v55 =	vadd.s32 v26, v15;
	v23 =	vor.u32 v59, v25;
	v59 =	vld [tilespmem:$0x1F590]  }
0x5db: {  	[tilespmem:$0x1F060] =	vst v57;
	v57 =	vmul.f32 v34, v37;
	v34 =	vadd.f32 v19, v63;
	v19 =	vor.u32 v61, v25;
	v61 =	vld [tilespmem:$0x1F470]  }
0x5dc: {  	v14 =	vld.idx.msk [tilespmem:v14+s19+$0x0], $0xffff  }
0x5dd: {  	v41 =	vmul.f32 v41, v37;
	v11 =	vld.idx.msk [tilespmem:v11+s19+$0x0], $0xffff  }
0x5de: {  	v15 =	vld.idx.msk [tilespmem:v15+s19+$0x0], $0xffff  }
0x5df: {  	v9 =	vadd.f32 v41, v9;
	v20 =	vor.u32 v60, v25;
	v60 =	vmul.f32 v38, v2;
	v1 =	vld.idx.msk [tilespmem:v55+s31+$0x0], $0xffff  }
0x5e0: {  	v13 =	vmul.f32 v13, v2;
	v55 =	vld [tilespmem:$0x1F430]  }
0x5e1: {  	v46 =	vadd.f32 v60, v9;
	v60 =	vld [tilespmem:$0x1F5A0]  }
0x5e2: {  	v13 =	vadd.f32 v13, v33;
	v33 =	vld [tilespmem:$0x1F4C0]  }
0x5e3: {  	v52 =	vld.idx.msk [tilespmem:v21+s20+$0x0], $0xffff  }
0x5e4: {  	v31 =	vmul.f32 v31, v37;
	v21 =	vld.idx.msk [tilespmem:v21+s19+$0x0], $0xffff  }
0x5e5: {  	v28 =	vmul.f32 v28, v37;
	[tilespmem:$0x1F070] =	vst v62;
	v62 =	vadd.s32 v26, v19;
	v53 =	vld.idx.msk [tilespmem:v23+s20+$0x0], $0xffff  }
0x5e6: {  	v32 =	vmul.f32 v32, v37;
	v42 =	vadd.f32 v31, v42;
	v54 =	vld.idx.msk [tilespmem:v20+s20+$0x0], $0xffff  }
0x5e7: {  	v63 =	vadd.f32 v28, v7;
	v7 =	vmul.f32 v22, v37;
	v22 =	vor.u32 v59, v25;
	v59 =	vld [tilespmem:$0x1F490]  }
0x5e8: {  	v31 =	vmul.f32 v29, v2;
	v32 =	vadd.f32 v32, v44;
	v29 =	vor.u32 v56, v25;
	v23 =	vld.idx.msk [tilespmem:v23+s19+$0x0], $0xffff  }
0x5e9: {  	v12 =	vadd.f32 v57, v12;
	v57 =	vmul.f32 v24, v2;
	v24 =	vor.u32 v58, v25;
	v20 =	vld.idx.msk [tilespmem:v20+s19+$0x0], $0xffff  }
0x5ea: {  	v35 =	vmul.f32 v35, v2;
	v44 =	vadd.f32 v7, v36;
	v28 =	vor.u32 v55, v25;
	v7 =	vld.idx.msk [tilespmem:v62+s31+$0x0], $0xffff  }
0x5eb: {  	v38 =	vadd.s32 v26, v22;
	v55 =	vadd.f32 v31, v32;
	v31 =	vmul.f32 v47, v2;
	v47 =	vld.idx.msk [tilespmem:v19+s20+$0x0], $0xffff  }
0x5ec: {  	v62 =	vld [tilespmem:$0x1F480]  }
0x5ed: {  	v12 =	vadd.f32 v35, v12;
	v41 =	vld.idx.msk [tilespmem:v29+s20+$0x0], $0xffff;
	v35 =	vadd.f32 v31, v63;
	v63 =	vmul.f32 v27, v4  }
0x5ee: {  	v45 =	vadd.f32 v57, v34;
	v32 =	vor.u32 v61, v25;
	v57 =	vld.idx.msk [tilespmem:v24+s20+$0x0], $0xffff  }
0x5ef: {  	v61 =	vmul.f32 v40, v4;
	v27 =	vor.u32 v60, v25;
	v40 =	vadd.f32 v63, v55;
	v55 =	vld.idx.msk [tilespmem:v22+s20+$0x0], $0xffff  }
0x5f0: {  	v30 =	vmul.f32 v30, v4;
	v9 =	vld.idx.msk [tilespmem:v38+s31+$0x0], $0xffff;
	v38 =	vadd.s32 v26, v27  }
0x5f1: {  	v63 =	vld [tilespmem:$0x1F4B0]  }
0x5f2: {  	v30 =	vadd.f32 v30, v35;
	v35 =	vld [tilespmem:$0x1F4D0]  }
0x5f3: {  	v56 =	vld.idx.msk [tilespmem:v28+s20+$0x0], $0xffff  }
0x5f4: {  	v34 =	vor.u32 v62, v25;
	v62 =	vmul.f32 v43, v4;
	v43 =	vadd.f32 v61, v12;
	v61 =	vld [tilespmem:$0x1F5B0]  }
0x5f5: {  	v12 =	vld.idx.msk [tilespmem:v38+s31+$0x0], $0xffff  }
0x5f6: {  	v48 =	vmul.f32 v48, v6;
	v38 =	vld [tilespmem:$0x1F520]  }
0x5f7: {  	v39 =	vmul.f32 v39, v6;
	v31 =	vor.u32 v59, v25;
	v58 =	vld.idx.msk [tilespmem:v32+s20+$0x0], $0xffff  }
0x5f8: {  	v49 =	vmul.f32 v49, v6;
	v13 =	vadd.f32 v62, v13;
	v62 =	vadd.f32 v48, v40;
	v48 =	vld.idx.msk [tilespmem:v27+s20+$0x0], $0xffff  }
0x5f9: {  	v36 =	vor.u32 v33, v25;
	v43 =	vadd.f32 v39, v43;
	v39 =	vld [tilespmem:$0x1F500]  }
0x5fa: {  	v49 =	vadd.f32 v49, v30;
	v40 =	vld [tilespmem:$0x1F510];
	v37 =	vor.u32 v63, v25  }
0x5fb: {  	v63 =	vmul.f32 v51, v1;
	v33 =	vor.u32 v61, v25;
	v30 =	vor.u32 v38, v25;
	v38 =	vld [tilespmem:$0x1F5C0]  }
0x5fc: {  	v60 =	vld.idx.msk [tilespmem:v31+s20+$0x0], $0xffff;
	v61 =	vadd.s32 v26, v33  }
0x5fd: {  	v47 =	vmul.f32 v47, v7;
	v59 =	vld.idx.msk [tilespmem:v34+s20+$0x0], $0xffff;
	v62 =	vadd.f32 v63, v62  }
0x5fe: {  	v50 =	vmul.f32 v50, v6;
	v35 =	vor.u32 v35, v25;
	v63 =	vld.idx.msk [tilespmem:v36+s20+$0x0], $0xffff  }
0x5ff: {  	v52 =	vmul.f32 v52, v1;
	v39 =	vor.u32 v39, v25;
	v47 =	vadd.f32 v47, v62;
	v62 =	vld [tilespmem:$0x1F530]  }
0x600: {  	v53 =	vmul.f32 v53, v1;
	v54 =	vmul.f32 v54, v1;
	v51 =	vld.idx.msk [tilespmem:v37+s20+$0x0], $0xffff;
	v38 =	vor.u32 v38, v25  }
0x601: {  	v50 =	vadd.f32 v50, v13;
	v40 =	vor.u32 v40, v25;
	v13 =	vld.idx.msk [tilespmem:v61+s31+$0x0], $0xffff;
	v61 =	vadd.s32 v26, v38  }
0x602: {  	v26 =	vadd.f32 v52, v43;
	v52 =	vmul.f32 v56, v7;
	v56 =	vmul.f32 v41, v7;
	v41 =	vld [tilespmem:$0x1F540]  }
0x603: {  	v57 =	vmul.f32 v57, v7;
	v55 =	vmul.f32 v55, v9;
	v50 =	vadd.f32 v54, v50;
	v3 =	vld.idx.msk [tilespmem:v35+s20+$0x0], $0xffff  }
0x604: {  	v49 =	vadd.f32 v53, v49;
	v54 =	vld.idx.msk [tilespmem:v39+s20+$0x0], $0xffff  }
0x605: {  	v50 =	vadd.f32 v57, v50;
	v60 =	vmul.f32 v60, v9;
	v47 =	vadd.f32 v55, v47;
	v0 =	vld.idx.msk [tilespmem:v30+s20+$0x0], $0xffff  }
0x606: {  	v43 =	vor.u32 v62, v25;
	v62 =	vld.idx.msk [tilespmem:v40+s20+$0x0], $0xffff;
	v52 =	vadd.f32 v52, v26;
	v49 =	vadd.f32 v56, v49  }
0x607: {  	v56 =	vmul.f32 v58, v9;
	v58 =	vmul.f32 v59, v9;
	v26 =	vor.u32 v41, v25;
	v41 =	vld [tilespmem:$0x1F080]  }
0x608: {  	v24 =	vld.idx.msk [tilespmem:v24+s19+$0x0], $0xffff;
	v50 =	vadd.f32 v60, v50;
	v60 =	vmul.f32 v63, v12;
	v3 =	vmul.f32 v3, v12  }
0x609: {  	v53 =	vld.idx.msk [tilespmem:v33+s20+$0x0], $0xffff;
	v51 =	vmul.f32 v51, v12;
	v52 =	vadd.f32 v56, v52;
	v49 =	vadd.f32 v58, v49  }
0x60a: {  	v48 =	vmul.f32 v48, v12;
	v3 =	vadd.f32 v3, v50;
	v57 =	vld.idx.msk [tilespmem:v38+s20+$0x0], $0xffff;
	v0 =	vmul.f32 v0, v13  }
0x60b: {  	v56 =	vld.idx.msk [tilespmem:v43+s20+$0x0], $0xffff;
	v62 =	vmul.f32 v62, v13;
	v51 =	vadd.f32 v51, v52;
	v49 =	vadd.f32 v60, v49  }
0x60c: {  	v60 =	vmul.f32 v54, v13;
	v0 =	vadd.f32 v0, v3;
	v3 =	vld.idx.msk [tilespmem:v18+s19+$0x0], $0xffff;
	v41 =	vor.u32 v41, v25  }
0x60d: {  	v47 =	vadd.f32 v48, v47;
	v48 =	vadd.f32 v62, v49;
	v62 =	vld [tilespmem:$0x1F060]  }
0x60e: {  	v8 =	vmul.f32 v8, v2;
	v50 =	vadd.f32 v60, v51;
	v51 =	vld [tilespmem:$0x1F070]  }
0x60f: {  	v25 =	vld.idx.msk [tilespmem:v61+s31+$0x0], $0xffff  }
0x610: {  	v8 =	vadd.f32 v8, v42;
	v14 =	vmul.f32 v14, v4;
	v58 =	vld.idx.msk [tilespmem:v26+s20+$0x0], $0xffff  }
0x611: {  	v63 =	vmul.f32 v53, v13;
	v53 =	vld.idx.msk [tilespmem:v41+s20+$0x0], $0xffff  }
0x612: {  	v5 =	vmul.f32 v5, v4;
	v8 =	vadd.f32 v14, v8;
	v14 =	vld.idx.msk [tilespmem:v28+s19+$0x0], $0xffff;
	v3 =	vmul.f32 v3, v6  }
0x613: {  	v59 =	vld [tilespmem:$0x1FA40];
	v47 =	vadd.f32 v63, v47;
	v2 =	vmul.f32 v62, v2;
	v42 =	vmul.f32 v51, v4  }
0x614: {  	v61 =	vld [tilespmem:$0x1FA50];
	v4 =	vmul.f32 v11, v4;
	v3 =	vadd.f32 v3, v8;
	v49 =	vmul.f32 v57, v25  }
0x615: {  	v11 =	vld.idx.msk [tilespmem:v19+s19+$0x0], $0xffff;
	v63 =	vmul.f32 v56, v25;
	v18 =	vmul.f32 v58, v25;
	v2 =	vadd.f32 v2, v44  }
0x616: {  	v8 =	vld.idx.msk [tilespmem:v34+s19+$0x0], $0xffff;
	v42 =	vadd.f32 v42, v45;
	v47 =	vadd.f32 v49, v47;
	v60 =	vmul.f32 v53, v25  }
0x617: {  	v10 =	vmul.f32 v10, v6;
	v34 =	vld [tilespmem:$0x1F9B0];
	v63 =	vadd.f32 v63, v50;
	v18 =	vadd.f32 v18, v48  }
0x618: {  	v2 =	vadd.f32 v4, v2;
	v4 =	vmul.f32 v17, v6;
	v17 =	vld.idx.msk [tilespmem:v29+s19+$0x0], $0xffff;
	v0 =	vadd.f32 v60, v0  }
0x619: {  	v5 =	vadd.f32 v5, v46;
	v57 =	vld [tilespmem:$0x1FA30];
	v10 =	vadd.f32 v10, v42;
	v6 =	vmul.f32 v16, v6  }
0x61a: {  	v56 =	vld [tilespmem:$0x1FA20];
	v11 =	vmul.f32 v11, v7;
	v52 =	vmax.f32 v47, v63;
	v48 =	vmax.f32 v18, v0  }
0x61b: {  	v50 =	vld [tilespmem:$0x1FA10];
	v4 =	vadd.f32 v4, v5;
	v2 =	vadd.f32 v6, v2;
	v44 =	vmax.f32 v52, v48  }
0x61c: {  	v42 =	vld [tilespmem:$0x1F9F0];
	v6 =	vmul.f32 v15, v1;
	v19 =	vsub.f32 v47, v44;
	v28 =	vsub.f32 v63, v44  }
0x61d: {  	v5 =	vld.idx.msk [tilespmem:v32+s19+$0x0], $0xffff;
	v53 =	vmul.f32 v14, v7;
	v54 =	vmul.f32 v17, v7;
	v18 =	vsub.f32 v18, v44  }
0x61e: {  	v16 =	vld.idx.msk [tilespmem:v22+s19+$0x0], $0xffff;
	v19 =	vmul.f32 $1.442695020e+00, v19;
	v28 =	vmul.f32 $1.442695020e+00, v28  }
0x61f: {  	v22 =	vld [tilespmem:$0x1F960];
	v6 =	vadd.f32 v6, v10;
	v15 =	vmul.f32 $1.442695020e+00, v18;
	v18 =	vmul.f32 v21, v1  }
0x620: {  	v14 =	vld.idx.msk [tilespmem:v36+s19+$0x0], $0xffff;
	v0 =	vsub.f32 v0, v44;
	(erf) = vpow2.f32 v19;
	v19 =	vmul.f32 v23, v1  }
0x621: {  	v6 =	vadd.f32 v11, v6;
	v21 =	vld.idx.msk [tilespmem:v31+s19+$0x0], $0xffff;
	v1 =	vmul.f32 v20, v1;
	(erf) = vpow2.f32 v28  }
0x622: {  	v10 =	vld.idx.msk [tilespmem:v27+s19+$0x0], $0xffff;
	v55 =	vmul.f32 v5, v9;
	v0 =	vmul.f32 $1.442695020e+00, v0;
	v4 =	vadd.f32 v18, v4  }
0x623: {  	(erf) = vpow2.f32 v15;
	v15 =	vld.idx.msk [tilespmem:v37+s19+$0x0], $0xffff;
	v3 =	vadd.f32 v19, v3;
	v1 =	vadd.f32 v1, v2  }
0x624: {  	v32 =	vld [tilespmem:$0x1F9A0];
	v2 =	vadd.f32 v53, v4;
	v4 =	vmul.f32 v24, v7;
	v7 =	vmul.f32 v16, v9  }
0x625: {  	v5 =	vmul.f32 v8, v9;
	v16 =	vld.idx.msk [tilespmem:v33+s19+$0x0], $0xffff;
	(erf) = vpow2.f32 v0;
	v0 =	vadd.f32 v54, v3  }
0x626: {  	v11 =	vld.idx.msk [tilespmem:v35+s19+$0x0], $0xffff;
	v1 =	vadd.f32 v4, v1;
	v4 =	vadd.f32 v7, v6;
	v6 =	vmul.f32 v21, v9  }
0x627: {  	v8 =	vld.idx.msk [tilespmem:v39+s19+$0x0], $0xffff;
	v14 =	vmul.f32 v14, v12  }
0x628: {  	v7 =	vld.idx.msk [tilespmem:v40+s19+$0x0], $0xffff;
	v0 =	vadd.f32 v5, v0;
	v5 =	vmul.f32 v10, v12;
	v10 =	vmul.f32 v15, v12  }
0x629: {  	v2 =	vadd.f32 v55, v2;
	v9 =	vld.idx.msk [tilespmem:v38+s19+$0x0], $0xffff;
	v58 =	vpop (erf)  }
0x62a: {  	v1 =	vadd.f32 v6, v1;
	v15 =	vld.idx.msk [tilespmem:v43+s19+$0x0], $0xffff;
	v0 =	vadd.f32 v14, v0;
	v14 =	vmul.f32 v16, v13;
	v6 =	vpop (erf)  }
0x62b: {  	v4 =	vadd.f32 v5, v4;
	v5 =	vmul.f32 v11, v12;
	v11 =	vld.idx.msk [tilespmem:v30+s19+$0x0], $0xffff;
	v12 =	vadd.f32 v6, v58  }
0x62c: {  	v16 =	vld.idx.msk [tilespmem:v26+s19+$0x0], $0xffff;
	v2 =	vadd.f32 v10, v2;
	v10 =	vpop (erf)  }
0x62d: {  	v36 =	vld [tilespmem:$0x1F9C0];
	v1 =	vadd.f32 v5, v1;
	v5 =	vmul.f32 v8, v13;
	v12 =	vadd.f32 v12, v10  }
0x62e: {  	v7 =	vmul.f32 v7, v13;
	v9 =	vmul.f32 v9, v25;
	v8 =	vld.idx.msk [tilespmem:v41+s19+$0x0], $0xffff;
	v4 =	vadd.f32 v14, v4;
	v14 =	vpop (erf)  }
0x62f: {  	v27 =	vld [tilespmem:$0x1F970];
	v2 =	vadd.f32 v5, v2;
	v5 =	vmul.f32 v15, v25;
	v12 =	vadd.f32 v12, v14  }
0x630: {  	v17 =	vld [tilespmem:$0x1F930];
	v0 =	vadd.f32 v7, v0;
	v4 =	vadd.f32 v9, v4;
	v7 =	vmul.f32 v11, v13  }
0x631: {  	v60 =	vld [tilespmem:s16+$0x0];
	v2 =	vadd.f32 v5, v2;
	v5 =	vmul.f32 v16, v25;
	(erf) = vrcp.f32 v12  }
0x632: {  	v39 =	vld [tilespmem:$0x1F980];
	v3 =	vmul.f32 v58, v4;
	v1 =	vadd.f32 v7, v1  }
0x633: {  	v63 =	vld [tilespmem:s26+$0x0];
	v7 =	vmul.f32 v8, v25;
	v0 =	vadd.f32 v5, v0;
	v2 =	vmul.f32 v6, v2  }
0x634: {  	v31 =	vld [tilespmem:$0x1F990]  }
0x635: {  	v18 =	vld [tilespmem:$0x1F940];
	v1 =	vadd.f32 v7, v1;
	v2 =	vadd.f32 v2, v3;
	v0 =	vmul.f32 v10, v0  }
0x636: {  	v19 =	vld [tilespmem:$0x1F950]  }
0x637: {  	v38 =	vld [tilespmem:$0x1F9D0];
	v1 =	vmul.f32 v14, v1;
	v0 =	vadd.f32 v2, v0  }
0x638: {  	v40 =	vld [tilespmem:$0x1F9E0]  }
0x639: {  	v43 =	vld [tilespmem:$0x1FA00];
	v0 =	vadd.f32 v0, v1  }
0x63a: {  	v9 =	vld [tilespmem:$0x1F8D0];
	v62 =	vpop (erf)  }
0x63b: {  	v13 =	vld [tilespmem:$0x1F910];
	v0 =	vmul.f32 v62, v0  }
0x63c: {  	p1 =	sne.s32 s30, $0x30;
	v11 =	vld [tilespmem:$0x1F8F0]  }
.Ltmp4:
0x63d: {  	v16 =	vld [tilespmem:$0x1F920];
	v0 =	vadd.f32 v0, v60;
	(pc) =	sbr.rel @p1 .LBB2_7-.Ltmp4, $4  }
0x63e: {  	v8 =	vld [tilespmem:$0x1FFE0]  }
0x63f: {  	v12 =	vld [tilespmem:$0x1F900];
	v0 =	vadd.f32 v0, v63  }
0x640: {  	s1 =	sadd.s32 $0x10, s25;
	s4 =	sadd.s32 $0x10, s17;
	vm12 =	vmmov vm13;
	v10 =	vld [tilespmem:$0x1F8E0]  }
0x641: {  	s0 =	sadd.s32 $0x10, s30;
	s2 =	sadd.s32 $0x10, s26;
	vm11 =	vmmov vm4;
	s16 =	sadd.s32 $0x10, s16;
	v6 =	vlaneseq.u32;
	v7 =	vimm.s32 $0x0;
	v14 =	vld [tilespmem:$0x1FC80];
	[tilespmem:s25+$0x0] =	vst v0  }
.Ltmp5:
0x642: {  	(pc) =	sbr.rel @p0 .LBB2_10-.Ltmp5, $4  }
0x643: {  	_ = 	snop  }
0x644: {  	s6 =	rddreg [dreg:$0xe]  }
0x645: {  	s8 =	rddreg [dreg:$0x10]  }
0x646: {  	s9 =	rddreg [dreg:$0x11]  }
0x647: {  	s3 =	rddreg [dreg:$0x17]  }
0x648: {  	s1 =	rddreg [dreg:$0x2]  }
0x649: {  	s22 =	rddreg [dreg:$0x3]  }
0x64a: {  	s24 =	rddreg [dreg:$0x7]  }
0x64b: {  	s7 =	rddreg [dreg:$0xf]  }
0x64c: {  	s26 =	rddreg [dreg:$0x12]  }
0x64d: {  	s28 =	rddreg [dreg:$0x13]  }
0x64e: {  	s2 =	simm.s32 $0x40;
	s29 =	rddreg [dreg:$0x14];
	s0 =	sadd.s32 $0xC0, s3  }
0x64f: {  	[tilespmem:s19], [sflag:$0x3] =	stream.indirect.gather [hbm4b:s1+s2], $0x80, s0, s2, $0xb8;
	[tilespmem:$0xCC00] =	vst v63  }
0x650: {  	s25 =	simm.s32 $0xAC00;
	s9 =	sadd.s32 $0x80, s9;
	s30 =	rddreg [dreg:$0x15]  }
0x651: {  	[tilespmem:s20], [sflag:$0x3] =	stream.indirect.gather [hbm4b:s22+s2], $0x80, s0, s2, $0xb8;
	[tilespmem:$0xCC00] =	vst v63  }
0x652: {  	s31 =	rddreg [dreg:$0x16];
	s23 =	sadd.s32 $0x4C0, s3;
	s0 =	sadd.s32 $0x80, s28  }
.Ltmp6:
0x653: {  	[dreg:$0x13] =	wrdreg s0;
	s0 =	sadd.s32 $0x80, s29;
	(pc) =	sbr.rel .LBB2_4-.Ltmp6, $4  }
0x654: {  	[tilespmem:s25], [sflag:$0x3] =	stream.indirect.gather [hbm4b:s24+s2], $0x80, s23, s2, $0xb8;
	[tilespmem:$0xCC00] =	vst v63  }
0x655: {  	s8 =	sadd.s32 $0x80, s8;
	[dreg:$0x14] =	wrdreg s0;
	s0 =	sadd.s32 $0x80, s30  }
0x656: {  	s6 =	sadd.s32 $0x80, s6;
	[dreg:$0x15] =	wrdreg s0;
	s0 =	sadd.s32 $0x80, s31  }
0x657: {  	s7 =	sadd.s32 $0x1, s7;
	s1 =	sadd.s32 $0x80, s26;
	[dreg:$0x16] =	wrdreg s0  }
.LBB2_11:
0x658: {  	_ =	sfence.sel $0x180000  }
0x659: {  	[bflag:$0x0] =	sbarrier.arrive $0xFFFF  }
0x65a: {  	_ =	strace $0x90000047  }
0x65b: {  	s0 =	stileid.u32;
	[bflag:$0x2] =	sbarrier.arrive $0xFFFF  }
0x65c: {  	p0 =	sne.s32 s0, $0x0;
	s0 =	rddreg [dreg:$0x6]  }
0x65d: {  	s0 =	sadd.s32 @!p0 $0x100000, s0  }
0x65e: {  	[sflag:s0] =	ssyncadd.tile.s32 @!p0 $0x1;
	_ =	shalt  }
.Lfunc_end2:
_tile_overlayer_lowered:
.L_overlay_start_2:
0x65f: {  	(tag) =	ssettag $0x2  }
0x660: {  	s0 =	rddreg [dreg:$0x0];
	s2 =	stileid.u32  }
0x661: {  	s1 =	rddreg [dreg:$0x1];
	p0 =	sne.s32 s2, $0x0  }
0x662: {  	s3 =	rddreg [dreg:$0x2];
	[bflag:$0x3] =	sbarrier.arrive $0xFFFF;
	s2 =	simm.s32 @!p0 $0x1C04  }
0x663: {  	[timem:s3], [sflag:s2] =	dma.local @!p0 [hbm:s0], s1  }
0x664: {  	s0 =	simm.s32 @!p0 $0x4  }
0x665: {  	_ =	swait.ge @!p0 [sflag:s0], s1  }
0x666: {  	s1 =	ssub.s32 @!p0 $0x0, s1;
	[sflag:s0] =	ssyncset.done @!p0 $0x0  }
0x667: {  	[sflag:s0] =	ssyncadd.s32 @!p0 s1  }
0x668: {  	[bflag:$0x3] =	sbarrier.arrive $0xFFFF  }
0x669: {  	_ =	shalt  }

</sc_bundles>
